<compile_context>
chip_gen: v7x
topology: tpu7x:2x2x1
jax: 0.10.2.dev20260603
libtpu: 0.0.44.dev20260713+nightly
codegen_flags: <defaults>
</compile_context>

<pallas_src>
import functools

import jax
import jax.numpy as jnp
from jax import lax
from jax.experimental import pallas as pl
from jax.experimental.pallas import tpu as pltpu
from jax.experimental.pallas import tpu_sc as plsc

N = 10000
E = 320000
D = 128
T = 12
H = 128

NPAD = 10240
CH3 = 3584
ACC = CH3 + 512
NB_NODE = 512
NGRID = 20
IDXW = 128
NTILE = 16
NCORE = 2
NSLOT = 3 * T + 4


def _make_sc_conv(nb):
  stripe = CH3 // NTILE
  zrows = ACC // NTILE // 2
  mesh = plsc.VectorSubcoreMesh(core_axis_name="c", subcore_axis_name="s")

  @functools.partial(
      pl.kernel,
      mesh=mesh,
      out_type=jax.ShapeDtypeStruct((NSLOT * CH3, H), jnp.float32),
      scratch_types=[
          pltpu.VMEM((16,), jnp.int32),
          pltpu.VMEM((nb, IDXW), jnp.int32),
          pltpu.VMEM((nb, IDXW), jnp.int32),
          pltpu.VMEM((2 * IDXW, H), jnp.float32),
          pltpu.VMEM((zrows, H), jnp.float32),
          pltpu.VMEM_SHARED((ACC, H), jnp.float32),
          pltpu.SemaphoreType.DMA,
          pltpu.SemaphoreType.DMA,
      ],
  )
  def sc_conv(mode_hbm, table, src_all, dst_all, out, mode_v, src_v, dst_v,
              buf, zbuf, acc, sema, semc):
    c = lax.axis_index("c")
    s = lax.axis_index("s")
    pltpu.sync_copy(mode_hbm, mode_v)
    conv_on = mode_v[pl.ds(0, 16)][0] == 1

    def zrow(j, carry):
      for kk in range(H // 16):
        zbuf[j, pl.ds(16 * kk, 16)] = jnp.zeros((16,), jnp.float32)
      return carry

    lax.fori_loop(0, zrows, zrow, 0)

    @pl.when(jnp.logical_not(conv_on))
    def _():
      def orow(j, carry):
        for kk in range(H // 16):
          buf[j, pl.ds(16 * kk, 16)] = jnp.ones((16,), jnp.float32)
        return carry

      lax.fori_loop(0, IDXW, orow, 0)

    def slot(k, carry):
      is_deg = k >= 3 * T // 2
      g = 2 * k + c
      t_idx = g // 3
      d_idx = jnp.where(is_deg, jnp.minimum(g - 3 * T, 2), g % 3)
      active = jnp.logical_xor(conv_on, is_deg)
      plsc.subcore_barrier()

      @pl.when(active)
      def _():
        pltpu.sync_copy(zbuf, acc.at[pl.ds(s * (zrows * 2), zrows)])
        pltpu.sync_copy(zbuf, acc.at[pl.ds(s * (zrows * 2) + zrows, zrows)])

      plsc.subcore_barrier()

      @pl.when(active)
      def _():
        pltpu.sync_copy(dst_all.at[d_idx * NTILE + s], dst_v)

      @pl.when(active & jnp.logical_not(is_deg))
      def _():
        pltpu.sync_copy(src_all.at[t_idx * NTILE + s], src_v)
        pltpu.async_copy(table.at[src_v.at[0]], buf.at[pl.ds(0, IDXW)], sema)

        def batch(j, carry):
          jn = jnp.minimum(j + 1, nb - 1)
          offn = ((j + 1) % 2) * IDXW
          off = (j % 2) * IDXW

          @pl.when(j > 0)
          def _():
            pltpu.make_async_copy(buf.at[pl.ds(offn, IDXW)],
                                  acc.at[dst_v.at[j - 1]], semc).wait()

          pltpu.async_copy(table.at[src_v.at[jn]],
                           buf.at[pl.ds(offn, IDXW)], sema)
          pltpu.make_async_copy(table.at[src_v.at[j]],
                                buf.at[pl.ds(off, IDXW)], sema).wait()
          pltpu.async_copy(buf.at[pl.ds(off, IDXW)], acc.at[dst_v.at[j]],
                          semc, add=True)
          return carry

        lax.fori_loop(0, nb, batch, 0)
        pltpu.make_async_copy(table.at[src_v.at[nb - 1]],
                              buf.at[pl.ds(0, IDXW)], sema).wait()
        pltpu.make_async_copy(buf.at[pl.ds(((nb - 1) % 2) * IDXW, IDXW)],
                              acc.at[dst_v.at[nb - 1]], semc).wait()

      @pl.when(active & is_deg)
      def _():
        def batchd(j, carry):
          pltpu.sync_copy(buf.at[pl.ds(0, IDXW)], acc.at[dst_v.at[j]],
                          add=True)
          return carry

        lax.fori_loop(0, nb, batchd, 0)

      plsc.subcore_barrier()

      @pl.when(active)
      def _():
        pltpu.sync_copy(acc.at[pl.ds(s * stripe, stripe)],
                        out.at[pl.ds(g * CH3 + s * stripe, stripe)])

      return carry

    lax.fori_loop(0, 3 * T // 2 + 2, slot, 0)

  return sc_conv


def _dinv_body(g_ref, o_ref):
  o_ref[...] = lax.rsqrt(1.0 + g_ref[0][:, 0:1])


def _k1_body(x_ref, w_ref, d_ref, o_ref):
  w = w_ref[...]
  d = d_ref[...]
  for t in range(T):
    o_ref[t] = jnp.dot(x_ref[:, t, :], w, preferred_element_type=jnp.float32) * d


def _k2_body(g_ref, p_ref, d_ref, b_ref, w_ref, o_ref):
  c1 = d_ref[...] * (g_ref[0] + p_ref[0]) + b_ref[...]
  h = jnp.maximum(c1, 0.0)
  o_ref[0] = jnp.dot(h, w_ref[...], preferred_element_type=jnp.float32) * d_ref[...]


def _ln(x, g, b):
  m = jnp.mean(x, axis=-1, keepdims=True)
  v = jnp.mean(x * x, axis=-1, keepdims=True) - m * m
  return (x - m) * lax.rsqrt(v + 1e-5) * g + b


def _k3_body(*refs):
  g2_refs = refs[0:T]
  (p2_ref, d_ref, b2_ref, ln2g_ref, ln2b_ref, wih_ref, whh_ref, bsum_ref,
   ln1g_ref, ln1b_ref, hbw_ref, hbb_ref, cbw_ref, cbb_ref, series_ref,
   hidden_ref, cell_ref) = refs[T:]
  d = d_ref[...]
  ln2g = ln2g_ref[...]
  ln2b = ln2b_ref[...]
  wih = wih_ref[...]
  whh = whh_ref[...]
  bsum = bsum_ref[...]
  ln1g = ln1g_ref[...]
  ln1b = ln1b_ref[...]
  h = jnp.zeros((NB_NODE, H), jnp.float32)
  c = jnp.zeros((NB_NODE, H), jnp.float32)
  for t in range(T):
    x = d * (g2_refs[t][0] + p2_ref[t]) + b2_ref[...]
    xn = _ln(x, ln2g, ln2b)
    gates = (jnp.dot(xn, wih, preferred_element_type=jnp.float32)
             + jnp.dot(h, whh, preferred_element_type=jnp.float32) + bsum)
    ig = jax.nn.sigmoid(gates[:, 0:H])
    fg = jax.nn.sigmoid(gates[:, H:2 * H])
    gg = jnp.tanh(gates[:, 2 * H:3 * H])
    og = jax.nn.sigmoid(gates[:, 3 * H:4 * H])
    c = fg * c + ig * gg
    h = og * jnp.tanh(c)
    series_ref[:, t, :] = _ln(h, ln1g, ln1b)
  hidden_ref[0] = jnp.tanh(
      jnp.dot(h, hbw_ref[...], preferred_element_type=jnp.float32) + hbb_ref[...])
  cell_ref[0] = jnp.dot(c, cbw_ref[...], preferred_element_type=jnp.float32) + cbb_ref[...]


def kernel(inputs, edges, W1, b1, W2, b2, ln2_g, ln2_b, Wih, Whh, bih, bhh,
           ln1_g, ln1_b, hbW, hbb, cbW, cbb):
  f32 = jnp.float32
  src = edges[0]
  dst = edges[1]

  nb_c = 2 * ((E // NTILE + 2 * IDXW - 1) // (2 * IDXW))
  per_tile_c = nb_c * IDXW
  pad_c = NTILE * per_tile_c - E
  padv = jnp.arange(pad_c, dtype=jnp.int32)
  src_c = jnp.concatenate([src, padv % N]).reshape(NTILE, per_tile_c)
  dst_c = jnp.concatenate([dst, N + (padv % (NPAD - N))]).reshape(
      NTILE, per_tile_c)
  toff = (jnp.arange(T, dtype=jnp.int32) * N)[:, None, None]
  src_conv = (src_c[None] + toff).reshape(T * NTILE, nb_c, IDXW)
  disc = CH3 + (jnp.arange(per_tile_c, dtype=jnp.int32) % 512)[None]
  dst_conv = jnp.stack([
      jnp.where((dst_c >= CH3 * q) & (dst_c < CH3 * (q + 1)),
                dst_c - CH3 * q, disc) for q in range(3)]).reshape(
                    3 * NTILE, nb_c, IDXW)

  convk = _make_sc_conv(nb_c)
  m_deg = jnp.zeros((16,), jnp.int32)
  m_conv = jnp.ones((16,), jnp.int32)

  deg_out = convk(m_deg, inputs.reshape(N * T, D), src_conv,
                  dst_conv).reshape(NSLOT, CH3, H)

  dinv = pl.pallas_call(
      _dinv_body,
      grid=(NGRID,),
      in_specs=[pl.BlockSpec((1, NB_NODE, H),
                             lambda i: (3 * T + i // 7, i % 7, 0))],
      out_specs=pl.BlockSpec((NB_NODE, 1), lambda i: (i, 0)),
      out_shape=jax.ShapeDtypeStruct((NPAD, 1), f32),
  )(deg_out)

  p1 = pl.pallas_call(
      _k1_body,
      grid=(NGRID,),
      in_specs=[
          pl.BlockSpec((NB_NODE, T, D), lambda i: (i, 0, 0)),
          pl.BlockSpec((D, H), lambda i: (0, 0)),
          pl.BlockSpec((NB_NODE, 1), lambda i: (i, 0)),
      ],
      out_specs=pl.BlockSpec((T, NB_NODE, H), lambda i: (0, i, 0)),
      out_shape=jax.ShapeDtypeStruct((T, N, H), f32),
  )(inputs, W1, dinv)

  g1 = convk(m_conv, p1.reshape(T * N, H), src_conv, dst_conv).reshape(
      NSLOT, CH3, H)

  p2 = pl.pallas_call(
      _k2_body,
      grid=(T, NGRID),
      in_specs=[
          pl.BlockSpec((1, NB_NODE, H),
                       lambda t, i: (3 * t + i // 7, i % 7, 0)),
          pl.BlockSpec((1, NB_NODE, H), lambda t, i: (t, i, 0)),
          pl.BlockSpec((NB_NODE, 1), lambda t, i: (i, 0)),
          pl.BlockSpec((1, H), lambda t, i: (0, 0)),
          pl.BlockSpec((H, H), lambda t, i: (0, 0)),
      ],
      out_specs=pl.BlockSpec((1, NB_NODE, H), lambda t, i: (t, i, 0)),
      out_shape=jax.ShapeDtypeStruct((T, N, H), f32),
  )(g1, p1, dinv, b1.reshape(1, H), W2)

  g2 = convk(m_conv, p2.reshape(T * N, H), src_conv, dst_conv).reshape(
      NSLOT, CH3, H)

  g2_specs = [
      pl.BlockSpec((1, NB_NODE, H),
                   functools.partial(lambda t, i: (3 * t + i // 7, i % 7, 0),
                                     t)) for t in range(T)
  ]
  series, hidden, cell = pl.pallas_call(
      _k3_body,
      grid=(NGRID,),
      in_specs=g2_specs + [
          pl.BlockSpec((T, NB_NODE, H), lambda i: (0, i, 0)),
          pl.BlockSpec((NB_NODE, 1), lambda i: (i, 0)),
          pl.BlockSpec((1, H), lambda i: (0, 0)),
          pl.BlockSpec((1, H), lambda i: (0, 0)),
          pl.BlockSpec((1, H), lambda i: (0, 0)),
          pl.BlockSpec((H, 4 * H), lambda i: (0, 0)),
          pl.BlockSpec((H, 4 * H), lambda i: (0, 0)),
          pl.BlockSpec((1, 4 * H), lambda i: (0, 0)),
          pl.BlockSpec((1, H), lambda i: (0, 0)),
          pl.BlockSpec((1, H), lambda i: (0, 0)),
          pl.BlockSpec((H, H), lambda i: (0, 0)),
          pl.BlockSpec((1, H), lambda i: (0, 0)),
          pl.BlockSpec((H, H), lambda i: (0, 0)),
          pl.BlockSpec((1, H), lambda i: (0, 0)),
      ],
      out_specs=[
          pl.BlockSpec((NB_NODE, T, H), lambda i: (i, 0, 0)),
          pl.BlockSpec((1, NB_NODE, H), lambda i: (0, i, 0)),
          pl.BlockSpec((1, NB_NODE, H), lambda i: (0, i, 0)),
      ],
      out_shape=[
          jax.ShapeDtypeStruct((N, T, H), f32),
          jax.ShapeDtypeStruct((1, N, H), f32),
          jax.ShapeDtypeStruct((1, N, H), f32),
      ],
  )(*([g2] * T), p2, dinv, b2.reshape(1, H),
    ln2_g.reshape(1, H), ln2_b.reshape(1, H), Wih.T, Whh.T,
    (bih + bhh).reshape(1, 4 * H), ln1_g.reshape(1, H), ln1_b.reshape(1, H),
    hbW.T, hbb.reshape(1, H), cbW.T, cbb.reshape(1, H))

  return (series, hidden, cell)

# --- scband reference (transcript-rebuilt; emitter-appended) ---
"""Pipeline reference for scband-inundation-block-50972671869438 (READ-ONLY COPY).

The authoritative reference and input builder live on the scoring server;
editing this copy changes nothing except your own understanding.
"""

import jax, jax.numpy as jnp
import numpy as np

N = 10000
E = 320000
D = 128
T = 12
H = 128

def setup_inputs(seed: int = 0):
    key = jax.random.key(seed)
    ks = jax.random.split(key, 24)
    s = 0.05
    inp = {}
    inp["inputs"] = jax.random.normal(ks[0], (N, T, D), dtype=jnp.float32)
    inp["edges"] = jax.random.randint(ks[1], (2, E), 0, N, dtype=jnp.int32)
    inp["W1"] = jax.random.normal(ks[2], (D, H), dtype=jnp.float32) * s
    inp["b1"] = jnp.zeros((H,), dtype=jnp.float32)
    inp["W2"] = jax.random.normal(ks[3], (H, H), dtype=jnp.float32) * s
    inp["b2"] = jnp.zeros((H,), dtype=jnp.float32)
    inp["ln2_g"] = jnp.ones((H,), dtype=jnp.float32)
    inp["ln2_b"] = jnp.zeros((H,), dtype=jnp.float32)
    inp["Wih"] = jax.random.normal(ks[4], (4 * H, H), dtype=jnp.float32) * s
    inp["Whh"] = jax.random.normal(ks[5], (4 * H, H), dtype=jnp.float32) * s
    inp["bih"] = jnp.zeros((4 * H,), dtype=jnp.float32)
    inp["bhh"] = jnp.zeros((4 * H,), dtype=jnp.float32)
    inp["ln1_g"] = jnp.ones((H,), dtype=jnp.float32)
    inp["ln1_b"] = jnp.zeros((H,), dtype=jnp.float32)
    inp["hbW"] = jax.random.normal(ks[6], (H, H), dtype=jnp.float32) * s
    inp["hbb"] = jnp.zeros((H,), dtype=jnp.float32)
    inp["cbW"] = jax.random.normal(ks[7], (H, H), dtype=jnp.float32) * s
    inp["cbb"] = jnp.zeros((H,), dtype=jnp.float32)
    return inp

def _layer_norm(x, g, b):
    m = jnp.mean(x, axis=-1, keepdims=True)
    v = jnp.var(x, axis=-1, keepdims=True)
    return (x - m) / jnp.sqrt(v + 1e-5) * g + b

def _gcn_norm(edges, n):
    loop = jnp.arange(n, dtype=edges.dtype)
    src = jnp.concatenate([edges[0], loop])
    dst = jnp.concatenate([edges[1], loop])
    deg = jnp.zeros((n,), jnp.float32).at[dst].add(1.0)
    dinv = jnp.where(deg > 0, 1.0 / jnp.sqrt(deg), 0.0)
    norm = dinv[src] * dinv[dst]
    return src, dst, norm

def _gcn_conv(x, W, b, src, dst, norm, n):
    h = x @ W
    msgs = h[src] * norm[:, None]
    out = jnp.zeros((n, h.shape[1]), h.dtype).at[dst].add(msgs)
    return out + b

def reference(inputs, edges, W1, b1, W2, b2, ln2_g, ln2_b, Wih, Whh, bih, bhh, ln1_g, ln1_b, hbW, hbb, cbW, cbb):
    n = inputs.shape[0]
    src, dst, norm = _gcn_norm(edges, n)
    steps = []
    for t in range(inputs.shape[1]):
        h = _gcn_conv(inputs[:, t], W1, b1, src, dst, norm, n)
        h = jax.nn.relu(h)
        h = _gcn_conv(h, W2, b2, src, dst, norm, n)
        steps.append(h)
    graph = jnp.stack(steps, axis=1)
    graph = _layer_norm(graph, ln2_g, ln2_b)
    Hs = Whh.shape[1]
    h0 = jnp.zeros((n, Hs), jnp.float32)
    c0 = jnp.zeros((n, Hs), jnp.float32)
    def step(carry, x_t):
        h, c = carry
        gates = x_t @ Wih.T + bih + h @ Whh.T + bhh
        i, f, g, o = jnp.split(gates, 4, axis=-1)
        c = jax.nn.sigmoid(f) * c + jax.nn.sigmoid(i) * jnp.tanh(g)
        h = jax.nn.sigmoid(o) * jnp.tanh(c)
        return (h, c), h
    (hT, cT), hs = jax.lax.scan(step, (h0, c0), jnp.swapaxes(graph, 0, 1))
    series = jnp.swapaxes(hs, 0, 1)
    series = _layer_norm(series, ln1_g, ln1_b)
    hidden = jnp.tanh(hT[None] @ hbW.T + hbb)
    cell = cT[None] @ cbW.T + cbb
    return (series, hidden, cell)

if __name__ == "__main__":
    import jax
    _d = setup_inputs()
    print(jax.jit(kernel)(*tuple(_d.values())))

</pallas_src>

<mosaic_0001>
#map = affine_map<(d0, d1) -> (0)>
#map1 = affine_map<(d0, d1) -> (0, 0)>
#map2 = affine_map<(d0, d1) -> (0, 0, 0)>
module attributes {stable_mosaic.version = 14 : i64} {
  func.func @sc_conv(%arg0: i32, %arg1: i32, %arg2: memref<16xi32, #tpu.memory_space<hbm>>, %arg3: memref<120000x128xf32, #tpu.memory_space<hbm>>, %arg4: memref<192x158x128xi32, #tpu.memory_space<hbm>>, %arg5: memref<48x158x128xi32, #tpu.memory_space<hbm>>, %arg6: memref<143360x128xf32, #tpu.memory_space<hbm>>, %arg7: memref<16xi32, #tpu.memory_space<vmem>>, %arg8: memref<158x128xi32, #tpu.memory_space<vmem>>, %arg9: memref<158x128xi32, #tpu.memory_space<vmem>>, %arg10: memref<256x128xf32, #tpu.memory_space<vmem>>, %arg11: memref<128x128xf32, #tpu.memory_space<vmem>>, %arg12: memref<4096x128xf32, #tpu.memory_space<vmem_shared>>, %arg13: memref<!tpu.dma_semaphore, #tpu.memory_space<semaphore_mem>>, %arg14: memref<!tpu.dma_semaphore, #tpu.memory_space<semaphore_mem>>) attributes {dimension_semantics = [#tpu.dimension_semantics<core_parallel>, #tpu.dimension_semantics<subcore_parallel>], iteration_bounds = array<i64: 2, 16>, scalar_prefetch = 0 : i64, scratch_operands = 8 : i64, tpu.core_type = #tpu.core_type<sc_vector_subcore>, window_params = [{transform_indices = #map}, {transform_indices = #map1}, {transform_indices = #map2}, {transform_indices = #map2}, {transform_indices = #map1}]} {
    "tpu.region"() ({
      %run_scoped3A = tpu.sem_alloc : memref<!tpu.dma_semaphore, #tpu.memory_space<semaphore_mem>>
      tpu.enqueue_dma source(%arg2 : memref<16xi32, #tpu.memory_space<hbm>>) target(%arg7 : memref<16xi32, #tpu.memory_space<vmem>>) target_semaphore(%run_scoped3A : memref<!tpu.dma_semaphore, #tpu.memory_space<semaphore_mem>>)
      tpu.wait_dma2 semaphore(%run_scoped3A : memref<!tpu.dma_semaphore, #tpu.memory_space<semaphore_mem>>) src(%arg2 : memref<16xi32, #tpu.memory_space<hbm>>) dst(%arg7 : memref<16xi32, #tpu.memory_space<vmem>>)
      tpu.yield
    }) : () -> ()
    %get3A = arith.constant 0 : index
    %get3A_0 = tpu.vector_load %arg7[%get3A] {strides = array<i32>} : memref<16xi32, #tpu.memory_space<vmem>>, vector<16xi32>,
    %get3A_1 = vector.shape_cast %get3A_0 : vector<16xi32> to vector<16xi32>
    %slice3A = vector.extract_strided_slice %get3A_1 {offsets = [0], sizes = [1], strides = [1]} : vector<16xi32> to vector<1xi32>
    %squeeze3A = vector.extract %slice3A[0] : i32 from vector<1xi32>
    %eq3A = arith.constant 1 : i32
    %eq3A_2 = arith.cmpi eq, %squeeze3A, %eq3A : i32
    %scan3A = arith.constant 0 : i32
    %scan3A_3 = arith.constant 0 : i32
    %scan3A_4 = arith.constant 128 : i32
    %scan3A_5 = arith.addi %scan3A_3, %scan3A_4 : i32
    %scan3A_6 = arith.constant 1 : i32
    scf.for %scan3A_16 = %scan3A_3 to %scan3A_5 step %scan3A_6  : i32 {
      %broadcast_in_dim3A = arith.constant 0.000000e+00 : f32
      %broadcast_in_dim3A_17 = vector.broadcast %broadcast_in_dim3A : f32 to vector<16xf32>
      %swap3A = arith.index_cast %scan3A_16 : i32 to index
      %swap3A_18 = arith.constant 0 : index
      %swap3A_19 = tpu.vector_load %arg11[%swap3A, %swap3A_18] {strides = array<i32>} : memref<128x128xf32, #tpu.memory_space<vmem>>, vector<1x16xf32>,
      %swap3A_20 = vector.shape_cast %swap3A_19 : vector<1x16xf32> to vector<16xf32>
      %swap3A_21 = vector.shape_cast %broadcast_in_dim3A_17 : vector<16xf32> to vector<1x16xf32>
      tpu.vector_store %arg11[%swap3A, %swap3A_18], %swap3A_21 {strides = array<i32>} : memref<128x128xf32, #tpu.memory_space<vmem>>, vector<1x16xf32>,
      %broadcast_in_dim3A_22 = arith.constant 0.000000e+00 : f32
      %broadcast_in_dim3A_23 = vector.broadcast %broadcast_in_dim3A_22 : f32 to vector<16xf32>
      %swap3A_24 = arith.index_cast %scan3A_16 : i32 to index
      %swap3A_25 = arith.constant 16 : index
      %swap3A_26 = tpu.vector_load %arg11[%swap3A_24, %swap3A_25] {strides = array<i32>} : memref<128x128xf32, #tpu.memory_space<vmem>>, vector<1x16xf32>,
      %swap3A_27 = vector.shape_cast %swap3A_26 : vector<1x16xf32> to vector<16xf32>
      %swap3A_28 = vector.shape_cast %broadcast_in_dim3A_23 : vector<16xf32> to vector<1x16xf32>
      tpu.vector_store %arg11[%swap3A_24, %swap3A_25], %swap3A_28 {strides = array<i32>} : memref<128x128xf32, #tpu.memory_space<vmem>>, vector<1x16xf32>,
      %broadcast_in_dim3A_29 = arith.constant 0.000000e+00 : f32
      %broadcast_in_dim3A_30 = vector.broadcast %broadcast_in_dim3A_29 : f32 to vector<16xf32>
      %swap3A_31 = arith.index_cast %scan3A_16 : i32 to index
      %swap3A_32 = arith.constant 32 : index
      %swap3A_33 = tpu.vector_load %arg11[%swap3A_31, %swap3A_32] {strides = array<i32>} : memref<128x128xf32, #tpu.memory_space<vmem>>, vector<1x16xf32>,
      %swap3A_34 = vector.shape_cast %swap3A_33 : vector<1x16xf32> to vector<16xf32>
      %swap3A_35 = vector.shape_cast %broadcast_in_dim3A_30 : vector<16xf32> to vector<1x16xf32>
      tpu.vector_store %arg11[%swap3A_31, %swap3A_32], %swap3A_35 {strides = array<i32>} : memref<128x128xf32, #tpu.memory_space<vmem>>, vector<1x16xf32>,
      %broadcast_in_dim3A_36 = arith.constant 0.000000e+00 : f32
      %broadcast_in_dim3A_37 = vector.broadcast %broadcast_in_dim3A_36 : f32 to vector<16xf32>
      %swap3A_38 = arith.index_cast %scan3A_16 : i32 to index
      %swap3A_39 = arith.constant 48 : index
      %swap3A_40 = tpu.vector_load %arg11[%swap3A_38, %swap3A_39] {strides = array<i32>} : memref<128x128xf32, #tpu.memory_space<vmem>>, vector<1x16xf32>,
      %swap3A_41 = vector.shape_cast %swap3A_40 : vector<1x16xf32> to vector<16xf32>
      %swap3A_42 = vector.shape_cast %broadcast_in_dim3A_37 : vector<16xf32> to vector<1x16xf32>
      tpu.vector_store %arg11[%swap3A_38, %swap3A_39], %swap3A_42 {strides = array<i32>} : memref<128x128xf32, #tpu.memory_space<vmem>>, vector<1x16xf32>,
      %broadcast_in_dim3A_43 = arith.constant 0.000000e+00 : f32
      %broadcast_in_dim3A_44 = vector.broadcast %broadcast_in_dim3A_43 : f32 to vector<16xf32>
      %swap3A_45 = arith.index_cast %scan3A_16 : i32 to index
      %swap3A_46 = arith.constant 64 : index
      %swap3A_47 = tpu.vector_load %arg11[%swap3A_45, %swap3A_46] {strides = array<i32>} : memref<128x128xf32, #tpu.memory_space<vmem>>, vector<1x16xf32>,
      %swap3A_48 = vector.shape_cast %swap3A_47 : vector<1x16xf32> to vector<16xf32>
      %swap3A_49 = vector.shape_cast %broadcast_in_dim3A_44 : vector<16xf32> to vector<1x16xf32>
      tpu.vector_store %arg11[%swap3A_45, %swap3A_46], %swap3A_49 {strides = array<i32>} : memref<128x128xf32, #tpu.memory_space<vmem>>, vector<1x16xf32>,
      %broadcast_in_dim3A_50 = arith.constant 0.000000e+00 : f32
      %broadcast_in_dim3A_51 = vector.broadcast %broadcast_in_dim3A_50 : f32 to vector<16xf32>
      %swap3A_52 = arith.index_cast %scan3A_16 : i32 to index
      %swap3A_53 = arith.constant 80 : index
      %swap3A_54 = tpu.vector_load %arg11[%swap3A_52, %swap3A_53] {strides = array<i32>} : memref<128x128xf32, #tpu.memory_space<vmem>>, vector<1x16xf32>,
      %swap3A_55 = vector.shape_cast %swap3A_54 : vector<1x16xf32> to vector<16xf32>
      %swap3A_56 = vector.shape_cast %broadcast_in_dim3A_51 : vector<16xf32> to vector<1x16xf32>
      tpu.vector_store %arg11[%swap3A_52, %swap3A_53], %swap3A_56 {strides = array<i32>} : memref<128x128xf32, #tpu.memory_space<vmem>>, vector<1x16xf32>,
      %broadcast_in_dim3A_57 = arith.constant 0.000000e+00 : f32
      %broadcast_in_dim3A_58 = vector.broadcast %broadcast_in_dim3A_57 : f32 to vector<16xf32>
      %swap3A_59 = arith.index_cast %scan3A_16 : i32 to index
      %swap3A_60 = arith.constant 96 : index
      %swap3A_61 = tpu.vector_load %arg11[%swap3A_59, %swap3A_60] {strides = array<i32>} : memref<128x128xf32, #tpu.memory_space<vmem>>, vector<1x16xf32>,
      %swap3A_62 = vector.shape_cast %swap3A_61 : vector<1x16xf32> to vector<16xf32>
      %swap3A_63 = vector.shape_cast %broadcast_in_dim3A_58 : vector<16xf32> to vector<1x16xf32>
      tpu.vector_store %arg11[%swap3A_59, %swap3A_60], %swap3A_63 {strides = array<i32>} : memref<128x128xf32, #tpu.memory_space<vmem>>, vector<1x16xf32>,
      %broadcast_in_dim3A_64 = arith.constant 0.000000e+00 : f32
      %broadcast_in_dim3A_65 = vector.broadcast %broadcast_in_dim3A_64 : f32 to vector<16xf32>
      %swap3A_66 = arith.index_cast %scan3A_16 : i32 to index
      %swap3A_67 = arith.constant 112 : index
      %swap3A_68 = tpu.vector_load %arg11[%swap3A_66, %swap3A_67] {strides = array<i32>} : memref<128x128xf32, #tpu.memory_space<vmem>>, vector<1x16xf32>,
      %swap3A_69 = vector.shape_cast %swap3A_68 : vector<1x16xf32> to vector<16xf32>
      %swap3A_70 = vector.shape_cast %broadcast_in_dim3A_65 : vector<16xf32> to vector<1x16xf32>
      tpu.vector_store %arg11[%swap3A_66, %swap3A_67], %swap3A_70 {strides = array<i32>} : memref<128x128xf32, #tpu.memory_space<vmem>>, vector<1x16xf32>,
    }
    %scan3A_7 = arith.constant 128 : i32
    %not3A = arith.constant true
    %not3A_8 = arith.xori %eq3A_2, %not3A : i1
    %convert_element_type3A = arith.extui %not3A_8 : i1 to i32
    %cond3A = arith.constant 0 : i32
    %cond3A_9 = arith.cmpi ne, %convert_element_type3A, %cond3A : i32
    scf.if %cond3A_9 {
      %scan3A_16 = arith.constant 0 : i32
      %scan3A_17 = arith.constant 0 : i32
      %scan3A_18 = arith.constant 128 : i32
      %scan3A_19 = arith.addi %scan3A_17, %scan3A_18 : i32
      %scan3A_20 = arith.constant 1 : i32
      scf.for %scan3A_22 = %scan3A_17 to %scan3A_19 step %scan3A_20  : i32 {
        %broadcast_in_dim3A = arith.constant 1.000000e+00 : f32
        %broadcast_in_dim3A_23 = vector.broadcast %broadcast_in_dim3A : f32 to vector<16xf32>
        %swap3A = arith.index_cast %scan3A_22 : i32 to index
        %swap3A_24 = arith.constant 0 : index
        %swap3A_25 = tpu.vector_load %arg10[%swap3A, %swap3A_24] {strides = array<i32>} : memref<256x128xf32, #tpu.memory_space<vmem>>, vector<1x16xf32>,
        %swap3A_26 = vector.shape_cast %swap3A_25 : vector<1x16xf32> to vector<16xf32>
        %swap3A_27 = vector.shape_cast %broadcast_in_dim3A_23 : vector<16xf32> to vector<1x16xf32>
        tpu.vector_store %arg10[%swap3A, %swap3A_24], %swap3A_27 {strides = array<i32>} : memref<256x128xf32, #tpu.memory_space<vmem>>, vector<1x16xf32>,
        %broadcast_in_dim3A_28 = arith.constant 1.000000e+00 : f32
        %broadcast_in_dim3A_29 = vector.broadcast %broadcast_in_dim3A_28 : f32 to vector<16xf32>
        %swap3A_30 = arith.index_cast %scan3A_22 : i32 to index
        %swap3A_31 = arith.constant 16 : index
        %swap3A_32 = tpu.vector_load %arg10[%swap3A_30, %swap3A_31] {strides = array<i32>} : memref<256x128xf32, #tpu.memory_space<vmem>>, vector<1x16xf32>,
        %swap3A_33 = vector.shape_cast %swap3A_32 : vector<1x16xf32> to vector<16xf32>
        %swap3A_34 = vector.shape_cast %broadcast_in_dim3A_29 : vector<16xf32> to vector<1x16xf32>
        tpu.vector_store %arg10[%swap3A_30, %swap3A_31], %swap3A_34 {strides = array<i32>} : memref<256x128xf32, #tpu.memory_space<vmem>>, vector<1x16xf32>,
        %broadcast_in_dim3A_35 = arith.constant 1.000000e+00 : f32
        %broadcast_in_dim3A_36 = vector.broadcast %broadcast_in_dim3A_35 : f32 to vector<16xf32>
        %swap3A_37 = arith.index_cast %scan3A_22 : i32 to index
        %swap3A_38 = arith.constant 32 : index
        %swap3A_39 = tpu.vector_load %arg10[%swap3A_37, %swap3A_38] {strides = array<i32>} : memref<256x128xf32, #tpu.memory_space<vmem>>, vector<1x16xf32>,
        %swap3A_40 = vector.shape_cast %swap3A_39 : vector<1x16xf32> to vector<16xf32>
        %swap3A_41 = vector.shape_cast %broadcast_in_dim3A_36 : vector<16xf32> to vector<1x16xf32>
        tpu.vector_store %arg10[%swap3A_37, %swap3A_38], %swap3A_41 {strides = array<i32>} : memref<256x128xf32, #tpu.memory_space<vmem>>, vector<1x16xf32>,
        %broadcast_in_dim3A_42 = arith.constant 1.000000e+00 : f32
        %broadcast_in_dim3A_43 = vector.broadcast %broadcast_in_dim3A_42 : f32 to vector<16xf32>
        %swap3A_44 = arith.index_cast %scan3A_22 : i32 to index
        %swap3A_45 = arith.constant 48 : index
        %swap3A_46 = tpu.vector_load %arg10[%swap3A_44, %swap3A_45] {strides = array<i32>} : memref<256x128xf32, #tpu.memory_space<vmem>>, vector<1x16xf32>,
        %swap3A_47 = vector.shape_cast %swap3A_46 : vector<1x16xf32> to vector<16xf32>
        %swap3A_48 = vector.shape_cast %broadcast_in_dim3A_43 : vector<16xf32> to vector<1x16xf32>
        tpu.vector_store %arg10[%swap3A_44, %swap3A_45], %swap3A_48 {strides = array<i32>} : memref<256x128xf32, #tpu.memory_space<vmem>>, vector<1x16xf32>,
        %broadcast_in_dim3A_49 = arith.constant 1.000000e+00 : f32
        %broadcast_in_dim3A_50 = vector.broadcast %broadcast_in_dim3A_49 : f32 to vector<16xf32>
        %swap3A_51 = arith.index_cast %scan3A_22 : i32 to index
        %swap3A_52 = arith.constant 64 : index
        %swap3A_53 = tpu.vector_load %arg10[%swap3A_51, %swap3A_52] {strides = array<i32>} : memref<256x128xf32, #tpu.memory_space<vmem>>, vector<1x16xf32>,
        %swap3A_54 = vector.shape_cast %swap3A_53 : vector<1x16xf32> to vector<16xf32>
        %swap3A_55 = vector.shape_cast %broadcast_in_dim3A_50 : vector<16xf32> to vector<1x16xf32>
        tpu.vector_store %arg10[%swap3A_51, %swap3A_52], %swap3A_55 {strides = array<i32>} : memref<256x128xf32, #tpu.memory_space<vmem>>, vector<1x16xf32>,
        %broadcast_in_dim3A_56 = arith.constant 1.000000e+00 : f32
        %broadcast_in_dim3A_57 = vector.broadcast %broadcast_in_dim3A_56 : f32 to vector<16xf32>
        %swap3A_58 = arith.index_cast %scan3A_22 : i32 to index
        %swap3A_59 = arith.constant 80 : index
        %swap3A_60 = tpu.vector_load %arg10[%swap3A_58, %swap3A_59] {strides = array<i32>} : memref<256x128xf32, #tpu.memory_space<vmem>>, vector<1x16xf32>,
        %swap3A_61 = vector.shape_cast %swap3A_60 : vector<1x16xf32> to vector<16xf32>
        %swap3A_62 = vector.shape_cast %broadcast_in_dim3A_57 : vector<16xf32> to vector<1x16xf32>
        tpu.vector_store %arg10[%swap3A_58, %swap3A_59], %swap3A_62 {strides = array<i32>} : memref<256x128xf32, #tpu.memory_space<vmem>>, vector<1x16xf32>,
        %broadcast_in_dim3A_63 = arith.constant 1.000000e+00 : f32
        %broadcast_in_dim3A_64 = vector.broadcast %broadcast_in_dim3A_63 : f32 to vector<16xf32>
        %swap3A_65 = arith.index_cast %scan3A_22 : i32 to index
        %swap3A_66 = arith.constant 96 : index
        %swap3A_67 = tpu.vector_load %arg10[%swap3A_65, %swap3A_66] {strides = array<i32>} : memref<256x128xf32, #tpu.memory_space<vmem>>, vector<1x16xf32>,
        %swap3A_68 = vector.shape_cast %swap3A_67 : vector<1x16xf32> to vector<16xf32>
        %swap3A_69 = vector.shape_cast %broadcast_in_dim3A_64 : vector<16xf32> to vector<1x16xf32>
        tpu.vector_store %arg10[%swap3A_65, %swap3A_66], %swap3A_69 {strides = array<i32>} : memref<256x128xf32, #tpu.memory_space<vmem>>, vector<1x16xf32>,
        %broadcast_in_dim3A_70 = arith.constant 1.000000e+00 : f32
        %broadcast_in_dim3A_71 = vector.broadcast %broadcast_in_dim3A_70 : f32 to vector<16xf32>
        %swap3A_72 = arith.index_cast %scan3A_22 : i32 to index
        %swap3A_73 = arith.constant 112 : index
        %swap3A_74 = tpu.vector_load %arg10[%swap3A_72, %swap3A_73] {strides = array<i32>} : memref<256x128xf32, #tpu.memory_space<vmem>>, vector<1x16xf32>,
        %swap3A_75 = vector.shape_cast %swap3A_74 : vector<1x16xf32> to vector<16xf32>
        %swap3A_76 = vector.shape_cast %broadcast_in_dim3A_71 : vector<16xf32> to vector<1x16xf32>
        tpu.vector_store %arg10[%swap3A_72, %swap3A_73], %swap3A_76 {strides = array<i32>} : memref<256x128xf32, #tpu.memory_space<vmem>>, vector<1x16xf32>,
      }
      %scan3A_21 = arith.constant 128 : i32
    } else {
    }
    %scan3A_10 = arith.constant 0 : i32
    %scan3A_11 = arith.constant 0 : i32
    %scan3A_12 = arith.constant 20 : i32
    %scan3A_13 = arith.addi %scan3A_11, %scan3A_12 : i32
    %scan3A_14 = arith.constant 1 : i32
    scf.for %scan3A_16 = %scan3A_11 to %scan3A_13 step %scan3A_14  : i32 {
      %ge3A = arith.constant 18 : i32
      %ge3A_17 = arith.cmpi sge, %scan3A_16, %ge3A : i32
      %mul3A = arith.constant 2 : i32
      %mul3A_18 = arith.muli %mul3A, %scan3A_16 : i32
      %add3A = arith.addi %mul3A_18, %arg0 : i32
      %jit3A = arith.constant 3 : i32
      %div3A = arith.divsi %add3A, %jit3A : i32
      %sign3A = arith.constant 0 : i32
      %sign3A_19 = arith.cmpi sgt, %add3A, %sign3A : i32
      %sign3A_20 = arith.extui %sign3A_19 : i1 to i32
      %sign3A_21 = arith.constant 0 : i32
      %sign3A_22 = arith.cmpi slt, %add3A, %sign3A_21 : i32
      %sign3A_23 = arith.extui %sign3A_22 : i1 to i32
      %sign3A_24 = arith.subi %sign3A_20, %sign3A_23 : i32
      %sign3A_25 = arith.constant 0 : i32
      %sign3A_26 = arith.cmpi sgt, %jit3A, %sign3A_25 : i32
      %sign3A_27 = arith.extui %sign3A_26 : i1 to i32
      %sign3A_28 = arith.constant 0 : i32
      %sign3A_29 = arith.cmpi slt, %jit3A, %sign3A_28 : i32
      %sign3A_30 = arith.extui %sign3A_29 : i1 to i32
      %sign3A_31 = arith.subi %sign3A_27, %sign3A_30 : i32
      %ne3A = arith.cmpi ne, %sign3A_24, %sign3A_31 : i32
      %rem3A = arith.remsi %add3A, %jit3A : i32
      %ne3A_32 = arith.constant 0 : i32
      %ne3A_33 = arith.cmpi ne, %rem3A, %ne3A_32 : i32
      %and3A = arith.andi %ne3A, %ne3A_33 : i1
      %sub3A = arith.constant 1 : i32
      %sub3A_34 = arith.subi %div3A, %sub3A : i32
      %select_n3A = arith.select %and3A, %sub3A_34, %div3A : i32
      %sub3A_35 = arith.constant 36 : i32
      %sub3A_36 = arith.subi %add3A, %sub3A_35 : i32
      %min3A = arith.constant 2 : i32
      %min3A_37 = arith.minsi %sub3A_36, %min3A : i32
      %jit3A_38 = arith.constant 3 : i32
      %eq3A_39 = arith.constant 0 : i32
      %eq3A_40 = arith.cmpi eq, %jit3A_38, %eq3A_39 : i32
      %jit3A_41 = arith.constant 1 : i32
      %select_n3A_42 = arith.select %eq3A_40, %jit3A_41, %jit3A_38 : i32
      %rem3A_43 = arith.remsi %add3A, %select_n3A_42 : i32
      %ne3A_44 = arith.constant 0 : i32
      %ne3A_45 = arith.cmpi ne, %rem3A_43, %ne3A_44 : i32
      %lt3A = arith.constant 0 : i32
      %lt3A_46 = arith.cmpi slt, %rem3A_43, %lt3A : i32
      %lt3A_47 = arith.constant 0 : i32
      %lt3A_48 = arith.cmpi slt, %select_n3A_42, %lt3A_47 : i32
      %ne3A_49 = arith.xori %lt3A_46, %lt3A_48 : i1
      %and3A_50 = arith.andi %ne3A_49, %ne3A_45 : i1
      %add3A_51 = arith.addi %rem3A_43, %select_n3A_42 : i32
      %select_n3A_52 = arith.select %and3A_50, %add3A_51, %rem3A_43 : i32
      %select_n3A_53 = arith.select %ge3A_17, %min3A_37, %select_n3A_52 : i32
      %xor3A = arith.xori %eq3A_2, %ge3A_17 : i1
      %barrier3A = arith.constant 0 : index
      tpu.barrier barrier_id(%barrier3A)
      %convert_element_type3A_54 = arith.extui %xor3A : i1 to i32
      %cond3A_55 = arith.constant 0 : i32
      %cond3A_56 = arith.cmpi ne, %convert_element_type3A_54, %cond3A_55 : i32
      scf.if %cond3A_56 {
        %mul3A_75 = arith.constant 256 : i32
        %mul3A_76 = arith.muli %arg1, %mul3A_75 : i32
        "tpu.region"() ({
          %run_scoped3A = tpu.sem_alloc : memref<!tpu.dma_semaphore, #tpu.memory_space<semaphore_mem>>
          %dma_start3A = arith.constant 0 : i32
          %dma_start3A_81 = tpu.memref_slice %arg12[%mul3A_76, %dma_start3A] : memref<4096x128xf32, #tpu.memory_space<vmem_shared>> -> memref<128x128xf32, #tpu.memory_space<vmem_shared>>
          %dma_start3A_82 = arith.constant 0 : i32
          %dma_start3A_83 = tpu.memref_slice %arg12[%mul3A_76, %dma_start3A_82] : memref<4096x128xf32, #tpu.memory_space<vmem_shared>> -> memref<128x128xf32, #tpu.memory_space<vmem_shared>>
          tpu.enqueue_dma source(%arg11 : memref<128x128xf32, #tpu.memory_space<vmem>>) target(%dma_start3A_83 : memref<128x128xf32, #tpu.memory_space<vmem_shared>>) target_semaphore(%run_scoped3A : memref<!tpu.dma_semaphore, #tpu.memory_space<semaphore_mem>>)
          %dma_wait3A = arith.constant 0 : i32
          %dma_wait3A_84 = tpu.memref_slice %arg12[%mul3A_76, %dma_wait3A] : memref<4096x128xf32, #tpu.memory_space<vmem_shared>> -> memref<128x128xf32, #tpu.memory_space<vmem_shared>>
          %dma_wait3A_85 = arith.constant 0 : i32
          %dma_wait3A_86 = tpu.memref_slice %arg12[%mul3A_76, %dma_wait3A_85] : memref<4096x128xf32, #tpu.memory_space<vmem_shared>> -> memref<128x128xf32, #tpu.memory_space<vmem_shared>>
          tpu.wait_dma2 semaphore(%run_scoped3A : memref<!tpu.dma_semaphore, #tpu.memory_space<semaphore_mem>>) src(%arg11 : memref<128x128xf32, #tpu.memory_space<vmem>>) dst(%dma_wait3A_86 : memref<128x128xf32, #tpu.memory_space<vmem_shared>>)
          tpu.yield
        }) : () -> ()
        %mul3A_77 = arith.constant 256 : i32
        %mul3A_78 = arith.muli %arg1, %mul3A_77 : i32
        %add3A_79 = arith.constant 128 : i32
        %add3A_80 = arith.addi %mul3A_78, %add3A_79 : i32
        "tpu.region"() ({
          %run_scoped3A = tpu.sem_alloc : memref<!tpu.dma_semaphore, #tpu.memory_space<semaphore_mem>>
          %dma_start3A = arith.constant 0 : i32
          %dma_start3A_81 = tpu.memref_slice %arg12[%add3A_80, %dma_start3A] : memref<4096x128xf32, #tpu.memory_space<vmem_shared>> -> memref<128x128xf32, #tpu.memory_space<vmem_shared>>
          %dma_start3A_82 = arith.constant 0 : i32
          %dma_start3A_83 = tpu.memref_slice %arg12[%add3A_80, %dma_start3A_82] : memref<4096x128xf32, #tpu.memory_space<vmem_shared>> -> memref<128x128xf32, #tpu.memory_space<vmem_shared>>
          tpu.enqueue_dma source(%arg11 : memref<128x128xf32, #tpu.memory_space<vmem>>) target(%dma_start3A_83 : memref<128x128xf32, #tpu.memory_space<vmem_shared>>) target_semaphore(%run_scoped3A : memref<!tpu.dma_semaphore, #tpu.memory_space<semaphore_mem>>)
          %dma_wait3A = arith.constant 0 : i32
          %dma_wait3A_84 = tpu.memref_slice %arg12[%add3A_80, %dma_wait3A] : memref<4096x128xf32, #tpu.memory_space<vmem_shared>> -> memref<128x128xf32, #tpu.memory_space<vmem_shared>>
          %dma_wait3A_85 = arith.constant 0 : i32
          %dma_wait3A_86 = tpu.memref_slice %arg12[%add3A_80, %dma_wait3A_85] : memref<4096x128xf32, #tpu.memory_space<vmem_shared>> -> memref<128x128xf32, #tpu.memory_space<vmem_shared>>
          tpu.wait_dma2 semaphore(%run_scoped3A : memref<!tpu.dma_semaphore, #tpu.memory_space<semaphore_mem>>) src(%arg11 : memref<128x128xf32, #tpu.memory_space<vmem>>) dst(%dma_wait3A_86 : memref<128x128xf32, #tpu.memory_space<vmem_shared>>)
          tpu.yield
        }) : () -> ()
      } else {
      }
      %barrier3A_57 = arith.constant 0 : index
      tpu.barrier barrier_id(%barrier3A_57)
      %convert_element_type3A_58 = arith.extui %xor3A : i1 to i32
      %cond3A_59 = arith.constant 0 : i32
      %cond3A_60 = arith.cmpi ne, %convert_element_type3A_58, %cond3A_59 : i32
      scf.if %cond3A_60 {
        %mul3A_75 = arith.constant 16 : i32
        %mul3A_76 = arith.muli %select_n3A_53, %mul3A_75 : i32
        %add3A_77 = arith.addi %mul3A_76, %arg1 : i32
        "tpu.region"() ({
          %run_scoped3A = tpu.sem_alloc : memref<!tpu.dma_semaphore, #tpu.memory_space<semaphore_mem>>
          %dma_start3A = arith.constant 0 : i32
          %dma_start3A_78 = arith.constant 0 : i32
          %dma_start3A_79 = tpu.memref_slice %arg5[%add3A_77, %dma_start3A, %dma_start3A_78] : memref<48x158x128xi32, #tpu.memory_space<hbm>> -> memref<1x158x128xi32, #tpu.memory_space<hbm>>
          %dma_start3A_80 = tpu.memref_squeeze %dma_start3A_79 : memref<1x158x128xi32, #tpu.memory_space<hbm>> -> memref<158x128xi32, #tpu.memory_space<hbm>>
          %dma_start3A_81 = arith.constant 0 : i32
          %dma_start3A_82 = arith.constant 0 : i32
          %dma_start3A_83 = tpu.memref_slice %arg5[%add3A_77, %dma_start3A_81, %dma_start3A_82] : memref<48x158x128xi32, #tpu.memory_space<hbm>> -> memref<1x158x128xi32, #tpu.memory_space<hbm>>
          %dma_start3A_84 = tpu.memref_squeeze %dma_start3A_83 : memref<1x158x128xi32, #tpu.memory_space<hbm>> -> memref<158x128xi32, #tpu.memory_space<hbm>>
          tpu.enqueue_dma source(%dma_start3A_84 : memref<158x128xi32, #tpu.memory_space<hbm>>) target(%arg9 : memref<158x128xi32, #tpu.memory_space<vmem>>) target_semaphore(%run_scoped3A : memref<!tpu.dma_semaphore, #tpu.memory_space<semaphore_mem>>)
          %dma_wait3A = arith.constant 0 : i32
          %dma_wait3A_85 = arith.constant 0 : i32
          %dma_wait3A_86 = tpu.memref_slice %arg5[%add3A_77, %dma_wait3A, %dma_wait3A_85] : memref<48x158x128xi32, #tpu.memory_space<hbm>> -> memref<1x158x128xi32, #tpu.memory_space<hbm>>
          %dma_wait3A_87 = tpu.memref_squeeze %dma_wait3A_86 : memref<1x158x128xi32, #tpu.memory_space<hbm>> -> memref<158x128xi32, #tpu.memory_space<hbm>>
          %dma_wait3A_88 = arith.constant 0 : i32
          %dma_wait3A_89 = arith.constant 0 : i32
          %dma_wait3A_90 = tpu.memref_slice %arg5[%add3A_77, %dma_wait3A_88, %dma_wait3A_89] : memref<48x158x128xi32, #tpu.memory_space<hbm>> -> memref<1x158x128xi32, #tpu.memory_space<hbm>>
          %dma_wait3A_91 = tpu.memref_squeeze %dma_wait3A_90 : memref<1x158x128xi32, #tpu.memory_space<hbm>> -> memref<158x128xi32, #tpu.memory_space<hbm>>
          tpu.wait_dma2 semaphore(%run_scoped3A : memref<!tpu.dma_semaphore, #tpu.memory_space<semaphore_mem>>) src(%dma_wait3A_91 : memref<158x128xi32, #tpu.memory_space<hbm>>) dst(%arg9 : memref<158x128xi32, #tpu.memory_space<vmem>>)
          tpu.yield
        }) : () -> ()
      } else {
      }
      %not3A_61 = arith.constant true
      %not3A_62 = arith.xori %ge3A_17, %not3A_61 : i1
      %and3A_63 = arith.andi %xor3A, %not3A_62 : i1
      %convert_element_type3A_64 = arith.extui %and3A_63 : i1 to i32
      %cond3A_65 = arith.constant 0 : i32
      %cond3A_66 = arith.cmpi ne, %convert_element_type3A_64, %cond3A_65 : i32
      scf.if %cond3A_66 {
        %mul3A_75 = arith.constant 16 : i32
        %mul3A_76 = arith.muli %select_n3A, %mul3A_75 : i32
        %add3A_77 = arith.addi %mul3A_76, %arg1 : i32
        "tpu.region"() ({
          %run_scoped3A = tpu.sem_alloc : memref<!tpu.dma_semaphore, #tpu.memory_space<semaphore_mem>>
          %dma_start3A_112 = arith.constant 0 : i32
          %dma_start3A_113 = arith.constant 0 : i32
          %dma_start3A_114 = tpu.memref_slice %arg4[%add3A_77, %dma_start3A_112, %dma_start3A_113] : memref<192x158x128xi32, #tpu.memory_space<hbm>> -> memref<1x158x128xi32, #tpu.memory_space<hbm>>
          %dma_start3A_115 = tpu.memref_squeeze %dma_start3A_114 : memref<1x158x128xi32, #tpu.memory_space<hbm>> -> memref<158x128xi32, #tpu.memory_space<hbm>>
          %dma_start3A_116 = arith.constant 0 : i32
          %dma_start3A_117 = arith.constant 0 : i32
          %dma_start3A_118 = tpu.memref_slice %arg4[%add3A_77, %dma_start3A_116, %dma_start3A_117] : memref<192x158x128xi32, #tpu.memory_space<hbm>> -> memref<1x158x128xi32, #tpu.memory_space<hbm>>
          %dma_start3A_119 = tpu.memref_squeeze %dma_start3A_118 : memref<1x158x128xi32, #tpu.memory_space<hbm>> -> memref<158x128xi32, #tpu.memory_space<hbm>>
          tpu.enqueue_dma source(%dma_start3A_119 : memref<158x128xi32, #tpu.memory_space<hbm>>) target(%arg8 : memref<158x128xi32, #tpu.memory_space<vmem>>) target_semaphore(%run_scoped3A : memref<!tpu.dma_semaphore, #tpu.memory_space<semaphore_mem>>)
          %dma_wait3A_120 = arith.constant 0 : i32
          %dma_wait3A_121 = arith.constant 0 : i32
          %dma_wait3A_122 = tpu.memref_slice %arg4[%add3A_77, %dma_wait3A_120, %dma_wait3A_121] : memref<192x158x128xi32, #tpu.memory_space<hbm>> -> memref<1x158x128xi32, #tpu.memory_space<hbm>>
          %dma_wait3A_123 = tpu.memref_squeeze %dma_wait3A_122 : memref<1x158x128xi32, #tpu.memory_space<hbm>> -> memref<158x128xi32, #tpu.memory_space<hbm>>
          %dma_wait3A_124 = arith.constant 0 : i32
          %dma_wait3A_125 = arith.constant 0 : i32
          %dma_wait3A_126 = tpu.memref_slice %arg4[%add3A_77, %dma_wait3A_124, %dma_wait3A_125] : memref<192x158x128xi32, #tpu.memory_space<hbm>> -> memref<1x158x128xi32, #tpu.memory_space<hbm>>
          %dma_wait3A_127 = tpu.memref_squeeze %dma_wait3A_126 : memref<1x158x128xi32, #tpu.memory_space<hbm>> -> memref<158x128xi32, #tpu.memory_space<hbm>>
          tpu.wait_dma2 semaphore(%run_scoped3A : memref<!tpu.dma_semaphore, #tpu.memory_space<semaphore_mem>>) src(%dma_wait3A_127 : memref<158x128xi32, #tpu.memory_space<hbm>>) dst(%arg8 : memref<158x128xi32, #tpu.memory_space<vmem>>)
          tpu.yield
        }) : () -> ()
        %dma_start3A = arith.constant 0 : i32
        %dma_start3A_78 = arith.constant 0 : i32
        %dma_start3A_79 = arith.constant 0 : i32
        %dma_start3A_80 = tpu.memref_slice %arg10[%dma_start3A_78, %dma_start3A_79] : memref<256x128xf32, #tpu.memory_space<vmem>> -> memref<128x128xf32, #tpu.memory_space<vmem>>
        %dma_start3A_81 = arith.constant 0 : i32
        %dma_start3A_82 = tpu.memref_slice %arg8[%dma_start3A, %dma_start3A_81] : memref<158x128xi32, #tpu.memory_space<vmem>> -> memref<1x128xi32, #tpu.memory_space<vmem>>
        %dma_start3A_83 = tpu.memref_squeeze %dma_start3A_82 : memref<1x128xi32, #tpu.memory_space<vmem>> -> memref<128xi32, #tpu.memory_space<vmem>>
        %dma_start3A_84 = arith.constant 0 : i32
        %dma_start3A_85 = arith.constant 0 : i32
        %dma_start3A_86 = tpu.memref_slice %arg3[%dma_start3A_84, %dma_start3A_85] : memref<120000x128xf32, #tpu.memory_space<hbm>> -> memref<120000x128xf32, #tpu.memory_space<hbm>>
        tpu.enqueue_indirect_dma source(%dma_start3A_86 : memref<120000x128xf32, #tpu.memory_space<hbm>>) target(%dma_start3A_80 : memref<128x128xf32, #tpu.memory_space<vmem>>) offsets(%dma_start3A_83 : memref<128xi32, #tpu.memory_space<vmem>>) semaphore(%arg13 : memref<!tpu.dma_semaphore, #tpu.memory_space<semaphore_mem>>)
        %scan3A_87 = arith.constant 0 : i32
        %scan3A_88 = arith.constant 0 : i32
        %scan3A_89 = arith.constant 158 : i32
        %scan3A_90 = arith.addi %scan3A_88, %scan3A_89 : i32
        %scan3A_91 = arith.constant 1 : i32
        scf.for %scan3A_112 = %scan3A_88 to %scan3A_90 step %scan3A_91  : i32 {
          %add3A_113 = arith.constant 1 : i32
          %add3A_114 = arith.addi %scan3A_112, %add3A_113 : i32
          %min3A_115 = arith.constant 157 : i32
          %min3A_116 = arith.minsi %add3A_114, %min3A_115 : i32
          %add3A_117 = arith.constant 1 : i32
          %add3A_118 = arith.addi %scan3A_112, %add3A_117 : i32
          %jit3A_119 = arith.constant 2 : i32
          %eq3A_120 = arith.constant 0 : i32
          %eq3A_121 = arith.cmpi eq, %jit3A_119, %eq3A_120 : i32
          %jit3A_122 = arith.constant 1 : i32
          %select_n3A_123 = arith.select %eq3A_121, %jit3A_122, %jit3A_119 : i32
          %rem3A_124 = arith.remsi %add3A_118, %select_n3A_123 : i32
          %ne3A_125 = arith.constant 0 : i32
          %ne3A_126 = arith.cmpi ne, %rem3A_124, %ne3A_125 : i32
          %lt3A_127 = arith.constant 0 : i32
          %lt3A_128 = arith.cmpi slt, %rem3A_124, %lt3A_127 : i32
          %lt3A_129 = arith.constant 0 : i32
          %lt3A_130 = arith.cmpi slt, %select_n3A_123, %lt3A_129 : i32
          %ne3A_131 = arith.xori %lt3A_128, %lt3A_130 : i1
          %and3A_132 = arith.andi %ne3A_131, %ne3A_126 : i1
          %add3A_133 = arith.addi %rem3A_124, %select_n3A_123 : i32
          %select_n3A_134 = arith.select %and3A_132, %add3A_133, %rem3A_124 : i32
          %mul3A_135 = arith.constant 128 : i32
          %mul3A_136 = arith.muli %select_n3A_134, %mul3A_135 : i32
          %jit3A_137 = arith.constant 2 : i32
          %eq3A_138 = arith.constant 0 : i32
          %eq3A_139 = arith.cmpi eq, %jit3A_137, %eq3A_138 : i32
          %jit3A_140 = arith.constant 1 : i32
          %select_n3A_141 = arith.select %eq3A_139, %jit3A_140, %jit3A_137 : i32
          %rem3A_142 = arith.remsi %scan3A_112, %select_n3A_141 : i32
          %ne3A_143 = arith.constant 0 : i32
          %ne3A_144 = arith.cmpi ne, %rem3A_142, %ne3A_143 : i32
          %lt3A_145 = arith.constant 0 : i32
          %lt3A_146 = arith.cmpi slt, %rem3A_142, %lt3A_145 : i32
          %lt3A_147 = arith.constant 0 : i32
          %lt3A_148 = arith.cmpi slt, %select_n3A_141, %lt3A_147 : i32
          %ne3A_149 = arith.xori %lt3A_146, %lt3A_148 : i1
          %and3A_150 = arith.andi %ne3A_149, %ne3A_144 : i1
          %add3A_151 = arith.addi %rem3A_142, %select_n3A_141 : i32
          %select_n3A_152 = arith.select %and3A_150, %add3A_151, %rem3A_142 : i32
          %mul3A_153 = arith.constant 128 : i32
          %mul3A_154 = arith.muli %select_n3A_152, %mul3A_153 : i32
          %gt3A = arith.constant 0 : i32
          %gt3A_155 = arith.cmpi sgt, %scan3A_112, %gt3A : i32
          %convert_element_type3A_156 = arith.extui %gt3A_155 : i1 to i32
          %cond3A_157 = arith.constant 0 : i32
          %cond3A_158 = arith.cmpi ne, %convert_element_type3A_156, %cond3A_157 : i32
          scf.if %cond3A_158 {
            %sub3A_183 = arith.constant 1 : i32
            %sub3A_184 = arith.subi %scan3A_112, %sub3A_183 : i32
            %dma_wait3A_185 = arith.constant 0 : i32
            %dma_wait3A_186 = tpu.memref_slice %arg10[%mul3A_136, %dma_wait3A_185] : memref<256x128xf32, #tpu.memory_space<vmem>> -> memref<128x128xf32, #tpu.memory_space<vmem>>
            %dma_wait3A_187 = arith.constant 0 : i32
            %dma_wait3A_188 = tpu.memref_slice %arg9[%sub3A_184, %dma_wait3A_187] : memref<158x128xi32, #tpu.memory_space<vmem>> -> memref<1x128xi32, #tpu.memory_space<vmem>>
            %dma_wait3A_189 = tpu.memref_squeeze %dma_wait3A_188 : memref<1x128xi32, #tpu.memory_space<vmem>> -> memref<128xi32, #tpu.memory_space<vmem>>
            %dma_wait3A_190 = arith.constant 0 : i32
            %dma_wait3A_191 = arith.constant 0 : i32
            %dma_wait3A_192 = tpu.memref_slice %arg12[%dma_wait3A_190, %dma_wait3A_191] : memref<4096x128xf32, #tpu.memory_space<vmem_shared>> -> memref<4096x128xf32, #tpu.memory_space<vmem_shared>>
            tpu.wait_indirect_dma semaphore(%arg14 : memref<!tpu.dma_semaphore, #tpu.memory_space<semaphore_mem>>) src(%dma_wait3A_186 : memref<128x128xf32, #tpu.memory_space<vmem>>) dst(%dma_wait3A_192 : memref<4096x128xf32, #tpu.memory_space<vmem_shared>>)
          } else {
          }
          %dma_start3A_159 = arith.constant 0 : i32
          %dma_start3A_160 = tpu.memref_slice %arg10[%mul3A_136, %dma_start3A_159] : memref<256x128xf32, #tpu.memory_space<vmem>> -> memref<128x128xf32, #tpu.memory_space<vmem>>
          %dma_start3A_161 = arith.constant 0 : i32
          %dma_start3A_162 = tpu.memref_slice %arg8[%min3A_116, %dma_start3A_161] : memref<158x128xi32, #tpu.memory_space<vmem>> -> memref<1x128xi32, #tpu.memory_space<vmem>>
          %dma_start3A_163 = tpu.memref_squeeze %dma_start3A_162 : memref<1x128xi32, #tpu.memory_space<vmem>> -> memref<128xi32, #tpu.memory_space<vmem>>
          %dma_start3A_164 = arith.constant 0 : i32
          %dma_start3A_165 = arith.constant 0 : i32
          %dma_start3A_166 = tpu.memref_slice %arg3[%dma_start3A_164, %dma_start3A_165] : memref<120000x128xf32, #tpu.memory_space<hbm>> -> memref<120000x128xf32, #tpu.memory_space<hbm>>
          tpu.enqueue_indirect_dma source(%dma_start3A_166 : memref<120000x128xf32, #tpu.memory_space<hbm>>) target(%dma_start3A_160 : memref<128x128xf32, #tpu.memory_space<vmem>>) offsets(%dma_start3A_163 : memref<128xi32, #tpu.memory_space<vmem>>) semaphore(%arg13 : memref<!tpu.dma_semaphore, #tpu.memory_space<semaphore_mem>>)
          %dma_wait3A_167 = arith.constant 0 : i32
          %dma_wait3A_168 = tpu.memref_slice %arg10[%mul3A_154, %dma_wait3A_167] : memref<256x128xf32, #tpu.memory_space<vmem>> -> memref<128x128xf32, #tpu.memory_space<vmem>>
          %dma_wait3A_169 = arith.constant 0 : i32
          %dma_wait3A_170 = tpu.memref_slice %arg8[%scan3A_112, %dma_wait3A_169] : memref<158x128xi32, #tpu.memory_space<vmem>> -> memref<1x128xi32, #tpu.memory_space<vmem>>
          %dma_wait3A_171 = tpu.memref_squeeze %dma_wait3A_170 : memref<1x128xi32, #tpu.memory_space<vmem>> -> memref<128xi32, #tpu.memory_space<vmem>>
          %dma_wait3A_172 = arith.constant 0 : i32
          %dma_wait3A_173 = arith.constant 0 : i32
          %dma_wait3A_174 = tpu.memref_slice %arg3[%dma_wait3A_172, %dma_wait3A_173] : memref<120000x128xf32, #tpu.memory_space<hbm>> -> memref<120000x128xf32, #tpu.memory_space<hbm>>
          tpu.wait_indirect_dma semaphore(%arg13 : memref<!tpu.dma_semaphore, #tpu.memory_space<semaphore_mem>>) src(%dma_wait3A_174 : memref<120000x128xf32, #tpu.memory_space<hbm>>) dst(%dma_wait3A_168 : memref<128x128xf32, #tpu.memory_space<vmem>>)
          %dma_start3A_175 = arith.constant 0 : i32
          %dma_start3A_176 = tpu.memref_slice %arg10[%mul3A_154, %dma_start3A_175] : memref<256x128xf32, #tpu.memory_space<vmem>> -> memref<128x128xf32, #tpu.memory_space<vmem>>
          %dma_start3A_177 = arith.constant 0 : i32
          %dma_start3A_178 = tpu.memref_slice %arg9[%scan3A_112, %dma_start3A_177] : memref<158x128xi32, #tpu.memory_space<vmem>> -> memref<1x128xi32, #tpu.memory_space<vmem>>
          %dma_start3A_179 = tpu.memref_squeeze %dma_start3A_178 : memref<1x128xi32, #tpu.memory_space<vmem>> -> memref<128xi32, #tpu.memory_space<vmem>>
          %dma_start3A_180 = arith.constant 0 : i32
          %dma_start3A_181 = arith.constant 0 : i32
          %dma_start3A_182 = tpu.memref_slice %arg12[%dma_start3A_180, %dma_start3A_181] : memref<4096x128xf32, #tpu.memory_space<vmem_shared>> -> memref<4096x128xf32, #tpu.memory_space<vmem_shared>>
          tpu.enqueue_indirect_dma source(%dma_start3A_176 : memref<128x128xf32, #tpu.memory_space<vmem>>) target(%dma_start3A_182 : memref<4096x128xf32, #tpu.memory_space<vmem_shared>>) offsets(%dma_start3A_179 : memref<128xi32, #tpu.memory_space<vmem>>) semaphore(%arg14 : memref<!tpu.dma_semaphore, #tpu.memory_space<semaphore_mem>>) {add = true}
        }
        %scan3A_92 = arith.constant 158 : i32
        %dma_wait3A = arith.constant 157 : i32
        %dma_wait3A_93 = arith.constant 0 : i32
        %dma_wait3A_94 = arith.constant 0 : i32
        %dma_wait3A_95 = tpu.memref_slice %arg10[%dma_wait3A_93, %dma_wait3A_94] : memref<256x128xf32, #tpu.memory_space<vmem>> -> memref<128x128xf32, #tpu.memory_space<vmem>>
        %dma_wait3A_96 = arith.constant 0 : i32
        %dma_wait3A_97 = tpu.memref_slice %arg8[%dma_wait3A, %dma_wait3A_96] : memref<158x128xi32, #tpu.memory_space<vmem>> -> memref<1x128xi32, #tpu.memory_space<vmem>>
        %dma_wait3A_98 = tpu.memref_squeeze %dma_wait3A_97 : memref<1x128xi32, #tpu.memory_space<vmem>> -> memref<128xi32, #tpu.memory_space<vmem>>
        %dma_wait3A_99 = arith.constant 0 : i32
        %dma_wait3A_100 = arith.constant 0 : i32
        %dma_wait3A_101 = tpu.memref_slice %arg3[%dma_wait3A_99, %dma_wait3A_100] : memref<120000x128xf32, #tpu.memory_space<hbm>> -> memref<120000x128xf32, #tpu.memory_space<hbm>>
        tpu.wait_indirect_dma semaphore(%arg13 : memref<!tpu.dma_semaphore, #tpu.memory_space<semaphore_mem>>) src(%dma_wait3A_101 : memref<120000x128xf32, #tpu.memory_space<hbm>>) dst(%dma_wait3A_95 : memref<128x128xf32, #tpu.memory_space<vmem>>)
        %dma_wait3A_102 = arith.constant 157 : i32
        %dma_wait3A_103 = arith.constant 128 : i32
        %dma_wait3A_104 = arith.constant 0 : i32
        %dma_wait3A_105 = tpu.memref_slice %arg10[%dma_wait3A_103, %dma_wait3A_104] : memref<256x128xf32, #tpu.memory_space<vmem>> -> memref<128x128xf32, #tpu.memory_space<vmem>>
        %dma_wait3A_106 = arith.constant 0 : i32
        %dma_wait3A_107 = tpu.memref_slice %arg9[%dma_wait3A_102, %dma_wait3A_106] : memref<158x128xi32, #tpu.memory_space<vmem>> -> memref<1x128xi32, #tpu.memory_space<vmem>>
        %dma_wait3A_108 = tpu.memref_squeeze %dma_wait3A_107 : memref<1x128xi32, #tpu.memory_space<vmem>> -> memref<128xi32, #tpu.memory_space<vmem>>
        %dma_wait3A_109 = arith.constant 0 : i32
        %dma_wait3A_110 = arith.constant 0 : i32
        %dma_wait3A_111 = tpu.memref_slice %arg12[%dma_wait3A_109, %dma_wait3A_110] : memref<4096x128xf32, #tpu.memory_space<vmem_shared>> -> memref<4096x128xf32, #tpu.memory_space<vmem_shared>>
        tpu.wait_indirect_dma semaphore(%arg14 : memref<!tpu.dma_semaphore, #tpu.memory_space<semaphore_mem>>) src(%dma_wait3A_105 : memref<128x128xf32, #tpu.memory_space<vmem>>) dst(%dma_wait3A_111 : memref<4096x128xf32, #tpu.memory_space<vmem_shared>>)
      } else {
      }
      %and3A_67 = arith.andi %xor3A, %ge3A_17 : i1
      %convert_element_type3A_68 = arith.extui %and3A_67 : i1 to i32
      %cond3A_69 = arith.constant 0 : i32
      %cond3A_70 = arith.cmpi ne, %convert_element_type3A_68, %cond3A_69 : i32
      scf.if %cond3A_70 {
        %scan3A_75 = arith.constant 0 : i32
        %scan3A_76 = arith.constant 0 : i32
        %scan3A_77 = arith.constant 158 : i32
        %scan3A_78 = arith.addi %scan3A_76, %scan3A_77 : i32
        %scan3A_79 = arith.constant 1 : i32
        scf.for %scan3A_81 = %scan3A_76 to %scan3A_78 step %scan3A_79  : i32 {
          "tpu.region"() ({
            %run_scoped3A = tpu.sem_alloc : memref<!tpu.dma_semaphore, #tpu.memory_space<semaphore_mem>>
            %dma_start3A = arith.constant 0 : i32
            %dma_start3A_82 = arith.constant 0 : i32
            %dma_start3A_83 = tpu.memref_slice %arg10[%dma_start3A, %dma_start3A_82] : memref<256x128xf32, #tpu.memory_space<vmem>> -> memref<128x128xf32, #tpu.memory_space<vmem>>
            %dma_start3A_84 = arith.constant 0 : i32
            %dma_start3A_85 = tpu.memref_slice %arg9[%scan3A_81, %dma_start3A_84] : memref<158x128xi32, #tpu.memory_space<vmem>> -> memref<1x128xi32, #tpu.memory_space<vmem>>
            %dma_start3A_86 = tpu.memref_squeeze %dma_start3A_85 : memref<1x128xi32, #tpu.memory_space<vmem>> -> memref<128xi32, #tpu.memory_space<vmem>>
            %dma_start3A_87 = arith.constant 0 : i32
            %dma_start3A_88 = arith.constant 0 : i32
            %dma_start3A_89 = tpu.memref_slice %arg12[%dma_start3A_87, %dma_start3A_88] : memref<4096x128xf32, #tpu.memory_space<vmem_shared>> -> memref<4096x128xf32, #tpu.memory_space<vmem_shared>>
            tpu.enqueue_indirect_dma source(%dma_start3A_83 : memref<128x128xf32, #tpu.memory_space<vmem>>) target(%dma_start3A_89 : memref<4096x128xf32, #tpu.memory_space<vmem_shared>>) offsets(%dma_start3A_86 : memref<128xi32, #tpu.memory_space<vmem>>) semaphore(%run_scoped3A : memref<!tpu.dma_semaphore, #tpu.memory_space<semaphore_mem>>) {add = true}
            %dma_wait3A = arith.constant 0 : i32
            %dma_wait3A_90 = arith.constant 0 : i32
            %dma_wait3A_91 = tpu.memref_slice %arg10[%dma_wait3A, %dma_wait3A_90] : memref<256x128xf32, #tpu.memory_space<vmem>> -> memref<128x128xf32, #tpu.memory_space<vmem>>
            %dma_wait3A_92 = arith.constant 0 : i32
            %dma_wait3A_93 = tpu.memref_slice %arg9[%scan3A_81, %dma_wait3A_92] : memref<158x128xi32, #tpu.memory_space<vmem>> -> memref<1x128xi32, #tpu.memory_space<vmem>>
            %dma_wait3A_94 = tpu.memref_squeeze %dma_wait3A_93 : memref<1x128xi32, #tpu.memory_space<vmem>> -> memref<128xi32, #tpu.memory_space<vmem>>
            %dma_wait3A_95 = arith.constant 0 : i32
            %dma_wait3A_96 = arith.constant 0 : i32
            %dma_wait3A_97 = tpu.memref_slice %arg12[%dma_wait3A_95, %dma_wait3A_96] : memref<4096x128xf32, #tpu.memory_space<vmem_shared>> -> memref<4096x128xf32, #tpu.memory_space<vmem_shared>>
            tpu.wait_indirect_dma semaphore(%run_scoped3A : memref<!tpu.dma_semaphore, #tpu.memory_space<semaphore_mem>>) src(%dma_wait3A_91 : memref<128x128xf32, #tpu.memory_space<vmem>>) dst(%dma_wait3A_97 : memref<4096x128xf32, #tpu.memory_space<vmem_shared>>)
            tpu.yield
          }) : () -> ()
        }
        %scan3A_80 = arith.constant 158 : i32
      } else {
      }
      %barrier3A_71 = arith.constant 0 : index
      tpu.barrier barrier_id(%barrier3A_71)
      %convert_element_type3A_72 = arith.extui %xor3A : i1 to i32
      %cond3A_73 = arith.constant 0 : i32
      %cond3A_74 = arith.cmpi ne, %convert_element_type3A_72, %cond3A_73 : i32
      scf.if %cond3A_74 {
        %mul3A_75 = arith.constant 224 : i32
        %mul3A_76 = arith.muli %arg1, %mul3A_75 : i32
        %mul3A_77 = arith.constant 3584 : i32
        %mul3A_78 = arith.muli %add3A, %mul3A_77 : i32
        %mul3A_79 = arith.constant 224 : i32
        %mul3A_80 = arith.muli %arg1, %mul3A_79 : i32
        %add3A_81 = arith.addi %mul3A_78, %mul3A_80 : i32
        "tpu.region"() ({
          %run_scoped3A = tpu.sem_alloc : memref<!tpu.dma_semaphore, #tpu.memory_space<semaphore_mem>>
          %dma_start3A = arith.constant 0 : i32
          %dma_start3A_82 = tpu.memref_slice %arg6[%add3A_81, %dma_start3A] : memref<143360x128xf32, #tpu.memory_space<hbm>> -> memref<224x128xf32, #tpu.memory_space<hbm>>
          %dma_start3A_83 = arith.constant 0 : i32
          %dma_start3A_84 = tpu.memref_slice %arg12[%mul3A_76, %dma_start3A_83] : memref<4096x128xf32, #tpu.memory_space<vmem_shared>> -> memref<224x128xf32, #tpu.memory_space<vmem_shared>>
          tpu.enqueue_dma source(%dma_start3A_84 : memref<224x128xf32, #tpu.memory_space<vmem_shared>>) target(%dma_start3A_82 : memref<224x128xf32, #tpu.memory_space<hbm>>) target_semaphore(%run_scoped3A : memref<!tpu.dma_semaphore, #tpu.memory_space<semaphore_mem>>)
          %dma_wait3A = arith.constant 0 : i32
          %dma_wait3A_85 = tpu.memref_slice %arg6[%add3A_81, %dma_wait3A] : memref<143360x128xf32, #tpu.memory_space<hbm>> -> memref<224x128xf32, #tpu.memory_space<hbm>>
          %dma_wait3A_86 = arith.constant 0 : i32
          %dma_wait3A_87 = tpu.memref_slice %arg12[%mul3A_76, %dma_wait3A_86] : memref<4096x128xf32, #tpu.memory_space<vmem_shared>> -> memref<224x128xf32, #tpu.memory_space<vmem_shared>>
          tpu.wait_dma2 semaphore(%run_scoped3A : memref<!tpu.dma_semaphore, #tpu.memory_space<semaphore_mem>>) src(%dma_wait3A_87 : memref<224x128xf32, #tpu.memory_space<vmem_shared>>) dst(%dma_wait3A_85 : memref<224x128xf32, #tpu.memory_space<hbm>>)
          tpu.yield
        }) : () -> ()
      } else {
      }
    }
    %scan3A_15 = arith.constant 20 : i32
    return
  }
}

#map = affine_map<(d0, d1) -> (0)>
#map1 = affine_map<(d0, d1) -> (0, 0)>
#map2 = affine_map<(d0, d1) -> (0, 0, 0)>
module attributes {stable_mosaic.version = 14 : i64} {
  func.func @sc_conv(%arg0: i32, %arg1: i32, %arg2: memref<16xi32, #tpu.memory_space<hbm>>, %arg3: memref<120000x128xf32, #tpu.memory_space<hbm>>, %arg4: memref<192x158x128xi32, #tpu.memory_space<hbm>>, %arg5: memref<48x158x128xi32, #tpu.memory_space<hbm>>, %arg6: memref<143360x128xf32, #tpu.memory_space<hbm>>, %arg7: memref<16xi32, #tpu.memory_space<vmem>>, %arg8: memref<158x128xi32, #tpu.memory_space<vmem>>, %arg9: memref<158x128xi32, #tpu.memory_space<vmem>>, %arg10: memref<256x128xf32, #tpu.memory_space<vmem>>, %arg11: memref<128x128xf32, #tpu.memory_space<vmem>>, %arg12: memref<4096x128xf32, #tpu.memory_space<vmem_shared>>, %arg13: memref<!tpu.dma_semaphore, #tpu.memory_space<semaphore_mem>>, %arg14: memref<!tpu.dma_semaphore, #tpu.memory_space<semaphore_mem>>) attributes {dimension_semantics = [#tpu.dimension_semantics<core_parallel>, #tpu.dimension_semantics<subcore_parallel>], iteration_bounds = array<i64: 2, 16>, scalar_prefetch = 0 : i64, scratch_operands = 8 : i64, tpu.core_type = #tpu.core_type<sc_vector_subcore>, window_params = [{transform_indices = #map}, {transform_indices = #map1}, {transform_indices = #map2}, {transform_indices = #map2}, {transform_indices = #map1}]} {
    "tpu.region"() ({
      %run_scoped3A = tpu.sem_alloc : memref<!tpu.dma_semaphore, #tpu.memory_space<semaphore_mem>>
      tpu.enqueue_dma source(%arg2 : memref<16xi32, #tpu.memory_space<hbm>>) target(%arg7 : memref<16xi32, #tpu.memory_space<vmem>>) target_semaphore(%run_scoped3A : memref<!tpu.dma_semaphore, #tpu.memory_space<semaphore_mem>>)
      tpu.wait_dma2 semaphore(%run_scoped3A : memref<!tpu.dma_semaphore, #tpu.memory_space<semaphore_mem>>) src(%arg2 : memref<16xi32, #tpu.memory_space<hbm>>) dst(%arg7 : memref<16xi32, #tpu.memory_space<vmem>>)
      tpu.yield
    }) : () -> ()
    %get3A = arith.constant 0 : index
    %get3A_0 = tpu.vector_load %arg7[%get3A] {strides = array<i32>} : memref<16xi32, #tpu.memory_space<vmem>>, vector<16xi32>,
    %get3A_1 = vector.shape_cast %get3A_0 : vector<16xi32> to vector<16xi32>
    %slice3A = vector.extract_strided_slice %get3A_1 {offsets = [0], sizes = [1], strides = [1]} : vector<16xi32> to vector<1xi32>
    %squeeze3A = vector.extract %slice3A[0] : i32 from vector<1xi32>
    %eq3A = arith.constant 1 : i32
    %eq3A_2 = arith.cmpi eq, %squeeze3A, %eq3A : i32
    %scan3A = arith.constant 0 : i32
    %scan3A_3 = arith.constant 0 : i32
    %scan3A_4 = arith.constant 128 : i32
    %scan3A_5 = arith.addi %scan3A_3, %scan3A_4 : i32
    %scan3A_6 = arith.constant 1 : i32
    scf.for %scan3A_16 = %scan3A_3 to %scan3A_5 step %scan3A_6  : i32 {
      %broadcast_in_dim3A = arith.constant 0.000000e+00 : f32
      %broadcast_in_dim3A_17 = vector.broadcast %broadcast_in_dim3A : f32 to vector<16xf32>
      %swap3A = arith.index_cast %scan3A_16 : i32 to index
      %swap3A_18 = arith.constant 0 : index
      %swap3A_19 = tpu.vector_load %arg11[%swap3A, %swap3A_18] {strides = array<i32>} : memref<128x128xf32, #tpu.memory_space<vmem>>, vector<1x16xf32>,
      %swap3A_20 = vector.shape_cast %swap3A_19 : vector<1x16xf32> to vector<16xf32>
      %swap3A_21 = vector.shape_cast %broadcast_in_dim3A_17 : vector<16xf32> to vector<1x16xf32>
      tpu.vector_store %arg11[%swap3A, %swap3A_18], %swap3A_21 {strides = array<i32>} : memref<128x128xf32, #tpu.memory_space<vmem>>, vector<1x16xf32>,
      %broadcast_in_dim3A_22 = arith.constant 0.000000e+00 : f32
      %broadcast_in_dim3A_23 = vector.broadcast %broadcast_in_dim3A_22 : f32 to vector<16xf32>
      %swap3A_24 = arith.index_cast %scan3A_16 : i32 to index
      %swap3A_25 = arith.constant 16 : index
      %swap3A_26 = tpu.vector_load %arg11[%swap3A_24, %swap3A_25] {strides = array<i32>} : memref<128x128xf32, #tpu.memory_space<vmem>>, vector<1x16xf32>,
      %swap3A_27 = vector.shape_cast %swap3A_26 : vector<1x16xf32> to vector<16xf32>
      %swap3A_28 = vector.shape_cast %broadcast_in_dim3A_23 : vector<16xf32> to vector<1x16xf32>
      tpu.vector_store %arg11[%swap3A_24, %swap3A_25], %swap3A_28 {strides = array<i32>} : memref<128x128xf32, #tpu.memory_space<vmem>>, vector<1x16xf32>,
      %broadcast_in_dim3A_29 = arith.constant 0.000000e+00 : f32
      %broadcast_in_dim3A_30 = vector.broadcast %broadcast_in_dim3A_29 : f32 to vector<16xf32>
      %swap3A_31 = arith.index_cast %scan3A_16 : i32 to index
      %swap3A_32 = arith.constant 32 : index
      %swap3A_33 = tpu.vector_load %arg11[%swap3A_31, %swap3A_32] {strides = array<i32>} : memref<128x128xf32, #tpu.memory_space<vmem>>, vector<1x16xf32>,
      %swap3A_34 = vector.shape_cast %swap3A_33 : vector<1x16xf32> to vector<16xf32>
      %swap3A_35 = vector.shape_cast %broadcast_in_dim3A_30 : vector<16xf32> to vector<1x16xf32>
      tpu.vector_store %arg11[%swap3A_31, %swap3A_32], %swap3A_35 {strides = array<i32>} : memref<128x128xf32, #tpu.memory_space<vmem>>, vector<1x16xf32>,
      %broadcast_in_dim3A_36 = arith.constant 0.000000e+00 : f32
      %broadcast_in_dim3A_37 = vector.broadcast %broadcast_in_dim3A_36 : f32 to vector<16xf32>
      %swap3A_38 = arith.index_cast %scan3A_16 : i32 to index
      %swap3A_39 = arith.constant 48 : index
      %swap3A_40 = tpu.vector_load %arg11[%swap3A_38, %swap3A_39] {strides = array<i32>} : memref<128x128xf32, #tpu.memory_space<vmem>>, vector<1x16xf32>,
      %swap3A_41 = vector.shape_cast %swap3A_40 : vector<1x16xf32> to vector<16xf32>
      %swap3A_42 = vector.shape_cast %broadcast_in_dim3A_37 : vector<16xf32> to vector<1x16xf32>
      tpu.vector_store %arg11[%swap3A_38, %swap3A_39], %swap3A_42 {strides = array<i32>} : memref<128x128xf32, #tpu.memory_space<vmem>>, vector<1x16xf32>,
      %broadcast_in_dim3A_43 = arith.constant 0.000000e+00 : f32
      %broadcast_in_dim3A_44 = vector.broadcast %broadcast_in_dim3A_43 : f32 to vector<16xf32>
      %swap3A_45 = arith.index_cast %scan3A_16 : i32 to index
      %swap3A_46 = arith.constant 64 : index
      %swap3A_47 = tpu.vector_load %arg11[%swap3A_45, %swap3A_46] {strides = array<i32>} : memref<128x128xf32, #tpu.memory_space<vmem>>, vector<1x16xf32>,
      %swap3A_48 = vector.shape_cast %swap3A_47 : vector<1x16xf32> to vector<16xf32>
      %swap3A_49 = vector.shape_cast %broadcast_in_dim3A_44 : vector<16xf32> to vector<1x16xf32>
      tpu.vector_store %arg11[%swap3A_45, %swap3A_46], %swap3A_49 {strides = array<i32>} : memref<128x128xf32, #tpu.memory_space<vmem>>, vector<1x16xf32>,
      %broadcast_in_dim3A_50 = arith.constant 0.000000e+00 : f32
      %broadcast_in_dim3A_51 = vector.broadcast %broadcast_in_dim3A_50 : f32 to vector<16xf32>
      %swap3A_52 = arith.index_cast %scan3A_16 : i32 to index
      %swap3A_53 = arith.constant 80 : index
      %swap3A_54 = tpu.vector_load %arg11[%swap3A_52, %swap3A_53] {strides = array<i32>} : memref<128x128xf32, #tpu.memory_space<vmem>>, vector<1x16xf32>,
      %swap3A_55 = vector.shape_cast %swap3A_54 : vector<1x16xf32> to vector<16xf32>
      %swap3A_56 = vector.shape_cast %broadcast_in_dim3A_51 : vector<16xf32> to vector<1x16xf32>
      tpu.vector_store %arg11[%swap3A_52, %swap3A_53], %swap3A_56 {strides = array<i32>} : memref<128x128xf32, #tpu.memory_space<vmem>>, vector<1x16xf32>,
      %broadcast_in_dim3A_57 = arith.constant 0.000000e+00 : f32
      %broadcast_in_dim3A_58 = vector.broadcast %broadcast_in_dim3A_57 : f32 to vector<16xf32>
      %swap3A_59 = arith.index_cast %scan3A_16 : i32 to index
      %swap3A_60 = arith.constant 96 : index
      %swap3A_61 = tpu.vector_load %arg11[%swap3A_59, %swap3A_60] {strides = array<i32>} : memref<128x128xf32, #tpu.memory_space<vmem>>, vector<1x16xf32>,
      %swap3A_62 = vector.shape_cast %swap3A_61 : vector<1x16xf32> to vector<16xf32>
      %swap3A_63 = vector.shape_cast %broadcast_in_dim3A_58 : vector<16xf32> to vector<1x16xf32>
      tpu.vector_store %arg11[%swap3A_59, %swap3A_60], %swap3A_63 {strides = array<i32>} : memref<128x128xf32, #tpu.memory_space<vmem>>, vector<1x16xf32>,
      %broadcast_in_dim3A_64 = arith.constant 0.000000e+00 : f32
      %broadcast_in_dim3A_65 = vector.broadcast %broadcast_in_dim3A_64 : f32 to vector<16xf32>
      %swap3A_66 = arith.index_cast %scan3A_16 : i32 to index
      %swap3A_67 = arith.constant 112 : index
      %swap3A_68 = tpu.vector_load %arg11[%swap3A_66, %swap3A_67] {strides = array<i32>} : memref<128x128xf32, #tpu.memory_space<vmem>>, vector<1x16xf32>,
      %swap3A_69 = vector.shape_cast %swap3A_68 : vector<1x16xf32> to vector<16xf32>
      %swap3A_70 = vector.shape_cast %broadcast_in_dim3A_65 : vector<16xf32> to vector<1x16xf32>
      tpu.vector_store %arg11[%swap3A_66, %swap3A_67], %swap3A_70 {strides = array<i32>} : memref<128x128xf32, #tpu.memory_space<vmem>>, vector<1x16xf32>,
    }
    %scan3A_7 = arith.constant 128 : i32
    %not3A = arith.constant true
    %not3A_8 = arith.xori %eq3A_2, %not3A : i1
    %convert_element_type3A = arith.extui %not3A_8 : i1 to i32
    %cond3A = arith.constant 0 : i32
    %cond3A_9 = arith.cmpi ne, %convert_element_type3A, %cond3A : i32
    scf.if %cond3A_9 {
      %scan3A_16 = arith.constant 0 : i32
      %scan3A_17 = arith.constant 0 : i32
      %scan3A_18 = arith.constant 128 : i32
      %scan3A_19 = arith.addi %scan3A_17, %scan3A_18 : i32
      %scan3A_20 = arith.constant 1 : i32
      scf.for %scan3A_22 = %scan3A_17 to %scan3A_19 step %scan3A_20  : i32 {
        %broadcast_in_dim3A = arith.constant 1.000000e+00 : f32
        %broadcast_in_dim3A_23 = vector.broadcast %broadcast_in_dim3A : f32 to vector<16xf32>
        %swap3A = arith.index_cast %scan3A_22 : i32 to index
        %swap3A_24 = arith.constant 0 : index
        %swap3A_25 = tpu.vector_load %arg10[%swap3A, %swap3A_24] {strides = array<i32>} : memref<256x128xf32, #tpu.memory_space<vmem>>, vector<1x16xf32>,
        %swap3A_26 = vector.shape_cast %swap3A_25 : vector<1x16xf32> to vector<16xf32>
        %swap3A_27 = vector.shape_cast %broadcast_in_dim3A_23 : vector<16xf32> to vector<1x16xf32>
        tpu.vector_store %arg10[%swap3A, %swap3A_24], %swap3A_27 {strides = array<i32>} : memref<256x128xf32, #tpu.memory_space<vmem>>, vector<1x16xf32>,
        %broadcast_in_dim3A_28 = arith.constant 1.000000e+00 : f32
        %broadcast_in_dim3A_29 = vector.broadcast %broadcast_in_dim3A_28 : f32 to vector<16xf32>
        %swap3A_30 = arith.index_cast %scan3A_22 : i32 to index
        %swap3A_31 = arith.constant 16 : index
        %swap3A_32 = tpu.vector_load %arg10[%swap3A_30, %swap3A_31] {strides = array<i32>} : memref<256x128xf32, #tpu.memory_space<vmem>>, vector<1x16xf32>,
        %swap3A_33 = vector.shape_cast %swap3A_32 : vector<1x16xf32> to vector<16xf32>
        %swap3A_34 = vector.shape_cast %broadcast_in_dim3A_29 : vector<16xf32> to vector<1x16xf32>
        tpu.vector_store %arg10[%swap3A_30, %swap3A_31], %swap3A_34 {strides = array<i32>} : memref<256x128xf32, #tpu.memory_space<vmem>>, vector<1x16xf32>,
        %broadcast_in_dim3A_35 = arith.constant 1.000000e+00 : f32
        %broadcast_in_dim3A_36 = vector.broadcast %broadcast_in_dim3A_35 : f32 to vector<16xf32>
        %swap3A_37 = arith.index_cast %scan3A_22 : i32 to index
        %swap3A_38 = arith.constant 32 : index
        %swap3A_39 = tpu.vector_load %arg10[%swap3A_37, %swap3A_38] {strides = array<i32>} : memref<256x128xf32, #tpu.memory_space<vmem>>, vector<1x16xf32>,
        %swap3A_40 = vector.shape_cast %swap3A_39 : vector<1x16xf32> to vector<16xf32>
        %swap3A_41 = vector.shape_cast %broadcast_in_dim3A_36 : vector<16xf32> to vector<1x16xf32>
        tpu.vector_store %arg10[%swap3A_37, %swap3A_38], %swap3A_41 {strides = array<i32>} : memref<256x128xf32, #tpu.memory_space<vmem>>, vector<1x16xf32>,
        %broadcast_in_dim3A_42 = arith.constant 1.000000e+00 : f32
        %broadcast_in_dim3A_43 = vector.broadcast %broadcast_in_dim3A_42 : f32 to vector<16xf32>
        %swap3A_44 = arith.index_cast %scan3A_22 : i32 to index
        %swap3A_45 = arith.constant 48 : index
        %swap3A_46 = tpu.vector_load %arg10[%swap3A_44, %swap3A_45] {strides = array<i32>} : memref<256x128xf32, #tpu.memory_space<vmem>>, vector<1x16xf32>,
        %swap3A_47 = vector.shape_cast %swap3A_46 : vector<1x16xf32> to vector<16xf32>
        %swap3A_48 = vector.shape_cast %broadcast_in_dim3A_43 : vector<16xf32> to vector<1x16xf32>
        tpu.vector_store %arg10[%swap3A_44, %swap3A_45], %swap3A_48 {strides = array<i32>} : memref<256x128xf32, #tpu.memory_space<vmem>>, vector<1x16xf32>,
        %broadcast_in_dim3A_49 = arith.constant 1.000000e+00 : f32
        %broadcast_in_dim3A_50 = vector.broadcast %broadcast_in_dim3A_49 : f32 to vector<16xf32>
        %swap3A_51 = arith.index_cast %scan3A_22 : i32 to index
        %swap3A_52 = arith.constant 64 : index
        %swap3A_53 = tpu.vector_load %arg10[%swap3A_51, %swap3A_52] {strides = array<i32>} : memref<256x128xf32, #tpu.memory_space<vmem>>, vector<1x16xf32>,
        %swap3A_54 = vector.shape_cast %swap3A_53 : vector<1x16xf32> to vector<16xf32>
        %swap3A_55 = vector.shape_cast %broadcast_in_dim3A_50 : vector<16xf32> to vector<1x16xf32>
        tpu.vector_store %arg10[%swap3A_51, %swap3A_52], %swap3A_55 {strides = array<i32>} : memref<256x128xf32, #tpu.memory_space<vmem>>, vector<1x16xf32>,
        %broadcast_in_dim3A_56 = arith.constant 1.000000e+00 : f32
        %broadcast_in_dim3A_57 = vector.broadcast %broadcast_in_dim3A_56 : f32 to vector<16xf32>
        %swap3A_58 = arith.index_cast %scan3A_22 : i32 to index
        %swap3A_59 = arith.constant 80 : index
        %swap3A_60 = tpu.vector_load %arg10[%swap3A_58, %swap3A_59] {strides = array<i32>} : memref<256x128xf32, #tpu.memory_space<vmem>>, vector<1x16xf32>,
        %swap3A_61 = vector.shape_cast %swap3A_60 : vector<1x16xf32> to vector<16xf32>
        %swap3A_62 = vector.shape_cast %broadcast_in_dim3A_57 : vector<16xf32> to vector<1x16xf32>
        tpu.vector_store %arg10[%swap3A_58, %swap3A_59], %swap3A_62 {strides = array<i32>} : memref<256x128xf32, #tpu.memory_space<vmem>>, vector<1x16xf32>,
        %broadcast_in_dim3A_63 = arith.constant 1.000000e+00 : f32
        %broadcast_in_dim3A_64 = vector.broadcast %broadcast_in_dim3A_63 : f32 to vector<16xf32>
        %swap3A_65 = arith.index_cast %scan3A_22 : i32 to index
        %swap3A_66 = arith.constant 96 : index
        %swap3A_67 = tpu.vector_load %arg10[%swap3A_65, %swap3A_66] {strides = array<i32>} : memref<256x128xf32, #tpu.memory_space<vmem>>, vector<1x16xf32>,
        %swap3A_68 = vector.shape_cast %swap3A_67 : vector<1x16xf32> to vector<16xf32>
        %swap3A_69 = vector.shape_cast %broadcast_in_dim3A_64 : vector<16xf32> to vector<1x16xf32>
        tpu.vector_store %arg10[%swap3A_65, %swap3A_66], %swap3A_69 {strides = array<i32>} : memref<256x128xf32, #tpu.memory_space<vmem>>, vector<1x16xf32>,
        %broadcast_in_dim3A_70 = arith.constant 1.000000e+00 : f32
        %broadcast_in_dim3A_71 = vector.broadcast %broadcast_in_dim3A_70 : f32 to vector<16xf32>
        %swap3A_72 = arith.index_cast %scan3A_22 : i32 to index
        %swap3A_73 = arith.constant 112 : index
        %swap3A_74 = tpu.vector_load %arg10[%swap3A_72, %swap3A_73] {strides = array<i32>} : memref<256x128xf32, #tpu.memory_space<vmem>>, vector<1x16xf32>,
        %swap3A_75 = vector.shape_cast %swap3A_74 : vector<1x16xf32> to vector<16xf32>
        %swap3A_76 = vector.shape_cast %broadcast_in_dim3A_71 : vector<16xf32> to vector<1x16xf32>
        tpu.vector_store %arg10[%swap3A_72, %swap3A_73], %swap3A_76 {strides = array<i32>} : memref<256x128xf32, #tpu.memory_space<vmem>>, vector<1x16xf32>,
      }
      %scan3A_21 = arith.constant 128 : i32
    } else {
    }
    %scan3A_10 = arith.constant 0 : i32
    %scan3A_11 = arith.constant 0 : i32
    %scan3A_12 = arith.constant 20 : i32
    %scan3A_13 = arith.addi %scan3A_11, %scan3A_12 : i32
    %scan3A_14 = arith.constant 1 : i32
    scf.for %scan3A_16 = %scan3A_11 to %scan3A_13 step %scan3A_14  : i32 {
      %ge3A = arith.constant 18 : i32
      %ge3A_17 = arith.cmpi sge, %scan3A_16, %ge3A : i32
      %mul3A = arith.constant 2 : i32
      %mul3A_18 = arith.muli %mul3A, %scan3A_16 : i32
      %add3A = arith.addi %mul3A_18, %arg0 : i32
      %jit3A = arith.constant 3 : i32
      %div3A = arith.divsi %add3A, %jit3A : i32
      %sign3A = arith.constant 0 : i32
      %sign3A_19 = arith.cmpi sgt, %add3A, %sign3A : i32
      %sign3A_20 = arith.extui %sign3A_19 : i1 to i32
      %sign3A_21 = arith.constant 0 : i32
      %sign3A_22 = arith.cmpi slt, %add3A, %sign3A_21 : i32
      %sign3A_23 = arith.extui %sign3A_22 : i1 to i32
      %sign3A_24 = arith.subi %sign3A_20, %sign3A_23 : i32
      %sign3A_25 = arith.constant 0 : i32
      %sign3A_26 = arith.cmpi sgt, %jit3A, %sign3A_25 : i32
      %sign3A_27 = arith.extui %sign3A_26 : i1 to i32
      %sign3A_28 = arith.constant 0 : i32
      %sign3A_29 = arith.cmpi slt, %jit3A, %sign3A_28 : i32
      %sign3A_30 = arith.extui %sign3A_29 : i1 to i32
      %sign3A_31 = arith.subi %sign3A_27, %sign3A_30 : i32
      %ne3A = arith.cmpi ne, %sign3A_24, %sign3A_31 : i32
      %rem3A = arith.remsi %add3A, %jit3A : i32
      %ne3A_32 = arith.constant 0 : i32
      %ne3A_33 = arith.cmpi ne, %rem3A, %ne3A_32 : i32
      %and3A = arith.andi %ne3A, %ne3A_33 : i1
      %sub3A = arith.constant 1 : i32
      %sub3A_34 = arith.subi %div3A, %sub3A : i32
      %select_n3A = arith.select %and3A, %sub3A_34, %div3A : i32
      %sub3A_35 = arith.constant 36 : i32
      %sub3A_36 = arith.subi %add3A, %sub3A_35 : i32
      %min3A = arith.constant 2 : i32
      %min3A_37 = arith.minsi %sub3A_36, %min3A : i32
      %jit3A_38 = arith.constant 3 : i32
      %eq3A_39 = arith.constant 0 : i32
      %eq3A_40 = arith.cmpi eq, %jit3A_38, %eq3A_39 : i32
      %jit3A_41 = arith.constant 1 : i32
      %select_n3A_42 = arith.select %eq3A_40, %jit3A_41, %jit3A_38 : i32
      %rem3A_43 = arith.remsi %add3A, %select_n3A_42 : i32
      %ne3A_44 = arith.constant 0 : i32
      %ne3A_45 = arith.cmpi ne, %rem3A_43, %ne3A_44 : i32
      %lt3A = arith.constant 0 : i32
      %lt3A_46 = arith.cmpi slt, %rem3A_43, %lt3A : i32
      %lt3A_47 = arith.constant 0 : i32
      %lt3A_48 = arith.cmpi slt, %select_n3A_42, %lt3A_47 : i32
      %ne3A_49 = arith.xori %lt3A_46, %lt3A_48 : i1
      %and3A_50 = arith.andi %ne3A_49, %ne3A_45 : i1
      %add3A_51 = arith.addi %rem3A_43, %select_n3A_42 : i32
      %select_n3A_52 = arith.select %and3A_50, %add3A_51, %rem3A_43 : i32
      %select_n3A_53 = arith.select %ge3A_17, %min3A_37, %select_n3A_52 : i32
      %xor3A = arith.xori %eq3A_2, %ge3A_17 : i1
      %barrier3A = arith.constant 0 : index
      tpu.barrier barrier_id(%barrier3A)
      %convert_element_type3A_54 = arith.extui %xor3A : i1 to i32
      %cond3A_55 = arith.constant 0 : i32
      %cond3A_56 = arith.cmpi ne, %convert_element_type3A_54, %cond3A_55 : i32
      scf.if %cond3A_56 {
        %mul3A_75 = arith.constant 256 : i32
        %mul3A_76 = arith.muli %arg1, %mul3A_75 : i32
        "tpu.region"() ({
          %run_scoped3A = tpu.sem_alloc : memref<!tpu.dma_semaphore, #tpu.memory_space<semaphore_mem>>
          %dma_start3A = arith.constant 0 : i32
          %dma_start3A_81 = tpu.memref_slice %arg12[%mul3A_76, %dma_start3A] : memref<4096x128xf32, #tpu.memory_space<vmem_shared>> -> memref<128x128xf32, #tpu.memory_space<vmem_shared>>
          %dma_start3A_82 = arith.constant 0 : i32
          %dma_start3A_83 = tpu.memref_slice %arg12[%mul3A_76, %dma_start3A_82] : memref<4096x128xf32, #tpu.memory_space<vmem_shared>> -> memref<128x128xf32, #tpu.memory_space<vmem_shared>>
          tpu.enqueue_dma source(%arg11 : memref<128x128xf32, #tpu.memory_space<vmem>>) target(%dma_start3A_83 : memref<128x128xf32, #tpu.memory_space<vmem_shared>>) target_semaphore(%run_scoped3A : memref<!tpu.dma_semaphore, #tpu.memory_space<semaphore_mem>>)
          %dma_wait3A = arith.constant 0 : i32
          %dma_wait3A_84 = tpu.memref_slice %arg12[%mul3A_76, %dma_wait3A] : memref<4096x128xf32, #tpu.memory_space<vmem_shared>> -> memref<128x128xf32, #tpu.memory_space<vmem_shared>>
          %dma_wait3A_85 = arith.constant 0 : i32
          %dma_wait3A_86 = tpu.memref_slice %arg12[%mul3A_76, %dma_wait3A_85] : memref<4096x128xf32, #tpu.memory_space<vmem_shared>> -> memref<128x128xf32, #tpu.memory_space<vmem_shared>>
          tpu.wait_dma2 semaphore(%run_scoped3A : memref<!tpu.dma_semaphore, #tpu.memory_space<semaphore_mem>>) src(%arg11 : memref<128x128xf32, #tpu.memory_space<vmem>>) dst(%dma_wait3A_86 : memref<128x128xf32, #tpu.memory_space<vmem_shared>>)
          tpu.yield
        }) : () -> ()
        %mul3A_77 = arith.constant 256 : i32
        %mul3A_78 = arith.muli %arg1, %mul3A_77 : i32
        %add3A_79 = arith.constant 128 : i32
        %add3A_80 = arith.addi %mul3A_78, %add3A_79 : i32
        "tpu.region"() ({
          %run_scoped3A = tpu.sem_alloc : memref<!tpu.dma_semaphore, #tpu.memory_space<semaphore_mem>>
          %dma_start3A = arith.constant 0 : i32
          %dma_start3A_81 = tpu.memref_slice %arg12[%add3A_80, %dma_start3A] : memref<4096x128xf32, #tpu.memory_space<vmem_shared>> -> memref<128x128xf32, #tpu.memory_space<vmem_shared>>
          %dma_start3A_82 = arith.constant 0 : i32
          %dma_start3A_83 = tpu.memref_slice %arg12[%add3A_80, %dma_start3A_82] : memref<4096x128xf32, #tpu.memory_space<vmem_shared>> -> memref<128x128xf32, #tpu.memory_space<vmem_shared>>
          tpu.enqueue_dma source(%arg11 : memref<128x128xf32, #tpu.memory_space<vmem>>) target(%dma_start3A_83 : memref<128x128xf32, #tpu.memory_space<vmem_shared>>) target_semaphore(%run_scoped3A : memref<!tpu.dma_semaphore, #tpu.memory_space<semaphore_mem>>)
          %dma_wait3A = arith.constant 0 : i32
          %dma_wait3A_84 = tpu.memref_slice %arg12[%add3A_80, %dma_wait3A] : memref<4096x128xf32, #tpu.memory_space<vmem_shared>> -> memref<128x128xf32, #tpu.memory_space<vmem_shared>>
          %dma_wait3A_85 = arith.constant 0 : i32
          %dma_wait3A_86 = tpu.memref_slice %arg12[%add3A_80, %dma_wait3A_85] : memref<4096x128xf32, #tpu.memory_space<vmem_shared>> -> memref<128x128xf32, #tpu.memory_space<vmem_shared>>
          tpu.wait_dma2 semaphore(%run_scoped3A : memref<!tpu.dma_semaphore, #tpu.memory_space<semaphore_mem>>) src(%arg11 : memref<128x128xf32, #tpu.memory_space<vmem>>) dst(%dma_wait3A_86 : memref<128x128xf32, #tpu.memory_space<vmem_shared>>)
          tpu.yield
        }) : () -> ()
      } else {
      }
      %barrier3A_57 = arith.constant 0 : index
      tpu.barrier barrier_id(%barrier3A_57)
      %convert_element_type3A_58 = arith.extui %xor3A : i1 to i32
      %cond3A_59 = arith.constant 0 : i32
      %cond3A_60 = arith.cmpi ne, %convert_element_type3A_58, %cond3A_59 : i32
      scf.if %cond3A_60 {
        %mul3A_75 = arith.constant 16 : i32
        %mul3A_76 = arith.muli %select_n3A_53, %mul3A_75 : i32
        %add3A_77 = arith.addi %mul3A_76, %arg1 : i32
        "tpu.region"() ({
          %run_scoped3A = tpu.sem_alloc : memref<!tpu.dma_semaphore, #tpu.memory_space<semaphore_mem>>
          %dma_start3A = arith.constant 0 : i32
          %dma_start3A_78 = arith.constant 0 : i32
          %dma_start3A_79 = tpu.memref_slice %arg5[%add3A_77, %dma_start3A, %dma_start3A_78] : memref<48x158x128xi32, #tpu.memory_space<hbm>> -> memref<1x158x128xi32, #tpu.memory_space<hbm>>
          %dma_start3A_80 = tpu.memref_squeeze %dma_start3A_79 : memref<1x158x128xi32, #tpu.memory_space<hbm>> -> memref<158x128xi32, #tpu.memory_space<hbm>>
          %dma_start3A_81 = arith.constant 0 : i32
          %dma_start3A_82 = arith.constant 0 : i32
          %dma_start3A_83 = tpu.memref_slice %arg5[%add3A_77, %dma_start3A_81, %dma_start3A_82] : memref<48x158x128xi32, #tpu.memory_space<hbm>> -> memref<1x158x128xi32, #tpu.memory_space<hbm>>
          %dma_start3A_84 = tpu.memref_squeeze %dma_start3A_83 : memref<1x158x128xi32, #tpu.memory_space<hbm>> -> memref<158x128xi32, #tpu.memory_space<hbm>>
          tpu.enqueue_dma source(%dma_start3A_84 : memref<158x128xi32, #tpu.memory_space<hbm>>) target(%arg9 : memref<158x128xi32, #tpu.memory_space<vmem>>) target_semaphore(%run_scoped3A : memref<!tpu.dma_semaphore, #tpu.memory_space<semaphore_mem>>)
          %dma_wait3A = arith.constant 0 : i32
          %dma_wait3A_85 = arith.constant 0 : i32
          %dma_wait3A_86 = tpu.memref_slice %arg5[%add3A_77, %dma_wait3A, %dma_wait3A_85] : memref<48x158x128xi32, #tpu.memory_space<hbm>> -> memref<1x158x128xi32, #tpu.memory_space<hbm>>
          %dma_wait3A_87 = tpu.memref_squeeze %dma_wait3A_86 : memref<1x158x128xi32, #tpu.memory_space<hbm>> -> memref<158x128xi32, #tpu.memory_space<hbm>>
          %dma_wait3A_88 = arith.constant 0 : i32
          %dma_wait3A_89 = arith.constant 0 : i32
          %dma_wait3A_90 = tpu.memref_slice %arg5[%add3A_77, %dma_wait3A_88, %dma_wait3A_89] : memref<48x158x128xi32, #tpu.memory_space<hbm>> -> memref<1x158x128xi32, #tpu.memory_space<hbm>>
          %dma_wait3A_91 = tpu.memref_squeeze %dma_wait3A_90 : memref<1x158x128xi32, #tpu.memory_space<hbm>> -> memref<158x128xi32, #tpu.memory_space<hbm>>
          tpu.wait_dma2 semaphore(%run_scoped3A : memref<!tpu.dma_semaphore, #tpu.memory_space<semaphore_mem>>) src(%dma_wait3A_91 : memref<158x128xi32, #tpu.memory_space<hbm>>) dst(%arg9 : memref<158x128xi32, #tpu.memory_space<vmem>>)
          tpu.yield
        }) : () -> ()
      } else {
      }
      %not3A_61 = arith.constant true
      %not3A_62 = arith.xori %ge3A_17, %not3A_61 : i1
      %and3A_63 = arith.andi %xor3A, %not3A_62 : i1
      %convert_element_type3A_64 = arith.extui %and3A_63 : i1 to i32
      %cond3A_65 = arith.constant 0 : i32
      %cond3A_66 = arith.cmpi ne, %convert_element_type3A_64, %cond3A_65 : i32
      scf.if %cond3A_66 {
        %mul3A_75 = arith.constant 16 : i32
        %mul3A_76 = arith.muli %select_n3A, %mul3A_75 : i32
        %add3A_77 = arith.addi %mul3A_76, %arg1 : i32
        "tpu.region"() ({
          %run_scoped3A = tpu.sem_alloc : memref<!tpu.dma_semaphore, #tpu.memory_space<semaphore_mem>>
          %dma_start3A_112 = arith.constant 0 : i32
          %dma_start3A_113 = arith.constant 0 : i32
          %dma_start3A_114 = tpu.memref_slice %arg4[%add3A_77, %dma_start3A_112, %dma_start3A_113] : memref<192x158x128xi32, #tpu.memory_space<hbm>> -> memref<1x158x128xi32, #tpu.memory_space<hbm>>
          %dma_start3A_115 = tpu.memref_squeeze %dma_start3A_114 : memref<1x158x128xi32, #tpu.memory_space<hbm>> -> memref<158x128xi32, #tpu.memory_space<hbm>>
          %dma_start3A_116 = arith.constant 0 : i32
          %dma_start3A_117 = arith.constant 0 : i32
          %dma_start3A_118 = tpu.memref_slice %arg4[%add3A_77, %dma_start3A_116, %dma_start3A_117] : memref<192x158x128xi32, #tpu.memory_space<hbm>> -> memref<1x158x128xi32, #tpu.memory_space<hbm>>
          %dma_start3A_119 = tpu.memref_squeeze %dma_start3A_118 : memref<1x158x128xi32, #tpu.memory_space<hbm>> -> memref<158x128xi32, #tpu.memory_space<hbm>>
          tpu.enqueue_dma source(%dma_start3A_119 : memref<158x128xi32, #tpu.memory_space<hbm>>) target(%arg8 : memref<158x128xi32, #tpu.memory_space<vmem>>) target_semaphore(%run_scoped3A : memref<!tpu.dma_semaphore, #tpu.memory_space<semaphore_mem>>)
          %dma_wait3A_120 = arith.constant 0 : i32
          %dma_wait3A_121 = arith.constant 0 : i32
          %dma_wait3A_122 = tpu.memref_slice %arg4[%add3A_77, %dma_wait3A_120, %dma_wait3A_121] : memref<192x158x128xi32, #tpu.memory_space<hbm>> -> memref<1x158x128xi32, #tpu.memory_space<hbm>>
          %dma_wait3A_123 = tpu.memref_squeeze %dma_wait3A_122 : memref<1x158x128xi32, #tpu.memory_space<hbm>> -> memref<158x128xi32, #tpu.memory_space<hbm>>
          %dma_wait3A_124 = arith.constant 0 : i32
          %dma_wait3A_125 = arith.constant 0 : i32
          %dma_wait3A_126 = tpu.memref_slice %arg4[%add3A_77, %dma_wait3A_124, %dma_wait3A_125] : memref<192x158x128xi32, #tpu.memory_space<hbm>> -> memref<1x158x128xi32, #tpu.memory_space<hbm>>
          %dma_wait3A_127 = tpu.memref_squeeze %dma_wait3A_126 : memref<1x158x128xi32, #tpu.memory_space<hbm>> -> memref<158x128xi32, #tpu.memory_space<hbm>>
          tpu.wait_dma2 semaphore(%run_scoped3A : memref<!tpu.dma_semaphore, #tpu.memory_space<semaphore_mem>>) src(%dma_wait3A_127 : memref<158x128xi32, #tpu.memory_space<hbm>>) dst(%arg8 : memref<158x128xi32, #tpu.memory_space<vmem>>)
          tpu.yield
        }) : () -> ()
        %dma_start3A = arith.constant 0 : i32
        %dma_start3A_78 = arith.constant 0 : i32
        %dma_start3A_79 = arith.constant 0 : i32
        %dma_start3A_80 = tpu.memref_slice %arg10[%dma_start3A_78, %dma_start3A_79] : memref<256x128xf32, #tpu.memory_space<vmem>> -> memref<128x128xf32, #tpu.memory_space<vmem>>
        %dma_start3A_81 = arith.constant 0 : i32
        %dma_start3A_82 = tpu.memref_slice %arg8[%dma_start3A, %dma_start3A_81] : memref<158x128xi32, #tpu.memory_space<vmem>> -> memref<1x128xi32, #tpu.memory_space<vmem>>
        %dma_start3A_83 = tpu.memref_squeeze %dma_start3A_82 : memref<1x128xi32, #tpu.memory_space<vmem>> -> memref<128xi32, #tpu.memory_space<vmem>>
        %dma_start3A_84 = arith.constant 0 : i32
        %dma_start3A_85 = arith.constant 0 : i32
        %dma_start3A_86 = tpu.memref_slice %arg3[%dma_start3A_84, %dma_start3A_85] : memref<120000x128xf32, #tpu.memory_space<hbm>> -> memref<120000x128xf32, #tpu.memory_space<hbm>>
        tpu.enqueue_indirect_dma source(%dma_start3A_86 : memref<120000x128xf32, #tpu.memory_space<hbm>>) target(%dma_start3A_80 : memref<128x128xf32, #tpu.memory_space<vmem>>) offsets(%dma_start3A_83 : memref<128xi32, #tpu.memory_space<vmem>>) semaphore(%arg13 : memref<!tpu.dma_semaphore, #tpu.memory_space<semaphore_mem>>)
        %scan3A_87 = arith.constant 0 : i32
        %scan3A_88 = arith.constant 0 : i32
        %scan3A_89 = arith.constant 158 : i32
        %scan3A_90 = arith.addi %scan3A_88, %scan3A_89 : i32
        %scan3A_91 = arith.constant 1 : i32
        scf.for %scan3A_112 = %scan3A_88 to %scan3A_90 step %scan3A_91  : i32 {
          %add3A_113 = arith.constant 1 : i32
          %add3A_114 = arith.addi %scan3A_112, %add3A_113 : i32
          %min3A_115 = arith.constant 157 : i32
          %min3A_116 = arith.minsi %add3A_114, %min3A_115 : i32
          %add3A_117 = arith.constant 1 : i32
          %add3A_118 = arith.addi %scan3A_112, %add3A_117 : i32
          %jit3A_119 = arith.constant 2 : i32
          %eq3A_120 = arith.constant 0 : i32
          %eq3A_121 = arith.cmpi eq, %jit3A_119, %eq3A_120 : i32
          %jit3A_122 = arith.constant 1 : i32
          %select_n3A_123 = arith.select %eq3A_121, %jit3A_122, %jit3A_119 : i32
          %rem3A_124 = arith.remsi %add3A_118, %select_n3A_123 : i32
          %ne3A_125 = arith.constant 0 : i32
          %ne3A_126 = arith.cmpi ne, %rem3A_124, %ne3A_125 : i32
          %lt3A_127 = arith.constant 0 : i32
          %lt3A_128 = arith.cmpi slt, %rem3A_124, %lt3A_127 : i32
          %lt3A_129 = arith.constant 0 : i32
          %lt3A_130 = arith.cmpi slt, %select_n3A_123, %lt3A_129 : i32
          %ne3A_131 = arith.xori %lt3A_128, %lt3A_130 : i1
          %and3A_132 = arith.andi %ne3A_131, %ne3A_126 : i1
          %add3A_133 = arith.addi %rem3A_124, %select_n3A_123 : i32
          %select_n3A_134 = arith.select %and3A_132, %add3A_133, %rem3A_124 : i32
          %mul3A_135 = arith.constant 128 : i32
          %mul3A_136 = arith.muli %select_n3A_134, %mul3A_135 : i32
          %jit3A_137 = arith.constant 2 : i32
          %eq3A_138 = arith.constant 0 : i32
          %eq3A_139 = arith.cmpi eq, %jit3A_137, %eq3A_138 : i32
          %jit3A_140 = arith.constant 1 : i32
          %select_n3A_141 = arith.select %eq3A_139, %jit3A_140, %jit3A_137 : i32
          %rem3A_142 = arith.remsi %scan3A_112, %select_n3A_141 : i32
          %ne3A_143 = arith.constant 0 : i32
          %ne3A_144 = arith.cmpi ne, %rem3A_142, %ne3A_143 : i32
          %lt3A_145 = arith.constant 0 : i32
          %lt3A_146 = arith.cmpi slt, %rem3A_142, %lt3A_145 : i32
          %lt3A_147 = arith.constant 0 : i32
          %lt3A_148 = arith.cmpi slt, %select_n3A_141, %lt3A_147 : i32
          %ne3A_149 = arith.xori %lt3A_146, %lt3A_148 : i1
          %and3A_150 = arith.andi %ne3A_149, %ne3A_144 : i1
          %add3A_151 = arith.addi %rem3A_142, %select_n3A_141 : i32
          %select_n3A_152 = arith.select %and3A_150, %add3A_151, %rem3A_142 : i32
          %mul3A_153 = arith.constant 128 : i32
          %mul3A_154 = arith.muli %select_n3A_152, %mul3A_153 : i32
          %gt3A = arith.constant 0 : i32
          %gt3A_155 = arith.cmpi sgt, %scan3A_112, %gt3A : i32
          %convert_element_type3A_156 = arith.extui %gt3A_155 : i1 to i32
          %cond3A_157 = arith.constant 0 : i32
          %cond3A_158 = arith.cmpi ne, %convert_element_type3A_156, %cond3A_157 : i32
          scf.if %cond3A_158 {
            %sub3A_183 = arith.constant 1 : i32
            %sub3A_184 = arith.subi %scan3A_112, %sub3A_183 : i32
            %dma_wait3A_185 = arith.constant 0 : i32
            %dma_wait3A_186 = tpu.memref_slice %arg10[%mul3A_136, %dma_wait3A_185] : memref<256x128xf32, #tpu.memory_space<vmem>> -> memref<128x128xf32, #tpu.memory_space<vmem>>
            %dma_wait3A_187 = arith.constant 0 : i32
            %dma_wait3A_188 = tpu.memref_slice %arg9[%sub3A_184, %dma_wait3A_187] : memref<158x128xi32, #tpu.memory_space<vmem>> -> memref<1x128xi32, #tpu.memory_space<vmem>>
            %dma_wait3A_189 = tpu.memref_squeeze %dma_wait3A_188 : memref<1x128xi32, #tpu.memory_space<vmem>> -> memref<128xi32, #tpu.memory_space<vmem>>
            %dma_wait3A_190 = arith.constant 0 : i32
            %dma_wait3A_191 = arith.constant 0 : i32
            %dma_wait3A_192 = tpu.memref_slice %arg12[%dma_wait3A_190, %dma_wait3A_191] : memref<4096x128xf32, #tpu.memory_space<vmem_shared>> -> memref<4096x128xf32, #tpu.memory_space<vmem_shared>>
            tpu.wait_indirect_dma semaphore(%arg14 : memref<!tpu.dma_semaphore, #tpu.memory_space<semaphore_mem>>) src(%dma_wait3A_186 : memref<128x128xf32, #tpu.memory_space<vmem>>) dst(%dma_wait3A_192 : memref<4096x128xf32, #tpu.memory_space<vmem_shared>>)
          } else {
          }
          %dma_start3A_159 = arith.constant 0 : i32
          %dma_start3A_160 = tpu.memref_slice %arg10[%mul3A_136, %dma_start3A_159] : memref<256x128xf32, #tpu.memory_space<vmem>> -> memref<128x128xf32, #tpu.memory_space<vmem>>
          %dma_start3A_161 = arith.constant 0 : i32
          %dma_start3A_162 = tpu.memref_slice %arg8[%min3A_116, %dma_start3A_161] : memref<158x128xi32, #tpu.memory_space<vmem>> -> memref<1x128xi32, #tpu.memory_space<vmem>>
          %dma_start3A_163 = tpu.memref_squeeze %dma_start3A_162 : memref<1x128xi32, #tpu.memory_space<vmem>> -> memref<128xi32, #tpu.memory_space<vmem>>
          %dma_start3A_164 = arith.constant 0 : i32
          %dma_start3A_165 = arith.constant 0 : i32
          %dma_start3A_166 = tpu.memref_slice %arg3[%dma_start3A_164, %dma_start3A_165] : memref<120000x128xf32, #tpu.memory_space<hbm>> -> memref<120000x128xf32, #tpu.memory_space<hbm>>
          tpu.enqueue_indirect_dma source(%dma_start3A_166 : memref<120000x128xf32, #tpu.memory_space<hbm>>) target(%dma_start3A_160 : memref<128x128xf32, #tpu.memory_space<vmem>>) offsets(%dma_start3A_163 : memref<128xi32, #tpu.memory_space<vmem>>) semaphore(%arg13 : memref<!tpu.dma_semaphore, #tpu.memory_space<semaphore_mem>>)
          %dma_wait3A_167 = arith.constant 0 : i32
          %dma_wait3A_168 = tpu.memref_slice %arg10[%mul3A_154, %dma_wait3A_167] : memref<256x128xf32, #tpu.memory_space<vmem>> -> memref<128x128xf32, #tpu.memory_space<vmem>>
          %dma_wait3A_169 = arith.constant 0 : i32
          %dma_wait3A_170 = tpu.memref_slice %arg8[%scan3A_112, %dma_wait3A_169] : memref<158x128xi32, #tpu.memory_space<vmem>> -> memref<1x128xi32, #tpu.memory_space<vmem>>
          %dma_wait3A_171 = tpu.memref_squeeze %dma_wait3A_170 : memref<1x128xi32, #tpu.memory_space<vmem>> -> memref<128xi32, #tpu.memory_space<vmem>>
          %dma_wait3A_172 = arith.constant 0 : i32
          %dma_wait3A_173 = arith.constant 0 : i32
          %dma_wait3A_174 = tpu.memref_slice %arg3[%dma_wait3A_172, %dma_wait3A_173] : memref<120000x128xf32, #tpu.memory_space<hbm>> -> memref<120000x128xf32, #tpu.memory_space<hbm>>
          tpu.wait_indirect_dma semaphore(%arg13 : memref<!tpu.dma_semaphore, #tpu.memory_space<semaphore_mem>>) src(%dma_wait3A_174 : memref<120000x128xf32, #tpu.memory_space<hbm>>) dst(%dma_wait3A_168 : memref<128x128xf32, #tpu.memory_space<vmem>>)
          %dma_start3A_175 = arith.constant 0 : i32
          %dma_start3A_176 = tpu.memref_slice %arg10[%mul3A_154, %dma_start3A_175] : memref<256x128xf32, #tpu.memory_space<vmem>> -> memref<128x128xf32, #tpu.memory_space<vmem>>
          %dma_start3A_177 = arith.constant 0 : i32
          %dma_start3A_178 = tpu.memref_slice %arg9[%scan3A_112, %dma_start3A_177] : memref<158x128xi32, #tpu.memory_space<vmem>> -> memref<1x128xi32, #tpu.memory_space<vmem>>
          %dma_start3A_179 = tpu.memref_squeeze %dma_start3A_178 : memref<1x128xi32, #tpu.memory_space<vmem>> -> memref<128xi32, #tpu.memory_space<vmem>>
          %dma_start3A_180 = arith.constant 0 : i32
          %dma_start3A_181 = arith.constant 0 : i32
          %dma_start3A_182 = tpu.memref_slice %arg12[%dma_start3A_180, %dma_start3A_181] : memref<4096x128xf32, #tpu.memory_space<vmem_shared>> -> memref<4096x128xf32, #tpu.memory_space<vmem_shared>>
          tpu.enqueue_indirect_dma source(%dma_start3A_176 : memref<128x128xf32, #tpu.memory_space<vmem>>) target(%dma_start3A_182 : memref<4096x128xf32, #tpu.memory_space<vmem_shared>>) offsets(%dma_start3A_179 : memref<128xi32, #tpu.memory_space<vmem>>) semaphore(%arg14 : memref<!tpu.dma_semaphore, #tpu.memory_space<semaphore_mem>>) {add = true}
        }
        %scan3A_92 = arith.constant 158 : i32
        %dma_wait3A = arith.constant 157 : i32
        %dma_wait3A_93 = arith.constant 0 : i32
        %dma_wait3A_94 = arith.constant 0 : i32
        %dma_wait3A_95 = tpu.memref_slice %arg10[%dma_wait3A_93, %dma_wait3A_94] : memref<256x128xf32, #tpu.memory_space<vmem>> -> memref<128x128xf32, #tpu.memory_space<vmem>>
        %dma_wait3A_96 = arith.constant 0 : i32
        %dma_wait3A_97 = tpu.memref_slice %arg8[%dma_wait3A, %dma_wait3A_96] : memref<158x128xi32, #tpu.memory_space<vmem>> -> memref<1x128xi32, #tpu.memory_space<vmem>>
        %dma_wait3A_98 = tpu.memref_squeeze %dma_wait3A_97 : memref<1x128xi32, #tpu.memory_space<vmem>> -> memref<128xi32, #tpu.memory_space<vmem>>
        %dma_wait3A_99 = arith.constant 0 : i32
        %dma_wait3A_100 = arith.constant 0 : i32
        %dma_wait3A_101 = tpu.memref_slice %arg3[%dma_wait3A_99, %dma_wait3A_100] : memref<120000x128xf32, #tpu.memory_space<hbm>> -> memref<120000x128xf32, #tpu.memory_space<hbm>>
        tpu.wait_indirect_dma semaphore(%arg13 : memref<!tpu.dma_semaphore, #tpu.memory_space<semaphore_mem>>) src(%dma_wait3A_101 : memref<120000x128xf32, #tpu.memory_space<hbm>>) dst(%dma_wait3A_95 : memref<128x128xf32, #tpu.memory_space<vmem>>)
        %dma_wait3A_102 = arith.constant 157 : i32
        %dma_wait3A_103 = arith.constant 128 : i32
        %dma_wait3A_104 = arith.constant 0 : i32
        %dma_wait3A_105 = tpu.memref_slice %arg10[%dma_wait3A_103, %dma_wait3A_104] : memref<256x128xf32, #tpu.memory_space<vmem>> -> memref<128x128xf32, #tpu.memory_space<vmem>>
        %dma_wait3A_106 = arith.constant 0 : i32
        %dma_wait3A_107 = tpu.memref_slice %arg9[%dma_wait3A_102, %dma_wait3A_106] : memref<158x128xi32, #tpu.memory_space<vmem>> -> memref<1x128xi32, #tpu.memory_space<vmem>>
        %dma_wait3A_108 = tpu.memref_squeeze %dma_wait3A_107 : memref<1x128xi32, #tpu.memory_space<vmem>> -> memref<128xi32, #tpu.memory_space<vmem>>
        %dma_wait3A_109 = arith.constant 0 : i32
        %dma_wait3A_110 = arith.constant 0 : i32
        %dma_wait3A_111 = tpu.memref_slice %arg12[%dma_wait3A_109, %dma_wait3A_110] : memref<4096x128xf32, #tpu.memory_space<vmem_shared>> -> memref<4096x128xf32, #tpu.memory_space<vmem_shared>>
        tpu.wait_indirect_dma semaphore(%arg14 : memref<!tpu.dma_semaphore, #tpu.memory_space<semaphore_mem>>) src(%dma_wait3A_105 : memref<128x128xf32, #tpu.memory_space<vmem>>) dst(%dma_wait3A_111 : memref<4096x128xf32, #tpu.memory_space<vmem_shared>>)
      } else {
      }
      %and3A_67 = arith.andi %xor3A, %ge3A_17 : i1
      %convert_element_type3A_68 = arith.extui %and3A_67 : i1 to i32
      %cond3A_69 = arith.constant 0 : i32
      %cond3A_70 = arith.cmpi ne, %convert_element_type3A_68, %cond3A_69 : i32
      scf.if %cond3A_70 {
        %scan3A_75 = arith.constant 0 : i32
        %scan3A_76 = arith.constant 0 : i32
        %scan3A_77 = arith.constant 158 : i32
        %scan3A_78 = arith.addi %scan3A_76, %scan3A_77 : i32
        %scan3A_79 = arith.constant 1 : i32
        scf.for %scan3A_81 = %scan3A_76 to %scan3A_78 step %scan3A_79  : i32 {
          "tpu.region"() ({
            %run_scoped3A = tpu.sem_alloc : memref<!tpu.dma_semaphore, #tpu.memory_space<semaphore_mem>>
            %dma_start3A = arith.constant 0 : i32
            %dma_start3A_82 = arith.constant 0 : i32
            %dma_start3A_83 = tpu.memref_slice %arg10[%dma_start3A, %dma_start3A_82] : memref<256x128xf32, #tpu.memory_space<vmem>> -> memref<128x128xf32, #tpu.memory_space<vmem>>
            %dma_start3A_84 = arith.constant 0 : i32
            %dma_start3A_85 = tpu.memref_slice %arg9[%scan3A_81, %dma_start3A_84] : memref<158x128xi32, #tpu.memory_space<vmem>> -> memref<1x128xi32, #tpu.memory_space<vmem>>
            %dma_start3A_86 = tpu.memref_squeeze %dma_start3A_85 : memref<1x128xi32, #tpu.memory_space<vmem>> -> memref<128xi32, #tpu.memory_space<vmem>>
            %dma_start3A_87 = arith.constant 0 : i32
            %dma_start3A_88 = arith.constant 0 : i32
            %dma_start3A_89 = tpu.memref_slice %arg12[%dma_start3A_87, %dma_start3A_88] : memref<4096x128xf32, #tpu.memory_space<vmem_shared>> -> memref<4096x128xf32, #tpu.memory_space<vmem_shared>>
            tpu.enqueue_indirect_dma source(%dma_start3A_83 : memref<128x128xf32, #tpu.memory_space<vmem>>) target(%dma_start3A_89 : memref<4096x128xf32, #tpu.memory_space<vmem_shared>>) offsets(%dma_start3A_86 : memref<128xi32, #tpu.memory_space<vmem>>) semaphore(%run_scoped3A : memref<!tpu.dma_semaphore, #tpu.memory_space<semaphore_mem>>) {add = true}
            %dma_wait3A = arith.constant 0 : i32
            %dma_wait3A_90 = arith.constant 0 : i32
            %dma_wait3A_91 = tpu.memref_slice %arg10[%dma_wait3A, %dma_wait3A_90] : memref<256x128xf32, #tpu.memory_space<vmem>> -> memref<128x128xf32, #tpu.memory_space<vmem>>
            %dma_wait3A_92 = arith.constant 0 : i32
            %dma_wait3A_93 = tpu.memref_slice %arg9[%scan3A_81, %dma_wait3A_92] : memref<158x128xi32, #tpu.memory_space<vmem>> -> memref<1x128xi32, #tpu.memory_space<vmem>>
            %dma_wait3A_94 = tpu.memref_squeeze %dma_wait3A_93 : memref<1x128xi32, #tpu.memory_space<vmem>> -> memref<128xi32, #tpu.memory_space<vmem>>
            %dma_wait3A_95 = arith.constant 0 : i32
            %dma_wait3A_96 = arith.constant 0 : i32
            %dma_wait3A_97 = tpu.memref_slice %arg12[%dma_wait3A_95, %dma_wait3A_96] : memref<4096x128xf32, #tpu.memory_space<vmem_shared>> -> memref<4096x128xf32, #tpu.memory_space<vmem_shared>>
            tpu.wait_indirect_dma semaphore(%run_scoped3A : memref<!tpu.dma_semaphore, #tpu.memory_space<semaphore_mem>>) src(%dma_wait3A_91 : memref<128x128xf32, #tpu.memory_space<vmem>>) dst(%dma_wait3A_97 : memref<4096x128xf32, #tpu.memory_space<vmem_shared>>)
            tpu.yield
          }) : () -> ()
        }
        %scan3A_80 = arith.constant 158 : i32
      } else {
      }
      %barrier3A_71 = arith.constant 0 : index
      tpu.barrier barrier_id(%barrier3A_71)
      %convert_element_type3A_72 = arith.extui %xor3A : i1 to i32
      %cond3A_73 = arith.constant 0 : i32
      %cond3A_74 = arith.cmpi ne, %convert_element_type3A_72, %cond3A_73 : i32
      scf.if %cond3A_74 {
        %mul3A_75 = arith.constant 224 : i32
        %mul3A_76 = arith.muli %arg1, %mul3A_75 : i32
        %mul3A_77 = arith.constant 3584 : i32
        %mul3A_78 = arith.muli %add3A, %mul3A_77 : i32
        %mul3A_79 = arith.constant 224 : i32
        %mul3A_80 = arith.muli %arg1, %mul3A_79 : i32
        %add3A_81 = arith.addi %mul3A_78, %mul3A_80 : i32
        "tpu.region"() ({
          %run_scoped3A = tpu.sem_alloc : memref<!tpu.dma_semaphore, #tpu.memory_space<semaphore_mem>>
          %dma_start3A = arith.constant 0 : i32
          %dma_start3A_82 = tpu.memref_slice %arg6[%add3A_81, %dma_start3A] : memref<143360x128xf32, #tpu.memory_space<hbm>> -> memref<224x128xf32, #tpu.memory_space<hbm>>
          %dma_start3A_83 = arith.constant 0 : i32
          %dma_start3A_84 = tpu.memref_slice %arg12[%mul3A_76, %dma_start3A_83] : memref<4096x128xf32, #tpu.memory_space<vmem_shared>> -> memref<224x128xf32, #tpu.memory_space<vmem_shared>>
          tpu.enqueue_dma source(%dma_start3A_84 : memref<224x128xf32, #tpu.memory_space<vmem_shared>>) target(%dma_start3A_82 : memref<224x128xf32, #tpu.memory_space<hbm>>) target_semaphore(%run_scoped3A : memref<!tpu.dma_semaphore, #tpu.memory_space<semaphore_mem>>)
          %dma_wait3A = arith.constant 0 : i32
          %dma_wait3A_85 = tpu.memref_slice %arg6[%add3A_81, %dma_wait3A] : memref<143360x128xf32, #tpu.memory_space<hbm>> -> memref<224x128xf32, #tpu.memory_space<hbm>>
          %dma_wait3A_86 = arith.constant 0 : i32
          %dma_wait3A_87 = tpu.memref_slice %arg12[%mul3A_76, %dma_wait3A_86] : memref<4096x128xf32, #tpu.memory_space<vmem_shared>> -> memref<224x128xf32, #tpu.memory_space<vmem_shared>>
          tpu.wait_dma2 semaphore(%run_scoped3A : memref<!tpu.dma_semaphore, #tpu.memory_space<semaphore_mem>>) src(%dma_wait3A_87 : memref<224x128xf32, #tpu.memory_space<vmem_shared>>) dst(%dma_wait3A_85 : memref<224x128xf32, #tpu.memory_space<hbm>>)
          tpu.yield
        }) : () -> ()
      } else {
      }
    }
    %scan3A_15 = arith.constant 20 : i32
    return
  }
}

#map = affine_map<(d0, d1) -> (0)>
#map1 = affine_map<(d0, d1) -> (0, 0)>
#map2 = affine_map<(d0, d1) -> (0, 0, 0)>
module attributes {stable_mosaic.version = 14 : i64} {
  func.func @sc_conv(%arg0: i32, %arg1: i32, %arg2: memref<16xi32, #tpu.memory_space<hbm>>, %arg3: memref<120000x128xf32, #tpu.memory_space<hbm>>, %arg4: memref<192x158x128xi32, #tpu.memory_space<hbm>>, %arg5: memref<48x158x128xi32, #tpu.memory_space<hbm>>, %arg6: memref<143360x128xf32, #tpu.memory_space<hbm>>, %arg7: memref<16xi32, #tpu.memory_space<vmem>>, %arg8: memref<158x128xi32, #tpu.memory_space<vmem>>, %arg9: memref<158x128xi32, #tpu.memory_space<vmem>>, %arg10: memref<256x128xf32, #tpu.memory_space<vmem>>, %arg11: memref<128x128xf32, #tpu.memory_space<vmem>>, %arg12: memref<4096x128xf32, #tpu.memory_space<vmem_shared>>, %arg13: memref<!tpu.dma_semaphore, #tpu.memory_space<semaphore_mem>>, %arg14: memref<!tpu.dma_semaphore, #tpu.memory_space<semaphore_mem>>) attributes {dimension_semantics = [#tpu.dimension_semantics<core_parallel>, #tpu.dimension_semantics<subcore_parallel>], iteration_bounds = array<i64: 2, 16>, scalar_prefetch = 0 : i64, scratch_operands = 8 : i64, tpu.core_type = #tpu.core_type<sc_vector_subcore>, window_params = [{transform_indices = #map}, {transform_indices = #map1}, {transform_indices = #map2}, {transform_indices = #map2}, {transform_indices = #map1}]} {
    "tpu.region"() ({
      %run_scoped3A = tpu.sem_alloc : memref<!tpu.dma_semaphore, #tpu.memory_space<semaphore_mem>>
      tpu.enqueue_dma source(%arg2 : memref<16xi32, #tpu.memory_space<hbm>>) target(%arg7 : memref<16xi32, #tpu.memory_space<vmem>>) target_semaphore(%run_scoped3A : memref<!tpu.dma_semaphore, #tpu.memory_space<semaphore_mem>>)
      tpu.wait_dma2 semaphore(%run_scoped3A : memref<!tpu.dma_semaphore, #tpu.memory_space<semaphore_mem>>) src(%arg2 : memref<16xi32, #tpu.memory_space<hbm>>) dst(%arg7 : memref<16xi32, #tpu.memory_space<vmem>>)
      tpu.yield
    }) : () -> ()
    %get3A = arith.constant 0 : index
    %get3A_0 = tpu.vector_load %arg7[%get3A] {strides = array<i32>} : memref<16xi32, #tpu.memory_space<vmem>>, vector<16xi32>,
    %get3A_1 = vector.shape_cast %get3A_0 : vector<16xi32> to vector<16xi32>
    %slice3A = vector.extract_strided_slice %get3A_1 {offsets = [0], sizes = [1], strides = [1]} : vector<16xi32> to vector<1xi32>
    %squeeze3A = vector.extract %slice3A[0] : i32 from vector<1xi32>
    %eq3A = arith.constant 1 : i32
    %eq3A_2 = arith.cmpi eq, %squeeze3A, %eq3A : i32
    %scan3A = arith.constant 0 : i32
    %scan3A_3 = arith.constant 0 : i32
    %scan3A_4 = arith.constant 128 : i32
    %scan3A_5 = arith.addi %scan3A_3, %scan3A_4 : i32
    %scan3A_6 = arith.constant 1 : i32
    scf.for %scan3A_16 = %scan3A_3 to %scan3A_5 step %scan3A_6  : i32 {
      %broadcast_in_dim3A = arith.constant 0.000000e+00 : f32
      %broadcast_in_dim3A_17 = vector.broadcast %broadcast_in_dim3A : f32 to vector<16xf32>
      %swap3A = arith.index_cast %scan3A_16 : i32 to index
      %swap3A_18 = arith.constant 0 : index
      %swap3A_19 = tpu.vector_load %arg11[%swap3A, %swap3A_18] {strides = array<i32>} : memref<128x128xf32, #tpu.memory_space<vmem>>, vector<1x16xf32>,
      %swap3A_20 = vector.shape_cast %swap3A_19 : vector<1x16xf32> to vector<16xf32>
      %swap3A_21 = vector.shape_cast %broadcast_in_dim3A_17 : vector<16xf32> to vector<1x16xf32>
      tpu.vector_store %arg11[%swap3A, %swap3A_18], %swap3A_21 {strides = array<i32>} : memref<128x128xf32, #tpu.memory_space<vmem>>, vector<1x16xf32>,
      %broadcast_in_dim3A_22 = arith.constant 0.000000e+00 : f32
      %broadcast_in_dim3A_23 = vector.broadcast %broadcast_in_dim3A_22 : f32 to vector<16xf32>
      %swap3A_24 = arith.index_cast %scan3A_16 : i32 to index
      %swap3A_25 = arith.constant 16 : index
      %swap3A_26 = tpu.vector_load %arg11[%swap3A_24, %swap3A_25] {strides = array<i32>} : memref<128x128xf32, #tpu.memory_space<vmem>>, vector<1x16xf32>,
      %swap3A_27 = vector.shape_cast %swap3A_26 : vector<1x16xf32> to vector<16xf32>
      %swap3A_28 = vector.shape_cast %broadcast_in_dim3A_23 : vector<16xf32> to vector<1x16xf32>
      tpu.vector_store %arg11[%swap3A_24, %swap3A_25], %swap3A_28 {strides = array<i32>} : memref<128x128xf32, #tpu.memory_space<vmem>>, vector<1x16xf32>,
      %broadcast_in_dim3A_29 = arith.constant 0.000000e+00 : f32
      %broadcast_in_dim3A_30 = vector.broadcast %broadcast_in_dim3A_29 : f32 to vector<16xf32>
      %swap3A_31 = arith.index_cast %scan3A_16 : i32 to index
      %swap3A_32 = arith.constant 32 : index
      %swap3A_33 = tpu.vector_load %arg11[%swap3A_31, %swap3A_32] {strides = array<i32>} : memref<128x128xf32, #tpu.memory_space<vmem>>, vector<1x16xf32>,
      %swap3A_34 = vector.shape_cast %swap3A_33 : vector<1x16xf32> to vector<16xf32>
      %swap3A_35 = vector.shape_cast %broadcast_in_dim3A_30 : vector<16xf32> to vector<1x16xf32>
      tpu.vector_store %arg11[%swap3A_31, %swap3A_32], %swap3A_35 {strides = array<i32>} : memref<128x128xf32, #tpu.memory_space<vmem>>, vector<1x16xf32>,
      %broadcast_in_dim3A_36 = arith.constant 0.000000e+00 : f32
      %broadcast_in_dim3A_37 = vector.broadcast %broadcast_in_dim3A_36 : f32 to vector<16xf32>
      %swap3A_38 = arith.index_cast %scan3A_16 : i32 to index
      %swap3A_39 = arith.constant 48 : index
      %swap3A_40 = tpu.vector_load %arg11[%swap3A_38, %swap3A_39] {strides = array<i32>} : memref<128x128xf32, #tpu.memory_space<vmem>>, vector<1x16xf32>,
      %swap3A_41 = vector.shape_cast %swap3A_40 : vector<1x16xf32> to vector<16xf32>
      %swap3A_42 = vector.shape_cast %broadcast_in_dim3A_37 : vector<16xf32> to vector<1x16xf32>
      tpu.vector_store %arg11[%swap3A_38, %swap3A_39], %swap3A_42 {strides = array<i32>} : memref<128x128xf32, #tpu.memory_space<vmem>>, vector<1x16xf32>,
      %broadcast_in_dim3A_43 = arith.constant 0.000000e+00 : f32
      %broadcast_in_dim3A_44 = vector.broadcast %broadcast_in_dim3A_43 : f32 to vector<16xf32>
      %swap3A_45 = arith.index_cast %scan3A_16 : i32 to index
      %swap3A_46 = arith.constant 64 : index
      %swap3A_47 = tpu.vector_load %arg11[%swap3A_45, %swap3A_46] {strides = array<i32>} : memref<128x128xf32, #tpu.memory_space<vmem>>, vector<1x16xf32>,
      %swap3A_48 = vector.shape_cast %swap3A_47 : vector<1x16xf32> to vector<16xf32>
      %swap3A_49 = vector.shape_cast %broadcast_in_dim3A_44 : vector<16xf32> to vector<1x16xf32>
      tpu.vector_store %arg11[%swap3A_45, %swap3A_46], %swap3A_49 {strides = array<i32>} : memref<128x128xf32, #tpu.memory_space<vmem>>, vector<1x16xf32>,
      %broadcast_in_dim3A_50 = arith.constant 0.000000e+00 : f32
      %broadcast_in_dim3A_51 = vector.broadcast %broadcast_in_dim3A_50 : f32 to vector<16xf32>
      %swap3A_52 = arith.index_cast %scan3A_16 : i32 to index
      %swap3A_53 = arith.constant 80 : index
      %swap3A_54 = tpu.vector_load %arg11[%swap3A_52, %swap3A_53] {strides = array<i32>} : memref<128x128xf32, #tpu.memory_space<vmem>>, vector<1x16xf32>,
      %swap3A_55 = vector.shape_cast %swap3A_54 : vector<1x16xf32> to vector<16xf32>
      %swap3A_56 = vector.shape_cast %broadcast_in_dim3A_51 : vector<16xf32> to vector<1x16xf32>
      tpu.vector_store %arg11[%swap3A_52, %swap3A_53], %swap3A_56 {strides = array<i32>} : memref<128x128xf32, #tpu.memory_space<vmem>>, vector<1x16xf32>,
      %broadcast_in_dim3A_57 = arith.constant 0.000000e+00 : f32
      %broadcast_in_dim3A_58 = vector.broadcast %broadcast_in_dim3A_57 : f32 to vector<16xf32>
      %swap3A_59 = arith.index_cast %scan3A_16 : i32 to index
      %swap3A_60 = arith.constant 96 : index
      %swap3A_61 = tpu.vector_load %arg11[%swap3A_59, %swap3A_60] {strides = array<i32>} : memref<128x128xf32, #tpu.memory_space<vmem>>, vector<1x16xf32>,
      %swap3A_62 = vector.shape_cast %swap3A_61 : vector<1x16xf32> to vector<16xf32>
      %swap3A_63 = vector.shape_cast %broadcast_in_dim3A_58 : vector<16xf32> to vector<1x16xf32>
      tpu.vector_store %arg11[%swap3A_59, %swap3A_60], %swap3A_63 {strides = array<i32>} : memref<128x128xf32, #tpu.memory_space<vmem>>, vector<1x16xf32>,
      %broadcast_in_dim3A_64 = arith.constant 0.000000e+00 : f32
      %broadcast_in_dim3A_65 = vector.broadcast %broadcast_in_dim3A_64 : f32 to vector<16xf32>
      %swap3A_66 = arith.index_cast %scan3A_16 : i32 to index
      %swap3A_67 = arith.constant 112 : index
      %swap3A_68 = tpu.vector_load %arg11[%swap3A_66, %swap3A_67] {strides = array<i32>} : memref<128x128xf32, #tpu.memory_space<vmem>>, vector<1x16xf32>,
      %swap3A_69 = vector.shape_cast %swap3A_68 : vector<1x16xf32> to vector<16xf32>
      %swap3A_70 = vector.shape_cast %broadcast_in_dim3A_65 : vector<16xf32> to vector<1x16xf32>
      tpu.vector_store %arg11[%swap3A_66, %swap3A_67], %swap3A_70 {strides = array<i32>} : memref<128x128xf32, #tpu.memory_space<vmem>>, vector<1x16xf32>,
    }
    %scan3A_7 = arith.constant 128 : i32
    %not3A = arith.constant true
    %not3A_8 = arith.xori %eq3A_2, %not3A : i1
    %convert_element_type3A = arith.extui %not3A_8 : i1 to i32
    %cond3A = arith.constant 0 : i32
    %cond3A_9 = arith.cmpi ne, %convert_element_type3A, %cond3A : i32
    scf.if %cond3A_9 {
      %scan3A_16 = arith.constant 0 : i32
      %scan3A_17 = arith.constant 0 : i32
      %scan3A_18 = arith.constant 128 : i32
      %scan3A_19 = arith.addi %scan3A_17, %scan3A_18 : i32
      %scan3A_20 = arith.constant 1 : i32
      scf.for %scan3A_22 = %scan3A_17 to %scan3A_19 step %scan3A_20  : i32 {
        %broadcast_in_dim3A = arith.constant 1.000000e+00 : f32
        %broadcast_in_dim3A_23 = vector.broadcast %broadcast_in_dim3A : f32 to vector<16xf32>
        %swap3A = arith.index_cast %scan3A_22 : i32 to index
        %swap3A_24 = arith.constant 0 : index
        %swap3A_25 = tpu.vector_load %arg10[%swap3A, %swap3A_24] {strides = array<i32>} : memref<256x128xf32, #tpu.memory_space<vmem>>, vector<1x16xf32>,
        %swap3A_26 = vector.shape_cast %swap3A_25 : vector<1x16xf32> to vector<16xf32>
        %swap3A_27 = vector.shape_cast %broadcast_in_dim3A_23 : vector<16xf32> to vector<1x16xf32>
        tpu.vector_store %arg10[%swap3A, %swap3A_24], %swap3A_27 {strides = array<i32>} : memref<256x128xf32, #tpu.memory_space<vmem>>, vector<1x16xf32>,
        %broadcast_in_dim3A_28 = arith.constant 1.000000e+00 : f32
        %broadcast_in_dim3A_29 = vector.broadcast %broadcast_in_dim3A_28 : f32 to vector<16xf32>
        %swap3A_30 = arith.index_cast %scan3A_22 : i32 to index
        %swap3A_31 = arith.constant 16 : index
        %swap3A_32 = tpu.vector_load %arg10[%swap3A_30, %swap3A_31] {strides = array<i32>} : memref<256x128xf32, #tpu.memory_space<vmem>>, vector<1x16xf32>,
        %swap3A_33 = vector.shape_cast %swap3A_32 : vector<1x16xf32> to vector<16xf32>
        %swap3A_34 = vector.shape_cast %broadcast_in_dim3A_29 : vector<16xf32> to vector<1x16xf32>
        tpu.vector_store %arg10[%swap3A_30, %swap3A_31], %swap3A_34 {strides = array<i32>} : memref<256x128xf32, #tpu.memory_space<vmem>>, vector<1x16xf32>,
        %broadcast_in_dim3A_35 = arith.constant 1.000000e+00 : f32
        %broadcast_in_dim3A_36 = vector.broadcast %broadcast_in_dim3A_35 : f32 to vector<16xf32>
        %swap3A_37 = arith.index_cast %scan3A_22 : i32 to index
        %swap3A_38 = arith.constant 32 : index
        %swap3A_39 = tpu.vector_load %arg10[%swap3A_37, %swap3A_38] {strides = array<i32>} : memref<256x128xf32, #tpu.memory_space<vmem>>, vector<1x16xf32>,
        %swap3A_40 = vector.shape_cast %swap3A_39 : vector<1x16xf32> to vector<16xf32>
        %swap3A_41 = vector.shape_cast %broadcast_in_dim3A_36 : vector<16xf32> to vector<1x16xf32>
        tpu.vector_store %arg10[%swap3A_37, %swap3A_38], %swap3A_41 {strides = array<i32>} : memref<256x128xf32, #tpu.memory_space<vmem>>, vector<1x16xf32>,
        %broadcast_in_dim3A_42 = arith.constant 1.000000e+00 : f32
        %broadcast_in_dim3A_43 = vector.broadcast %broadcast_in_dim3A_42 : f32 to vector<16xf32>
        %swap3A_44 = arith.index_cast %scan3A_22 : i32 to index
        %swap3A_45 = arith.constant 48 : index
        %swap3A_46 = tpu.vector_load %arg10[%swap3A_44, %swap3A_45] {strides = array<i32>} : memref<256x128xf32, #tpu.memory_space<vmem>>, vector<1x16xf32>,
        %swap3A_47 = vector.shape_cast %swap3A_46 : vector<1x16xf32> to vector<16xf32>
        %swap3A_48 = vector.shape_cast %broadcast_in_dim3A_43 : vector<16xf32> to vector<1x16xf32>
        tpu.vector_store %arg10[%swap3A_44, %swap3A_45], %swap3A_48 {strides = array<i32>} : memref<256x128xf32, #tpu.memory_space<vmem>>, vector<1x16xf32>,
        %broadcast_in_dim3A_49 = arith.constant 1.000000e+00 : f32
        %broadcast_in_dim3A_50 = vector.broadcast %broadcast_in_dim3A_49 : f32 to vector<16xf32>
        %swap3A_51 = arith.index_cast %scan3A_22 : i32 to index
        %swap3A_52 = arith.constant 64 : index
        %swap3A_53 = tpu.vector_load %arg10[%swap3A_51, %swap3A_52] {strides = array<i32>} : memref<256x128xf32, #tpu.memory_space<vmem>>, vector<1x16xf32>,
        %swap3A_54 = vector.shape_cast %swap3A_53 : vector<1x16xf32> to vector<16xf32>
        %swap3A_55 = vector.shape_cast %broadcast_in_dim3A_50 : vector<16xf32> to vector<1x16xf32>
        tpu.vector_store %arg10[%swap3A_51, %swap3A_52], %swap3A_55 {strides = array<i32>} : memref<256x128xf32, #tpu.memory_space<vmem>>, vector<1x16xf32>,
        %broadcast_in_dim3A_56 = arith.constant 1.000000e+00 : f32
        %broadcast_in_dim3A_57 = vector.broadcast %broadcast_in_dim3A_56 : f32 to vector<16xf32>
        %swap3A_58 = arith.index_cast %scan3A_22 : i32 to index
        %swap3A_59 = arith.constant 80 : index
        %swap3A_60 = tpu.vector_load %arg10[%swap3A_58, %swap3A_59] {strides = array<i32>} : memref<256x128xf32, #tpu.memory_space<vmem>>, vector<1x16xf32>,
        %swap3A_61 = vector.shape_cast %swap3A_60 : vector<1x16xf32> to vector<16xf32>
        %swap3A_62 = vector.shape_cast %broadcast_in_dim3A_57 : vector<16xf32> to vector<1x16xf32>
        tpu.vector_store %arg10[%swap3A_58, %swap3A_59], %swap3A_62 {strides = array<i32>} : memref<256x128xf32, #tpu.memory_space<vmem>>, vector<1x16xf32>,
        %broadcast_in_dim3A_63 = arith.constant 1.000000e+00 : f32
        %broadcast_in_dim3A_64 = vector.broadcast %broadcast_in_dim3A_63 : f32 to vector<16xf32>
        %swap3A_65 = arith.index_cast %scan3A_22 : i32 to index
        %swap3A_66 = arith.constant 96 : index
        %swap3A_67 = tpu.vector_load %arg10[%swap3A_65, %swap3A_66] {strides = array<i32>} : memref<256x128xf32, #tpu.memory_space<vmem>>, vector<1x16xf32>,
        %swap3A_68 = vector.shape_cast %swap3A_67 : vector<1x16xf32> to vector<16xf32>
        %swap3A_69 = vector.shape_cast %broadcast_in_dim3A_64 : vector<16xf32> to vector<1x16xf32>
        tpu.vector_store %arg10[%swap3A_65, %swap3A_66], %swap3A_69 {strides = array<i32>} : memref<256x128xf32, #tpu.memory_space<vmem>>, vector<1x16xf32>,
        %broadcast_in_dim3A_70 = arith.constant 1.000000e+00 : f32
        %broadcast_in_dim3A_71 = vector.broadcast %broadcast_in_dim3A_70 : f32 to vector<16xf32>
        %swap3A_72 = arith.index_cast %scan3A_22 : i32 to index
        %swap3A_73 = arith.constant 112 : index
        %swap3A_74 = tpu.vector_load %arg10[%swap3A_72, %swap3A_73] {strides = array<i32>} : memref<256x128xf32, #tpu.memory_space<vmem>>, vector<1x16xf32>,
        %swap3A_75 = vector.shape_cast %swap3A_74 : vector<1x16xf32> to vector<16xf32>
        %swap3A_76 = vector.shape_cast %broadcast_in_dim3A_71 : vector<16xf32> to vector<1x16xf32>
        tpu.vector_store %arg10[%swap3A_72, %swap3A_73], %swap3A_76 {strides = array<i32>} : memref<256x128xf32, #tpu.memory_space<vmem>>, vector<1x16xf32>,
      }
      %scan3A_21 = arith.constant 128 : i32
    } else {
    }
    %scan3A_10 = arith.constant 0 : i32
    %scan3A_11 = arith.constant 0 : i32
    %scan3A_12 = arith.constant 20 : i32
    %scan3A_13 = arith.addi %scan3A_11, %scan3A_12 : i32
    %scan3A_14 = arith.constant 1 : i32
    scf.for %scan3A_16 = %scan3A_11 to %scan3A_13 step %scan3A_14  : i32 {
      %ge3A = arith.constant 18 : i32
      %ge3A_17 = arith.cmpi sge, %scan3A_16, %ge3A : i32
      %mul3A = arith.constant 2 : i32
      %mul3A_18 = arith.muli %mul3A, %scan3A_16 : i32
      %add3A = arith.addi %mul3A_18, %arg0 : i32
      %jit3A = arith.constant 3 : i32
      %div3A = arith.divsi %add3A, %jit3A : i32
      %sign3A = arith.constant 0 : i32
      %sign3A_19 = arith.cmpi sgt, %add3A, %sign3A : i32
      %sign3A_20 = arith.extui %sign3A_19 : i1 to i32
      %sign3A_21 = arith.constant 0 : i32
      %sign3A_22 = arith.cmpi slt, %add3A, %sign3A_21 : i32
      %sign3A_23 = arith.extui %sign3A_22 : i1 to i32
      %sign3A_24 = arith.subi %sign3A_20, %sign3A_23 : i32
      %sign3A_25 = arith.constant 0 : i32
      %sign3A_26 = arith.cmpi sgt, %jit3A, %sign3A_25 : i32
      %sign3A_27 = arith.extui %sign3A_26 : i1 to i32
      %sign3A_28 = arith.constant 0 : i32
      %sign3A_29 = arith.cmpi slt, %jit3A, %sign3A_28 : i32
      %sign3A_30 = arith.extui %sign3A_29 : i1 to i32
      %sign3A_31 = arith.subi %sign3A_27, %sign3A_30 : i32
      %ne3A = arith.cmpi ne, %sign3A_24, %sign3A_31 : i32
      %rem3A = arith.remsi %add3A, %jit3A : i32
      %ne3A_32 = arith.constant 0 : i32
      %ne3A_33 = arith.cmpi ne, %rem3A, %ne3A_32 : i32
      %and3A = arith.andi %ne3A, %ne3A_33 : i1
      %sub3A = arith.constant 1 : i32
      %sub3A_34 = arith.subi %div3A, %sub3A : i32
      %select_n3A = arith.select %and3A, %sub3A_34, %div3A : i32
      %sub3A_35 = arith.constant 36 : i32
      %sub3A_36 = arith.subi %add3A, %sub3A_35 : i32
      %min3A = arith.constant 2 : i32
      %min3A_37 = arith.minsi %sub3A_36, %min3A : i32
      %jit3A_38 = arith.constant 3 : i32
      %eq3A_39 = arith.constant 0 : i32
      %eq3A_40 = arith.cmpi eq, %jit3A_38, %eq3A_39 : i32
      %jit3A_41 = arith.constant 1 : i32
      %select_n3A_42 = arith.select %eq3A_40, %jit3A_41, %jit3A_38 : i32
      %rem3A_43 = arith.remsi %add3A, %select_n3A_42 : i32
      %ne3A_44 = arith.constant 0 : i32
      %ne3A_45 = arith.cmpi ne, %rem3A_43, %ne3A_44 : i32
      %lt3A = arith.constant 0 : i32
      %lt3A_46 = arith.cmpi slt, %rem3A_43, %lt3A : i32
      %lt3A_47 = arith.constant 0 : i32
      %lt3A_48 = arith.cmpi slt, %select_n3A_42, %lt3A_47 : i32
      %ne3A_49 = arith.xori %lt3A_46, %lt3A_48 : i1
      %and3A_50 = arith.andi %ne3A_49, %ne3A_45 : i1
      %add3A_51 = arith.addi %rem3A_43, %select_n3A_42 : i32
      %select_n3A_52 = arith.select %and3A_50, %add3A_51, %rem3A_43 : i32
      %select_n3A_53 = arith.select %ge3A_17, %min3A_37, %select_n3A_52 : i32
      %xor3A = arith.xori %eq3A_2, %ge3A_17 : i1
      %barrier3A = arith.constant 0 : index
      tpu.barrier barrier_id(%barrier3A)
      %convert_element_type3A_54 = arith.extui %xor3A : i1 to i32
      %cond3A_55 = arith.constant 0 : i32
      %cond3A_56 = arith.cmpi ne, %convert_element_type3A_54, %cond3A_55 : i32
      scf.if %cond3A_56 {
        %mul3A_75 = arith.constant 256 : i32
        %mul3A_76 = arith.muli %arg1, %mul3A_75 : i32
        "tpu.region"() ({
          %run_scoped3A = tpu.sem_alloc : memref<!tpu.dma_semaphore, #tpu.memory_space<semaphore_mem>>
          %dma_start3A = arith.constant 0 : i32
          %dma_start3A_81 = tpu.memref_slice %arg12[%mul3A_76, %dma_start3A] : memref<4096x128xf32, #tpu.memory_space<vmem_shared>> -> memref<128x128xf32, #tpu.memory_space<vmem_shared>>
          %dma_start3A_82 = arith.constant 0 : i32
          %dma_start3A_83 = tpu.memref_slice %arg12[%mul3A_76, %dma_start3A_82] : memref<4096x128xf32, #tpu.memory_space<vmem_shared>> -> memref<128x128xf32, #tpu.memory_space<vmem_shared>>
          tpu.enqueue_dma source(%arg11 : memref<128x128xf32, #tpu.memory_space<vmem>>) target(%dma_start3A_83 : memref<128x128xf32, #tpu.memory_space<vmem_shared>>) target_semaphore(%run_scoped3A : memref<!tpu.dma_semaphore, #tpu.memory_space<semaphore_mem>>)
          %dma_wait3A = arith.constant 0 : i32
          %dma_wait3A_84 = tpu.memref_slice %arg12[%mul3A_76, %dma_wait3A] : memref<4096x128xf32, #tpu.memory_space<vmem_shared>> -> memref<128x128xf32, #tpu.memory_space<vmem_shared>>
          %dma_wait3A_85 = arith.constant 0 : i32
          %dma_wait3A_86 = tpu.memref_slice %arg12[%mul3A_76, %dma_wait3A_85] : memref<4096x128xf32, #tpu.memory_space<vmem_shared>> -> memref<128x128xf32, #tpu.memory_space<vmem_shared>>
          tpu.wait_dma2 semaphore(%run_scoped3A : memref<!tpu.dma_semaphore, #tpu.memory_space<semaphore_mem>>) src(%arg11 : memref<128x128xf32, #tpu.memory_space<vmem>>) dst(%dma_wait3A_86 : memref<128x128xf32, #tpu.memory_space<vmem_shared>>)
          tpu.yield
        }) : () -> ()
        %mul3A_77 = arith.constant 256 : i32
        %mul3A_78 = arith.muli %arg1, %mul3A_77 : i32
        %add3A_79 = arith.constant 128 : i32
        %add3A_80 = arith.addi %mul3A_78, %add3A_79 : i32
        "tpu.region"() ({
          %run_scoped3A = tpu.sem_alloc : memref<!tpu.dma_semaphore, #tpu.memory_space<semaphore_mem>>
          %dma_start3A = arith.constant 0 : i32
          %dma_start3A_81 = tpu.memref_slice %arg12[%add3A_80, %dma_start3A] : memref<4096x128xf32, #tpu.memory_space<vmem_shared>> -> memref<128x128xf32, #tpu.memory_space<vmem_shared>>
          %dma_start3A_82 = arith.constant 0 : i32
          %dma_start3A_83 = tpu.memref_slice %arg12[%add3A_80, %dma_start3A_82] : memref<4096x128xf32, #tpu.memory_space<vmem_shared>> -> memref<128x128xf32, #tpu.memory_space<vmem_shared>>
          tpu.enqueue_dma source(%arg11 : memref<128x128xf32, #tpu.memory_space<vmem>>) target(%dma_start3A_83 : memref<128x128xf32, #tpu.memory_space<vmem_shared>>) target_semaphore(%run_scoped3A : memref<!tpu.dma_semaphore, #tpu.memory_space<semaphore_mem>>)
          %dma_wait3A = arith.constant 0 : i32
          %dma_wait3A_84 = tpu.memref_slice %arg12[%add3A_80, %dma_wait3A] : memref<4096x128xf32, #tpu.memory_space<vmem_shared>> -> memref<128x128xf32, #tpu.memory_space<vmem_shared>>
          %dma_wait3A_85 = arith.constant 0 : i32
          %dma_wait3A_86 = tpu.memref_slice %arg12[%add3A_80, %dma_wait3A_85] : memref<4096x128xf32, #tpu.memory_space<vmem_shared>> -> memref<128x128xf32, #tpu.memory_space<vmem_shared>>
          tpu.wait_dma2 semaphore(%run_scoped3A : memref<!tpu.dma_semaphore, #tpu.memory_space<semaphore_mem>>) src(%arg11 : memref<128x128xf32, #tpu.memory_space<vmem>>) dst(%dma_wait3A_86 : memref<128x128xf32, #tpu.memory_space<vmem_shared>>)
          tpu.yield
        }) : () -> ()
      } else {
      }
      %barrier3A_57 = arith.constant 0 : index
      tpu.barrier barrier_id(%barrier3A_57)
      %convert_element_type3A_58 = arith.extui %xor3A : i1 to i32
      %cond3A_59 = arith.constant 0 : i32
      %cond3A_60 = arith.cmpi ne, %convert_element_type3A_58, %cond3A_59 : i32
      scf.if %cond3A_60 {
        %mul3A_75 = arith.constant 16 : i32
        %mul3A_76 = arith.muli %select_n3A_53, %mul3A_75 : i32
        %add3A_77 = arith.addi %mul3A_76, %arg1 : i32
        "tpu.region"() ({
          %run_scoped3A = tpu.sem_alloc : memref<!tpu.dma_semaphore, #tpu.memory_space<semaphore_mem>>
          %dma_start3A = arith.constant 0 : i32
          %dma_start3A_78 = arith.constant 0 : i32
          %dma_start3A_79 = tpu.memref_slice %arg5[%add3A_77, %dma_start3A, %dma_start3A_78] : memref<48x158x128xi32, #tpu.memory_space<hbm>> -> memref<1x158x128xi32, #tpu.memory_space<hbm>>
          %dma_start3A_80 = tpu.memref_squeeze %dma_start3A_79 : memref<1x158x128xi32, #tpu.memory_space<hbm>> -> memref<158x128xi32, #tpu.memory_space<hbm>>
          %dma_start3A_81 = arith.constant 0 : i32
          %dma_start3A_82 = arith.constant 0 : i32
          %dma_start3A_83 = tpu.memref_slice %arg5[%add3A_77, %dma_start3A_81, %dma_start3A_82] : memref<48x158x128xi32, #tpu.memory_space<hbm>> -> memref<1x158x128xi32, #tpu.memory_space<hbm>>
          %dma_start3A_84 = tpu.memref_squeeze %dma_start3A_83 : memref<1x158x128xi32, #tpu.memory_space<hbm>> -> memref<158x128xi32, #tpu.memory_space<hbm>>
          tpu.enqueue_dma source(%dma_start3A_84 : memref<158x128xi32, #tpu.memory_space<hbm>>) target(%arg9 : memref<158x128xi32, #tpu.memory_space<vmem>>) target_semaphore(%run_scoped3A : memref<!tpu.dma_semaphore, #tpu.memory_space<semaphore_mem>>)
          %dma_wait3A = arith.constant 0 : i32
          %dma_wait3A_85 = arith.constant 0 : i32
          %dma_wait3A_86 = tpu.memref_slice %arg5[%add3A_77, %dma_wait3A, %dma_wait3A_85] : memref<48x158x128xi32, #tpu.memory_space<hbm>> -> memref<1x158x128xi32, #tpu.memory_space<hbm>>
          %dma_wait3A_87 = tpu.memref_squeeze %dma_wait3A_86 : memref<1x158x128xi32, #tpu.memory_space<hbm>> -> memref<158x128xi32, #tpu.memory_space<hbm>>
          %dma_wait3A_88 = arith.constant 0 : i32
          %dma_wait3A_89 = arith.constant 0 : i32
          %dma_wait3A_90 = tpu.memref_slice %arg5[%add3A_77, %dma_wait3A_88, %dma_wait3A_89] : memref<48x158x128xi32, #tpu.memory_space<hbm>> -> memref<1x158x128xi32, #tpu.memory_space<hbm>>
          %dma_wait3A_91 = tpu.memref_squeeze %dma_wait3A_90 : memref<1x158x128xi32, #tpu.memory_space<hbm>> -> memref<158x128xi32, #tpu.memory_space<hbm>>
          tpu.wait_dma2 semaphore(%run_scoped3A : memref<!tpu.dma_semaphore, #tpu.memory_space<semaphore_mem>>) src(%dma_wait3A_91 : memref<158x128xi32, #tpu.memory_space<hbm>>) dst(%arg9 : memref<158x128xi32, #tpu.memory_space<vmem>>)
          tpu.yield
        }) : () -> ()
      } else {
      }
      %not3A_61 = arith.constant true
      %not3A_62 = arith.xori %ge3A_17, %not3A_61 : i1
      %and3A_63 = arith.andi %xor3A, %not3A_62 : i1
      %convert_element_type3A_64 = arith.extui %and3A_63 : i1 to i32
      %cond3A_65 = arith.constant 0 : i32
      %cond3A_66 = arith.cmpi ne, %convert_element_type3A_64, %cond3A_65 : i32
      scf.if %cond3A_66 {
        %mul3A_75 = arith.constant 16 : i32
        %mul3A_76 = arith.muli %select_n3A, %mul3A_75 : i32
        %add3A_77 = arith.addi %mul3A_76, %arg1 : i32
        "tpu.region"() ({
          %run_scoped3A = tpu.sem_alloc : memref<!tpu.dma_semaphore, #tpu.memory_space<semaphore_mem>>
          %dma_start3A_112 = arith.constant 0 : i32
          %dma_start3A_113 = arith.constant 0 : i32
          %dma_start3A_114 = tpu.memref_slice %arg4[%add3A_77, %dma_start3A_112, %dma_start3A_113] : memref<192x158x128xi32, #tpu.memory_space<hbm>> -> memref<1x158x128xi32, #tpu.memory_space<hbm>>
          %dma_start3A_115 = tpu.memref_squeeze %dma_start3A_114 : memref<1x158x128xi32, #tpu.memory_space<hbm>> -> memref<158x128xi32, #tpu.memory_space<hbm>>
          %dma_start3A_116 = arith.constant 0 : i32
          %dma_start3A_117 = arith.constant 0 : i32
          %dma_start3A_118 = tpu.memref_slice %arg4[%add3A_77, %dma_start3A_116, %dma_start3A_117] : memref<192x158x128xi32, #tpu.memory_space<hbm>> -> memref<1x158x128xi32, #tpu.memory_space<hbm>>
          %dma_start3A_119 = tpu.memref_squeeze %dma_start3A_118 : memref<1x158x128xi32, #tpu.memory_space<hbm>> -> memref<158x128xi32, #tpu.memory_space<hbm>>
          tpu.enqueue_dma source(%dma_start3A_119 : memref<158x128xi32, #tpu.memory_space<hbm>>) target(%arg8 : memref<158x128xi32, #tpu.memory_space<vmem>>) target_semaphore(%run_scoped3A : memref<!tpu.dma_semaphore, #tpu.memory_space<semaphore_mem>>)
          %dma_wait3A_120 = arith.constant 0 : i32
          %dma_wait3A_121 = arith.constant 0 : i32
          %dma_wait3A_122 = tpu.memref_slice %arg4[%add3A_77, %dma_wait3A_120, %dma_wait3A_121] : memref<192x158x128xi32, #tpu.memory_space<hbm>> -> memref<1x158x128xi32, #tpu.memory_space<hbm>>
          %dma_wait3A_123 = tpu.memref_squeeze %dma_wait3A_122 : memref<1x158x128xi32, #tpu.memory_space<hbm>> -> memref<158x128xi32, #tpu.memory_space<hbm>>
          %dma_wait3A_124 = arith.constant 0 : i32
          %dma_wait3A_125 = arith.constant 0 : i32
          %dma_wait3A_126 = tpu.memref_slice %arg4[%add3A_77, %dma_wait3A_124, %dma_wait3A_125] : memref<192x158x128xi32, #tpu.memory_space<hbm>> -> memref<1x158x128xi32, #tpu.memory_space<hbm>>
          %dma_wait3A_127 = tpu.memref_squeeze %dma_wait3A_126 : memref<1x158x128xi32, #tpu.memory_space<hbm>> -> memref<158x128xi32, #tpu.memory_space<hbm>>
          tpu.wait_dma2 semaphore(%run_scoped3A : memref<!tpu.dma_semaphore, #tpu.memory_space<semaphore_mem>>) src(%dma_wait3A_127 : memref<158x128xi32, #tpu.memory_space<hbm>>) dst(%arg8 : memref<158x128xi32, #tpu.memory_space<vmem>>)
          tpu.yield
        }) : () -> ()
        %dma_start3A = arith.constant 0 : i32
        %dma_start3A_78 = arith.constant 0 : i32
        %dma_start3A_79 = arith.constant 0 : i32
        %dma_start3A_80 = tpu.memref_slice %arg10[%dma_start3A_78, %dma_start3A_79] : memref<256x128xf32, #tpu.memory_space<vmem>> -> memref<128x128xf32, #tpu.memory_space<vmem>>
        %dma_start3A_81 = arith.constant 0 : i32
        %dma_start3A_82 = tpu.memref_slice %arg8[%dma_start3A, %dma_start3A_81] : memref<158x128xi32, #tpu.memory_space<vmem>> -> memref<1x128xi32, #tpu.memory_space<vmem>>
        %dma_start3A_83 = tpu.memref_squeeze %dma_start3A_82 : memref<1x128xi32, #tpu.memory_space<vmem>> -> memref<128xi32, #tpu.memory_space<vmem>>
        %dma_start3A_84 = arith.constant 0 : i32
        %dma_start3A_85 = arith.constant 0 : i32
        %dma_start3A_86 = tpu.memref_slice %arg3[%dma_start3A_84, %dma_start3A_85] : memref<120000x128xf32, #tpu.memory_space<hbm>> -> memref<120000x128xf32, #tpu.memory_space<hbm>>
        tpu.enqueue_indirect_dma source(%dma_start3A_86 : memref<120000x128xf32, #tpu.memory_space<hbm>>) target(%dma_start3A_80 : memref<128x128xf32, #tpu.memory_space<vmem>>) offsets(%dma_start3A_83 : memref<128xi32, #tpu.memory_space<vmem>>) semaphore(%arg13 : memref<!tpu.dma_semaphore, #tpu.memory_space<semaphore_mem>>)
        %scan3A_87 = arith.constant 0 : i32
        %scan3A_88 = arith.constant 0 : i32
        %scan3A_89 = arith.constant 158 : i32
        %scan3A_90 = arith.addi %scan3A_88, %scan3A_89 : i32
        %scan3A_91 = arith.constant 1 : i32
        scf.for %scan3A_112 = %scan3A_88 to %scan3A_90 step %scan3A_91  : i32 {
          %add3A_113 = arith.constant 1 : i32
          %add3A_114 = arith.addi %scan3A_112, %add3A_113 : i32
          %min3A_115 = arith.constant 157 : i32
          %min3A_116 = arith.minsi %add3A_114, %min3A_115 : i32
          %add3A_117 = arith.constant 1 : i32
          %add3A_118 = arith.addi %scan3A_112, %add3A_117 : i32
          %jit3A_119 = arith.constant 2 : i32
          %eq3A_120 = arith.constant 0 : i32
          %eq3A_121 = arith.cmpi eq, %jit3A_119, %eq3A_120 : i32
          %jit3A_122 = arith.constant 1 : i32
          %select_n3A_123 = arith.select %eq3A_121, %jit3A_122, %jit3A_119 : i32
          %rem3A_124 = arith.remsi %add3A_118, %select_n3A_123 : i32
          %ne3A_125 = arith.constant 0 : i32
          %ne3A_126 = arith.cmpi ne, %rem3A_124, %ne3A_125 : i32
          %lt3A_127 = arith.constant 0 : i32
          %lt3A_128 = arith.cmpi slt, %rem3A_124, %lt3A_127 : i32
          %lt3A_129 = arith.constant 0 : i32
          %lt3A_130 = arith.cmpi slt, %select_n3A_123, %lt3A_129 : i32
          %ne3A_131 = arith.xori %lt3A_128, %lt3A_130 : i1
          %and3A_132 = arith.andi %ne3A_131, %ne3A_126 : i1
          %add3A_133 = arith.addi %rem3A_124, %select_n3A_123 : i32
          %select_n3A_134 = arith.select %and3A_132, %add3A_133, %rem3A_124 : i32
          %mul3A_135 = arith.constant 128 : i32
          %mul3A_136 = arith.muli %select_n3A_134, %mul3A_135 : i32
          %jit3A_137 = arith.constant 2 : i32
          %eq3A_138 = arith.constant 0 : i32
          %eq3A_139 = arith.cmpi eq, %jit3A_137, %eq3A_138 : i32
          %jit3A_140 = arith.constant 1 : i32
          %select_n3A_141 = arith.select %eq3A_139, %jit3A_140, %jit3A_137 : i32
          %rem3A_142 = arith.remsi %scan3A_112, %select_n3A_141 : i32
          %ne3A_143 = arith.constant 0 : i32
          %ne3A_144 = arith.cmpi ne, %rem3A_142, %ne3A_143 : i32
          %lt3A_145 = arith.constant 0 : i32
          %lt3A_146 = arith.cmpi slt, %rem3A_142, %lt3A_145 : i32
          %lt3A_147 = arith.constant 0 : i32
          %lt3A_148 = arith.cmpi slt, %select_n3A_141, %lt3A_147 : i32
          %ne3A_149 = arith.xori %lt3A_146, %lt3A_148 : i1
          %and3A_150 = arith.andi %ne3A_149, %ne3A_144 : i1
          %add3A_151 = arith.addi %rem3A_142, %select_n3A_141 : i32
          %select_n3A_152 = arith.select %and3A_150, %add3A_151, %rem3A_142 : i32
          %mul3A_153 = arith.constant 128 : i32
          %mul3A_154 = arith.muli %select_n3A_152, %mul3A_153 : i32
          %gt3A = arith.constant 0 : i32
          %gt3A_155 = arith.cmpi sgt, %scan3A_112, %gt3A : i32
          %convert_element_type3A_156 = arith.extui %gt3A_155 : i1 to i32
          %cond3A_157 = arith.constant 0 : i32
          %cond3A_158 = arith.cmpi ne, %convert_element_type3A_156, %cond3A_157 : i32
          scf.if %cond3A_158 {
            %sub3A_183 = arith.constant 1 : i32
            %sub3A_184 = arith.subi %scan3A_112, %sub3A_183 : i32
            %dma_wait3A_185 = arith.constant 0 : i32
            %dma_wait3A_186 = tpu.memref_slice %arg10[%mul3A_136, %dma_wait3A_185] : memref<256x128xf32, #tpu.memory_space<vmem>> -> memref<128x128xf32, #tpu.memory_space<vmem>>
            %dma_wait3A_187 = arith.constant 0 : i32
            %dma_wait3A_188 = tpu.memref_slice %arg9[%sub3A_184, %dma_wait3A_187] : memref<158x128xi32, #tpu.memory_space<vmem>> -> memref<1x128xi32, #tpu.memory_space<vmem>>
            %dma_wait3A_189 = tpu.memref_squeeze %dma_wait3A_188 : memref<1x128xi32, #tpu.memory_space<vmem>> -> memref<128xi32, #tpu.memory_space<vmem>>
            %dma_wait3A_190 = arith.constant 0 : i32
            %dma_wait3A_191 = arith.constant 0 : i32
            %dma_wait3A_192 = tpu.memref_slice %arg12[%dma_wait3A_190, %dma_wait3A_191] : memref<4096x128xf32, #tpu.memory_space<vmem_shared>> -> memref<4096x128xf32, #tpu.memory_space<vmem_shared>>
            tpu.wait_indirect_dma semaphore(%arg14 : memref<!tpu.dma_semaphore, #tpu.memory_space<semaphore_mem>>) src(%dma_wait3A_186 : memref<128x128xf32, #tpu.memory_space<vmem>>) dst(%dma_wait3A_192 : memref<4096x128xf32, #tpu.memory_space<vmem_shared>>)
          } else {
          }
          %dma_start3A_159 = arith.constant 0 : i32
          %dma_start3A_160 = tpu.memref_slice %arg10[%mul3A_136, %dma_start3A_159] : memref<256x128xf32, #tpu.memory_space<vmem>> -> memref<128x128xf32, #tpu.memory_space<vmem>>
          %dma_start3A_161 = arith.constant 0 : i32
          %dma_start3A_162 = tpu.memref_slice %arg8[%min3A_116, %dma_start3A_161] : memref<158x128xi32, #tpu.memory_space<vmem>> -> memref<1x128xi32, #tpu.memory_space<vmem>>
          %dma_start3A_163 = tpu.memref_squeeze %dma_start3A_162 : memref<1x128xi32, #tpu.memory_space<vmem>> -> memref<128xi32, #tpu.memory_space<vmem>>
          %dma_start3A_164 = arith.constant 0 : i32
          %dma_start3A_165 = arith.constant 0 : i32
          %dma_start3A_166 = tpu.memref_slice %arg3[%dma_start3A_164, %dma_start3A_165] : memref<120000x128xf32, #tpu.memory_space<hbm>> -> memref<120000x128xf32, #tpu.memory_space<hbm>>
          tpu.enqueue_indirect_dma source(%dma_start3A_166 : memref<120000x128xf32, #tpu.memory_space<hbm>>) target(%dma_start3A_160 : memref<128x128xf32, #tpu.memory_space<vmem>>) offsets(%dma_start3A_163 : memref<128xi32, #tpu.memory_space<vmem>>) semaphore(%arg13 : memref<!tpu.dma_semaphore, #tpu.memory_space<semaphore_mem>>)
          %dma_wait3A_167 = arith.constant 0 : i32
          %dma_wait3A_168 = tpu.memref_slice %arg10[%mul3A_154, %dma_wait3A_167] : memref<256x128xf32, #tpu.memory_space<vmem>> -> memref<128x128xf32, #tpu.memory_space<vmem>>
          %dma_wait3A_169 = arith.constant 0 : i32
          %dma_wait3A_170 = tpu.memref_slice %arg8[%scan3A_112, %dma_wait3A_169] : memref<158x128xi32, #tpu.memory_space<vmem>> -> memref<1x128xi32, #tpu.memory_space<vmem>>
          %dma_wait3A_171 = tpu.memref_squeeze %dma_wait3A_170 : memref<1x128xi32, #tpu.memory_space<vmem>> -> memref<128xi32, #tpu.memory_space<vmem>>
          %dma_wait3A_172 = arith.constant 0 : i32
          %dma_wait3A_173 = arith.constant 0 : i32
          %dma_wait3A_174 = tpu.memref_slice %arg3[%dma_wait3A_172, %dma_wait3A_173] : memref<120000x128xf32, #tpu.memory_space<hbm>> -> memref<120000x128xf32, #tpu.memory_space<hbm>>
          tpu.wait_indirect_dma semaphore(%arg13 : memref<!tpu.dma_semaphore, #tpu.memory_space<semaphore_mem>>) src(%dma_wait3A_174 : memref<120000x128xf32, #tpu.memory_space<hbm>>) dst(%dma_wait3A_168 : memref<128x128xf32, #tpu.memory_space<vmem>>)
          %dma_start3A_175 = arith.constant 0 : i32
          %dma_start3A_176 = tpu.memref_slice %arg10[%mul3A_154, %dma_start3A_175] : memref<256x128xf32, #tpu.memory_space<vmem>> -> memref<128x128xf32, #tpu.memory_space<vmem>>
          %dma_start3A_177 = arith.constant 0 : i32
          %dma_start3A_178 = tpu.memref_slice %arg9[%scan3A_112, %dma_start3A_177] : memref<158x128xi32, #tpu.memory_space<vmem>> -> memref<1x128xi32, #tpu.memory_space<vmem>>
          %dma_start3A_179 = tpu.memref_squeeze %dma_start3A_178 : memref<1x128xi32, #tpu.memory_space<vmem>> -> memref<128xi32, #tpu.memory_space<vmem>>
          %dma_start3A_180 = arith.constant 0 : i32
          %dma_start3A_181 = arith.constant 0 : i32
          %dma_start3A_182 = tpu.memref_slice %arg12[%dma_start3A_180, %dma_start3A_181] : memref<4096x128xf32, #tpu.memory_space<vmem_shared>> -> memref<4096x128xf32, #tpu.memory_space<vmem_shared>>
          tpu.enqueue_indirect_dma source(%dma_start3A_176 : memref<128x128xf32, #tpu.memory_space<vmem>>) target(%dma_start3A_182 : memref<4096x128xf32, #tpu.memory_space<vmem_shared>>) offsets(%dma_start3A_179 : memref<128xi32, #tpu.memory_space<vmem>>) semaphore(%arg14 : memref<!tpu.dma_semaphore, #tpu.memory_space<semaphore_mem>>) {add = true}
        }
        %scan3A_92 = arith.constant 158 : i32
        %dma_wait3A = arith.constant 157 : i32
        %dma_wait3A_93 = arith.constant 0 : i32
        %dma_wait3A_94 = arith.constant 0 : i32
        %dma_wait3A_95 = tpu.memref_slice %arg10[%dma_wait3A_93, %dma_wait3A_94] : memref<256x128xf32, #tpu.memory_space<vmem>> -> memref<128x128xf32, #tpu.memory_space<vmem>>
        %dma_wait3A_96 = arith.constant 0 : i32
        %dma_wait3A_97 = tpu.memref_slice %arg8[%dma_wait3A, %dma_wait3A_96] : memref<158x128xi32, #tpu.memory_space<vmem>> -> memref<1x128xi32, #tpu.memory_space<vmem>>
        %dma_wait3A_98 = tpu.memref_squeeze %dma_wait3A_97 : memref<1x128xi32, #tpu.memory_space<vmem>> -> memref<128xi32, #tpu.memory_space<vmem>>
        %dma_wait3A_99 = arith.constant 0 : i32
        %dma_wait3A_100 = arith.constant 0 : i32
        %dma_wait3A_101 = tpu.memref_slice %arg3[%dma_wait3A_99, %dma_wait3A_100] : memref<120000x128xf32, #tpu.memory_space<hbm>> -> memref<120000x128xf32, #tpu.memory_space<hbm>>
        tpu.wait_indirect_dma semaphore(%arg13 : memref<!tpu.dma_semaphore, #tpu.memory_space<semaphore_mem>>) src(%dma_wait3A_101 : memref<120000x128xf32, #tpu.memory_space<hbm>>) dst(%dma_wait3A_95 : memref<128x128xf32, #tpu.memory_space<vmem>>)
        %dma_wait3A_102 = arith.constant 157 : i32
        %dma_wait3A_103 = arith.constant 128 : i32
        %dma_wait3A_104 = arith.constant 0 : i32
        %dma_wait3A_105 = tpu.memref_slice %arg10[%dma_wait3A_103, %dma_wait3A_104] : memref<256x128xf32, #tpu.memory_space<vmem>> -> memref<128x128xf32, #tpu.memory_space<vmem>>
        %dma_wait3A_106 = arith.constant 0 : i32
        %dma_wait3A_107 = tpu.memref_slice %arg9[%dma_wait3A_102, %dma_wait3A_106] : memref<158x128xi32, #tpu.memory_space<vmem>> -> memref<1x128xi32, #tpu.memory_space<vmem>>
        %dma_wait3A_108 = tpu.memref_squeeze %dma_wait3A_107 : memref<1x128xi32, #tpu.memory_space<vmem>> -> memref<128xi32, #tpu.memory_space<vmem>>
        %dma_wait3A_109 = arith.constant 0 : i32
        %dma_wait3A_110 = arith.constant 0 : i32
        %dma_wait3A_111 = tpu.memref_slice %arg12[%dma_wait3A_109, %dma_wait3A_110] : memref<4096x128xf32, #tpu.memory_space<vmem_shared>> -> memref<4096x128xf32, #tpu.memory_space<vmem_shared>>
        tpu.wait_indirect_dma semaphore(%arg14 : memref<!tpu.dma_semaphore, #tpu.memory_space<semaphore_mem>>) src(%dma_wait3A_105 : memref<128x128xf32, #tpu.memory_space<vmem>>) dst(%dma_wait3A_111 : memref<4096x128xf32, #tpu.memory_space<vmem_shared>>)
      } else {
      }
      %and3A_67 = arith.andi %xor3A, %ge3A_17 : i1
      %convert_element_type3A_68 = arith.extui %and3A_67 : i1 to i32
      %cond3A_69 = arith.constant 0 : i32
      %cond3A_70 = arith.cmpi ne, %convert_element_type3A_68, %cond3A_69 : i32
      scf.if %cond3A_70 {
        %scan3A_75 = arith.constant 0 : i32
        %scan3A_76 = arith.constant 0 : i32
        %scan3A_77 = arith.constant 158 : i32
        %scan3A_78 = arith.addi %scan3A_76, %scan3A_77 : i32
        %scan3A_79 = arith.constant 1 : i32
        scf.for %scan3A_81 = %scan3A_76 to %scan3A_78 step %scan3A_79  : i32 {
          "tpu.region"() ({
            %run_scoped3A = tpu.sem_alloc : memref<!tpu.dma_semaphore, #tpu.memory_space<semaphore_mem>>
            %dma_start3A = arith.constant 0 : i32
            %dma_start3A_82 = arith.constant 0 : i32
            %dma_start3A_83 = tpu.memref_slice %arg10[%dma_start3A, %dma_start3A_82] : memref<256x128xf32, #tpu.memory_space<vmem>> -> memref<128x128xf32, #tpu.memory_space<vmem>>
            %dma_start3A_84 = arith.constant 0 : i32
            %dma_start3A_85 = tpu.memref_slice %arg9[%scan3A_81, %dma_start3A_84] : memref<158x128xi32, #tpu.memory_space<vmem>> -> memref<1x128xi32, #tpu.memory_space<vmem>>
            %dma_start3A_86 = tpu.memref_squeeze %dma_start3A_85 : memref<1x128xi32, #tpu.memory_space<vmem>> -> memref<128xi32, #tpu.memory_space<vmem>>
            %dma_start3A_87 = arith.constant 0 : i32
            %dma_start3A_88 = arith.constant 0 : i32
            %dma_start3A_89 = tpu.memref_slice %arg12[%dma_start3A_87, %dma_start3A_88] : memref<4096x128xf32, #tpu.memory_space<vmem_shared>> -> memref<4096x128xf32, #tpu.memory_space<vmem_shared>>
            tpu.enqueue_indirect_dma source(%dma_start3A_83 : memref<128x128xf32, #tpu.memory_space<vmem>>) target(%dma_start3A_89 : memref<4096x128xf32, #tpu.memory_space<vmem_shared>>) offsets(%dma_start3A_86 : memref<128xi32, #tpu.memory_space<vmem>>) semaphore(%run_scoped3A : memref<!tpu.dma_semaphore, #tpu.memory_space<semaphore_mem>>) {add = true}
            %dma_wait3A = arith.constant 0 : i32
            %dma_wait3A_90 = arith.constant 0 : i32
            %dma_wait3A_91 = tpu.memref_slice %arg10[%dma_wait3A, %dma_wait3A_90] : memref<256x128xf32, #tpu.memory_space<vmem>> -> memref<128x128xf32, #tpu.memory_space<vmem>>
            %dma_wait3A_92 = arith.constant 0 : i32
            %dma_wait3A_93 = tpu.memref_slice %arg9[%scan3A_81, %dma_wait3A_92] : memref<158x128xi32, #tpu.memory_space<vmem>> -> memref<1x128xi32, #tpu.memory_space<vmem>>
            %dma_wait3A_94 = tpu.memref_squeeze %dma_wait3A_93 : memref<1x128xi32, #tpu.memory_space<vmem>> -> memref<128xi32, #tpu.memory_space<vmem>>
            %dma_wait3A_95 = arith.constant 0 : i32
            %dma_wait3A_96 = arith.constant 0 : i32
            %dma_wait3A_97 = tpu.memref_slice %arg12[%dma_wait3A_95, %dma_wait3A_96] : memref<4096x128xf32, #tpu.memory_space<vmem_shared>> -> memref<4096x128xf32, #tpu.memory_space<vmem_shared>>
            tpu.wait_indirect_dma semaphore(%run_scoped3A : memref<!tpu.dma_semaphore, #tpu.memory_space<semaphore_mem>>) src(%dma_wait3A_91 : memref<128x128xf32, #tpu.memory_space<vmem>>) dst(%dma_wait3A_97 : memref<4096x128xf32, #tpu.memory_space<vmem_shared>>)
            tpu.yield
          }) : () -> ()
        }
        %scan3A_80 = arith.constant 158 : i32
      } else {
      }
      %barrier3A_71 = arith.constant 0 : index
      tpu.barrier barrier_id(%barrier3A_71)
      %convert_element_type3A_72 = arith.extui %xor3A : i1 to i32
      %cond3A_73 = arith.constant 0 : i32
      %cond3A_74 = arith.cmpi ne, %convert_element_type3A_72, %cond3A_73 : i32
      scf.if %cond3A_74 {
        %mul3A_75 = arith.constant 224 : i32
        %mul3A_76 = arith.muli %arg1, %mul3A_75 : i32
        %mul3A_77 = arith.constant 3584 : i32
        %mul3A_78 = arith.muli %add3A, %mul3A_77 : i32
        %mul3A_79 = arith.constant 224 : i32
        %mul3A_80 = arith.muli %arg1, %mul3A_79 : i32
        %add3A_81 = arith.addi %mul3A_78, %mul3A_80 : i32
        "tpu.region"() ({
          %run_scoped3A = tpu.sem_alloc : memref<!tpu.dma_semaphore, #tpu.memory_space<semaphore_mem>>
          %dma_start3A = arith.constant 0 : i32
          %dma_start3A_82 = tpu.memref_slice %arg6[%add3A_81, %dma_start3A] : memref<143360x128xf32, #tpu.memory_space<hbm>> -> memref<224x128xf32, #tpu.memory_space<hbm>>
          %dma_start3A_83 = arith.constant 0 : i32
          %dma_start3A_84 = tpu.memref_slice %arg12[%mul3A_76, %dma_start3A_83] : memref<4096x128xf32, #tpu.memory_space<vmem_shared>> -> memref<224x128xf32, #tpu.memory_space<vmem_shared>>
          tpu.enqueue_dma source(%dma_start3A_84 : memref<224x128xf32, #tpu.memory_space<vmem_shared>>) target(%dma_start3A_82 : memref<224x128xf32, #tpu.memory_space<hbm>>) target_semaphore(%run_scoped3A : memref<!tpu.dma_semaphore, #tpu.memory_space<semaphore_mem>>)
          %dma_wait3A = arith.constant 0 : i32
          %dma_wait3A_85 = tpu.memref_slice %arg6[%add3A_81, %dma_wait3A] : memref<143360x128xf32, #tpu.memory_space<hbm>> -> memref<224x128xf32, #tpu.memory_space<hbm>>
          %dma_wait3A_86 = arith.constant 0 : i32
          %dma_wait3A_87 = tpu.memref_slice %arg12[%mul3A_76, %dma_wait3A_86] : memref<4096x128xf32, #tpu.memory_space<vmem_shared>> -> memref<224x128xf32, #tpu.memory_space<vmem_shared>>
          tpu.wait_dma2 semaphore(%run_scoped3A : memref<!tpu.dma_semaphore, #tpu.memory_space<semaphore_mem>>) src(%dma_wait3A_87 : memref<224x128xf32, #tpu.memory_space<vmem_shared>>) dst(%dma_wait3A_85 : memref<224x128xf32, #tpu.memory_space<hbm>>)
          tpu.yield
        }) : () -> ()
      } else {
      }
    }
    %scan3A_15 = arith.constant 20 : i32
    return
  }
}

module attributes {stable_mosaic.version = 14 : i64} {
  func.func @_dinv_body(%arg0: i32, %arg1: memref<1x512x128xf32, #tpu.memory_space<vmem>>, %arg2: memref<512x1xf32, #tpu.memory_space<vmem>>) attributes {dimension_semantics = [#tpu.dimension_semantics<arbitrary>], iteration_bounds = array<i64: 20>, scalar_prefetch = 0 : i64, scratch_operands = 0 : i64, tpu.core_type = #tpu.core_type<tc>, window_params = [{transform_indices = @transform_0, window_bounds = array<i64: 1, 512, 128>}, {transform_indices = @transform_1, window_bounds = array<i64: 512, 1>}]} {
    %get3A = arith.constant 0 : index
    %get3A_0 = arith.constant 0 : index
    %get3A_1 = arith.constant 0 : index
    %get3A_2 = vector.load %arg1[%get3A, %get3A_0, %get3A_1] : memref<1x512x128xf32, #tpu.memory_space<vmem>>, vector<1x512x128xf32>
    %get3A_3 = vector.shape_cast %get3A_2 : vector<1x512x128xf32> to vector<512x128xf32>
    %slice3A = vector.extract_strided_slice %get3A_3 {offsets = [0, 0], sizes = [512, 1], strides = [1, 1]} : vector<512x128xf32> to vector<512x1xf32>
    %add3A = arith.constant 1.000000e+00 : f32
    %add3A_4 = vector.broadcast %add3A : f32 to vector<512x1xf32>
    %add3A_5 = arith.addf %add3A_4, %slice3A : vector<512x1xf32>
    %rsqrt3A = math.rsqrt %add3A_5 : vector<512x1xf32>
    %swap3A = arith.constant 0 : index
    %swap3A_6 = arith.constant 0 : index
    %swap3A_7 = vector.load %arg2[%swap3A, %swap3A_6] : memref<512x1xf32, #tpu.memory_space<vmem>>, vector<512x1xf32>
    tpu.vector_store %arg2[%swap3A, %swap3A_6], %rsqrt3A {strides = array<i32>} : memref<512x1xf32, #tpu.memory_space<vmem>>, vector<512x1xf32>,
    return
  }
  func.func @transform_0(%arg0: i32) -> (i32, i32, i32) {
    %jit3A = arith.constant 7 : i32
    %div3A = arith.divsi %arg0, %jit3A : i32
    %sign3A = arith.constant 0 : i32
    %sign3A_0 = arith.cmpi sgt, %arg0, %sign3A : i32
    %sign3A_1 = arith.extui %sign3A_0 : i1 to i32
    %sign3A_2 = arith.constant 0 : i32
    %sign3A_3 = arith.cmpi slt, %arg0, %sign3A_2 : i32
    %sign3A_4 = arith.extui %sign3A_3 : i1 to i32
    %sign3A_5 = arith.subi %sign3A_1, %sign3A_4 : i32
    %sign3A_6 = arith.constant 0 : i32
    %sign3A_7 = arith.cmpi sgt, %jit3A, %sign3A_6 : i32
    %sign3A_8 = arith.extui %sign3A_7 : i1 to i32
    %sign3A_9 = arith.constant 0 : i32
    %sign3A_10 = arith.cmpi slt, %jit3A, %sign3A_9 : i32
    %sign3A_11 = arith.extui %sign3A_10 : i1 to i32
    %sign3A_12 = arith.subi %sign3A_8, %sign3A_11 : i32
    %ne3A = arith.cmpi ne, %sign3A_5, %sign3A_12 : i32
    %rem3A = arith.remsi %arg0, %jit3A : i32
    %ne3A_13 = arith.constant 0 : i32
    %ne3A_14 = arith.cmpi ne, %rem3A, %ne3A_13 : i32
    %and3A = arith.andi %ne3A, %ne3A_14 : i1
    %sub3A = arith.constant 1 : i32
    %sub3A_15 = arith.subi %div3A, %sub3A : i32
    %select_n3A = arith.select %and3A, %sub3A_15, %div3A : i32
    %add3A = arith.constant 36 : i32
    %add3A_16 = arith.addi %add3A, %select_n3A : i32
    %jit3A_17 = arith.constant 7 : i32
    %eq3A = arith.constant 0 : i32
    %eq3A_18 = arith.cmpi eq, %jit3A_17, %eq3A : i32
    %jit3A_19 = arith.constant 1 : i32
    %select_n3A_20 = arith.select %eq3A_18, %jit3A_19, %jit3A_17 : i32
    %rem3A_21 = arith.remsi %arg0, %select_n3A_20 : i32
    %ne3A_22 = arith.constant 0 : i32
    %ne3A_23 = arith.cmpi ne, %rem3A_21, %ne3A_22 : i32
    %lt3A = arith.constant 0 : i32
    %lt3A_24 = arith.cmpi slt, %rem3A_21, %lt3A : i32
    %lt3A_25 = arith.constant 0 : i32
    %lt3A_26 = arith.cmpi slt, %select_n3A_20, %lt3A_25 : i32
    %ne3A_27 = arith.xori %lt3A_24, %lt3A_26 : i1
    %and3A_28 = arith.andi %ne3A_27, %ne3A_23 : i1
    %add3A_29 = arith.addi %rem3A_21, %select_n3A_20 : i32
    %select_n3A_30 = arith.select %and3A_28, %add3A_29, %rem3A_21 : i32
    %c0_i32 = arith.constant 0 : i32
    %c0_i32_31 = arith.constant 0 : i32
    return %add3A_16, %select_n3A_30, %c0_i32 : i32, i32, i32
  }
  func.func @transform_1(%arg0: i32) -> (i32, i32) {
    %c0_i32 = arith.constant 0 : i32
    %c0_i32_0 = arith.constant 0 : i32
    return %arg0, %c0_i32 : i32, i32
  }
}

module attributes {stable_mosaic.version = 14 : i64} {
  func.func @_k1_body(%arg0: i32, %arg1: memref<512x12x128xf32, #tpu.memory_space<vmem>>, %arg2: memref<128x128xf32, #tpu.memory_space<vmem>>, %arg3: memref<512x1xf32, #tpu.memory_space<vmem>>, %arg4: memref<12x512x128xf32, #tpu.memory_space<vmem>>) attributes {dimension_semantics = [#tpu.dimension_semantics<arbitrary>], iteration_bounds = array<i64: 20>, scalar_prefetch = 0 : i64, scratch_operands = 0 : i64, tpu.core_type = #tpu.core_type<tc>, window_params = [{transform_indices = @transform_0, window_bounds = array<i64: 512, 12, 128>}, {pipeline_mode = #tpu.pipeline_mode<synchronous>, transform_indices = @transform_1, window_bounds = array<i64: 128, 128>}, {transform_indices = @transform_2, window_bounds = array<i64: 512, 1>}, {transform_indices = @transform_3, window_bounds = array<i64: 12, 512, 128>}]} {
    %get3A = arith.constant 0 : index
    %get3A_0 = arith.constant 0 : index
    %get3A_1 = vector.load %arg2[%get3A, %get3A_0] : memref<128x128xf32, #tpu.memory_space<vmem>>, vector<128x128xf32>
    %get3A_2 = arith.constant 0 : index
    %get3A_3 = arith.constant 0 : index
    %get3A_4 = vector.load %arg3[%get3A_2, %get3A_3] : memref<512x1xf32, #tpu.memory_space<vmem>>, vector<512x1xf32>
    %get3A_5 = arith.constant 0 : index
    %get3A_6 = arith.constant 0 : index
    %get3A_7 = arith.constant 0 : index
    %get3A_8 = vector.load %arg1[%get3A_5, %get3A_6, %get3A_7] : memref<512x12x128xf32, #tpu.memory_space<vmem>>, vector<512x1x128xf32>
    %get3A_9 = vector.shape_cast %get3A_8 : vector<512x1x128xf32> to vector<512x128xf32>
    %dot_general3A = arith.constant dense<0.000000e+00> : vector<512x128xf32>
    %dot_general3A_10 = tpu.matmul %get3A_9, %get3A_1, %dot_general3A {dimension_numbers = #tpu.dot_dimension_numbers<[1], [0], [0], [1], [0, 0, 1, 1], [], []>, transpose_lhs_hint = false} : vector<512x128xf32>, vector<128x128xf32>, vector<512x128xf32> -> vector<512x128xf32>
    %mul3A = vector.broadcast %get3A_4 : vector<512x1xf32> to vector<512x128xf32>
    %mul3A_11 = arith.mulf %dot_general3A_10, %mul3A : vector<512x128xf32>
    %swap3A = arith.constant 0 : index
    %swap3A_12 = arith.constant 0 : index
    %swap3A_13 = arith.constant 0 : index
    %swap3A_14 = vector.load %arg4[%swap3A, %swap3A_12, %swap3A_13] : memref<12x512x128xf32, #tpu.memory_space<vmem>>, vector<1x512x128xf32>
    %swap3A_15 = vector.shape_cast %swap3A_14 : vector<1x512x128xf32> to vector<512x128xf32>
    %swap3A_16 = vector.shape_cast %mul3A_11 : vector<512x128xf32> to vector<1x512x128xf32>
    tpu.vector_store %arg4[%swap3A, %swap3A_12, %swap3A_13], %swap3A_16 {strides = array<i32>} : memref<12x512x128xf32, #tpu.memory_space<vmem>>, vector<1x512x128xf32>,
    %get3A_17 = arith.constant 0 : index
    %get3A_18 = arith.constant 1 : index
    %get3A_19 = arith.constant 0 : index
    %get3A_20 = vector.load %arg1[%get3A_17, %get3A_18, %get3A_19] : memref<512x12x128xf32, #tpu.memory_space<vmem>>, vector<512x1x128xf32>
    %get3A_21 = vector.shape_cast %get3A_20 : vector<512x1x128xf32> to vector<512x128xf32>
    %dot_general3A_22 = arith.constant dense<0.000000e+00> : vector<512x128xf32>
    %dot_general3A_23 = tpu.matmul %get3A_21, %get3A_1, %dot_general3A_22 {dimension_numbers = #tpu.dot_dimension_numbers<[1], [0], [0], [1], [0, 0, 1, 1], [], []>, transpose_lhs_hint = false} : vector<512x128xf32>, vector<128x128xf32>, vector<512x128xf32> -> vector<512x128xf32>
    %mul3A_24 = vector.broadcast %get3A_4 : vector<512x1xf32> to vector<512x128xf32>
    %mul3A_25 = arith.mulf %dot_general3A_23, %mul3A_24 : vector<512x128xf32>
    %swap3A_26 = arith.constant 1 : index
    %swap3A_27 = arith.constant 0 : index
    %swap3A_28 = arith.constant 0 : index
    %swap3A_29 = vector.load %arg4[%swap3A_26, %swap3A_27, %swap3A_28] : memref<12x512x128xf32, #tpu.memory_space<vmem>>, vector<1x512x128xf32>
    %swap3A_30 = vector.shape_cast %swap3A_29 : vector<1x512x128xf32> to vector<512x128xf32>
    %swap3A_31 = vector.shape_cast %mul3A_25 : vector<512x128xf32> to vector<1x512x128xf32>
    tpu.vector_store %arg4[%swap3A_26, %swap3A_27, %swap3A_28], %swap3A_31 {strides = array<i32>} : memref<12x512x128xf32, #tpu.memory_space<vmem>>, vector<1x512x128xf32>,
    %get3A_32 = arith.constant 0 : index
    %get3A_33 = arith.constant 2 : index
    %get3A_34 = arith.constant 0 : index
    %get3A_35 = vector.load %arg1[%get3A_32, %get3A_33, %get3A_34] : memref<512x12x128xf32, #tpu.memory_space<vmem>>, vector<512x1x128xf32>
    %get3A_36 = vector.shape_cast %get3A_35 : vector<512x1x128xf32> to vector<512x128xf32>
    %dot_general3A_37 = arith.constant dense<0.000000e+00> : vector<512x128xf32>
    %dot_general3A_38 = tpu.matmul %get3A_36, %get3A_1, %dot_general3A_37 {dimension_numbers = #tpu.dot_dimension_numbers<[1], [0], [0], [1], [0, 0, 1, 1], [], []>, transpose_lhs_hint = false} : vector<512x128xf32>, vector<128x128xf32>, vector<512x128xf32> -> vector<512x128xf32>
    %mul3A_39 = vector.broadcast %get3A_4 : vector<512x1xf32> to vector<512x128xf32>
    %mul3A_40 = arith.mulf %dot_general3A_38, %mul3A_39 : vector<512x128xf32>
    %swap3A_41 = arith.constant 2 : index
    %swap3A_42 = arith.constant 0 : index
    %swap3A_43 = arith.constant 0 : index
    %swap3A_44 = vector.load %arg4[%swap3A_41, %swap3A_42, %swap3A_43] : memref<12x512x128xf32, #tpu.memory_space<vmem>>, vector<1x512x128xf32>
    %swap3A_45 = vector.shape_cast %swap3A_44 : vector<1x512x128xf32> to vector<512x128xf32>
    %swap3A_46 = vector.shape_cast %mul3A_40 : vector<512x128xf32> to vector<1x512x128xf32>
    tpu.vector_store %arg4[%swap3A_41, %swap3A_42, %swap3A_43], %swap3A_46 {strides = array<i32>} : memref<12x512x128xf32, #tpu.memory_space<vmem>>, vector<1x512x128xf32>,
    %get3A_47 = arith.constant 0 : index
    %get3A_48 = arith.constant 3 : index
    %get3A_49 = arith.constant 0 : index
    %get3A_50 = vector.load %arg1[%get3A_47, %get3A_48, %get3A_49] : memref<512x12x128xf32, #tpu.memory_space<vmem>>, vector<512x1x128xf32>
    %get3A_51 = vector.shape_cast %get3A_50 : vector<512x1x128xf32> to vector<512x128xf32>
    %dot_general3A_52 = arith.constant dense<0.000000e+00> : vector<512x128xf32>
    %dot_general3A_53 = tpu.matmul %get3A_51, %get3A_1, %dot_general3A_52 {dimension_numbers = #tpu.dot_dimension_numbers<[1], [0], [0], [1], [0, 0, 1, 1], [], []>, transpose_lhs_hint = false} : vector<512x128xf32>, vector<128x128xf32>, vector<512x128xf32> -> vector<512x128xf32>
    %mul3A_54 = vector.broadcast %get3A_4 : vector<512x1xf32> to vector<512x128xf32>
    %mul3A_55 = arith.mulf %dot_general3A_53, %mul3A_54 : vector<512x128xf32>
    %swap3A_56 = arith.constant 3 : index
    %swap3A_57 = arith.constant 0 : index
    %swap3A_58 = arith.constant 0 : index
    %swap3A_59 = vector.load %arg4[%swap3A_56, %swap3A_57, %swap3A_58] : memref<12x512x128xf32, #tpu.memory_space<vmem>>, vector<1x512x128xf32>
    %swap3A_60 = vector.shape_cast %swap3A_59 : vector<1x512x128xf32> to vector<512x128xf32>
    %swap3A_61 = vector.shape_cast %mul3A_55 : vector<512x128xf32> to vector<1x512x128xf32>
    tpu.vector_store %arg4[%swap3A_56, %swap3A_57, %swap3A_58], %swap3A_61 {strides = array<i32>} : memref<12x512x128xf32, #tpu.memory_space<vmem>>, vector<1x512x128xf32>,
    %get3A_62 = arith.constant 0 : index
    %get3A_63 = arith.constant 4 : index
    %get3A_64 = arith.constant 0 : index
    %get3A_65 = vector.load %arg1[%get3A_62, %get3A_63, %get3A_64] : memref<512x12x128xf32, #tpu.memory_space<vmem>>, vector<512x1x128xf32>
    %get3A_66 = vector.shape_cast %get3A_65 : vector<512x1x128xf32> to vector<512x128xf32>
    %dot_general3A_67 = arith.constant dense<0.000000e+00> : vector<512x128xf32>
    %dot_general3A_68 = tpu.matmul %get3A_66, %get3A_1, %dot_general3A_67 {dimension_numbers = #tpu.dot_dimension_numbers<[1], [0], [0], [1], [0, 0, 1, 1], [], []>, transpose_lhs_hint = false} : vector<512x128xf32>, vector<128x128xf32>, vector<512x128xf32> -> vector<512x128xf32>
    %mul3A_69 = vector.broadcast %get3A_4 : vector<512x1xf32> to vector<512x128xf32>
    %mul3A_70 = arith.mulf %dot_general3A_68, %mul3A_69 : vector<512x128xf32>
    %swap3A_71 = arith.constant 4 : index
    %swap3A_72 = arith.constant 0 : index
    %swap3A_73 = arith.constant 0 : index
    %swap3A_74 = vector.load %arg4[%swap3A_71, %swap3A_72, %swap3A_73] : memref<12x512x128xf32, #tpu.memory_space<vmem>>, vector<1x512x128xf32>
    %swap3A_75 = vector.shape_cast %swap3A_74 : vector<1x512x128xf32> to vector<512x128xf32>
    %swap3A_76 = vector.shape_cast %mul3A_70 : vector<512x128xf32> to vector<1x512x128xf32>
    tpu.vector_store %arg4[%swap3A_71, %swap3A_72, %swap3A_73], %swap3A_76 {strides = array<i32>} : memref<12x512x128xf32, #tpu.memory_space<vmem>>, vector<1x512x128xf32>,
    %get3A_77 = arith.constant 0 : index
    %get3A_78 = arith.constant 5 : index
    %get3A_79 = arith.constant 0 : index
    %get3A_80 = vector.load %arg1[%get3A_77, %get3A_78, %get3A_79] : memref<512x12x128xf32, #tpu.memory_space<vmem>>, vector<512x1x128xf32>
    %get3A_81 = vector.shape_cast %get3A_80 : vector<512x1x128xf32> to vector<512x128xf32>
    %dot_general3A_82 = arith.constant dense<0.000000e+00> : vector<512x128xf32>
    %dot_general3A_83 = tpu.matmul %get3A_81, %get3A_1, %dot_general3A_82 {dimension_numbers = #tpu.dot_dimension_numbers<[1], [0], [0], [1], [0, 0, 1, 1], [], []>, transpose_lhs_hint = false} : vector<512x128xf32>, vector<128x128xf32>, vector<512x128xf32> -> vector<512x128xf32>
    %mul3A_84 = vector.broadcast %get3A_4 : vector<512x1xf32> to vector<512x128xf32>
    %mul3A_85 = arith.mulf %dot_general3A_83, %mul3A_84 : vector<512x128xf32>
    %swap3A_86 = arith.constant 5 : index
    %swap3A_87 = arith.constant 0 : index
    %swap3A_88 = arith.constant 0 : index
    %swap3A_89 = vector.load %arg4[%swap3A_86, %swap3A_87, %swap3A_88] : memref<12x512x128xf32, #tpu.memory_space<vmem>>, vector<1x512x128xf32>
    %swap3A_90 = vector.shape_cast %swap3A_89 : vector<1x512x128xf32> to vector<512x128xf32>
    %swap3A_91 = vector.shape_cast %mul3A_85 : vector<512x128xf32> to vector<1x512x128xf32>
    tpu.vector_store %arg4[%swap3A_86, %swap3A_87, %swap3A_88], %swap3A_91 {strides = array<i32>} : memref<12x512x128xf32, #tpu.memory_space<vmem>>, vector<1x512x128xf32>,
    %get3A_92 = arith.constant 0 : index
    %get3A_93 = arith.constant 6 : index
    %get3A_94 = arith.constant 0 : index
    %get3A_95 = vector.load %arg1[%get3A_92, %get3A_93, %get3A_94] : memref<512x12x128xf32, #tpu.memory_space<vmem>>, vector<512x1x128xf32>
    %get3A_96 = vector.shape_cast %get3A_95 : vector<512x1x128xf32> to vector<512x128xf32>
    %dot_general3A_97 = arith.constant dense<0.000000e+00> : vector<512x128xf32>
    %dot_general3A_98 = tpu.matmul %get3A_96, %get3A_1, %dot_general3A_97 {dimension_numbers = #tpu.dot_dimension_numbers<[1], [0], [0], [1], [0, 0, 1, 1], [], []>, transpose_lhs_hint = false} : vector<512x128xf32>, vector<128x128xf32>, vector<512x128xf32> -> vector<512x128xf32>
    %mul3A_99 = vector.broadcast %get3A_4 : vector<512x1xf32> to vector<512x128xf32>
    %mul3A_100 = arith.mulf %dot_general3A_98, %mul3A_99 : vector<512x128xf32>
    %swap3A_101 = arith.constant 6 : index
    %swap3A_102 = arith.constant 0 : index
    %swap3A_103 = arith.constant 0 : index
    %swap3A_104 = vector.load %arg4[%swap3A_101, %swap3A_102, %swap3A_103] : memref<12x512x128xf32, #tpu.memory_space<vmem>>, vector<1x512x128xf32>
    %swap3A_105 = vector.shape_cast %swap3A_104 : vector<1x512x128xf32> to vector<512x128xf32>
    %swap3A_106 = vector.shape_cast %mul3A_100 : vector<512x128xf32> to vector<1x512x128xf32>
    tpu.vector_store %arg4[%swap3A_101, %swap3A_102, %swap3A_103], %swap3A_106 {strides = array<i32>} : memref<12x512x128xf32, #tpu.memory_space<vmem>>, vector<1x512x128xf32>,
    %get3A_107 = arith.constant 0 : index
    %get3A_108 = arith.constant 7 : index
    %get3A_109 = arith.constant 0 : index
    %get3A_110 = vector.load %arg1[%get3A_107, %get3A_108, %get3A_109] : memref<512x12x128xf32, #tpu.memory_space<vmem>>, vector<512x1x128xf32>
    %get3A_111 = vector.shape_cast %get3A_110 : vector<512x1x128xf32> to vector<512x128xf32>
    %dot_general3A_112 = arith.constant dense<0.000000e+00> : vector<512x128xf32>
    %dot_general3A_113 = tpu.matmul %get3A_111, %get3A_1, %dot_general3A_112 {dimension_numbers = #tpu.dot_dimension_numbers<[1], [0], [0], [1], [0, 0, 1, 1], [], []>, transpose_lhs_hint = false} : vector<512x128xf32>, vector<128x128xf32>, vector<512x128xf32> -> vector<512x128xf32>
    %mul3A_114 = vector.broadcast %get3A_4 : vector<512x1xf32> to vector<512x128xf32>
    %mul3A_115 = arith.mulf %dot_general3A_113, %mul3A_114 : vector<512x128xf32>
    %swap3A_116 = arith.constant 7 : index
    %swap3A_117 = arith.constant 0 : index
    %swap3A_118 = arith.constant 0 : index
    %swap3A_119 = vector.load %arg4[%swap3A_116, %swap3A_117, %swap3A_118] : memref<12x512x128xf32, #tpu.memory_space<vmem>>, vector<1x512x128xf32>
    %swap3A_120 = vector.shape_cast %swap3A_119 : vector<1x512x128xf32> to vector<512x128xf32>
    %swap3A_121 = vector.shape_cast %mul3A_115 : vector<512x128xf32> to vector<1x512x128xf32>
    tpu.vector_store %arg4[%swap3A_116, %swap3A_117, %swap3A_118], %swap3A_121 {strides = array<i32>} : memref<12x512x128xf32, #tpu.memory_space<vmem>>, vector<1x512x128xf32>,
    %get3A_122 = arith.constant 0 : index
    %get3A_123 = arith.constant 8 : index
    %get3A_124 = arith.constant 0 : index
    %get3A_125 = vector.load %arg1[%get3A_122, %get3A_123, %get3A_124] : memref<512x12x128xf32, #tpu.memory_space<vmem>>, vector<512x1x128xf32>
    %get3A_126 = vector.shape_cast %get3A_125 : vector<512x1x128xf32> to vector<512x128xf32>
    %dot_general3A_127 = arith.constant dense<0.000000e+00> : vector<512x128xf32>
    %dot_general3A_128 = tpu.matmul %get3A_126, %get3A_1, %dot_general3A_127 {dimension_numbers = #tpu.dot_dimension_numbers<[1], [0], [0], [1], [0, 0, 1, 1], [], []>, transpose_lhs_hint = false} : vector<512x128xf32>, vector<128x128xf32>, vector<512x128xf32> -> vector<512x128xf32>
    %mul3A_129 = vector.broadcast %get3A_4 : vector<512x1xf32> to vector<512x128xf32>
    %mul3A_130 = arith.mulf %dot_general3A_128, %mul3A_129 : vector<512x128xf32>
    %swap3A_131 = arith.constant 8 : index
    %swap3A_132 = arith.constant 0 : index
    %swap3A_133 = arith.constant 0 : index
    %swap3A_134 = vector.load %arg4[%swap3A_131, %swap3A_132, %swap3A_133] : memref<12x512x128xf32, #tpu.memory_space<vmem>>, vector<1x512x128xf32>
    %swap3A_135 = vector.shape_cast %swap3A_134 : vector<1x512x128xf32> to vector<512x128xf32>
    %swap3A_136 = vector.shape_cast %mul3A_130 : vector<512x128xf32> to vector<1x512x128xf32>
    tpu.vector_store %arg4[%swap3A_131, %swap3A_132, %swap3A_133], %swap3A_136 {strides = array<i32>} : memref<12x512x128xf32, #tpu.memory_space<vmem>>, vector<1x512x128xf32>,
    %get3A_137 = arith.constant 0 : index
    %get3A_138 = arith.constant 9 : index
    %get3A_139 = arith.constant 0 : index
    %get3A_140 = vector.load %arg1[%get3A_137, %get3A_138, %get3A_139] : memref<512x12x128xf32, #tpu.memory_space<vmem>>, vector<512x1x128xf32>
    %get3A_141 = vector.shape_cast %get3A_140 : vector<512x1x128xf32> to vector<512x128xf32>
    %dot_general3A_142 = arith.constant dense<0.000000e+00> : vector<512x128xf32>
    %dot_general3A_143 = tpu.matmul %get3A_141, %get3A_1, %dot_general3A_142 {dimension_numbers = #tpu.dot_dimension_numbers<[1], [0], [0], [1], [0, 0, 1, 1], [], []>, transpose_lhs_hint = false} : vector<512x128xf32>, vector<128x128xf32>, vector<512x128xf32> -> vector<512x128xf32>
    %mul3A_144 = vector.broadcast %get3A_4 : vector<512x1xf32> to vector<512x128xf32>
    %mul3A_145 = arith.mulf %dot_general3A_143, %mul3A_144 : vector<512x128xf32>
    %swap3A_146 = arith.constant 9 : index
    %swap3A_147 = arith.constant 0 : index
    %swap3A_148 = arith.constant 0 : index
    %swap3A_149 = vector.load %arg4[%swap3A_146, %swap3A_147, %swap3A_148] : memref<12x512x128xf32, #tpu.memory_space<vmem>>, vector<1x512x128xf32>
    %swap3A_150 = vector.shape_cast %swap3A_149 : vector<1x512x128xf32> to vector<512x128xf32>
    %swap3A_151 = vector.shape_cast %mul3A_145 : vector<512x128xf32> to vector<1x512x128xf32>
    tpu.vector_store %arg4[%swap3A_146, %swap3A_147, %swap3A_148], %swap3A_151 {strides = array<i32>} : memref<12x512x128xf32, #tpu.memory_space<vmem>>, vector<1x512x128xf32>,
    %get3A_152 = arith.constant 0 : index
    %get3A_153 = arith.constant 10 : index
    %get3A_154 = arith.constant 0 : index
    %get3A_155 = vector.load %arg1[%get3A_152, %get3A_153, %get3A_154] : memref<512x12x128xf32, #tpu.memory_space<vmem>>, vector<512x1x128xf32>
    %get3A_156 = vector.shape_cast %get3A_155 : vector<512x1x128xf32> to vector<512x128xf32>
    %dot_general3A_157 = arith.constant dense<0.000000e+00> : vector<512x128xf32>
    %dot_general3A_158 = tpu.matmul %get3A_156, %get3A_1, %dot_general3A_157 {dimension_numbers = #tpu.dot_dimension_numbers<[1], [0], [0], [1], [0, 0, 1, 1], [], []>, transpose_lhs_hint = false} : vector<512x128xf32>, vector<128x128xf32>, vector<512x128xf32> -> vector<512x128xf32>
    %mul3A_159 = vector.broadcast %get3A_4 : vector<512x1xf32> to vector<512x128xf32>
    %mul3A_160 = arith.mulf %dot_general3A_158, %mul3A_159 : vector<512x128xf32>
    %swap3A_161 = arith.constant 10 : index
    %swap3A_162 = arith.constant 0 : index
    %swap3A_163 = arith.constant 0 : index
    %swap3A_164 = vector.load %arg4[%swap3A_161, %swap3A_162, %swap3A_163] : memref<12x512x128xf32, #tpu.memory_space<vmem>>, vector<1x512x128xf32>
    %swap3A_165 = vector.shape_cast %swap3A_164 : vector<1x512x128xf32> to vector<512x128xf32>
    %swap3A_166 = vector.shape_cast %mul3A_160 : vector<512x128xf32> to vector<1x512x128xf32>
    tpu.vector_store %arg4[%swap3A_161, %swap3A_162, %swap3A_163], %swap3A_166 {strides = array<i32>} : memref<12x512x128xf32, #tpu.memory_space<vmem>>, vector<1x512x128xf32>,
    %get3A_167 = arith.constant 0 : index
    %get3A_168 = arith.constant 11 : index
    %get3A_169 = arith.constant 0 : index
    %get3A_170 = vector.load %arg1[%get3A_167, %get3A_168, %get3A_169] : memref<512x12x128xf32, #tpu.memory_space<vmem>>, vector<512x1x128xf32>
    %get3A_171 = vector.shape_cast %get3A_170 : vector<512x1x128xf32> to vector<512x128xf32>
    %dot_general3A_172 = arith.constant dense<0.000000e+00> : vector<512x128xf32>
    %dot_general3A_173 = tpu.matmul %get3A_171, %get3A_1, %dot_general3A_172 {dimension_numbers = #tpu.dot_dimension_numbers<[1], [0], [0], [1], [0, 0, 1, 1], [], []>, transpose_lhs_hint = false} : vector<512x128xf32>, vector<128x128xf32>, vector<512x128xf32> -> vector<512x128xf32>
    %mul3A_174 = vector.broadcast %get3A_4 : vector<512x1xf32> to vector<512x128xf32>
    %mul3A_175 = arith.mulf %dot_general3A_173, %mul3A_174 : vector<512x128xf32>
    %swap3A_176 = arith.constant 11 : index
    %swap3A_177 = arith.constant 0 : index
    %swap3A_178 = arith.constant 0 : index
    %swap3A_179 = vector.load %arg4[%swap3A_176, %swap3A_177, %swap3A_178] : memref<12x512x128xf32, #tpu.memory_space<vmem>>, vector<1x512x128xf32>
    %swap3A_180 = vector.shape_cast %swap3A_179 : vector<1x512x128xf32> to vector<512x128xf32>
    %swap3A_181 = vector.shape_cast %mul3A_175 : vector<512x128xf32> to vector<1x512x128xf32>
    tpu.vector_store %arg4[%swap3A_176, %swap3A_177, %swap3A_178], %swap3A_181 {strides = array<i32>} : memref<12x512x128xf32, #tpu.memory_space<vmem>>, vector<1x512x128xf32>,
    return
  }
  func.func @transform_0(%arg0: i32) -> (i32, i32, i32) {
    %c0_i32 = arith.constant 0 : i32
    %c0_i32_0 = arith.constant 0 : i32
    %c0_i32_1 = arith.constant 0 : i32
    return %arg0, %c0_i32, %c0_i32_0 : i32, i32, i32
  }
  func.func @transform_1(%arg0: i32) -> (i32, i32) {
    %c0_i32 = arith.constant 0 : i32
    %c0_i32_0 = arith.constant 0 : i32
    %c0_i32_1 = arith.constant 0 : i32
    return %c0_i32, %c0_i32_0 : i32, i32
  }
  func.func @transform_2(%arg0: i32) -> (i32, i32) {
    %c0_i32 = arith.constant 0 : i32
    %c0_i32_0 = arith.constant 0 : i32
    return %arg0, %c0_i32 : i32, i32
  }
  func.func @transform_3(%arg0: i32) -> (i32, i32, i32) {
    %c0_i32 = arith.constant 0 : i32
    %c0_i32_0 = arith.constant 0 : i32
    %c0_i32_1 = arith.constant 0 : i32
    return %c0_i32, %arg0, %c0_i32_0 : i32, i32, i32
  }
}

module attributes {stable_mosaic.version = 14 : i64} {
  func.func @_k2_body(%arg0: i32, %arg1: i32, %arg2: memref<1x512x128xf32, #tpu.memory_space<vmem>>, %arg3: memref<1x512x128xf32, #tpu.memory_space<vmem>>, %arg4: memref<512x1xf32, #tpu.memory_space<vmem>>, %arg5: memref<1x128xf32, #tpu.memory_space<vmem>>, %arg6: memref<128x128xf32, #tpu.memory_space<vmem>>, %arg7: memref<1x512x128xf32, #tpu.memory_space<vmem>>) attributes {dimension_semantics = [#tpu.dimension_semantics<arbitrary>, #tpu.dimension_semantics<arbitrary>], iteration_bounds = array<i64: 12, 20>, scalar_prefetch = 0 : i64, scratch_operands = 0 : i64, tpu.core_type = #tpu.core_type<tc>, window_params = [{transform_indices = @transform_0, window_bounds = array<i64: 1, 512, 128>}, {transform_indices = @transform_1, window_bounds = array<i64: 1, 512, 128>}, {transform_indices = @transform_2, window_bounds = array<i64: 512, 1>}, {pipeline_mode = #tpu.pipeline_mode<synchronous>, transform_indices = @transform_3, window_bounds = array<i64: 1, 128>}, {pipeline_mode = #tpu.pipeline_mode<synchronous>, transform_indices = @transform_4, window_bounds = array<i64: 128, 128>}, {transform_indices = @transform_5, window_bounds = array<i64: 1, 512, 128>}]} {
    %get3A = arith.constant 0 : index
    %get3A_0 = arith.constant 0 : index
    %get3A_1 = vector.load %arg4[%get3A, %get3A_0] : memref<512x1xf32, #tpu.memory_space<vmem>>, vector<512x1xf32>
    %get3A_2 = arith.constant 0 : index
    %get3A_3 = arith.constant 0 : index
    %get3A_4 = arith.constant 0 : index
    %get3A_5 = vector.load %arg2[%get3A_2, %get3A_3, %get3A_4] : memref<1x512x128xf32, #tpu.memory_space<vmem>>, vector<1x512x128xf32>
    %get3A_6 = vector.shape_cast %get3A_5 : vector<1x512x128xf32> to vector<512x128xf32>
    %get3A_7 = arith.constant 0 : index
    %get3A_8 = arith.constant 0 : index
    %get3A_9 = arith.constant 0 : index
    %get3A_10 = vector.load %arg3[%get3A_7, %get3A_8, %get3A_9] : memref<1x512x128xf32, #tpu.memory_space<vmem>>, vector<1x512x128xf32>
    %get3A_11 = vector.shape_cast %get3A_10 : vector<1x512x128xf32> to vector<512x128xf32>
    %add3A = arith.addf %get3A_6, %get3A_11 : vector<512x128xf32>
    %mul3A = vector.broadcast %get3A_1 : vector<512x1xf32> to vector<512x128xf32>
    %mul3A_12 = arith.mulf %mul3A, %add3A : vector<512x128xf32>
    %get3A_13 = arith.constant 0 : index
    %get3A_14 = arith.constant 0 : index
    %get3A_15 = vector.load %arg5[%get3A_13, %get3A_14] : memref<1x128xf32, #tpu.memory_space<vmem>>, vector<1x128xf32>
    %add3A_16 = vector.broadcast %get3A_15 : vector<1x128xf32> to vector<512x128xf32>
    %add3A_17 = arith.addf %mul3A_12, %add3A_16 : vector<512x128xf32>
    %max3A = arith.constant 0.000000e+00 : f32
    %max3A_18 = vector.broadcast %max3A : f32 to vector<512x128xf32>
    %max3A_19 = arith.maximumf %add3A_17, %max3A_18 : vector<512x128xf32>
    %get3A_20 = arith.constant 0 : index
    %get3A_21 = arith.constant 0 : index
    %get3A_22 = vector.load %arg6[%get3A_20, %get3A_21] : memref<128x128xf32, #tpu.memory_space<vmem>>, vector<128x128xf32>
    %dot_general3A = arith.constant dense<0.000000e+00> : vector<512x128xf32>
    %dot_general3A_23 = tpu.matmul %max3A_19, %get3A_22, %dot_general3A {dimension_numbers = #tpu.dot_dimension_numbers<[1], [0], [0], [1], [0, 0, 1, 1], [], []>, transpose_lhs_hint = false} : vector<512x128xf32>, vector<128x128xf32>, vector<512x128xf32> -> vector<512x128xf32>
    %get3A_24 = arith.constant 0 : index
    %get3A_25 = arith.constant 0 : index
    %get3A_26 = vector.load %arg4[%get3A_24, %get3A_25] : memref<512x1xf32, #tpu.memory_space<vmem>>, vector<512x1xf32>
    %mul3A_27 = vector.broadcast %get3A_26 : vector<512x1xf32> to vector<512x128xf32>
    %mul3A_28 = arith.mulf %dot_general3A_23, %mul3A_27 : vector<512x128xf32>
    %swap3A = arith.constant 0 : index
    %swap3A_29 = arith.constant 0 : index
    %swap3A_30 = arith.constant 0 : index
    %swap3A_31 = vector.load %arg7[%swap3A, %swap3A_29, %swap3A_30] : memref<1x512x128xf32, #tpu.memory_space<vmem>>, vector<1x512x128xf32>
    %swap3A_32 = vector.shape_cast %swap3A_31 : vector<1x512x128xf32> to vector<512x128xf32>
    %swap3A_33 = vector.shape_cast %mul3A_28 : vector<512x128xf32> to vector<1x512x128xf32>
    tpu.vector_store %arg7[%swap3A, %swap3A_29, %swap3A_30], %swap3A_33 {strides = array<i32>} : memref<1x512x128xf32, #tpu.memory_space<vmem>>, vector<1x512x128xf32>,
    return
  }
  func.func @transform_0(%arg0: i32, %arg1: i32) -> (i32, i32, i32) {
    %mul3A = arith.constant 3 : i32
    %mul3A_0 = arith.muli %mul3A, %arg0 : i32
    %jit3A = arith.constant 7 : i32
    %div3A = arith.divsi %arg1, %jit3A : i32
    %sign3A = arith.constant 0 : i32
    %sign3A_1 = arith.cmpi sgt, %arg1, %sign3A : i32
    %sign3A_2 = arith.extui %sign3A_1 : i1 to i32
    %sign3A_3 = arith.constant 0 : i32
    %sign3A_4 = arith.cmpi slt, %arg1, %sign3A_3 : i32
    %sign3A_5 = arith.extui %sign3A_4 : i1 to i32
    %sign3A_6 = arith.subi %sign3A_2, %sign3A_5 : i32
    %sign3A_7 = arith.constant 0 : i32
    %sign3A_8 = arith.cmpi sgt, %jit3A, %sign3A_7 : i32
    %sign3A_9 = arith.extui %sign3A_8 : i1 to i32
    %sign3A_10 = arith.constant 0 : i32
    %sign3A_11 = arith.cmpi slt, %jit3A, %sign3A_10 : i32
    %sign3A_12 = arith.extui %sign3A_11 : i1 to i32
    %sign3A_13 = arith.subi %sign3A_9, %sign3A_12 : i32
    %ne3A = arith.cmpi ne, %sign3A_6, %sign3A_13 : i32
    %rem3A = arith.remsi %arg1, %jit3A : i32
    %ne3A_14 = arith.constant 0 : i32
    %ne3A_15 = arith.cmpi ne, %rem3A, %ne3A_14 : i32
    %and3A = arith.andi %ne3A, %ne3A_15 : i1
    %sub3A = arith.constant 1 : i32
    %sub3A_16 = arith.subi %div3A, %sub3A : i32
    %select_n3A = arith.select %and3A, %sub3A_16, %div3A : i32
    %add3A = arith.addi %mul3A_0, %select_n3A : i32
    %jit3A_17 = arith.constant 7 : i32
    %eq3A = arith.constant 0 : i32
    %eq3A_18 = arith.cmpi eq, %jit3A_17, %eq3A : i32
    %jit3A_19 = arith.constant 1 : i32
    %select_n3A_20 = arith.select %eq3A_18, %jit3A_19, %jit3A_17 : i32
    %rem3A_21 = arith.remsi %arg1, %select_n3A_20 : i32
    %ne3A_22 = arith.constant 0 : i32
    %ne3A_23 = arith.cmpi ne, %rem3A_21, %ne3A_22 : i32
    %lt3A = arith.constant 0 : i32
    %lt3A_24 = arith.cmpi slt, %rem3A_21, %lt3A : i32
    %lt3A_25 = arith.constant 0 : i32
    %lt3A_26 = arith.cmpi slt, %select_n3A_20, %lt3A_25 : i32
    %ne3A_27 = arith.xori %lt3A_24, %lt3A_26 : i1
    %and3A_28 = arith.andi %ne3A_27, %ne3A_23 : i1
    %add3A_29 = arith.addi %rem3A_21, %select_n3A_20 : i32
    %select_n3A_30 = arith.select %and3A_28, %add3A_29, %rem3A_21 : i32
    %c0_i32 = arith.constant 0 : i32
    %c0_i32_31 = arith.constant 0 : i32
    return %add3A, %select_n3A_30, %c0_i32 : i32, i32, i32
  }
  func.func @transform_1(%arg0: i32, %arg1: i32) -> (i32, i32, i32) {
    %c0_i32 = arith.constant 0 : i32
    %c0_i32_0 = arith.constant 0 : i32
    return %arg0, %arg1, %c0_i32 : i32, i32, i32
  }
  func.func @transform_2(%arg0: i32, %arg1: i32) -> (i32, i32) {
    %c0_i32 = arith.constant 0 : i32
    %c0_i32_0 = arith.constant 0 : i32
    return %arg1, %c0_i32 : i32, i32
  }
  func.func @transform_3(%arg0: i32, %arg1: i32) -> (i32, i32) {
    %c0_i32 = arith.constant 0 : i32
    %c0_i32_0 = arith.constant 0 : i32
    %c0_i32_1 = arith.constant 0 : i32
    return %c0_i32, %c0_i32_0 : i32, i32
  }
  func.func @transform_4(%arg0: i32, %arg1: i32) -> (i32, i32) {
    %c0_i32 = arith.constant 0 : i32
    %c0_i32_0 = arith.constant 0 : i32
    %c0_i32_1 = arith.constant 0 : i32
    return %c0_i32, %c0_i32_0 : i32, i32
  }
  func.func @transform_5(%arg0: i32, %arg1: i32) -> (i32, i32, i32) {
    %c0_i32 = arith.constant 0 : i32
    %c0_i32_0 = arith.constant 0 : i32
    return %arg0, %arg1, %c0_i32 : i32, i32, i32
  }
}

module attributes {stable_mosaic.version = 14 : i64} {
  func.func @_k3_body(%arg0: i32, %arg1: memref<1x512x128xf32, #tpu.memory_space<vmem>>, %arg2: memref<1x512x128xf32, #tpu.memory_space<vmem>>, %arg3: memref<1x512x128xf32, #tpu.memory_space<vmem>>, %arg4: memref<1x512x128xf32, #tpu.memory_space<vmem>>, %arg5: memref<1x512x128xf32, #tpu.memory_space<vmem>>, %arg6: memref<1x512x128xf32, #tpu.memory_space<vmem>>, %arg7: memref<1x512x128xf32, #tpu.memory_space<vmem>>, %arg8: memref<1x512x128xf32, #tpu.memory_space<vmem>>, %arg9: memref<1x512x128xf32, #tpu.memory_space<vmem>>, %arg10: memref<1x512x128xf32, #tpu.memory_space<vmem>>, %arg11: memref<1x512x128xf32, #tpu.memory_space<vmem>>, %arg12: memref<1x512x128xf32, #tpu.memory_space<vmem>>, %arg13: memref<12x512x128xf32, #tpu.memory_space<vmem>>, %arg14: memref<512x1xf32, #tpu.memory_space<vmem>>, %arg15: memref<1x128xf32, #tpu.memory_space<vmem>>, %arg16: memref<1x128xf32, #tpu.memory_space<vmem>>, %arg17: memref<1x128xf32, #tpu.memory_space<vmem>>, %arg18: memref<128x512xf32, #tpu.memory_space<vmem>>, %arg19: memref<128x512xf32, #tpu.memory_space<vmem>>, %arg20: memref<1x512xf32, #tpu.memory_space<vmem>>, %arg21: memref<1x128xf32, #tpu.memory_space<vmem>>, %arg22: memref<1x128xf32, #tpu.memory_space<vmem>>, %arg23: memref<128x128xf32, #tpu.memory_space<vmem>>, %arg24: memref<1x128xf32, #tpu.memory_space<vmem>>, %arg25: memref<128x128xf32, #tpu.memory_space<vmem>>, %arg26: memref<1x128xf32, #tpu.memory_space<vmem>>, %arg27: memref<512x12x128xf32, #tpu.memory_space<vmem>>, %arg28: memref<1x512x128xf32, #tpu.memory_space<vmem>>, %arg29: memref<1x512x128xf32, #tpu.memory_space<vmem>>) attributes {dimension_semantics = [#tpu.dimension_semantics<arbitrary>], iteration_bounds = array<i64: 20>, scalar_prefetch = 0 : i64, scratch_operands = 0 : i64, tpu.core_type = #tpu.core_type<tc>, window_params = [{transform_indices = @transform_0, window_bounds = array<i64: 1, 512, 128>}, {transform_indices = @transform_1, window_bounds = array<i64: 1, 512, 128>}, {transform_indices = @transform_2, window_bounds = array<i64: 1, 512, 128>}, {transform_indices = @transform_3, window_bounds = array<i64: 1, 512, 128>}, {transform_indices = @transform_4, window_bounds = array<i64: 1, 512, 128>}, {transform_indices = @transform_5, window_bounds = array<i64: 1, 512, 128>}, {transform_indices = @transform_6, window_bounds = array<i64: 1, 512, 128>}, {transform_indices = @transform_7, window_bounds = array<i64: 1, 512, 128>}, {transform_indices = @transform_8, window_bounds = array<i64: 1, 512, 128>}, {transform_indices = @transform_9, window_bounds = array<i64: 1, 512, 128>}, {transform_indices = @transform_10, window_bounds = array<i64: 1, 512, 128>}, {transform_indices = @transform_11, window_bounds = array<i64: 1, 512, 128>}, {transform_indices = @transform_12, window_bounds = array<i64: 12, 512, 128>}, {transform_indices = @transform_13, window_bounds = array<i64: 512, 1>}, {pipeline_mode = #tpu.pipeline_mode<synchronous>, transform_indices = @transform_14, window_bounds = array<i64: 1, 128>}, {pipeline_mode = #tpu.pipeline_mode<synchronous>, transform_indices = @transform_15, window_bounds = array<i64: 1, 128>}, {pipeline_mode = #tpu.pipeline_mode<synchronous>, transform_indices = @transform_16, window_bounds = array<i64: 1, 128>}, {pipeline_mode = #tpu.pipeline_mode<synchronous>, transform_indices = @transform_17, window_bounds = array<i64: 128, 512>}, {pipeline_mode = #tpu.pipeline_mode<synchronous>, transform_indices = @transform_18, window_bounds = array<i64: 128, 512>}, {pipeline_mode = #tpu.pipeline_mode<synchronous>, transform_indices = @transform_19, window_bounds = array<i64: 1, 512>}, {pipeline_mode = #tpu.pipeline_mode<synchronous>, transform_indices = @transform_20, window_bounds = array<i64: 1, 128>}, {pipeline_mode = #tpu.pipeline_mode<synchronous>, transform_indices = @transform_21, window_bounds = array<i64: 1, 128>}, {pipeline_mode = #tpu.pipeline_mode<synchronous>, transform_indices = @transform_22, window_bounds = array<i64: 128, 128>}, {pipeline_mode = #tpu.pipeline_mode<synchronous>, transform_indices = @transform_23, window_bounds = array<i64: 1, 128>}, {pipeline_mode = #tpu.pipeline_mode<synchronous>, transform_indices = @transform_24, window_bounds = array<i64: 128, 128>}, {pipeline_mode = #tpu.pipeline_mode<synchronous>, transform_indices = @transform_25, window_bounds = array<i64: 1, 128>}, {transform_indices = @transform_26, window_bounds = array<i64: 512, 12, 128>}, {transform_indices = @transform_27, window_bounds = array<i64: 1, 512, 128>}, {transform_indices = @transform_28, window_bounds = array<i64: 1, 512, 128>}]} {
    %get3A = arith.constant 0 : index
    %get3A_0 = arith.constant 0 : index
    %get3A_1 = vector.load %arg14[%get3A, %get3A_0] : memref<512x1xf32, #tpu.memory_space<vmem>>, vector<512x1xf32>
    %get3A_2 = arith.constant 0 : index
    %get3A_3 = arith.constant 0 : index
    %get3A_4 = vector.load %arg16[%get3A_2, %get3A_3] : memref<1x128xf32, #tpu.memory_space<vmem>>, vector<1x128xf32>
    %get3A_5 = arith.constant 0 : index
    %get3A_6 = arith.constant 0 : index
    %get3A_7 = vector.load %arg17[%get3A_5, %get3A_6] : memref<1x128xf32, #tpu.memory_space<vmem>>, vector<1x128xf32>
    %get3A_8 = arith.constant 0 : index
    %get3A_9 = arith.constant 0 : index
    %get3A_10 = vector.load %arg18[%get3A_8, %get3A_9] : memref<128x512xf32, #tpu.memory_space<vmem>>, vector<128x512xf32>
    %get3A_11 = arith.constant 0 : index
    %get3A_12 = arith.constant 0 : index
    %get3A_13 = vector.load %arg19[%get3A_11, %get3A_12] : memref<128x512xf32, #tpu.memory_space<vmem>>, vector<128x512xf32>
    %get3A_14 = arith.constant 0 : index
    %get3A_15 = arith.constant 0 : index
    %get3A_16 = vector.load %arg20[%get3A_14, %get3A_15] : memref<1x512xf32, #tpu.memory_space<vmem>>, vector<1x512xf32>
    %get3A_17 = arith.constant 0 : index
    %get3A_18 = arith.constant 0 : index
    %get3A_19 = vector.load %arg21[%get3A_17, %get3A_18] : memref<1x128xf32, #tpu.memory_space<vmem>>, vector<1x128xf32>
    %get3A_20 = arith.constant 0 : index
    %get3A_21 = arith.constant 0 : index
    %get3A_22 = vector.load %arg22[%get3A_20, %get3A_21] : memref<1x128xf32, #tpu.memory_space<vmem>>, vector<1x128xf32>
    %broadcast_in_dim3A = arith.constant 0.000000e+00 : f32
    %broadcast_in_dim3A_23 = vector.broadcast %broadcast_in_dim3A : f32 to vector<512x128xf32>
    %broadcast_in_dim3A_24 = arith.constant 0.000000e+00 : f32
    %broadcast_in_dim3A_25 = vector.broadcast %broadcast_in_dim3A_24 : f32 to vector<512x128xf32>
    %get3A_26 = arith.constant 0 : index
    %get3A_27 = arith.constant 0 : index
    %get3A_28 = arith.constant 0 : index
    %get3A_29 = vector.load %arg1[%get3A_26, %get3A_27, %get3A_28] : memref<1x512x128xf32, #tpu.memory_space<vmem>>, vector<1x512x128xf32>
    %get3A_30 = vector.shape_cast %get3A_29 : vector<1x512x128xf32> to vector<512x128xf32>
    %get3A_31 = arith.constant 0 : index
    %get3A_32 = arith.constant 0 : index
    %get3A_33 = arith.constant 0 : index
    %get3A_34 = vector.load %arg13[%get3A_31, %get3A_32, %get3A_33] : memref<12x512x128xf32, #tpu.memory_space<vmem>>, vector<1x512x128xf32>
    %get3A_35 = vector.shape_cast %get3A_34 : vector<1x512x128xf32> to vector<512x128xf32>
    %add3A = arith.addf %get3A_30, %get3A_35 : vector<512x128xf32>
    %mul3A = vector.broadcast %get3A_1 : vector<512x1xf32> to vector<512x128xf32>
    %mul3A_36 = arith.mulf %mul3A, %add3A : vector<512x128xf32>
    %get3A_37 = arith.constant 0 : index
    %get3A_38 = arith.constant 0 : index
    %get3A_39 = vector.load %arg15[%get3A_37, %get3A_38] : memref<1x128xf32, #tpu.memory_space<vmem>>, vector<1x128xf32>
    %add3A_40 = vector.broadcast %get3A_39 : vector<1x128xf32> to vector<512x128xf32>
    %add3A_41 = arith.addf %mul3A_36, %add3A_40 : vector<512x128xf32>
    %reduce_sum3A = arith.constant dense<0.000000e+00> : vector<512xf32>
    %reduce_sum3A_42 = vector.multi_reduction <add>, %add3A_41, %reduce_sum3A [1] : vector<512x128xf32> to vector<512xf32>
    %broadcast_in_dim3A_43 = vector.shape_cast %reduce_sum3A_42 : vector<512xf32> to vector<512x1xf32>
    %div3A = arith.constant 1.280000e+02 : f32
    %div3A_44 = vector.broadcast %div3A : f32 to vector<512x1xf32>
    %div3A_45 = arith.divf %broadcast_in_dim3A_43, %div3A_44 : vector<512x1xf32>
    %mul3A_46 = arith.mulf %add3A_41, %add3A_41 : vector<512x128xf32>
    %reduce_sum3A_47 = arith.constant dense<0.000000e+00> : vector<512xf32>
    %reduce_sum3A_48 = vector.multi_reduction <add>, %mul3A_46, %reduce_sum3A_47 [1] : vector<512x128xf32> to vector<512xf32>
    %broadcast_in_dim3A_49 = vector.shape_cast %reduce_sum3A_48 : vector<512xf32> to vector<512x1xf32>
    %div3A_50 = arith.constant 1.280000e+02 : f32
    %div3A_51 = vector.broadcast %div3A_50 : f32 to vector<512x1xf32>
    %div3A_52 = arith.divf %broadcast_in_dim3A_49, %div3A_51 : vector<512x1xf32>
    %mul3A_53 = arith.mulf %div3A_45, %div3A_45 : vector<512x1xf32>
    %sub3A = arith.subf %div3A_52, %mul3A_53 : vector<512x1xf32>
    %sub3A_54 = vector.broadcast %div3A_45 : vector<512x1xf32> to vector<512x128xf32>
    %sub3A_55 = arith.subf %add3A_41, %sub3A_54 : vector<512x128xf32>
    %add3A_56 = arith.constant 9.99999974E-6 : f32
    %add3A_57 = vector.broadcast %add3A_56 : f32 to vector<512x1xf32>
    %add3A_58 = arith.addf %sub3A, %add3A_57 : vector<512x1xf32>
    %rsqrt3A = math.rsqrt %add3A_58 : vector<512x1xf32>
    %mul3A_59 = vector.broadcast %rsqrt3A : vector<512x1xf32> to vector<512x128xf32>
    %mul3A_60 = arith.mulf %sub3A_55, %mul3A_59 : vector<512x128xf32>
    %mul3A_61 = vector.broadcast %get3A_4 : vector<1x128xf32> to vector<512x128xf32>
    %mul3A_62 = arith.mulf %mul3A_60, %mul3A_61 : vector<512x128xf32>
    %add3A_63 = vector.broadcast %get3A_7 : vector<1x128xf32> to vector<512x128xf32>
    %add3A_64 = arith.addf %mul3A_62, %add3A_63 : vector<512x128xf32>
    %dot_general3A = arith.constant dense<0.000000e+00> : vector<512x512xf32>
    %dot_general3A_65 = tpu.matmul %add3A_64, %get3A_10, %dot_general3A {dimension_numbers = #tpu.dot_dimension_numbers<[1], [0], [0], [1], [0, 0, 1, 1], [], []>, transpose_lhs_hint = false} : vector<512x128xf32>, vector<128x512xf32>, vector<512x512xf32> -> vector<512x512xf32>
    %dot_general3A_66 = arith.constant dense<0.000000e+00> : vector<512x512xf32>
    %dot_general3A_67 = tpu.matmul %broadcast_in_dim3A_23, %get3A_13, %dot_general3A_66 {dimension_numbers = #tpu.dot_dimension_numbers<[1], [0], [0], [1], [0, 0, 1, 1], [], []>, transpose_lhs_hint = false} : vector<512x128xf32>, vector<128x512xf32>, vector<512x512xf32> -> vector<512x512xf32>
    %add3A_68 = arith.addf %dot_general3A_65, %dot_general3A_67 : vector<512x512xf32>
    %add3A_69 = vector.broadcast %get3A_16 : vector<1x512xf32> to vector<512x512xf32>
    %add3A_70 = arith.addf %add3A_68, %add3A_69 : vector<512x512xf32>
    %slice3A = vector.extract_strided_slice %add3A_70 {offsets = [0, 0], sizes = [512, 128], strides = [1, 1]} : vector<512x512xf32> to vector<512x128xf32>
    %logistic3A = arith.negf %slice3A : vector<512x128xf32>
    %logistic3A_71 = math.exp %logistic3A : vector<512x128xf32>
    %logistic3A_72 = arith.constant 1.000000e+00 : f32
    %logistic3A_73 = vector.broadcast %logistic3A_72 : f32 to vector<512x128xf32>
    %logistic3A_74 = arith.addf %logistic3A_73, %logistic3A_71 : vector<512x128xf32>
    %logistic3A_75 = arith.divf %logistic3A_73, %logistic3A_74 : vector<512x128xf32>
    %slice3A_76 = vector.extract_strided_slice %add3A_70 {offsets = [0, 128], sizes = [512, 128], strides = [1, 1]} : vector<512x512xf32> to vector<512x128xf32>
    %logistic3A_77 = arith.negf %slice3A_76 : vector<512x128xf32>
    %logistic3A_78 = math.exp %logistic3A_77 : vector<512x128xf32>
    %logistic3A_79 = arith.constant 1.000000e+00 : f32
    %logistic3A_80 = vector.broadcast %logistic3A_79 : f32 to vector<512x128xf32>
    %logistic3A_81 = arith.addf %logistic3A_80, %logistic3A_78 : vector<512x128xf32>
    %logistic3A_82 = arith.divf %logistic3A_80, %logistic3A_81 : vector<512x128xf32>
    %slice3A_83 = vector.extract_strided_slice %add3A_70 {offsets = [0, 256], sizes = [512, 128], strides = [1, 1]} : vector<512x512xf32> to vector<512x128xf32>
    %tanh3A = math.tanh %slice3A_83 : vector<512x128xf32>
    %slice3A_84 = vector.extract_strided_slice %add3A_70 {offsets = [0, 384], sizes = [512, 128], strides = [1, 1]} : vector<512x512xf32> to vector<512x128xf32>
    %logistic3A_85 = arith.negf %slice3A_84 : vector<512x128xf32>
    %logistic3A_86 = math.exp %logistic3A_85 : vector<512x128xf32>
    %logistic3A_87 = arith.constant 1.000000e+00 : f32
    %logistic3A_88 = vector.broadcast %logistic3A_87 : f32 to vector<512x128xf32>
    %logistic3A_89 = arith.addf %logistic3A_88, %logistic3A_86 : vector<512x128xf32>
    %logistic3A_90 = arith.divf %logistic3A_88, %logistic3A_89 : vector<512x128xf32>
    %mul3A_91 = arith.mulf %logistic3A_82, %broadcast_in_dim3A_25 : vector<512x128xf32>
    %mul3A_92 = arith.mulf %logistic3A_75, %tanh3A : vector<512x128xf32>
    %add3A_93 = arith.addf %mul3A_91, %mul3A_92 : vector<512x128xf32>
    %tanh3A_94 = math.tanh %add3A_93 : vector<512x128xf32>
    %mul3A_95 = arith.mulf %logistic3A_90, %tanh3A_94 : vector<512x128xf32>
    %reduce_sum3A_96 = arith.constant dense<0.000000e+00> : vector<512xf32>
    %reduce_sum3A_97 = vector.multi_reduction <add>, %mul3A_95, %reduce_sum3A_96 [1] : vector<512x128xf32> to vector<512xf32>
    %broadcast_in_dim3A_98 = vector.shape_cast %reduce_sum3A_97 : vector<512xf32> to vector<512x1xf32>
    %div3A_99 = arith.constant 1.280000e+02 : f32
    %div3A_100 = vector.broadcast %div3A_99 : f32 to vector<512x1xf32>
    %div3A_101 = arith.divf %broadcast_in_dim3A_98, %div3A_100 : vector<512x1xf32>
    %mul3A_102 = arith.mulf %mul3A_95, %mul3A_95 : vector<512x128xf32>
    %reduce_sum3A_103 = arith.constant dense<0.000000e+00> : vector<512xf32>
    %reduce_sum3A_104 = vector.multi_reduction <add>, %mul3A_102, %reduce_sum3A_103 [1] : vector<512x128xf32> to vector<512xf32>
    %broadcast_in_dim3A_105 = vector.shape_cast %reduce_sum3A_104 : vector<512xf32> to vector<512x1xf32>
    %div3A_106 = arith.constant 1.280000e+02 : f32
    %div3A_107 = vector.broadcast %div3A_106 : f32 to vector<512x1xf32>
    %div3A_108 = arith.divf %broadcast_in_dim3A_105, %div3A_107 : vector<512x1xf32>
    %mul3A_109 = arith.mulf %div3A_101, %div3A_101 : vector<512x1xf32>
    %sub3A_110 = arith.subf %div3A_108, %mul3A_109 : vector<512x1xf32>
    %sub3A_111 = vector.broadcast %div3A_101 : vector<512x1xf32> to vector<512x128xf32>
    %sub3A_112 = arith.subf %mul3A_95, %sub3A_111 : vector<512x128xf32>
    %add3A_113 = arith.constant 9.99999974E-6 : f32
    %add3A_114 = vector.broadcast %add3A_113 : f32 to vector<512x1xf32>
    %add3A_115 = arith.addf %sub3A_110, %add3A_114 : vector<512x1xf32>
    %rsqrt3A_116 = math.rsqrt %add3A_115 : vector<512x1xf32>
    %mul3A_117 = vector.broadcast %rsqrt3A_116 : vector<512x1xf32> to vector<512x128xf32>
    %mul3A_118 = arith.mulf %sub3A_112, %mul3A_117 : vector<512x128xf32>
    %mul3A_119 = vector.broadcast %get3A_19 : vector<1x128xf32> to vector<512x128xf32>
    %mul3A_120 = arith.mulf %mul3A_118, %mul3A_119 : vector<512x128xf32>
    %add3A_121 = vector.broadcast %get3A_22 : vector<1x128xf32> to vector<512x128xf32>
    %add3A_122 = arith.addf %mul3A_120, %add3A_121 : vector<512x128xf32>
    %swap3A = arith.constant 0 : index
    %swap3A_123 = arith.constant 0 : index
    %swap3A_124 = arith.constant 0 : index
    %swap3A_125 = vector.load %arg27[%swap3A, %swap3A_123, %swap3A_124] : memref<512x12x128xf32, #tpu.memory_space<vmem>>, vector<512x1x128xf32>
    %swap3A_126 = vector.shape_cast %swap3A_125 : vector<512x1x128xf32> to vector<512x128xf32>
    %swap3A_127 = vector.shape_cast %add3A_122 : vector<512x128xf32> to vector<512x1x128xf32>
    tpu.vector_store %arg27[%swap3A, %swap3A_123, %swap3A_124], %swap3A_127 {strides = array<i32>} : memref<512x12x128xf32, #tpu.memory_space<vmem>>, vector<512x1x128xf32>,
    %get3A_128 = arith.constant 0 : index
    %get3A_129 = arith.constant 0 : index
    %get3A_130 = arith.constant 0 : index
    %get3A_131 = vector.load %arg2[%get3A_128, %get3A_129, %get3A_130] : memref<1x512x128xf32, #tpu.memory_space<vmem>>, vector<1x512x128xf32>
    %get3A_132 = vector.shape_cast %get3A_131 : vector<1x512x128xf32> to vector<512x128xf32>
    %get3A_133 = arith.constant 1 : index
    %get3A_134 = arith.constant 0 : index
    %get3A_135 = arith.constant 0 : index
    %get3A_136 = vector.load %arg13[%get3A_133, %get3A_134, %get3A_135] : memref<12x512x128xf32, #tpu.memory_space<vmem>>, vector<1x512x128xf32>
    %get3A_137 = vector.shape_cast %get3A_136 : vector<1x512x128xf32> to vector<512x128xf32>
    %add3A_138 = arith.addf %get3A_132, %get3A_137 : vector<512x128xf32>
    %mul3A_139 = vector.broadcast %get3A_1 : vector<512x1xf32> to vector<512x128xf32>
    %mul3A_140 = arith.mulf %mul3A_139, %add3A_138 : vector<512x128xf32>
    %get3A_141 = arith.constant 0 : index
    %get3A_142 = arith.constant 0 : index
    %get3A_143 = vector.load %arg15[%get3A_141, %get3A_142] : memref<1x128xf32, #tpu.memory_space<vmem>>, vector<1x128xf32>
    %add3A_144 = vector.broadcast %get3A_143 : vector<1x128xf32> to vector<512x128xf32>
    %add3A_145 = arith.addf %mul3A_140, %add3A_144 : vector<512x128xf32>
    %reduce_sum3A_146 = arith.constant dense<0.000000e+00> : vector<512xf32>
    %reduce_sum3A_147 = vector.multi_reduction <add>, %add3A_145, %reduce_sum3A_146 [1] : vector<512x128xf32> to vector<512xf32>
    %broadcast_in_dim3A_148 = vector.shape_cast %reduce_sum3A_147 : vector<512xf32> to vector<512x1xf32>
    %div3A_149 = arith.constant 1.280000e+02 : f32
    %div3A_150 = vector.broadcast %div3A_149 : f32 to vector<512x1xf32>
    %div3A_151 = arith.divf %broadcast_in_dim3A_148, %div3A_150 : vector<512x1xf32>
    %mul3A_152 = arith.mulf %add3A_145, %add3A_145 : vector<512x128xf32>
    %reduce_sum3A_153 = arith.constant dense<0.000000e+00> : vector<512xf32>
    %reduce_sum3A_154 = vector.multi_reduction <add>, %mul3A_152, %reduce_sum3A_153 [1] : vector<512x128xf32> to vector<512xf32>
    %broadcast_in_dim3A_155 = vector.shape_cast %reduce_sum3A_154 : vector<512xf32> to vector<512x1xf32>
    %div3A_156 = arith.constant 1.280000e+02 : f32
    %div3A_157 = vector.broadcast %div3A_156 : f32 to vector<512x1xf32>
    %div3A_158 = arith.divf %broadcast_in_dim3A_155, %div3A_157 : vector<512x1xf32>
    %mul3A_159 = arith.mulf %div3A_151, %div3A_151 : vector<512x1xf32>
    %sub3A_160 = arith.subf %div3A_158, %mul3A_159 : vector<512x1xf32>
    %sub3A_161 = vector.broadcast %div3A_151 : vector<512x1xf32> to vector<512x128xf32>
    %sub3A_162 = arith.subf %add3A_145, %sub3A_161 : vector<512x128xf32>
    %add3A_163 = arith.constant 9.99999974E-6 : f32
    %add3A_164 = vector.broadcast %add3A_163 : f32 to vector<512x1xf32>
    %add3A_165 = arith.addf %sub3A_160, %add3A_164 : vector<512x1xf32>
    %rsqrt3A_166 = math.rsqrt %add3A_165 : vector<512x1xf32>
    %mul3A_167 = vector.broadcast %rsqrt3A_166 : vector<512x1xf32> to vector<512x128xf32>
    %mul3A_168 = arith.mulf %sub3A_162, %mul3A_167 : vector<512x128xf32>
    %mul3A_169 = vector.broadcast %get3A_4 : vector<1x128xf32> to vector<512x128xf32>
    %mul3A_170 = arith.mulf %mul3A_168, %mul3A_169 : vector<512x128xf32>
    %add3A_171 = vector.broadcast %get3A_7 : vector<1x128xf32> to vector<512x128xf32>
    %add3A_172 = arith.addf %mul3A_170, %add3A_171 : vector<512x128xf32>
    %dot_general3A_173 = arith.constant dense<0.000000e+00> : vector<512x512xf32>
    %dot_general3A_174 = tpu.matmul %add3A_172, %get3A_10, %dot_general3A_173 {dimension_numbers = #tpu.dot_dimension_numbers<[1], [0], [0], [1], [0, 0, 1, 1], [], []>, transpose_lhs_hint = false} : vector<512x128xf32>, vector<128x512xf32>, vector<512x512xf32> -> vector<512x512xf32>
    %dot_general3A_175 = arith.constant dense<0.000000e+00> : vector<512x512xf32>
    %dot_general3A_176 = tpu.matmul %mul3A_95, %get3A_13, %dot_general3A_175 {dimension_numbers = #tpu.dot_dimension_numbers<[1], [0], [0], [1], [0, 0, 1, 1], [], []>, transpose_lhs_hint = false} : vector<512x128xf32>, vector<128x512xf32>, vector<512x512xf32> -> vector<512x512xf32>
    %add3A_177 = arith.addf %dot_general3A_174, %dot_general3A_176 : vector<512x512xf32>
    %add3A_178 = vector.broadcast %get3A_16 : vector<1x512xf32> to vector<512x512xf32>
    %add3A_179 = arith.addf %add3A_177, %add3A_178 : vector<512x512xf32>
    %slice3A_180 = vector.extract_strided_slice %add3A_179 {offsets = [0, 0], sizes = [512, 128], strides = [1, 1]} : vector<512x512xf32> to vector<512x128xf32>
    %logistic3A_181 = arith.negf %slice3A_180 : vector<512x128xf32>
    %logistic3A_182 = math.exp %logistic3A_181 : vector<512x128xf32>
    %logistic3A_183 = arith.constant 1.000000e+00 : f32
    %logistic3A_184 = vector.broadcast %logistic3A_183 : f32 to vector<512x128xf32>
    %logistic3A_185 = arith.addf %logistic3A_184, %logistic3A_182 : vector<512x128xf32>
    %logistic3A_186 = arith.divf %logistic3A_184, %logistic3A_185 : vector<512x128xf32>
    %slice3A_187 = vector.extract_strided_slice %add3A_179 {offsets = [0, 128], sizes = [512, 128], strides = [1, 1]} : vector<512x512xf32> to vector<512x128xf32>
    %logistic3A_188 = arith.negf %slice3A_187 : vector<512x128xf32>
    %logistic3A_189 = math.exp %logistic3A_188 : vector<512x128xf32>
    %logistic3A_190 = arith.constant 1.000000e+00 : f32
    %logistic3A_191 = vector.broadcast %logistic3A_190 : f32 to vector<512x128xf32>
    %logistic3A_192 = arith.addf %logistic3A_191, %logistic3A_189 : vector<512x128xf32>
    %logistic3A_193 = arith.divf %logistic3A_191, %logistic3A_192 : vector<512x128xf32>
    %slice3A_194 = vector.extract_strided_slice %add3A_179 {offsets = [0, 256], sizes = [512, 128], strides = [1, 1]} : vector<512x512xf32> to vector<512x128xf32>
    %tanh3A_195 = math.tanh %slice3A_194 : vector<512x128xf32>
    %slice3A_196 = vector.extract_strided_slice %add3A_179 {offsets = [0, 384], sizes = [512, 128], strides = [1, 1]} : vector<512x512xf32> to vector<512x128xf32>
    %logistic3A_197 = arith.negf %slice3A_196 : vector<512x128xf32>
    %logistic3A_198 = math.exp %logistic3A_197 : vector<512x128xf32>
    %logistic3A_199 = arith.constant 1.000000e+00 : f32
    %logistic3A_200 = vector.broadcast %logistic3A_199 : f32 to vector<512x128xf32>
    %logistic3A_201 = arith.addf %logistic3A_200, %logistic3A_198 : vector<512x128xf32>
    %logistic3A_202 = arith.divf %logistic3A_200, %logistic3A_201 : vector<512x128xf32>
    %mul3A_203 = arith.mulf %logistic3A_193, %add3A_93 : vector<512x128xf32>
    %mul3A_204 = arith.mulf %logistic3A_186, %tanh3A_195 : vector<512x128xf32>
    %add3A_205 = arith.addf %mul3A_203, %mul3A_204 : vector<512x128xf32>
    %tanh3A_206 = math.tanh %add3A_205 : vector<512x128xf32>
    %mul3A_207 = arith.mulf %logistic3A_202, %tanh3A_206 : vector<512x128xf32>
    %reduce_sum3A_208 = arith.constant dense<0.000000e+00> : vector<512xf32>
    %reduce_sum3A_209 = vector.multi_reduction <add>, %mul3A_207, %reduce_sum3A_208 [1] : vector<512x128xf32> to vector<512xf32>
    %broadcast_in_dim3A_210 = vector.shape_cast %reduce_sum3A_209 : vector<512xf32> to vector<512x1xf32>
    %div3A_211 = arith.constant 1.280000e+02 : f32
    %div3A_212 = vector.broadcast %div3A_211 : f32 to vector<512x1xf32>
    %div3A_213 = arith.divf %broadcast_in_dim3A_210, %div3A_212 : vector<512x1xf32>
    %mul3A_214 = arith.mulf %mul3A_207, %mul3A_207 : vector<512x128xf32>
    %reduce_sum3A_215 = arith.constant dense<0.000000e+00> : vector<512xf32>
    %reduce_sum3A_216 = vector.multi_reduction <add>, %mul3A_214, %reduce_sum3A_215 [1] : vector<512x128xf32> to vector<512xf32>
    %broadcast_in_dim3A_217 = vector.shape_cast %reduce_sum3A_216 : vector<512xf32> to vector<512x1xf32>
    %div3A_218 = arith.constant 1.280000e+02 : f32
    %div3A_219 = vector.broadcast %div3A_218 : f32 to vector<512x1xf32>
    %div3A_220 = arith.divf %broadcast_in_dim3A_217, %div3A_219 : vector<512x1xf32>
    %mul3A_221 = arith.mulf %div3A_213, %div3A_213 : vector<512x1xf32>
    %sub3A_222 = arith.subf %div3A_220, %mul3A_221 : vector<512x1xf32>
    %sub3A_223 = vector.broadcast %div3A_213 : vector<512x1xf32> to vector<512x128xf32>
    %sub3A_224 = arith.subf %mul3A_207, %sub3A_223 : vector<512x128xf32>
    %add3A_225 = arith.constant 9.99999974E-6 : f32
    %add3A_226 = vector.broadcast %add3A_225 : f32 to vector<512x1xf32>
    %add3A_227 = arith.addf %sub3A_222, %add3A_226 : vector<512x1xf32>
    %rsqrt3A_228 = math.rsqrt %add3A_227 : vector<512x1xf32>
    %mul3A_229 = vector.broadcast %rsqrt3A_228 : vector<512x1xf32> to vector<512x128xf32>
    %mul3A_230 = arith.mulf %sub3A_224, %mul3A_229 : vector<512x128xf32>
    %mul3A_231 = vector.broadcast %get3A_19 : vector<1x128xf32> to vector<512x128xf32>
    %mul3A_232 = arith.mulf %mul3A_230, %mul3A_231 : vector<512x128xf32>
    %add3A_233 = vector.broadcast %get3A_22 : vector<1x128xf32> to vector<512x128xf32>
    %add3A_234 = arith.addf %mul3A_232, %add3A_233 : vector<512x128xf32>
    %swap3A_235 = arith.constant 0 : index
    %swap3A_236 = arith.constant 1 : index
    %swap3A_237 = arith.constant 0 : index
    %swap3A_238 = vector.load %arg27[%swap3A_235, %swap3A_236, %swap3A_237] : memref<512x12x128xf32, #tpu.memory_space<vmem>>, vector<512x1x128xf32>
    %swap3A_239 = vector.shape_cast %swap3A_238 : vector<512x1x128xf32> to vector<512x128xf32>
    %swap3A_240 = vector.shape_cast %add3A_234 : vector<512x128xf32> to vector<512x1x128xf32>
    tpu.vector_store %arg27[%swap3A_235, %swap3A_236, %swap3A_237], %swap3A_240 {strides = array<i32>} : memref<512x12x128xf32, #tpu.memory_space<vmem>>, vector<512x1x128xf32>,
    %get3A_241 = arith.constant 0 : index
    %get3A_242 = arith.constant 0 : index
    %get3A_243 = arith.constant 0 : index
    %get3A_244 = vector.load %arg3[%get3A_241, %get3A_242, %get3A_243] : memref<1x512x128xf32, #tpu.memory_space<vmem>>, vector<1x512x128xf32>
    %get3A_245 = vector.shape_cast %get3A_244 : vector<1x512x128xf32> to vector<512x128xf32>
    %get3A_246 = arith.constant 2 : index
    %get3A_247 = arith.constant 0 : index
    %get3A_248 = arith.constant 0 : index
    %get3A_249 = vector.load %arg13[%get3A_246, %get3A_247, %get3A_248] : memref<12x512x128xf32, #tpu.memory_space<vmem>>, vector<1x512x128xf32>
    %get3A_250 = vector.shape_cast %get3A_249 : vector<1x512x128xf32> to vector<512x128xf32>
    %add3A_251 = arith.addf %get3A_245, %get3A_250 : vector<512x128xf32>
    %mul3A_252 = vector.broadcast %get3A_1 : vector<512x1xf32> to vector<512x128xf32>
    %mul3A_253 = arith.mulf %mul3A_252, %add3A_251 : vector<512x128xf32>
    %get3A_254 = arith.constant 0 : index
    %get3A_255 = arith.constant 0 : index
    %get3A_256 = vector.load %arg15[%get3A_254, %get3A_255] : memref<1x128xf32, #tpu.memory_space<vmem>>, vector<1x128xf32>
    %add3A_257 = vector.broadcast %get3A_256 : vector<1x128xf32> to vector<512x128xf32>
    %add3A_258 = arith.addf %mul3A_253, %add3A_257 : vector<512x128xf32>
    %reduce_sum3A_259 = arith.constant dense<0.000000e+00> : vector<512xf32>
    %reduce_sum3A_260 = vector.multi_reduction <add>, %add3A_258, %reduce_sum3A_259 [1] : vector<512x128xf32> to vector<512xf32>
    %broadcast_in_dim3A_261 = vector.shape_cast %reduce_sum3A_260 : vector<512xf32> to vector<512x1xf32>
    %div3A_262 = arith.constant 1.280000e+02 : f32
    %div3A_263 = vector.broadcast %div3A_262 : f32 to vector<512x1xf32>
    %div3A_264 = arith.divf %broadcast_in_dim3A_261, %div3A_263 : vector<512x1xf32>
    %mul3A_265 = arith.mulf %add3A_258, %add3A_258 : vector<512x128xf32>
    %reduce_sum3A_266 = arith.constant dense<0.000000e+00> : vector<512xf32>
    %reduce_sum3A_267 = vector.multi_reduction <add>, %mul3A_265, %reduce_sum3A_266 [1] : vector<512x128xf32> to vector<512xf32>
    %broadcast_in_dim3A_268 = vector.shape_cast %reduce_sum3A_267 : vector<512xf32> to vector<512x1xf32>
    %div3A_269 = arith.constant 1.280000e+02 : f32
    %div3A_270 = vector.broadcast %div3A_269 : f32 to vector<512x1xf32>
    %div3A_271 = arith.divf %broadcast_in_dim3A_268, %div3A_270 : vector<512x1xf32>
    %mul3A_272 = arith.mulf %div3A_264, %div3A_264 : vector<512x1xf32>
    %sub3A_273 = arith.subf %div3A_271, %mul3A_272 : vector<512x1xf32>
    %sub3A_274 = vector.broadcast %div3A_264 : vector<512x1xf32> to vector<512x128xf32>
    %sub3A_275 = arith.subf %add3A_258, %sub3A_274 : vector<512x128xf32>
    %add3A_276 = arith.constant 9.99999974E-6 : f32
    %add3A_277 = vector.broadcast %add3A_276 : f32 to vector<512x1xf32>
    %add3A_278 = arith.addf %sub3A_273, %add3A_277 : vector<512x1xf32>
    %rsqrt3A_279 = math.rsqrt %add3A_278 : vector<512x1xf32>
    %mul3A_280 = vector.broadcast %rsqrt3A_279 : vector<512x1xf32> to vector<512x128xf32>
    %mul3A_281 = arith.mulf %sub3A_275, %mul3A_280 : vector<512x128xf32>
    %mul3A_282 = vector.broadcast %get3A_4 : vector<1x128xf32> to vector<512x128xf32>
    %mul3A_283 = arith.mulf %mul3A_281, %mul3A_282 : vector<512x128xf32>
    %add3A_284 = vector.broadcast %get3A_7 : vector<1x128xf32> to vector<512x128xf32>
    %add3A_285 = arith.addf %mul3A_283, %add3A_284 : vector<512x128xf32>
    %dot_general3A_286 = arith.constant dense<0.000000e+00> : vector<512x512xf32>
    %dot_general3A_287 = tpu.matmul %add3A_285, %get3A_10, %dot_general3A_286 {dimension_numbers = #tpu.dot_dimension_numbers<[1], [0], [0], [1], [0, 0, 1, 1], [], []>, transpose_lhs_hint = false} : vector<512x128xf32>, vector<128x512xf32>, vector<512x512xf32> -> vector<512x512xf32>
    %dot_general3A_288 = arith.constant dense<0.000000e+00> : vector<512x512xf32>
    %dot_general3A_289 = tpu.matmul %mul3A_207, %get3A_13, %dot_general3A_288 {dimension_numbers = #tpu.dot_dimension_numbers<[1], [0], [0], [1], [0, 0, 1, 1], [], []>, transpose_lhs_hint = false} : vector<512x128xf32>, vector<128x512xf32>, vector<512x512xf32> -> vector<512x512xf32>
    %add3A_290 = arith.addf %dot_general3A_287, %dot_general3A_289 : vector<512x512xf32>
    %add3A_291 = vector.broadcast %get3A_16 : vector<1x512xf32> to vector<512x512xf32>
    %add3A_292 = arith.addf %add3A_290, %add3A_291 : vector<512x512xf32>
    %slice3A_293 = vector.extract_strided_slice %add3A_292 {offsets = [0, 0], sizes = [512, 128], strides = [1, 1]} : vector<512x512xf32> to vector<512x128xf32>
    %logistic3A_294 = arith.negf %slice3A_293 : vector<512x128xf32>
    %logistic3A_295 = math.exp %logistic3A_294 : vector<512x128xf32>
    %logistic3A_296 = arith.constant 1.000000e+00 : f32
    %logistic3A_297 = vector.broadcast %logistic3A_296 : f32 to vector<512x128xf32>
    %logistic3A_298 = arith.addf %logistic3A_297, %logistic3A_295 : vector<512x128xf32>
    %logistic3A_299 = arith.divf %logistic3A_297, %logistic3A_298 : vector<512x128xf32>
    %slice3A_300 = vector.extract_strided_slice %add3A_292 {offsets = [0, 128], sizes = [512, 128], strides = [1, 1]} : vector<512x512xf32> to vector<512x128xf32>
    %logistic3A_301 = arith.negf %slice3A_300 : vector<512x128xf32>
    %logistic3A_302 = math.exp %logistic3A_301 : vector<512x128xf32>
    %logistic3A_303 = arith.constant 1.000000e+00 : f32
    %logistic3A_304 = vector.broadcast %logistic3A_303 : f32 to vector<512x128xf32>
    %logistic3A_305 = arith.addf %logistic3A_304, %logistic3A_302 : vector<512x128xf32>
    %logistic3A_306 = arith.divf %logistic3A_304, %logistic3A_305 : vector<512x128xf32>
    %slice3A_307 = vector.extract_strided_slice %add3A_292 {offsets = [0, 256], sizes = [512, 128], strides = [1, 1]} : vector<512x512xf32> to vector<512x128xf32>
    %tanh3A_308 = math.tanh %slice3A_307 : vector<512x128xf32>
    %slice3A_309 = vector.extract_strided_slice %add3A_292 {offsets = [0, 384], sizes = [512, 128], strides = [1, 1]} : vector<512x512xf32> to vector<512x128xf32>
    %logistic3A_310 = arith.negf %slice3A_309 : vector<512x128xf32>
    %logistic3A_311 = math.exp %logistic3A_310 : vector<512x128xf32>
    %logistic3A_312 = arith.constant 1.000000e+00 : f32
    %logistic3A_313 = vector.broadcast %logistic3A_312 : f32 to vector<512x128xf32>
    %logistic3A_314 = arith.addf %logistic3A_313, %logistic3A_311 : vector<512x128xf32>
    %logistic3A_315 = arith.divf %logistic3A_313, %logistic3A_314 : vector<512x128xf32>
    %mul3A_316 = arith.mulf %logistic3A_306, %add3A_205 : vector<512x128xf32>
    %mul3A_317 = arith.mulf %logistic3A_299, %tanh3A_308 : vector<512x128xf32>
    %add3A_318 = arith.addf %mul3A_316, %mul3A_317 : vector<512x128xf32>
    %tanh3A_319 = math.tanh %add3A_318 : vector<512x128xf32>
    %mul3A_320 = arith.mulf %logistic3A_315, %tanh3A_319 : vector<512x128xf32>
    %reduce_sum3A_321 = arith.constant dense<0.000000e+00> : vector<512xf32>
    %reduce_sum3A_322 = vector.multi_reduction <add>, %mul3A_320, %reduce_sum3A_321 [1] : vector<512x128xf32> to vector<512xf32>
    %broadcast_in_dim3A_323 = vector.shape_cast %reduce_sum3A_322 : vector<512xf32> to vector<512x1xf32>
    %div3A_324 = arith.constant 1.280000e+02 : f32
    %div3A_325 = vector.broadcast %div3A_324 : f32 to vector<512x1xf32>
    %div3A_326 = arith.divf %broadcast_in_dim3A_323, %div3A_325 : vector<512x1xf32>
    %mul3A_327 = arith.mulf %mul3A_320, %mul3A_320 : vector<512x128xf32>
    %reduce_sum3A_328 = arith.constant dense<0.000000e+00> : vector<512xf32>
    %reduce_sum3A_329 = vector.multi_reduction <add>, %mul3A_327, %reduce_sum3A_328 [1] : vector<512x128xf32> to vector<512xf32>
    %broadcast_in_dim3A_330 = vector.shape_cast %reduce_sum3A_329 : vector<512xf32> to vector<512x1xf32>
    %div3A_331 = arith.constant 1.280000e+02 : f32
    %div3A_332 = vector.broadcast %div3A_331 : f32 to vector<512x1xf32>
    %div3A_333 = arith.divf %broadcast_in_dim3A_330, %div3A_332 : vector<512x1xf32>
    %mul3A_334 = arith.mulf %div3A_326, %div3A_326 : vector<512x1xf32>
    %sub3A_335 = arith.subf %div3A_333, %mul3A_334 : vector<512x1xf32>
    %sub3A_336 = vector.broadcast %div3A_326 : vector<512x1xf32> to vector<512x128xf32>
    %sub3A_337 = arith.subf %mul3A_320, %sub3A_336 : vector<512x128xf32>
    %add3A_338 = arith.constant 9.99999974E-6 : f32
    %add3A_339 = vector.broadcast %add3A_338 : f32 to vector<512x1xf32>
    %add3A_340 = arith.addf %sub3A_335, %add3A_339 : vector<512x1xf32>
    %rsqrt3A_341 = math.rsqrt %add3A_340 : vector<512x1xf32>
    %mul3A_342 = vector.broadcast %rsqrt3A_341 : vector<512x1xf32> to vector<512x128xf32>
    %mul3A_343 = arith.mulf %sub3A_337, %mul3A_342 : vector<512x128xf32>
    %mul3A_344 = vector.broadcast %get3A_19 : vector<1x128xf32> to vector<512x128xf32>
    %mul3A_345 = arith.mulf %mul3A_343, %mul3A_344 : vector<512x128xf32>
    %add3A_346 = vector.broadcast %get3A_22 : vector<1x128xf32> to vector<512x128xf32>
    %add3A_347 = arith.addf %mul3A_345, %add3A_346 : vector<512x128xf32>
    %swap3A_348 = arith.constant 0 : index
    %swap3A_349 = arith.constant 2 : index
    %swap3A_350 = arith.constant 0 : index
    %swap3A_351 = vector.load %arg27[%swap3A_348, %swap3A_349, %swap3A_350] : memref<512x12x128xf32, #tpu.memory_space<vmem>>, vector<512x1x128xf32>
    %swap3A_352 = vector.shape_cast %swap3A_351 : vector<512x1x128xf32> to vector<512x128xf32>
    %swap3A_353 = vector.shape_cast %add3A_347 : vector<512x128xf32> to vector<512x1x128xf32>
    tpu.vector_store %arg27[%swap3A_348, %swap3A_349, %swap3A_350], %swap3A_353 {strides = array<i32>} : memref<512x12x128xf32, #tpu.memory_space<vmem>>, vector<512x1x128xf32>,
    %get3A_354 = arith.constant 0 : index
    %get3A_355 = arith.constant 0 : index
    %get3A_356 = arith.constant 0 : index
    %get3A_357 = vector.load %arg4[%get3A_354, %get3A_355, %get3A_356] : memref<1x512x128xf32, #tpu.memory_space<vmem>>, vector<1x512x128xf32>
    %get3A_358 = vector.shape_cast %get3A_357 : vector<1x512x128xf32> to vector<512x128xf32>
    %get3A_359 = arith.constant 3 : index
    %get3A_360 = arith.constant 0 : index
    %get3A_361 = arith.constant 0 : index
    %get3A_362 = vector.load %arg13[%get3A_359, %get3A_360, %get3A_361] : memref<12x512x128xf32, #tpu.memory_space<vmem>>, vector<1x512x128xf32>
    %get3A_363 = vector.shape_cast %get3A_362 : vector<1x512x128xf32> to vector<512x128xf32>
    %add3A_364 = arith.addf %get3A_358, %get3A_363 : vector<512x128xf32>
    %mul3A_365 = vector.broadcast %get3A_1 : vector<512x1xf32> to vector<512x128xf32>
    %mul3A_366 = arith.mulf %mul3A_365, %add3A_364 : vector<512x128xf32>
    %get3A_367 = arith.constant 0 : index
    %get3A_368 = arith.constant 0 : index
    %get3A_369 = vector.load %arg15[%get3A_367, %get3A_368] : memref<1x128xf32, #tpu.memory_space<vmem>>, vector<1x128xf32>
    %add3A_370 = vector.broadcast %get3A_369 : vector<1x128xf32> to vector<512x128xf32>
    %add3A_371 = arith.addf %mul3A_366, %add3A_370 : vector<512x128xf32>
    %reduce_sum3A_372 = arith.constant dense<0.000000e+00> : vector<512xf32>
    %reduce_sum3A_373 = vector.multi_reduction <add>, %add3A_371, %reduce_sum3A_372 [1] : vector<512x128xf32> to vector<512xf32>
    %broadcast_in_dim3A_374 = vector.shape_cast %reduce_sum3A_373 : vector<512xf32> to vector<512x1xf32>
    %div3A_375 = arith.constant 1.280000e+02 : f32
    %div3A_376 = vector.broadcast %div3A_375 : f32 to vector<512x1xf32>
    %div3A_377 = arith.divf %broadcast_in_dim3A_374, %div3A_376 : vector<512x1xf32>
    %mul3A_378 = arith.mulf %add3A_371, %add3A_371 : vector<512x128xf32>
    %reduce_sum3A_379 = arith.constant dense<0.000000e+00> : vector<512xf32>
    %reduce_sum3A_380 = vector.multi_reduction <add>, %mul3A_378, %reduce_sum3A_379 [1] : vector<512x128xf32> to vector<512xf32>
    %broadcast_in_dim3A_381 = vector.shape_cast %reduce_sum3A_380 : vector<512xf32> to vector<512x1xf32>
    %div3A_382 = arith.constant 1.280000e+02 : f32
    %div3A_383 = vector.broadcast %div3A_382 : f32 to vector<512x1xf32>
    %div3A_384 = arith.divf %broadcast_in_dim3A_381, %div3A_383 : vector<512x1xf32>
    %mul3A_385 = arith.mulf %div3A_377, %div3A_377 : vector<512x1xf32>
    %sub3A_386 = arith.subf %div3A_384, %mul3A_385 : vector<512x1xf32>
    %sub3A_387 = vector.broadcast %div3A_377 : vector<512x1xf32> to vector<512x128xf32>
    %sub3A_388 = arith.subf %add3A_371, %sub3A_387 : vector<512x128xf32>
    %add3A_389 = arith.constant 9.99999974E-6 : f32
    %add3A_390 = vector.broadcast %add3A_389 : f32 to vector<512x1xf32>
    %add3A_391 = arith.addf %sub3A_386, %add3A_390 : vector<512x1xf32>
    %rsqrt3A_392 = math.rsqrt %add3A_391 : vector<512x1xf32>
    %mul3A_393 = vector.broadcast %rsqrt3A_392 : vector<512x1xf32> to vector<512x128xf32>
    %mul3A_394 = arith.mulf %sub3A_388, %mul3A_393 : vector<512x128xf32>
    %mul3A_395 = vector.broadcast %get3A_4 : vector<1x128xf32> to vector<512x128xf32>
    %mul3A_396 = arith.mulf %mul3A_394, %mul3A_395 : vector<512x128xf32>
    %add3A_397 = vector.broadcast %get3A_7 : vector<1x128xf32> to vector<512x128xf32>
    %add3A_398 = arith.addf %mul3A_396, %add3A_397 : vector<512x128xf32>
    %dot_general3A_399 = arith.constant dense<0.000000e+00> : vector<512x512xf32>
    %dot_general3A_400 = tpu.matmul %add3A_398, %get3A_10, %dot_general3A_399 {dimension_numbers = #tpu.dot_dimension_numbers<[1], [0], [0], [1], [0, 0, 1, 1], [], []>, transpose_lhs_hint = false} : vector<512x128xf32>, vector<128x512xf32>, vector<512x512xf32> -> vector<512x512xf32>
    %dot_general3A_401 = arith.constant dense<0.000000e+00> : vector<512x512xf32>
    %dot_general3A_402 = tpu.matmul %mul3A_320, %get3A_13, %dot_general3A_401 {dimension_numbers = #tpu.dot_dimension_numbers<[1], [0], [0], [1], [0, 0, 1, 1], [], []>, transpose_lhs_hint = false} : vector<512x128xf32>, vector<128x512xf32>, vector<512x512xf32> -> vector<512x512xf32>
    %add3A_403 = arith.addf %dot_general3A_400, %dot_general3A_402 : vector<512x512xf32>
    %add3A_404 = vector.broadcast %get3A_16 : vector<1x512xf32> to vector<512x512xf32>
    %add3A_405 = arith.addf %add3A_403, %add3A_404 : vector<512x512xf32>
    %slice3A_406 = vector.extract_strided_slice %add3A_405 {offsets = [0, 0], sizes = [512, 128], strides = [1, 1]} : vector<512x512xf32> to vector<512x128xf32>
    %logistic3A_407 = arith.negf %slice3A_406 : vector<512x128xf32>
    %logistic3A_408 = math.exp %logistic3A_407 : vector<512x128xf32>
    %logistic3A_409 = arith.constant 1.000000e+00 : f32
    %logistic3A_410 = vector.broadcast %logistic3A_409 : f32 to vector<512x128xf32>
    %logistic3A_411 = arith.addf %logistic3A_410, %logistic3A_408 : vector<512x128xf32>
    %logistic3A_412 = arith.divf %logistic3A_410, %logistic3A_411 : vector<512x128xf32>
    %slice3A_413 = vector.extract_strided_slice %add3A_405 {offsets = [0, 128], sizes = [512, 128], strides = [1, 1]} : vector<512x512xf32> to vector<512x128xf32>
    %logistic3A_414 = arith.negf %slice3A_413 : vector<512x128xf32>
    %logistic3A_415 = math.exp %logistic3A_414 : vector<512x128xf32>
    %logistic3A_416 = arith.constant 1.000000e+00 : f32
    %logistic3A_417 = vector.broadcast %logistic3A_416 : f32 to vector<512x128xf32>
    %logistic3A_418 = arith.addf %logistic3A_417, %logistic3A_415 : vector<512x128xf32>
    %logistic3A_419 = arith.divf %logistic3A_417, %logistic3A_418 : vector<512x128xf32>
    %slice3A_420 = vector.extract_strided_slice %add3A_405 {offsets = [0, 256], sizes = [512, 128], strides = [1, 1]} : vector<512x512xf32> to vector<512x128xf32>
    %tanh3A_421 = math.tanh %slice3A_420 : vector<512x128xf32>
    %slice3A_422 = vector.extract_strided_slice %add3A_405 {offsets = [0, 384], sizes = [512, 128], strides = [1, 1]} : vector<512x512xf32> to vector<512x128xf32>
    %logistic3A_423 = arith.negf %slice3A_422 : vector<512x128xf32>
    %logistic3A_424 = math.exp %logistic3A_423 : vector<512x128xf32>
    %logistic3A_425 = arith.constant 1.000000e+00 : f32
    %logistic3A_426 = vector.broadcast %logistic3A_425 : f32 to vector<512x128xf32>
    %logistic3A_427 = arith.addf %logistic3A_426, %logistic3A_424 : vector<512x128xf32>
    %logistic3A_428 = arith.divf %logistic3A_426, %logistic3A_427 : vector<512x128xf32>
    %mul3A_429 = arith.mulf %logistic3A_419, %add3A_318 : vector<512x128xf32>
    %mul3A_430 = arith.mulf %logistic3A_412, %tanh3A_421 : vector<512x128xf32>
    %add3A_431 = arith.addf %mul3A_429, %mul3A_430 : vector<512x128xf32>
    %tanh3A_432 = math.tanh %add3A_431 : vector<512x128xf32>
    %mul3A_433 = arith.mulf %logistic3A_428, %tanh3A_432 : vector<512x128xf32>
    %reduce_sum3A_434 = arith.constant dense<0.000000e+00> : vector<512xf32>
    %reduce_sum3A_435 = vector.multi_reduction <add>, %mul3A_433, %reduce_sum3A_434 [1] : vector<512x128xf32> to vector<512xf32>
    %broadcast_in_dim3A_436 = vector.shape_cast %reduce_sum3A_435 : vector<512xf32> to vector<512x1xf32>
    %div3A_437 = arith.constant 1.280000e+02 : f32
    %div3A_438 = vector.broadcast %div3A_437 : f32 to vector<512x1xf32>
    %div3A_439 = arith.divf %broadcast_in_dim3A_436, %div3A_438 : vector<512x1xf32>
    %mul3A_440 = arith.mulf %mul3A_433, %mul3A_433 : vector<512x128xf32>
    %reduce_sum3A_441 = arith.constant dense<0.000000e+00> : vector<512xf32>
    %reduce_sum3A_442 = vector.multi_reduction <add>, %mul3A_440, %reduce_sum3A_441 [1] : vector<512x128xf32> to vector<512xf32>
    %broadcast_in_dim3A_443 = vector.shape_cast %reduce_sum3A_442 : vector<512xf32> to vector<512x1xf32>
    %div3A_444 = arith.constant 1.280000e+02 : f32
    %div3A_445 = vector.broadcast %div3A_444 : f32 to vector<512x1xf32>
    %div3A_446 = arith.divf %broadcast_in_dim3A_443, %div3A_445 : vector<512x1xf32>
    %mul3A_447 = arith.mulf %div3A_439, %div3A_439 : vector<512x1xf32>
    %sub3A_448 = arith.subf %div3A_446, %mul3A_447 : vector<512x1xf32>
    %sub3A_449 = vector.broadcast %div3A_439 : vector<512x1xf32> to vector<512x128xf32>
    %sub3A_450 = arith.subf %mul3A_433, %sub3A_449 : vector<512x128xf32>
    %add3A_451 = arith.constant 9.99999974E-6 : f32
    %add3A_452 = vector.broadcast %add3A_451 : f32 to vector<512x1xf32>
    %add3A_453 = arith.addf %sub3A_448, %add3A_452 : vector<512x1xf32>
    %rsqrt3A_454 = math.rsqrt %add3A_453 : vector<512x1xf32>
    %mul3A_455 = vector.broadcast %rsqrt3A_454 : vector<512x1xf32> to vector<512x128xf32>
    %mul3A_456 = arith.mulf %sub3A_450, %mul3A_455 : vector<512x128xf32>
    %mul3A_457 = vector.broadcast %get3A_19 : vector<1x128xf32> to vector<512x128xf32>
    %mul3A_458 = arith.mulf %mul3A_456, %mul3A_457 : vector<512x128xf32>
    %add3A_459 = vector.broadcast %get3A_22 : vector<1x128xf32> to vector<512x128xf32>
    %add3A_460 = arith.addf %mul3A_458, %add3A_459 : vector<512x128xf32>
    %swap3A_461 = arith.constant 0 : index
    %swap3A_462 = arith.constant 3 : index
    %swap3A_463 = arith.constant 0 : index
    %swap3A_464 = vector.load %arg27[%swap3A_461, %swap3A_462, %swap3A_463] : memref<512x12x128xf32, #tpu.memory_space<vmem>>, vector<512x1x128xf32>
    %swap3A_465 = vector.shape_cast %swap3A_464 : vector<512x1x128xf32> to vector<512x128xf32>
    %swap3A_466 = vector.shape_cast %add3A_460 : vector<512x128xf32> to vector<512x1x128xf32>
    tpu.vector_store %arg27[%swap3A_461, %swap3A_462, %swap3A_463], %swap3A_466 {strides = array<i32>} : memref<512x12x128xf32, #tpu.memory_space<vmem>>, vector<512x1x128xf32>,
    %get3A_467 = arith.constant 0 : index
    %get3A_468 = arith.constant 0 : index
    %get3A_469 = arith.constant 0 : index
    %get3A_470 = vector.load %arg5[%get3A_467, %get3A_468, %get3A_469] : memref<1x512x128xf32, #tpu.memory_space<vmem>>, vector<1x512x128xf32>
    %get3A_471 = vector.shape_cast %get3A_470 : vector<1x512x128xf32> to vector<512x128xf32>
    %get3A_472 = arith.constant 4 : index
    %get3A_473 = arith.constant 0 : index
    %get3A_474 = arith.constant 0 : index
    %get3A_475 = vector.load %arg13[%get3A_472, %get3A_473, %get3A_474] : memref<12x512x128xf32, #tpu.memory_space<vmem>>, vector<1x512x128xf32>
    %get3A_476 = vector.shape_cast %get3A_475 : vector<1x512x128xf32> to vector<512x128xf32>
    %add3A_477 = arith.addf %get3A_471, %get3A_476 : vector<512x128xf32>
    %mul3A_478 = vector.broadcast %get3A_1 : vector<512x1xf32> to vector<512x128xf32>
    %mul3A_479 = arith.mulf %mul3A_478, %add3A_477 : vector<512x128xf32>
    %get3A_480 = arith.constant 0 : index
    %get3A_481 = arith.constant 0 : index
    %get3A_482 = vector.load %arg15[%get3A_480, %get3A_481] : memref<1x128xf32, #tpu.memory_space<vmem>>, vector<1x128xf32>
    %add3A_483 = vector.broadcast %get3A_482 : vector<1x128xf32> to vector<512x128xf32>
    %add3A_484 = arith.addf %mul3A_479, %add3A_483 : vector<512x128xf32>
    %reduce_sum3A_485 = arith.constant dense<0.000000e+00> : vector<512xf32>
    %reduce_sum3A_486 = vector.multi_reduction <add>, %add3A_484, %reduce_sum3A_485 [1] : vector<512x128xf32> to vector<512xf32>
    %broadcast_in_dim3A_487 = vector.shape_cast %reduce_sum3A_486 : vector<512xf32> to vector<512x1xf32>
    %div3A_488 = arith.constant 1.280000e+02 : f32
    %div3A_489 = vector.broadcast %div3A_488 : f32 to vector<512x1xf32>
    %div3A_490 = arith.divf %broadcast_in_dim3A_487, %div3A_489 : vector<512x1xf32>
    %mul3A_491 = arith.mulf %add3A_484, %add3A_484 : vector<512x128xf32>
    %reduce_sum3A_492 = arith.constant dense<0.000000e+00> : vector<512xf32>
    %reduce_sum3A_493 = vector.multi_reduction <add>, %mul3A_491, %reduce_sum3A_492 [1] : vector<512x128xf32> to vector<512xf32>
    %broadcast_in_dim3A_494 = vector.shape_cast %reduce_sum3A_493 : vector<512xf32> to vector<512x1xf32>
    %div3A_495 = arith.constant 1.280000e+02 : f32
    %div3A_496 = vector.broadcast %div3A_495 : f32 to vector<512x1xf32>
    %div3A_497 = arith.divf %broadcast_in_dim3A_494, %div3A_496 : vector<512x1xf32>
    %mul3A_498 = arith.mulf %div3A_490, %div3A_490 : vector<512x1xf32>
    %sub3A_499 = arith.subf %div3A_497, %mul3A_498 : vector<512x1xf32>
    %sub3A_500 = vector.broadcast %div3A_490 : vector<512x1xf32> to vector<512x128xf32>
    %sub3A_501 = arith.subf %add3A_484, %sub3A_500 : vector<512x128xf32>
    %add3A_502 = arith.constant 9.99999974E-6 : f32
    %add3A_503 = vector.broadcast %add3A_502 : f32 to vector<512x1xf32>
    %add3A_504 = arith.addf %sub3A_499, %add3A_503 : vector<512x1xf32>
    %rsqrt3A_505 = math.rsqrt %add3A_504 : vector<512x1xf32>
    %mul3A_506 = vector.broadcast %rsqrt3A_505 : vector<512x1xf32> to vector<512x128xf32>
    %mul3A_507 = arith.mulf %sub3A_501, %mul3A_506 : vector<512x128xf32>
    %mul3A_508 = vector.broadcast %get3A_4 : vector<1x128xf32> to vector<512x128xf32>
    %mul3A_509 = arith.mulf %mul3A_507, %mul3A_508 : vector<512x128xf32>
    %add3A_510 = vector.broadcast %get3A_7 : vector<1x128xf32> to vector<512x128xf32>
    %add3A_511 = arith.addf %mul3A_509, %add3A_510 : vector<512x128xf32>
    %dot_general3A_512 = arith.constant dense<0.000000e+00> : vector<512x512xf32>
    %dot_general3A_513 = tpu.matmul %add3A_511, %get3A_10, %dot_general3A_512 {dimension_numbers = #tpu.dot_dimension_numbers<[1], [0], [0], [1], [0, 0, 1, 1], [], []>, transpose_lhs_hint = false} : vector<512x128xf32>, vector<128x512xf32>, vector<512x512xf32> -> vector<512x512xf32>
    %dot_general3A_514 = arith.constant dense<0.000000e+00> : vector<512x512xf32>
    %dot_general3A_515 = tpu.matmul %mul3A_433, %get3A_13, %dot_general3A_514 {dimension_numbers = #tpu.dot_dimension_numbers<[1], [0], [0], [1], [0, 0, 1, 1], [], []>, transpose_lhs_hint = false} : vector<512x128xf32>, vector<128x512xf32>, vector<512x512xf32> -> vector<512x512xf32>
    %add3A_516 = arith.addf %dot_general3A_513, %dot_general3A_515 : vector<512x512xf32>
    %add3A_517 = vector.broadcast %get3A_16 : vector<1x512xf32> to vector<512x512xf32>
    %add3A_518 = arith.addf %add3A_516, %add3A_517 : vector<512x512xf32>
    %slice3A_519 = vector.extract_strided_slice %add3A_518 {offsets = [0, 0], sizes = [512, 128], strides = [1, 1]} : vector<512x512xf32> to vector<512x128xf32>
    %logistic3A_520 = arith.negf %slice3A_519 : vector<512x128xf32>
    %logistic3A_521 = math.exp %logistic3A_520 : vector<512x128xf32>
    %logistic3A_522 = arith.constant 1.000000e+00 : f32
    %logistic3A_523 = vector.broadcast %logistic3A_522 : f32 to vector<512x128xf32>
    %logistic3A_524 = arith.addf %logistic3A_523, %logistic3A_521 : vector<512x128xf32>
    %logistic3A_525 = arith.divf %logistic3A_523, %logistic3A_524 : vector<512x128xf32>
    %slice3A_526 = vector.extract_strided_slice %add3A_518 {offsets = [0, 128], sizes = [512, 128], strides = [1, 1]} : vector<512x512xf32> to vector<512x128xf32>
    %logistic3A_527 = arith.negf %slice3A_526 : vector<512x128xf32>
    %logistic3A_528 = math.exp %logistic3A_527 : vector<512x128xf32>
    %logistic3A_529 = arith.constant 1.000000e+00 : f32
    %logistic3A_530 = vector.broadcast %logistic3A_529 : f32 to vector<512x128xf32>
    %logistic3A_531 = arith.addf %logistic3A_530, %logistic3A_528 : vector<512x128xf32>
    %logistic3A_532 = arith.divf %logistic3A_530, %logistic3A_531 : vector<512x128xf32>
    %slice3A_533 = vector.extract_strided_slice %add3A_518 {offsets = [0, 256], sizes = [512, 128], strides = [1, 1]} : vector<512x512xf32> to vector<512x128xf32>
    %tanh3A_534 = math.tanh %slice3A_533 : vector<512x128xf32>
    %slice3A_535 = vector.extract_strided_slice %add3A_518 {offsets = [0, 384], sizes = [512, 128], strides = [1, 1]} : vector<512x512xf32> to vector<512x128xf32>
    %logistic3A_536 = arith.negf %slice3A_535 : vector<512x128xf32>
    %logistic3A_537 = math.exp %logistic3A_536 : vector<512x128xf32>
    %logistic3A_538 = arith.constant 1.000000e+00 : f32
    %logistic3A_539 = vector.broadcast %logistic3A_538 : f32 to vector<512x128xf32>
    %logistic3A_540 = arith.addf %logistic3A_539, %logistic3A_537 : vector<512x128xf32>
    %logistic3A_541 = arith.divf %logistic3A_539, %logistic3A_540 : vector<512x128xf32>
    %mul3A_542 = arith.mulf %logistic3A_532, %add3A_431 : vector<512x128xf32>
    %mul3A_543 = arith.mulf %logistic3A_525, %tanh3A_534 : vector<512x128xf32>
    %add3A_544 = arith.addf %mul3A_542, %mul3A_543 : vector<512x128xf32>
    %tanh3A_545 = math.tanh %add3A_544 : vector<512x128xf32>
    %mul3A_546 = arith.mulf %logistic3A_541, %tanh3A_545 : vector<512x128xf32>
    %reduce_sum3A_547 = arith.constant dense<0.000000e+00> : vector<512xf32>
    %reduce_sum3A_548 = vector.multi_reduction <add>, %mul3A_546, %reduce_sum3A_547 [1] : vector<512x128xf32> to vector<512xf32>
    %broadcast_in_dim3A_549 = vector.shape_cast %reduce_sum3A_548 : vector<512xf32> to vector<512x1xf32>
    %div3A_550 = arith.constant 1.280000e+02 : f32
    %div3A_551 = vector.broadcast %div3A_550 : f32 to vector<512x1xf32>
    %div3A_552 = arith.divf %broadcast_in_dim3A_549, %div3A_551 : vector<512x1xf32>
    %mul3A_553 = arith.mulf %mul3A_546, %mul3A_546 : vector<512x128xf32>
    %reduce_sum3A_554 = arith.constant dense<0.000000e+00> : vector<512xf32>
    %reduce_sum3A_555 = vector.multi_reduction <add>, %mul3A_553, %reduce_sum3A_554 [1] : vector<512x128xf32> to vector<512xf32>
    %broadcast_in_dim3A_556 = vector.shape_cast %reduce_sum3A_555 : vector<512xf32> to vector<512x1xf32>
    %div3A_557 = arith.constant 1.280000e+02 : f32
    %div3A_558 = vector.broadcast %div3A_557 : f32 to vector<512x1xf32>
    %div3A_559 = arith.divf %broadcast_in_dim3A_556, %div3A_558 : vector<512x1xf32>
    %mul3A_560 = arith.mulf %div3A_552, %div3A_552 : vector<512x1xf32>
    %sub3A_561 = arith.subf %div3A_559, %mul3A_560 : vector<512x1xf32>
    %sub3A_562 = vector.broadcast %div3A_552 : vector<512x1xf32> to vector<512x128xf32>
    %sub3A_563 = arith.subf %mul3A_546, %sub3A_562 : vector<512x128xf32>
    %add3A_564 = arith.constant 9.99999974E-6 : f32
    %add3A_565 = vector.broadcast %add3A_564 : f32 to vector<512x1xf32>
    %add3A_566 = arith.addf %sub3A_561, %add3A_565 : vector<512x1xf32>
    %rsqrt3A_567 = math.rsqrt %add3A_566 : vector<512x1xf32>
    %mul3A_568 = vector.broadcast %rsqrt3A_567 : vector<512x1xf32> to vector<512x128xf32>
    %mul3A_569 = arith.mulf %sub3A_563, %mul3A_568 : vector<512x128xf32>
    %mul3A_570 = vector.broadcast %get3A_19 : vector<1x128xf32> to vector<512x128xf32>
    %mul3A_571 = arith.mulf %mul3A_569, %mul3A_570 : vector<512x128xf32>
    %add3A_572 = vector.broadcast %get3A_22 : vector<1x128xf32> to vector<512x128xf32>
    %add3A_573 = arith.addf %mul3A_571, %add3A_572 : vector<512x128xf32>
    %swap3A_574 = arith.constant 0 : index
    %swap3A_575 = arith.constant 4 : index
    %swap3A_576 = arith.constant 0 : index
    %swap3A_577 = vector.load %arg27[%swap3A_574, %swap3A_575, %swap3A_576] : memref<512x12x128xf32, #tpu.memory_space<vmem>>, vector<512x1x128xf32>
    %swap3A_578 = vector.shape_cast %swap3A_577 : vector<512x1x128xf32> to vector<512x128xf32>
    %swap3A_579 = vector.shape_cast %add3A_573 : vector<512x128xf32> to vector<512x1x128xf32>
    tpu.vector_store %arg27[%swap3A_574, %swap3A_575, %swap3A_576], %swap3A_579 {strides = array<i32>} : memref<512x12x128xf32, #tpu.memory_space<vmem>>, vector<512x1x128xf32>,
    %get3A_580 = arith.constant 0 : index
    %get3A_581 = arith.constant 0 : index
    %get3A_582 = arith.constant 0 : index
    %get3A_583 = vector.load %arg6[%get3A_580, %get3A_581, %get3A_582] : memref<1x512x128xf32, #tpu.memory_space<vmem>>, vector<1x512x128xf32>
    %get3A_584 = vector.shape_cast %get3A_583 : vector<1x512x128xf32> to vector<512x128xf32>
    %get3A_585 = arith.constant 5 : index
    %get3A_586 = arith.constant 0 : index
    %get3A_587 = arith.constant 0 : index
    %get3A_588 = vector.load %arg13[%get3A_585, %get3A_586, %get3A_587] : memref<12x512x128xf32, #tpu.memory_space<vmem>>, vector<1x512x128xf32>
    %get3A_589 = vector.shape_cast %get3A_588 : vector<1x512x128xf32> to vector<512x128xf32>
    %add3A_590 = arith.addf %get3A_584, %get3A_589 : vector<512x128xf32>
    %mul3A_591 = vector.broadcast %get3A_1 : vector<512x1xf32> to vector<512x128xf32>
    %mul3A_592 = arith.mulf %mul3A_591, %add3A_590 : vector<512x128xf32>
    %get3A_593 = arith.constant 0 : index
    %get3A_594 = arith.constant 0 : index
    %get3A_595 = vector.load %arg15[%get3A_593, %get3A_594] : memref<1x128xf32, #tpu.memory_space<vmem>>, vector<1x128xf32>
    %add3A_596 = vector.broadcast %get3A_595 : vector<1x128xf32> to vector<512x128xf32>
    %add3A_597 = arith.addf %mul3A_592, %add3A_596 : vector<512x128xf32>
    %reduce_sum3A_598 = arith.constant dense<0.000000e+00> : vector<512xf32>
    %reduce_sum3A_599 = vector.multi_reduction <add>, %add3A_597, %reduce_sum3A_598 [1] : vector<512x128xf32> to vector<512xf32>
    %broadcast_in_dim3A_600 = vector.shape_cast %reduce_sum3A_599 : vector<512xf32> to vector<512x1xf32>
    %div3A_601 = arith.constant 1.280000e+02 : f32
    %div3A_602 = vector.broadcast %div3A_601 : f32 to vector<512x1xf32>
    %div3A_603 = arith.divf %broadcast_in_dim3A_600, %div3A_602 : vector<512x1xf32>
    %mul3A_604 = arith.mulf %add3A_597, %add3A_597 : vector<512x128xf32>
    %reduce_sum3A_605 = arith.constant dense<0.000000e+00> : vector<512xf32>
    %reduce_sum3A_606 = vector.multi_reduction <add>, %mul3A_604, %reduce_sum3A_605 [1] : vector<512x128xf32> to vector<512xf32>
    %broadcast_in_dim3A_607 = vector.shape_cast %reduce_sum3A_606 : vector<512xf32> to vector<512x1xf32>
    %div3A_608 = arith.constant 1.280000e+02 : f32
    %div3A_609 = vector.broadcast %div3A_608 : f32 to vector<512x1xf32>
    %div3A_610 = arith.divf %broadcast_in_dim3A_607, %div3A_609 : vector<512x1xf32>
    %mul3A_611 = arith.mulf %div3A_603, %div3A_603 : vector<512x1xf32>
    %sub3A_612 = arith.subf %div3A_610, %mul3A_611 : vector<512x1xf32>
    %sub3A_613 = vector.broadcast %div3A_603 : vector<512x1xf32> to vector<512x128xf32>
    %sub3A_614 = arith.subf %add3A_597, %sub3A_613 : vector<512x128xf32>
    %add3A_615 = arith.constant 9.99999974E-6 : f32
    %add3A_616 = vector.broadcast %add3A_615 : f32 to vector<512x1xf32>
    %add3A_617 = arith.addf %sub3A_612, %add3A_616 : vector<512x1xf32>
    %rsqrt3A_618 = math.rsqrt %add3A_617 : vector<512x1xf32>
    %mul3A_619 = vector.broadcast %rsqrt3A_618 : vector<512x1xf32> to vector<512x128xf32>
    %mul3A_620 = arith.mulf %sub3A_614, %mul3A_619 : vector<512x128xf32>
    %mul3A_621 = vector.broadcast %get3A_4 : vector<1x128xf32> to vector<512x128xf32>
    %mul3A_622 = arith.mulf %mul3A_620, %mul3A_621 : vector<512x128xf32>
    %add3A_623 = vector.broadcast %get3A_7 : vector<1x128xf32> to vector<512x128xf32>
    %add3A_624 = arith.addf %mul3A_622, %add3A_623 : vector<512x128xf32>
    %dot_general3A_625 = arith.constant dense<0.000000e+00> : vector<512x512xf32>
    %dot_general3A_626 = tpu.matmul %add3A_624, %get3A_10, %dot_general3A_625 {dimension_numbers = #tpu.dot_dimension_numbers<[1], [0], [0], [1], [0, 0, 1, 1], [], []>, transpose_lhs_hint = false} : vector<512x128xf32>, vector<128x512xf32>, vector<512x512xf32> -> vector<512x512xf32>
    %dot_general3A_627 = arith.constant dense<0.000000e+00> : vector<512x512xf32>
    %dot_general3A_628 = tpu.matmul %mul3A_546, %get3A_13, %dot_general3A_627 {dimension_numbers = #tpu.dot_dimension_numbers<[1], [0], [0], [1], [0, 0, 1, 1], [], []>, transpose_lhs_hint = false} : vector<512x128xf32>, vector<128x512xf32>, vector<512x512xf32> -> vector<512x512xf32>
    %add3A_629 = arith.addf %dot_general3A_626, %dot_general3A_628 : vector<512x512xf32>
    %add3A_630 = vector.broadcast %get3A_16 : vector<1x512xf32> to vector<512x512xf32>
    %add3A_631 = arith.addf %add3A_629, %add3A_630 : vector<512x512xf32>
    %slice3A_632 = vector.extract_strided_slice %add3A_631 {offsets = [0, 0], sizes = [512, 128], strides = [1, 1]} : vector<512x512xf32> to vector<512x128xf32>
    %logistic3A_633 = arith.negf %slice3A_632 : vector<512x128xf32>
    %logistic3A_634 = math.exp %logistic3A_633 : vector<512x128xf32>
    %logistic3A_635 = arith.constant 1.000000e+00 : f32
    %logistic3A_636 = vector.broadcast %logistic3A_635 : f32 to vector<512x128xf32>
    %logistic3A_637 = arith.addf %logistic3A_636, %logistic3A_634 : vector<512x128xf32>
    %logistic3A_638 = arith.divf %logistic3A_636, %logistic3A_637 : vector<512x128xf32>
    %slice3A_639 = vector.extract_strided_slice %add3A_631 {offsets = [0, 128], sizes = [512, 128], strides = [1, 1]} : vector<512x512xf32> to vector<512x128xf32>
    %logistic3A_640 = arith.negf %slice3A_639 : vector<512x128xf32>
    %logistic3A_641 = math.exp %logistic3A_640 : vector<512x128xf32>
    %logistic3A_642 = arith.constant 1.000000e+00 : f32
    %logistic3A_643 = vector.broadcast %logistic3A_642 : f32 to vector<512x128xf32>
    %logistic3A_644 = arith.addf %logistic3A_643, %logistic3A_641 : vector<512x128xf32>
    %logistic3A_645 = arith.divf %logistic3A_643, %logistic3A_644 : vector<512x128xf32>
    %slice3A_646 = vector.extract_strided_slice %add3A_631 {offsets = [0, 256], sizes = [512, 128], strides = [1, 1]} : vector<512x512xf32> to vector<512x128xf32>
    %tanh3A_647 = math.tanh %slice3A_646 : vector<512x128xf32>
    %slice3A_648 = vector.extract_strided_slice %add3A_631 {offsets = [0, 384], sizes = [512, 128], strides = [1, 1]} : vector<512x512xf32> to vector<512x128xf32>
    %logistic3A_649 = arith.negf %slice3A_648 : vector<512x128xf32>
    %logistic3A_650 = math.exp %logistic3A_649 : vector<512x128xf32>
    %logistic3A_651 = arith.constant 1.000000e+00 : f32
    %logistic3A_652 = vector.broadcast %logistic3A_651 : f32 to vector<512x128xf32>
    %logistic3A_653 = arith.addf %logistic3A_652, %logistic3A_650 : vector<512x128xf32>
    %logistic3A_654 = arith.divf %logistic3A_652, %logistic3A_653 : vector<512x128xf32>
    %mul3A_655 = arith.mulf %logistic3A_645, %add3A_544 : vector<512x128xf32>
    %mul3A_656 = arith.mulf %logistic3A_638, %tanh3A_647 : vector<512x128xf32>
    %add3A_657 = arith.addf %mul3A_655, %mul3A_656 : vector<512x128xf32>
    %tanh3A_658 = math.tanh %add3A_657 : vector<512x128xf32>
    %mul3A_659 = arith.mulf %logistic3A_654, %tanh3A_658 : vector<512x128xf32>
    %reduce_sum3A_660 = arith.constant dense<0.000000e+00> : vector<512xf32>
    %reduce_sum3A_661 = vector.multi_reduction <add>, %mul3A_659, %reduce_sum3A_660 [1] : vector<512x128xf32> to vector<512xf32>
    %broadcast_in_dim3A_662 = vector.shape_cast %reduce_sum3A_661 : vector<512xf32> to vector<512x1xf32>
    %div3A_663 = arith.constant 1.280000e+02 : f32
    %div3A_664 = vector.broadcast %div3A_663 : f32 to vector<512x1xf32>
    %div3A_665 = arith.divf %broadcast_in_dim3A_662, %div3A_664 : vector<512x1xf32>
    %mul3A_666 = arith.mulf %mul3A_659, %mul3A_659 : vector<512x128xf32>
    %reduce_sum3A_667 = arith.constant dense<0.000000e+00> : vector<512xf32>
    %reduce_sum3A_668 = vector.multi_reduction <add>, %mul3A_666, %reduce_sum3A_667 [1] : vector<512x128xf32> to vector<512xf32>
    %broadcast_in_dim3A_669 = vector.shape_cast %reduce_sum3A_668 : vector<512xf32> to vector<512x1xf32>
    %div3A_670 = arith.constant 1.280000e+02 : f32
    %div3A_671 = vector.broadcast %div3A_670 : f32 to vector<512x1xf32>
    %div3A_672 = arith.divf %broadcast_in_dim3A_669, %div3A_671 : vector<512x1xf32>
    %mul3A_673 = arith.mulf %div3A_665, %div3A_665 : vector<512x1xf32>
    %sub3A_674 = arith.subf %div3A_672, %mul3A_673 : vector<512x1xf32>
    %sub3A_675 = vector.broadcast %div3A_665 : vector<512x1xf32> to vector<512x128xf32>
    %sub3A_676 = arith.subf %mul3A_659, %sub3A_675 : vector<512x128xf32>
    %add3A_677 = arith.constant 9.99999974E-6 : f32
    %add3A_678 = vector.broadcast %add3A_677 : f32 to vector<512x1xf32>
    %add3A_679 = arith.addf %sub3A_674, %add3A_678 : vector<512x1xf32>
    %rsqrt3A_680 = math.rsqrt %add3A_679 : vector<512x1xf32>
    %mul3A_681 = vector.broadcast %rsqrt3A_680 : vector<512x1xf32> to vector<512x128xf32>
    %mul3A_682 = arith.mulf %sub3A_676, %mul3A_681 : vector<512x128xf32>
    %mul3A_683 = vector.broadcast %get3A_19 : vector<1x128xf32> to vector<512x128xf32>
    %mul3A_684 = arith.mulf %mul3A_682, %mul3A_683 : vector<512x128xf32>
    %add3A_685 = vector.broadcast %get3A_22 : vector<1x128xf32> to vector<512x128xf32>
    %add3A_686 = arith.addf %mul3A_684, %add3A_685 : vector<512x128xf32>
    %swap3A_687 = arith.constant 0 : index
    %swap3A_688 = arith.constant 5 : index
    %swap3A_689 = arith.constant 0 : index
    %swap3A_690 = vector.load %arg27[%swap3A_687, %swap3A_688, %swap3A_689] : memref<512x12x128xf32, #tpu.memory_space<vmem>>, vector<512x1x128xf32>
    %swap3A_691 = vector.shape_cast %swap3A_690 : vector<512x1x128xf32> to vector<512x128xf32>
    %swap3A_692 = vector.shape_cast %add3A_686 : vector<512x128xf32> to vector<512x1x128xf32>
    tpu.vector_store %arg27[%swap3A_687, %swap3A_688, %swap3A_689], %swap3A_692 {strides = array<i32>} : memref<512x12x128xf32, #tpu.memory_space<vmem>>, vector<512x1x128xf32>,
    %get3A_693 = arith.constant 0 : index
    %get3A_694 = arith.constant 0 : index
    %get3A_695 = arith.constant 0 : index
    %get3A_696 = vector.load %arg7[%get3A_693, %get3A_694, %get3A_695] : memref<1x512x128xf32, #tpu.memory_space<vmem>>, vector<1x512x128xf32>
    %get3A_697 = vector.shape_cast %get3A_696 : vector<1x512x128xf32> to vector<512x128xf32>
    %get3A_698 = arith.constant 6 : index
    %get3A_699 = arith.constant 0 : index
    %get3A_700 = arith.constant 0 : index
    %get3A_701 = vector.load %arg13[%get3A_698, %get3A_699, %get3A_700] : memref<12x512x128xf32, #tpu.memory_space<vmem>>, vector<1x512x128xf32>
    %get3A_702 = vector.shape_cast %get3A_701 : vector<1x512x128xf32> to vector<512x128xf32>
    %add3A_703 = arith.addf %get3A_697, %get3A_702 : vector<512x128xf32>
    %mul3A_704 = vector.broadcast %get3A_1 : vector<512x1xf32> to vector<512x128xf32>
    %mul3A_705 = arith.mulf %mul3A_704, %add3A_703 : vector<512x128xf32>
    %get3A_706 = arith.constant 0 : index
    %get3A_707 = arith.constant 0 : index
    %get3A_708 = vector.load %arg15[%get3A_706, %get3A_707] : memref<1x128xf32, #tpu.memory_space<vmem>>, vector<1x128xf32>
    %add3A_709 = vector.broadcast %get3A_708 : vector<1x128xf32> to vector<512x128xf32>
    %add3A_710 = arith.addf %mul3A_705, %add3A_709 : vector<512x128xf32>
    %reduce_sum3A_711 = arith.constant dense<0.000000e+00> : vector<512xf32>
    %reduce_sum3A_712 = vector.multi_reduction <add>, %add3A_710, %reduce_sum3A_711 [1] : vector<512x128xf32> to vector<512xf32>
    %broadcast_in_dim3A_713 = vector.shape_cast %reduce_sum3A_712 : vector<512xf32> to vector<512x1xf32>
    %div3A_714 = arith.constant 1.280000e+02 : f32
    %div3A_715 = vector.broadcast %div3A_714 : f32 to vector<512x1xf32>
    %div3A_716 = arith.divf %broadcast_in_dim3A_713, %div3A_715 : vector<512x1xf32>
    %mul3A_717 = arith.mulf %add3A_710, %add3A_710 : vector<512x128xf32>
    %reduce_sum3A_718 = arith.constant dense<0.000000e+00> : vector<512xf32>
    %reduce_sum3A_719 = vector.multi_reduction <add>, %mul3A_717, %reduce_sum3A_718 [1] : vector<512x128xf32> to vector<512xf32>
    %broadcast_in_dim3A_720 = vector.shape_cast %reduce_sum3A_719 : vector<512xf32> to vector<512x1xf32>
    %div3A_721 = arith.constant 1.280000e+02 : f32
    %div3A_722 = vector.broadcast %div3A_721 : f32 to vector<512x1xf32>
    %div3A_723 = arith.divf %broadcast_in_dim3A_720, %div3A_722 : vector<512x1xf32>
    %mul3A_724 = arith.mulf %div3A_716, %div3A_716 : vector<512x1xf32>
    %sub3A_725 = arith.subf %div3A_723, %mul3A_724 : vector<512x1xf32>
    %sub3A_726 = vector.broadcast %div3A_716 : vector<512x1xf32> to vector<512x128xf32>
    %sub3A_727 = arith.subf %add3A_710, %sub3A_726 : vector<512x128xf32>
    %add3A_728 = arith.constant 9.99999974E-6 : f32
    %add3A_729 = vector.broadcast %add3A_728 : f32 to vector<512x1xf32>
    %add3A_730 = arith.addf %sub3A_725, %add3A_729 : vector<512x1xf32>
    %rsqrt3A_731 = math.rsqrt %add3A_730 : vector<512x1xf32>
    %mul3A_732 = vector.broadcast %rsqrt3A_731 : vector<512x1xf32> to vector<512x128xf32>
    %mul3A_733 = arith.mulf %sub3A_727, %mul3A_732 : vector<512x128xf32>
    %mul3A_734 = vector.broadcast %get3A_4 : vector<1x128xf32> to vector<512x128xf32>
    %mul3A_735 = arith.mulf %mul3A_733, %mul3A_734 : vector<512x128xf32>
    %add3A_736 = vector.broadcast %get3A_7 : vector<1x128xf32> to vector<512x128xf32>
    %add3A_737 = arith.addf %mul3A_735, %add3A_736 : vector<512x128xf32>
    %dot_general3A_738 = arith.constant dense<0.000000e+00> : vector<512x512xf32>
    %dot_general3A_739 = tpu.matmul %add3A_737, %get3A_10, %dot_general3A_738 {dimension_numbers = #tpu.dot_dimension_numbers<[1], [0], [0], [1], [0, 0, 1, 1], [], []>, transpose_lhs_hint = false} : vector<512x128xf32>, vector<128x512xf32>, vector<512x512xf32> -> vector<512x512xf32>
    %dot_general3A_740 = arith.constant dense<0.000000e+00> : vector<512x512xf32>
    %dot_general3A_741 = tpu.matmul %mul3A_659, %get3A_13, %dot_general3A_740 {dimension_numbers = #tpu.dot_dimension_numbers<[1], [0], [0], [1], [0, 0, 1, 1], [], []>, transpose_lhs_hint = false} : vector<512x128xf32>, vector<128x512xf32>, vector<512x512xf32> -> vector<512x512xf32>
    %add3A_742 = arith.addf %dot_general3A_739, %dot_general3A_741 : vector<512x512xf32>
    %add3A_743 = vector.broadcast %get3A_16 : vector<1x512xf32> to vector<512x512xf32>
    %add3A_744 = arith.addf %add3A_742, %add3A_743 : vector<512x512xf32>
    %slice3A_745 = vector.extract_strided_slice %add3A_744 {offsets = [0, 0], sizes = [512, 128], strides = [1, 1]} : vector<512x512xf32> to vector<512x128xf32>
    %logistic3A_746 = arith.negf %slice3A_745 : vector<512x128xf32>
    %logistic3A_747 = math.exp %logistic3A_746 : vector<512x128xf32>
    %logistic3A_748 = arith.constant 1.000000e+00 : f32
    %logistic3A_749 = vector.broadcast %logistic3A_748 : f32 to vector<512x128xf32>
    %logistic3A_750 = arith.addf %logistic3A_749, %logistic3A_747 : vector<512x128xf32>
    %logistic3A_751 = arith.divf %logistic3A_749, %logistic3A_750 : vector<512x128xf32>
    %slice3A_752 = vector.extract_strided_slice %add3A_744 {offsets = [0, 128], sizes = [512, 128], strides = [1, 1]} : vector<512x512xf32> to vector<512x128xf32>
    %logistic3A_753 = arith.negf %slice3A_752 : vector<512x128xf32>
    %logistic3A_754 = math.exp %logistic3A_753 : vector<512x128xf32>
    %logistic3A_755 = arith.constant 1.000000e+00 : f32
    %logistic3A_756 = vector.broadcast %logistic3A_755 : f32 to vector<512x128xf32>
    %logistic3A_757 = arith.addf %logistic3A_756, %logistic3A_754 : vector<512x128xf32>
    %logistic3A_758 = arith.divf %logistic3A_756, %logistic3A_757 : vector<512x128xf32>
    %slice3A_759 = vector.extract_strided_slice %add3A_744 {offsets = [0, 256], sizes = [512, 128], strides = [1, 1]} : vector<512x512xf32> to vector<512x128xf32>
    %tanh3A_760 = math.tanh %slice3A_759 : vector<512x128xf32>
    %slice3A_761 = vector.extract_strided_slice %add3A_744 {offsets = [0, 384], sizes = [512, 128], strides = [1, 1]} : vector<512x512xf32> to vector<512x128xf32>
    %logistic3A_762 = arith.negf %slice3A_761 : vector<512x128xf32>
    %logistic3A_763 = math.exp %logistic3A_762 : vector<512x128xf32>
    %logistic3A_764 = arith.constant 1.000000e+00 : f32
    %logistic3A_765 = vector.broadcast %logistic3A_764 : f32 to vector<512x128xf32>
    %logistic3A_766 = arith.addf %logistic3A_765, %logistic3A_763 : vector<512x128xf32>
    %logistic3A_767 = arith.divf %logistic3A_765, %logistic3A_766 : vector<512x128xf32>
    %mul3A_768 = arith.mulf %logistic3A_758, %add3A_657 : vector<512x128xf32>
    %mul3A_769 = arith.mulf %logistic3A_751, %tanh3A_760 : vector<512x128xf32>
    %add3A_770 = arith.addf %mul3A_768, %mul3A_769 : vector<512x128xf32>
    %tanh3A_771 = math.tanh %add3A_770 : vector<512x128xf32>
    %mul3A_772 = arith.mulf %logistic3A_767, %tanh3A_771 : vector<512x128xf32>
    %reduce_sum3A_773 = arith.constant dense<0.000000e+00> : vector<512xf32>
    %reduce_sum3A_774 = vector.multi_reduction <add>, %mul3A_772, %reduce_sum3A_773 [1] : vector<512x128xf32> to vector<512xf32>
    %broadcast_in_dim3A_775 = vector.shape_cast %reduce_sum3A_774 : vector<512xf32> to vector<512x1xf32>
    %div3A_776 = arith.constant 1.280000e+02 : f32
    %div3A_777 = vector.broadcast %div3A_776 : f32 to vector<512x1xf32>
    %div3A_778 = arith.divf %broadcast_in_dim3A_775, %div3A_777 : vector<512x1xf32>
    %mul3A_779 = arith.mulf %mul3A_772, %mul3A_772 : vector<512x128xf32>
    %reduce_sum3A_780 = arith.constant dense<0.000000e+00> : vector<512xf32>
    %reduce_sum3A_781 = vector.multi_reduction <add>, %mul3A_779, %reduce_sum3A_780 [1] : vector<512x128xf32> to vector<512xf32>
    %broadcast_in_dim3A_782 = vector.shape_cast %reduce_sum3A_781 : vector<512xf32> to vector<512x1xf32>
    %div3A_783 = arith.constant 1.280000e+02 : f32
    %div3A_784 = vector.broadcast %div3A_783 : f32 to vector<512x1xf32>
    %div3A_785 = arith.divf %broadcast_in_dim3A_782, %div3A_784 : vector<512x1xf32>
    %mul3A_786 = arith.mulf %div3A_778, %div3A_778 : vector<512x1xf32>
    %sub3A_787 = arith.subf %div3A_785, %mul3A_786 : vector<512x1xf32>
    %sub3A_788 = vector.broadcast %div3A_778 : vector<512x1xf32> to vector<512x128xf32>
    %sub3A_789 = arith.subf %mul3A_772, %sub3A_788 : vector<512x128xf32>
    %add3A_790 = arith.constant 9.99999974E-6 : f32
    %add3A_791 = vector.broadcast %add3A_790 : f32 to vector<512x1xf32>
    %add3A_792 = arith.addf %sub3A_787, %add3A_791 : vector<512x1xf32>
    %rsqrt3A_793 = math.rsqrt %add3A_792 : vector<512x1xf32>
    %mul3A_794 = vector.broadcast %rsqrt3A_793 : vector<512x1xf32> to vector<512x128xf32>
    %mul3A_795 = arith.mulf %sub3A_789, %mul3A_794 : vector<512x128xf32>
    %mul3A_796 = vector.broadcast %get3A_19 : vector<1x128xf32> to vector<512x128xf32>
    %mul3A_797 = arith.mulf %mul3A_795, %mul3A_796 : vector<512x128xf32>
    %add3A_798 = vector.broadcast %get3A_22 : vector<1x128xf32> to vector<512x128xf32>
    %add3A_799 = arith.addf %mul3A_797, %add3A_798 : vector<512x128xf32>
    %swap3A_800 = arith.constant 0 : index
    %swap3A_801 = arith.constant 6 : index
    %swap3A_802 = arith.constant 0 : index
    %swap3A_803 = vector.load %arg27[%swap3A_800, %swap3A_801, %swap3A_802] : memref<512x12x128xf32, #tpu.memory_space<vmem>>, vector<512x1x128xf32>
    %swap3A_804 = vector.shape_cast %swap3A_803 : vector<512x1x128xf32> to vector<512x128xf32>
    %swap3A_805 = vector.shape_cast %add3A_799 : vector<512x128xf32> to vector<512x1x128xf32>
    tpu.vector_store %arg27[%swap3A_800, %swap3A_801, %swap3A_802], %swap3A_805 {strides = array<i32>} : memref<512x12x128xf32, #tpu.memory_space<vmem>>, vector<512x1x128xf32>,
    %get3A_806 = arith.constant 0 : index
    %get3A_807 = arith.constant 0 : index
    %get3A_808 = arith.constant 0 : index
    %get3A_809 = vector.load %arg8[%get3A_806, %get3A_807, %get3A_808] : memref<1x512x128xf32, #tpu.memory_space<vmem>>, vector<1x512x128xf32>
    %get3A_810 = vector.shape_cast %get3A_809 : vector<1x512x128xf32> to vector<512x128xf32>
    %get3A_811 = arith.constant 7 : index
    %get3A_812 = arith.constant 0 : index
    %get3A_813 = arith.constant 0 : index
    %get3A_814 = vector.load %arg13[%get3A_811, %get3A_812, %get3A_813] : memref<12x512x128xf32, #tpu.memory_space<vmem>>, vector<1x512x128xf32>
    %get3A_815 = vector.shape_cast %get3A_814 : vector<1x512x128xf32> to vector<512x128xf32>
    %add3A_816 = arith.addf %get3A_810, %get3A_815 : vector<512x128xf32>
    %mul3A_817 = vector.broadcast %get3A_1 : vector<512x1xf32> to vector<512x128xf32>
    %mul3A_818 = arith.mulf %mul3A_817, %add3A_816 : vector<512x128xf32>
    %get3A_819 = arith.constant 0 : index
    %get3A_820 = arith.constant 0 : index
    %get3A_821 = vector.load %arg15[%get3A_819, %get3A_820] : memref<1x128xf32, #tpu.memory_space<vmem>>, vector<1x128xf32>
    %add3A_822 = vector.broadcast %get3A_821 : vector<1x128xf32> to vector<512x128xf32>
    %add3A_823 = arith.addf %mul3A_818, %add3A_822 : vector<512x128xf32>
    %reduce_sum3A_824 = arith.constant dense<0.000000e+00> : vector<512xf32>
    %reduce_sum3A_825 = vector.multi_reduction <add>, %add3A_823, %reduce_sum3A_824 [1] : vector<512x128xf32> to vector<512xf32>
    %broadcast_in_dim3A_826 = vector.shape_cast %reduce_sum3A_825 : vector<512xf32> to vector<512x1xf32>
    %div3A_827 = arith.constant 1.280000e+02 : f32
    %div3A_828 = vector.broadcast %div3A_827 : f32 to vector<512x1xf32>
    %div3A_829 = arith.divf %broadcast_in_dim3A_826, %div3A_828 : vector<512x1xf32>
    %mul3A_830 = arith.mulf %add3A_823, %add3A_823 : vector<512x128xf32>
    %reduce_sum3A_831 = arith.constant dense<0.000000e+00> : vector<512xf32>
    %reduce_sum3A_832 = vector.multi_reduction <add>, %mul3A_830, %reduce_sum3A_831 [1] : vector<512x128xf32> to vector<512xf32>
    %broadcast_in_dim3A_833 = vector.shape_cast %reduce_sum3A_832 : vector<512xf32> to vector<512x1xf32>
    %div3A_834 = arith.constant 1.280000e+02 : f32
    %div3A_835 = vector.broadcast %div3A_834 : f32 to vector<512x1xf32>
    %div3A_836 = arith.divf %broadcast_in_dim3A_833, %div3A_835 : vector<512x1xf32>
    %mul3A_837 = arith.mulf %div3A_829, %div3A_829 : vector<512x1xf32>
    %sub3A_838 = arith.subf %div3A_836, %mul3A_837 : vector<512x1xf32>
    %sub3A_839 = vector.broadcast %div3A_829 : vector<512x1xf32> to vector<512x128xf32>
    %sub3A_840 = arith.subf %add3A_823, %sub3A_839 : vector<512x128xf32>
    %add3A_841 = arith.constant 9.99999974E-6 : f32
    %add3A_842 = vector.broadcast %add3A_841 : f32 to vector<512x1xf32>
    %add3A_843 = arith.addf %sub3A_838, %add3A_842 : vector<512x1xf32>
    %rsqrt3A_844 = math.rsqrt %add3A_843 : vector<512x1xf32>
    %mul3A_845 = vector.broadcast %rsqrt3A_844 : vector<512x1xf32> to vector<512x128xf32>
    %mul3A_846 = arith.mulf %sub3A_840, %mul3A_845 : vector<512x128xf32>
    %mul3A_847 = vector.broadcast %get3A_4 : vector<1x128xf32> to vector<512x128xf32>
    %mul3A_848 = arith.mulf %mul3A_846, %mul3A_847 : vector<512x128xf32>
    %add3A_849 = vector.broadcast %get3A_7 : vector<1x128xf32> to vector<512x128xf32>
    %add3A_850 = arith.addf %mul3A_848, %add3A_849 : vector<512x128xf32>
    %dot_general3A_851 = arith.constant dense<0.000000e+00> : vector<512x512xf32>
    %dot_general3A_852 = tpu.matmul %add3A_850, %get3A_10, %dot_general3A_851 {dimension_numbers = #tpu.dot_dimension_numbers<[1], [0], [0], [1], [0, 0, 1, 1], [], []>, transpose_lhs_hint = false} : vector<512x128xf32>, vector<128x512xf32>, vector<512x512xf32> -> vector<512x512xf32>
    %dot_general3A_853 = arith.constant dense<0.000000e+00> : vector<512x512xf32>
    %dot_general3A_854 = tpu.matmul %mul3A_772, %get3A_13, %dot_general3A_853 {dimension_numbers = #tpu.dot_dimension_numbers<[1], [0], [0], [1], [0, 0, 1, 1], [], []>, transpose_lhs_hint = false} : vector<512x128xf32>, vector<128x512xf32>, vector<512x512xf32> -> vector<512x512xf32>
    %add3A_855 = arith.addf %dot_general3A_852, %dot_general3A_854 : vector<512x512xf32>
    %add3A_856 = vector.broadcast %get3A_16 : vector<1x512xf32> to vector<512x512xf32>
    %add3A_857 = arith.addf %add3A_855, %add3A_856 : vector<512x512xf32>
    %slice3A_858 = vector.extract_strided_slice %add3A_857 {offsets = [0, 0], sizes = [512, 128], strides = [1, 1]} : vector<512x512xf32> to vector<512x128xf32>
    %logistic3A_859 = arith.negf %slice3A_858 : vector<512x128xf32>
    %logistic3A_860 = math.exp %logistic3A_859 : vector<512x128xf32>
    %logistic3A_861 = arith.constant 1.000000e+00 : f32
    %logistic3A_862 = vector.broadcast %logistic3A_861 : f32 to vector<512x128xf32>
    %logistic3A_863 = arith.addf %logistic3A_862, %logistic3A_860 : vector<512x128xf32>
    %logistic3A_864 = arith.divf %logistic3A_862, %logistic3A_863 : vector<512x128xf32>
    %slice3A_865 = vector.extract_strided_slice %add3A_857 {offsets = [0, 128], sizes = [512, 128], strides = [1, 1]} : vector<512x512xf32> to vector<512x128xf32>
    %logistic3A_866 = arith.negf %slice3A_865 : vector<512x128xf32>
    %logistic3A_867 = math.exp %logistic3A_866 : vector<512x128xf32>
    %logistic3A_868 = arith.constant 1.000000e+00 : f32
    %logistic3A_869 = vector.broadcast %logistic3A_868 : f32 to vector<512x128xf32>
    %logistic3A_870 = arith.addf %logistic3A_869, %logistic3A_867 : vector<512x128xf32>
    %logistic3A_871 = arith.divf %logistic3A_869, %logistic3A_870 : vector<512x128xf32>
    %slice3A_872 = vector.extract_strided_slice %add3A_857 {offsets = [0, 256], sizes = [512, 128], strides = [1, 1]} : vector<512x512xf32> to vector<512x128xf32>
    %tanh3A_873 = math.tanh %slice3A_872 : vector<512x128xf32>
    %slice3A_874 = vector.extract_strided_slice %add3A_857 {offsets = [0, 384], sizes = [512, 128], strides = [1, 1]} : vector<512x512xf32> to vector<512x128xf32>
    %logistic3A_875 = arith.negf %slice3A_874 : vector<512x128xf32>
    %logistic3A_876 = math.exp %logistic3A_875 : vector<512x128xf32>
    %logistic3A_877 = arith.constant 1.000000e+00 : f32
    %logistic3A_878 = vector.broadcast %logistic3A_877 : f32 to vector<512x128xf32>
    %logistic3A_879 = arith.addf %logistic3A_878, %logistic3A_876 : vector<512x128xf32>
    %logistic3A_880 = arith.divf %logistic3A_878, %logistic3A_879 : vector<512x128xf32>
    %mul3A_881 = arith.mulf %logistic3A_871, %add3A_770 : vector<512x128xf32>
    %mul3A_882 = arith.mulf %logistic3A_864, %tanh3A_873 : vector<512x128xf32>
    %add3A_883 = arith.addf %mul3A_881, %mul3A_882 : vector<512x128xf32>
    %tanh3A_884 = math.tanh %add3A_883 : vector<512x128xf32>
    %mul3A_885 = arith.mulf %logistic3A_880, %tanh3A_884 : vector<512x128xf32>
    %reduce_sum3A_886 = arith.constant dense<0.000000e+00> : vector<512xf32>
    %reduce_sum3A_887 = vector.multi_reduction <add>, %mul3A_885, %reduce_sum3A_886 [1] : vector<512x128xf32> to vector<512xf32>
    %broadcast_in_dim3A_888 = vector.shape_cast %reduce_sum3A_887 : vector<512xf32> to vector<512x1xf32>
    %div3A_889 = arith.constant 1.280000e+02 : f32
    %div3A_890 = vector.broadcast %div3A_889 : f32 to vector<512x1xf32>
    %div3A_891 = arith.divf %broadcast_in_dim3A_888, %div3A_890 : vector<512x1xf32>
    %mul3A_892 = arith.mulf %mul3A_885, %mul3A_885 : vector<512x128xf32>
    %reduce_sum3A_893 = arith.constant dense<0.000000e+00> : vector<512xf32>
    %reduce_sum3A_894 = vector.multi_reduction <add>, %mul3A_892, %reduce_sum3A_893 [1] : vector<512x128xf32> to vector<512xf32>
    %broadcast_in_dim3A_895 = vector.shape_cast %reduce_sum3A_894 : vector<512xf32> to vector<512x1xf32>
    %div3A_896 = arith.constant 1.280000e+02 : f32
    %div3A_897 = vector.broadcast %div3A_896 : f32 to vector<512x1xf32>
    %div3A_898 = arith.divf %broadcast_in_dim3A_895, %div3A_897 : vector<512x1xf32>
    %mul3A_899 = arith.mulf %div3A_891, %div3A_891 : vector<512x1xf32>
    %sub3A_900 = arith.subf %div3A_898, %mul3A_899 : vector<512x1xf32>
    %sub3A_901 = vector.broadcast %div3A_891 : vector<512x1xf32> to vector<512x128xf32>
    %sub3A_902 = arith.subf %mul3A_885, %sub3A_901 : vector<512x128xf32>
    %add3A_903 = arith.constant 9.99999974E-6 : f32
    %add3A_904 = vector.broadcast %add3A_903 : f32 to vector<512x1xf32>
    %add3A_905 = arith.addf %sub3A_900, %add3A_904 : vector<512x1xf32>
    %rsqrt3A_906 = math.rsqrt %add3A_905 : vector<512x1xf32>
    %mul3A_907 = vector.broadcast %rsqrt3A_906 : vector<512x1xf32> to vector<512x128xf32>
    %mul3A_908 = arith.mulf %sub3A_902, %mul3A_907 : vector<512x128xf32>
    %mul3A_909 = vector.broadcast %get3A_19 : vector<1x128xf32> to vector<512x128xf32>
    %mul3A_910 = arith.mulf %mul3A_908, %mul3A_909 : vector<512x128xf32>
    %add3A_911 = vector.broadcast %get3A_22 : vector<1x128xf32> to vector<512x128xf32>
    %add3A_912 = arith.addf %mul3A_910, %add3A_911 : vector<512x128xf32>
    %swap3A_913 = arith.constant 0 : index
    %swap3A_914 = arith.constant 7 : index
    %swap3A_915 = arith.constant 0 : index
    %swap3A_916 = vector.load %arg27[%swap3A_913, %swap3A_914, %swap3A_915] : memref<512x12x128xf32, #tpu.memory_space<vmem>>, vector<512x1x128xf32>
    %swap3A_917 = vector.shape_cast %swap3A_916 : vector<512x1x128xf32> to vector<512x128xf32>
    %swap3A_918 = vector.shape_cast %add3A_912 : vector<512x128xf32> to vector<512x1x128xf32>
    tpu.vector_store %arg27[%swap3A_913, %swap3A_914, %swap3A_915], %swap3A_918 {strides = array<i32>} : memref<512x12x128xf32, #tpu.memory_space<vmem>>, vector<512x1x128xf32>,
    %get3A_919 = arith.constant 0 : index
    %get3A_920 = arith.constant 0 : index
    %get3A_921 = arith.constant 0 : index
    %get3A_922 = vector.load %arg9[%get3A_919, %get3A_920, %get3A_921] : memref<1x512x128xf32, #tpu.memory_space<vmem>>, vector<1x512x128xf32>
    %get3A_923 = vector.shape_cast %get3A_922 : vector<1x512x128xf32> to vector<512x128xf32>
    %get3A_924 = arith.constant 8 : index
    %get3A_925 = arith.constant 0 : index
    %get3A_926 = arith.constant 0 : index
    %get3A_927 = vector.load %arg13[%get3A_924, %get3A_925, %get3A_926] : memref<12x512x128xf32, #tpu.memory_space<vmem>>, vector<1x512x128xf32>
    %get3A_928 = vector.shape_cast %get3A_927 : vector<1x512x128xf32> to vector<512x128xf32>
    %add3A_929 = arith.addf %get3A_923, %get3A_928 : vector<512x128xf32>
    %mul3A_930 = vector.broadcast %get3A_1 : vector<512x1xf32> to vector<512x128xf32>
    %mul3A_931 = arith.mulf %mul3A_930, %add3A_929 : vector<512x128xf32>
    %get3A_932 = arith.constant 0 : index
    %get3A_933 = arith.constant 0 : index
    %get3A_934 = vector.load %arg15[%get3A_932, %get3A_933] : memref<1x128xf32, #tpu.memory_space<vmem>>, vector<1x128xf32>
    %add3A_935 = vector.broadcast %get3A_934 : vector<1x128xf32> to vector<512x128xf32>
    %add3A_936 = arith.addf %mul3A_931, %add3A_935 : vector<512x128xf32>
    %reduce_sum3A_937 = arith.constant dense<0.000000e+00> : vector<512xf32>
    %reduce_sum3A_938 = vector.multi_reduction <add>, %add3A_936, %reduce_sum3A_937 [1] : vector<512x128xf32> to vector<512xf32>
    %broadcast_in_dim3A_939 = vector.shape_cast %reduce_sum3A_938 : vector<512xf32> to vector<512x1xf32>
    %div3A_940 = arith.constant 1.280000e+02 : f32
    %div3A_941 = vector.broadcast %div3A_940 : f32 to vector<512x1xf32>
    %div3A_942 = arith.divf %broadcast_in_dim3A_939, %div3A_941 : vector<512x1xf32>
    %mul3A_943 = arith.mulf %add3A_936, %add3A_936 : vector<512x128xf32>
    %reduce_sum3A_944 = arith.constant dense<0.000000e+00> : vector<512xf32>
    %reduce_sum3A_945 = vector.multi_reduction <add>, %mul3A_943, %reduce_sum3A_944 [1] : vector<512x128xf32> to vector<512xf32>
    %broadcast_in_dim3A_946 = vector.shape_cast %reduce_sum3A_945 : vector<512xf32> to vector<512x1xf32>
    %div3A_947 = arith.constant 1.280000e+02 : f32
    %div3A_948 = vector.broadcast %div3A_947 : f32 to vector<512x1xf32>
    %div3A_949 = arith.divf %broadcast_in_dim3A_946, %div3A_948 : vector<512x1xf32>
    %mul3A_950 = arith.mulf %div3A_942, %div3A_942 : vector<512x1xf32>
    %sub3A_951 = arith.subf %div3A_949, %mul3A_950 : vector<512x1xf32>
    %sub3A_952 = vector.broadcast %div3A_942 : vector<512x1xf32> to vector<512x128xf32>
    %sub3A_953 = arith.subf %add3A_936, %sub3A_952 : vector<512x128xf32>
    %add3A_954 = arith.constant 9.99999974E-6 : f32
    %add3A_955 = vector.broadcast %add3A_954 : f32 to vector<512x1xf32>
    %add3A_956 = arith.addf %sub3A_951, %add3A_955 : vector<512x1xf32>
    %rsqrt3A_957 = math.rsqrt %add3A_956 : vector<512x1xf32>
    %mul3A_958 = vector.broadcast %rsqrt3A_957 : vector<512x1xf32> to vector<512x128xf32>
    %mul3A_959 = arith.mulf %sub3A_953, %mul3A_958 : vector<512x128xf32>
    %mul3A_960 = vector.broadcast %get3A_4 : vector<1x128xf32> to vector<512x128xf32>
    %mul3A_961 = arith.mulf %mul3A_959, %mul3A_960 : vector<512x128xf32>
    %add3A_962 = vector.broadcast %get3A_7 : vector<1x128xf32> to vector<512x128xf32>
    %add3A_963 = arith.addf %mul3A_961, %add3A_962 : vector<512x128xf32>
    %dot_general3A_964 = arith.constant dense<0.000000e+00> : vector<512x512xf32>
    %dot_general3A_965 = tpu.matmul %add3A_963, %get3A_10, %dot_general3A_964 {dimension_numbers = #tpu.dot_dimension_numbers<[1], [0], [0], [1], [0, 0, 1, 1], [], []>, transpose_lhs_hint = false} : vector<512x128xf32>, vector<128x512xf32>, vector<512x512xf32> -> vector<512x512xf32>
    %dot_general3A_966 = arith.constant dense<0.000000e+00> : vector<512x512xf32>
    %dot_general3A_967 = tpu.matmul %mul3A_885, %get3A_13, %dot_general3A_966 {dimension_numbers = #tpu.dot_dimension_numbers<[1], [0], [0], [1], [0, 0, 1, 1], [], []>, transpose_lhs_hint = false} : vector<512x128xf32>, vector<128x512xf32>, vector<512x512xf32> -> vector<512x512xf32>
    %add3A_968 = arith.addf %dot_general3A_965, %dot_general3A_967 : vector<512x512xf32>
    %add3A_969 = vector.broadcast %get3A_16 : vector<1x512xf32> to vector<512x512xf32>
    %add3A_970 = arith.addf %add3A_968, %add3A_969 : vector<512x512xf32>
    %slice3A_971 = vector.extract_strided_slice %add3A_970 {offsets = [0, 0], sizes = [512, 128], strides = [1, 1]} : vector<512x512xf32> to vector<512x128xf32>
    %logistic3A_972 = arith.negf %slice3A_971 : vector<512x128xf32>
    %logistic3A_973 = math.exp %logistic3A_972 : vector<512x128xf32>
    %logistic3A_974 = arith.constant 1.000000e+00 : f32
    %logistic3A_975 = vector.broadcast %logistic3A_974 : f32 to vector<512x128xf32>
    %logistic3A_976 = arith.addf %logistic3A_975, %logistic3A_973 : vector<512x128xf32>
    %logistic3A_977 = arith.divf %logistic3A_975, %logistic3A_976 : vector<512x128xf32>
    %slice3A_978 = vector.extract_strided_slice %add3A_970 {offsets = [0, 128], sizes = [512, 128], strides = [1, 1]} : vector<512x512xf32> to vector<512x128xf32>
    %logistic3A_979 = arith.negf %slice3A_978 : vector<512x128xf32>
    %logistic3A_980 = math.exp %logistic3A_979 : vector<512x128xf32>
    %logistic3A_981 = arith.constant 1.000000e+00 : f32
    %logistic3A_982 = vector.broadcast %logistic3A_981 : f32 to vector<512x128xf32>
    %logistic3A_983 = arith.addf %logistic3A_982, %logistic3A_980 : vector<512x128xf32>
    %logistic3A_984 = arith.divf %logistic3A_982, %logistic3A_983 : vector<512x128xf32>
    %slice3A_985 = vector.extract_strided_slice %add3A_970 {offsets = [0, 256], sizes = [512, 128], strides = [1, 1]} : vector<512x512xf32> to vector<512x128xf32>
    %tanh3A_986 = math.tanh %slice3A_985 : vector<512x128xf32>
    %slice3A_987 = vector.extract_strided_slice %add3A_970 {offsets = [0, 384], sizes = [512, 128], strides = [1, 1]} : vector<512x512xf32> to vector<512x128xf32>
    %logistic3A_988 = arith.negf %slice3A_987 : vector<512x128xf32>
    %logistic3A_989 = math.exp %logistic3A_988 : vector<512x128xf32>
    %logistic3A_990 = arith.constant 1.000000e+00 : f32
    %logistic3A_991 = vector.broadcast %logistic3A_990 : f32 to vector<512x128xf32>
    %logistic3A_992 = arith.addf %logistic3A_991, %logistic3A_989 : vector<512x128xf32>
    %logistic3A_993 = arith.divf %logistic3A_991, %logistic3A_992 : vector<512x128xf32>
    %mul3A_994 = arith.mulf %logistic3A_984, %add3A_883 : vector<512x128xf32>
    %mul3A_995 = arith.mulf %logistic3A_977, %tanh3A_986 : vector<512x128xf32>
    %add3A_996 = arith.addf %mul3A_994, %mul3A_995 : vector<512x128xf32>
    %tanh3A_997 = math.tanh %add3A_996 : vector<512x128xf32>
    %mul3A_998 = arith.mulf %logistic3A_993, %tanh3A_997 : vector<512x128xf32>
    %reduce_sum3A_999 = arith.constant dense<0.000000e+00> : vector<512xf32>
    %reduce_sum3A_1000 = vector.multi_reduction <add>, %mul3A_998, %reduce_sum3A_999 [1] : vector<512x128xf32> to vector<512xf32>
    %broadcast_in_dim3A_1001 = vector.shape_cast %reduce_sum3A_1000 : vector<512xf32> to vector<512x1xf32>
    %div3A_1002 = arith.constant 1.280000e+02 : f32
    %div3A_1003 = vector.broadcast %div3A_1002 : f32 to vector<512x1xf32>
    %div3A_1004 = arith.divf %broadcast_in_dim3A_1001, %div3A_1003 : vector<512x1xf32>
    %mul3A_1005 = arith.mulf %mul3A_998, %mul3A_998 : vector<512x128xf32>
    %reduce_sum3A_1006 = arith.constant dense<0.000000e+00> : vector<512xf32>
    %reduce_sum3A_1007 = vector.multi_reduction <add>, %mul3A_1005, %reduce_sum3A_1006 [1] : vector<512x128xf32> to vector<512xf32>
    %broadcast_in_dim3A_1008 = vector.shape_cast %reduce_sum3A_1007 : vector<512xf32> to vector<512x1xf32>
    %div3A_1009 = arith.constant 1.280000e+02 : f32
    %div3A_1010 = vector.broadcast %div3A_1009 : f32 to vector<512x1xf32>
    %div3A_1011 = arith.divf %broadcast_in_dim3A_1008, %div3A_1010 : vector<512x1xf32>
    %mul3A_1012 = arith.mulf %div3A_1004, %div3A_1004 : vector<512x1xf32>
    %sub3A_1013 = arith.subf %div3A_1011, %mul3A_1012 : vector<512x1xf32>
    %sub3A_1014 = vector.broadcast %div3A_1004 : vector<512x1xf32> to vector<512x128xf32>
    %sub3A_1015 = arith.subf %mul3A_998, %sub3A_1014 : vector<512x128xf32>
    %add3A_1016 = arith.constant 9.99999974E-6 : f32
    %add3A_1017 = vector.broadcast %add3A_1016 : f32 to vector<512x1xf32>
    %add3A_1018 = arith.addf %sub3A_1013, %add3A_1017 : vector<512x1xf32>
    %rsqrt3A_1019 = math.rsqrt %add3A_1018 : vector<512x1xf32>
    %mul3A_1020 = vector.broadcast %rsqrt3A_1019 : vector<512x1xf32> to vector<512x128xf32>
    %mul3A_1021 = arith.mulf %sub3A_1015, %mul3A_1020 : vector<512x128xf32>
    %mul3A_1022 = vector.broadcast %get3A_19 : vector<1x128xf32> to vector<512x128xf32>
    %mul3A_1023 = arith.mulf %mul3A_1021, %mul3A_1022 : vector<512x128xf32>
    %add3A_1024 = vector.broadcast %get3A_22 : vector<1x128xf32> to vector<512x128xf32>
    %add3A_1025 = arith.addf %mul3A_1023, %add3A_1024 : vector<512x128xf32>
    %swap3A_1026 = arith.constant 0 : index
    %swap3A_1027 = arith.constant 8 : index
    %swap3A_1028 = arith.constant 0 : index
    %swap3A_1029 = vector.load %arg27[%swap3A_1026, %swap3A_1027, %swap3A_1028] : memref<512x12x128xf32, #tpu.memory_space<vmem>>, vector<512x1x128xf32>
    %swap3A_1030 = vector.shape_cast %swap3A_1029 : vector<512x1x128xf32> to vector<512x128xf32>
    %swap3A_1031 = vector.shape_cast %add3A_1025 : vector<512x128xf32> to vector<512x1x128xf32>
    tpu.vector_store %arg27[%swap3A_1026, %swap3A_1027, %swap3A_1028], %swap3A_1031 {strides = array<i32>} : memref<512x12x128xf32, #tpu.memory_space<vmem>>, vector<512x1x128xf32>,
    %get3A_1032 = arith.constant 0 : index
    %get3A_1033 = arith.constant 0 : index
    %get3A_1034 = arith.constant 0 : index
    %get3A_1035 = vector.load %arg10[%get3A_1032, %get3A_1033, %get3A_1034] : memref<1x512x128xf32, #tpu.memory_space<vmem>>, vector<1x512x128xf32>
    %get3A_1036 = vector.shape_cast %get3A_1035 : vector<1x512x128xf32> to vector<512x128xf32>
    %get3A_1037 = arith.constant 9 : index
    %get3A_1038 = arith.constant 0 : index
    %get3A_1039 = arith.constant 0 : index
    %get3A_1040 = vector.load %arg13[%get3A_1037, %get3A_1038, %get3A_1039] : memref<12x512x128xf32, #tpu.memory_space<vmem>>, vector<1x512x128xf32>
    %get3A_1041 = vector.shape_cast %get3A_1040 : vector<1x512x128xf32> to vector<512x128xf32>
    %add3A_1042 = arith.addf %get3A_1036, %get3A_1041 : vector<512x128xf32>
    %mul3A_1043 = vector.broadcast %get3A_1 : vector<512x1xf32> to vector<512x128xf32>
    %mul3A_1044 = arith.mulf %mul3A_1043, %add3A_1042 : vector<512x128xf32>
    %get3A_1045 = arith.constant 0 : index
    %get3A_1046 = arith.constant 0 : index
    %get3A_1047 = vector.load %arg15[%get3A_1045, %get3A_1046] : memref<1x128xf32, #tpu.memory_space<vmem>>, vector<1x128xf32>
    %add3A_1048 = vector.broadcast %get3A_1047 : vector<1x128xf32> to vector<512x128xf32>
    %add3A_1049 = arith.addf %mul3A_1044, %add3A_1048 : vector<512x128xf32>
    %reduce_sum3A_1050 = arith.constant dense<0.000000e+00> : vector<512xf32>
    %reduce_sum3A_1051 = vector.multi_reduction <add>, %add3A_1049, %reduce_sum3A_1050 [1] : vector<512x128xf32> to vector<512xf32>
    %broadcast_in_dim3A_1052 = vector.shape_cast %reduce_sum3A_1051 : vector<512xf32> to vector<512x1xf32>
    %div3A_1053 = arith.constant 1.280000e+02 : f32
    %div3A_1054 = vector.broadcast %div3A_1053 : f32 to vector<512x1xf32>
    %div3A_1055 = arith.divf %broadcast_in_dim3A_1052, %div3A_1054 : vector<512x1xf32>
    %mul3A_1056 = arith.mulf %add3A_1049, %add3A_1049 : vector<512x128xf32>
    %reduce_sum3A_1057 = arith.constant dense<0.000000e+00> : vector<512xf32>
    %reduce_sum3A_1058 = vector.multi_reduction <add>, %mul3A_1056, %reduce_sum3A_1057 [1] : vector<512x128xf32> to vector<512xf32>
    %broadcast_in_dim3A_1059 = vector.shape_cast %reduce_sum3A_1058 : vector<512xf32> to vector<512x1xf32>
    %div3A_1060 = arith.constant 1.280000e+02 : f32
    %div3A_1061 = vector.broadcast %div3A_1060 : f32 to vector<512x1xf32>
    %div3A_1062 = arith.divf %broadcast_in_dim3A_1059, %div3A_1061 : vector<512x1xf32>
    %mul3A_1063 = arith.mulf %div3A_1055, %div3A_1055 : vector<512x1xf32>
    %sub3A_1064 = arith.subf %div3A_1062, %mul3A_1063 : vector<512x1xf32>
    %sub3A_1065 = vector.broadcast %div3A_1055 : vector<512x1xf32> to vector<512x128xf32>
    %sub3A_1066 = arith.subf %add3A_1049, %sub3A_1065 : vector<512x128xf32>
    %add3A_1067 = arith.constant 9.99999974E-6 : f32
    %add3A_1068 = vector.broadcast %add3A_1067 : f32 to vector<512x1xf32>
    %add3A_1069 = arith.addf %sub3A_1064, %add3A_1068 : vector<512x1xf32>
    %rsqrt3A_1070 = math.rsqrt %add3A_1069 : vector<512x1xf32>
    %mul3A_1071 = vector.broadcast %rsqrt3A_1070 : vector<512x1xf32> to vector<512x128xf32>
    %mul3A_1072 = arith.mulf %sub3A_1066, %mul3A_1071 : vector<512x128xf32>
    %mul3A_1073 = vector.broadcast %get3A_4 : vector<1x128xf32> to vector<512x128xf32>
    %mul3A_1074 = arith.mulf %mul3A_1072, %mul3A_1073 : vector<512x128xf32>
    %add3A_1075 = vector.broadcast %get3A_7 : vector<1x128xf32> to vector<512x128xf32>
    %add3A_1076 = arith.addf %mul3A_1074, %add3A_1075 : vector<512x128xf32>
    %dot_general3A_1077 = arith.constant dense<0.000000e+00> : vector<512x512xf32>
    %dot_general3A_1078 = tpu.matmul %add3A_1076, %get3A_10, %dot_general3A_1077 {dimension_numbers = #tpu.dot_dimension_numbers<[1], [0], [0], [1], [0, 0, 1, 1], [], []>, transpose_lhs_hint = false} : vector<512x128xf32>, vector<128x512xf32>, vector<512x512xf32> -> vector<512x512xf32>
    %dot_general3A_1079 = arith.constant dense<0.000000e+00> : vector<512x512xf32>
    %dot_general3A_1080 = tpu.matmul %mul3A_998, %get3A_13, %dot_general3A_1079 {dimension_numbers = #tpu.dot_dimension_numbers<[1], [0], [0], [1], [0, 0, 1, 1], [], []>, transpose_lhs_hint = false} : vector<512x128xf32>, vector<128x512xf32>, vector<512x512xf32> -> vector<512x512xf32>
    %add3A_1081 = arith.addf %dot_general3A_1078, %dot_general3A_1080 : vector<512x512xf32>
    %add3A_1082 = vector.broadcast %get3A_16 : vector<1x512xf32> to vector<512x512xf32>
    %add3A_1083 = arith.addf %add3A_1081, %add3A_1082 : vector<512x512xf32>
    %slice3A_1084 = vector.extract_strided_slice %add3A_1083 {offsets = [0, 0], sizes = [512, 128], strides = [1, 1]} : vector<512x512xf32> to vector<512x128xf32>
    %logistic3A_1085 = arith.negf %slice3A_1084 : vector<512x128xf32>
    %logistic3A_1086 = math.exp %logistic3A_1085 : vector<512x128xf32>
    %logistic3A_1087 = arith.constant 1.000000e+00 : f32
    %logistic3A_1088 = vector.broadcast %logistic3A_1087 : f32 to vector<512x128xf32>
    %logistic3A_1089 = arith.addf %logistic3A_1088, %logistic3A_1086 : vector<512x128xf32>
    %logistic3A_1090 = arith.divf %logistic3A_1088, %logistic3A_1089 : vector<512x128xf32>
    %slice3A_1091 = vector.extract_strided_slice %add3A_1083 {offsets = [0, 128], sizes = [512, 128], strides = [1, 1]} : vector<512x512xf32> to vector<512x128xf32>
    %logistic3A_1092 = arith.negf %slice3A_1091 : vector<512x128xf32>
    %logistic3A_1093 = math.exp %logistic3A_1092 : vector<512x128xf32>
    %logistic3A_1094 = arith.constant 1.000000e+00 : f32
    %logistic3A_1095 = vector.broadcast %logistic3A_1094 : f32 to vector<512x128xf32>
    %logistic3A_1096 = arith.addf %logistic3A_1095, %logistic3A_1093 : vector<512x128xf32>
    %logistic3A_1097 = arith.divf %logistic3A_1095, %logistic3A_1096 : vector<512x128xf32>
    %slice3A_1098 = vector.extract_strided_slice %add3A_1083 {offsets = [0, 256], sizes = [512, 128], strides = [1, 1]} : vector<512x512xf32> to vector<512x128xf32>
    %tanh3A_1099 = math.tanh %slice3A_1098 : vector<512x128xf32>
    %slice3A_1100 = vector.extract_strided_slice %add3A_1083 {offsets = [0, 384], sizes = [512, 128], strides = [1, 1]} : vector<512x512xf32> to vector<512x128xf32>
    %logistic3A_1101 = arith.negf %slice3A_1100 : vector<512x128xf32>
    %logistic3A_1102 = math.exp %logistic3A_1101 : vector<512x128xf32>
    %logistic3A_1103 = arith.constant 1.000000e+00 : f32
    %logistic3A_1104 = vector.broadcast %logistic3A_1103 : f32 to vector<512x128xf32>
    %logistic3A_1105 = arith.addf %logistic3A_1104, %logistic3A_1102 : vector<512x128xf32>
    %logistic3A_1106 = arith.divf %logistic3A_1104, %logistic3A_1105 : vector<512x128xf32>
    %mul3A_1107 = arith.mulf %logistic3A_1097, %add3A_996 : vector<512x128xf32>
    %mul3A_1108 = arith.mulf %logistic3A_1090, %tanh3A_1099 : vector<512x128xf32>
    %add3A_1109 = arith.addf %mul3A_1107, %mul3A_1108 : vector<512x128xf32>
    %tanh3A_1110 = math.tanh %add3A_1109 : vector<512x128xf32>
    %mul3A_1111 = arith.mulf %logistic3A_1106, %tanh3A_1110 : vector<512x128xf32>
    %reduce_sum3A_1112 = arith.constant dense<0.000000e+00> : vector<512xf32>
    %reduce_sum3A_1113 = vector.multi_reduction <add>, %mul3A_1111, %reduce_sum3A_1112 [1] : vector<512x128xf32> to vector<512xf32>
    %broadcast_in_dim3A_1114 = vector.shape_cast %reduce_sum3A_1113 : vector<512xf32> to vector<512x1xf32>
    %div3A_1115 = arith.constant 1.280000e+02 : f32
    %div3A_1116 = vector.broadcast %div3A_1115 : f32 to vector<512x1xf32>
    %div3A_1117 = arith.divf %broadcast_in_dim3A_1114, %div3A_1116 : vector<512x1xf32>
    %mul3A_1118 = arith.mulf %mul3A_1111, %mul3A_1111 : vector<512x128xf32>
    %reduce_sum3A_1119 = arith.constant dense<0.000000e+00> : vector<512xf32>
    %reduce_sum3A_1120 = vector.multi_reduction <add>, %mul3A_1118, %reduce_sum3A_1119 [1] : vector<512x128xf32> to vector<512xf32>
    %broadcast_in_dim3A_1121 = vector.shape_cast %reduce_sum3A_1120 : vector<512xf32> to vector<512x1xf32>
    %div3A_1122 = arith.constant 1.280000e+02 : f32
    %div3A_1123 = vector.broadcast %div3A_1122 : f32 to vector<512x1xf32>
    %div3A_1124 = arith.divf %broadcast_in_dim3A_1121, %div3A_1123 : vector<512x1xf32>
    %mul3A_1125 = arith.mulf %div3A_1117, %div3A_1117 : vector<512x1xf32>
    %sub3A_1126 = arith.subf %div3A_1124, %mul3A_1125 : vector<512x1xf32>
    %sub3A_1127 = vector.broadcast %div3A_1117 : vector<512x1xf32> to vector<512x128xf32>
    %sub3A_1128 = arith.subf %mul3A_1111, %sub3A_1127 : vector<512x128xf32>
    %add3A_1129 = arith.constant 9.99999974E-6 : f32
    %add3A_1130 = vector.broadcast %add3A_1129 : f32 to vector<512x1xf32>
    %add3A_1131 = arith.addf %sub3A_1126, %add3A_1130 : vector<512x1xf32>
    %rsqrt3A_1132 = math.rsqrt %add3A_1131 : vector<512x1xf32>
    %mul3A_1133 = vector.broadcast %rsqrt3A_1132 : vector<512x1xf32> to vector<512x128xf32>
    %mul3A_1134 = arith.mulf %sub3A_1128, %mul3A_1133 : vector<512x128xf32>
    %mul3A_1135 = vector.broadcast %get3A_19 : vector<1x128xf32> to vector<512x128xf32>
    %mul3A_1136 = arith.mulf %mul3A_1134, %mul3A_1135 : vector<512x128xf32>
    %add3A_1137 = vector.broadcast %get3A_22 : vector<1x128xf32> to vector<512x128xf32>
    %add3A_1138 = arith.addf %mul3A_1136, %add3A_1137 : vector<512x128xf32>
    %swap3A_1139 = arith.constant 0 : index
    %swap3A_1140 = arith.constant 9 : index
    %swap3A_1141 = arith.constant 0 : index
    %swap3A_1142 = vector.load %arg27[%swap3A_1139, %swap3A_1140, %swap3A_1141] : memref<512x12x128xf32, #tpu.memory_space<vmem>>, vector<512x1x128xf32>
    %swap3A_1143 = vector.shape_cast %swap3A_1142 : vector<512x1x128xf32> to vector<512x128xf32>
    %swap3A_1144 = vector.shape_cast %add3A_1138 : vector<512x128xf32> to vector<512x1x128xf32>
    tpu.vector_store %arg27[%swap3A_1139, %swap3A_1140, %swap3A_1141], %swap3A_1144 {strides = array<i32>} : memref<512x12x128xf32, #tpu.memory_space<vmem>>, vector<512x1x128xf32>,
    %get3A_1145 = arith.constant 0 : index
    %get3A_1146 = arith.constant 0 : index
    %get3A_1147 = arith.constant 0 : index
    %get3A_1148 = vector.load %arg11[%get3A_1145, %get3A_1146, %get3A_1147] : memref<1x512x128xf32, #tpu.memory_space<vmem>>, vector<1x512x128xf32>
    %get3A_1149 = vector.shape_cast %get3A_1148 : vector<1x512x128xf32> to vector<512x128xf32>
    %get3A_1150 = arith.constant 10 : index
    %get3A_1151 = arith.constant 0 : index
    %get3A_1152 = arith.constant 0 : index
    %get3A_1153 = vector.load %arg13[%get3A_1150, %get3A_1151, %get3A_1152] : memref<12x512x128xf32, #tpu.memory_space<vmem>>, vector<1x512x128xf32>
    %get3A_1154 = vector.shape_cast %get3A_1153 : vector<1x512x128xf32> to vector<512x128xf32>
    %add3A_1155 = arith.addf %get3A_1149, %get3A_1154 : vector<512x128xf32>
    %mul3A_1156 = vector.broadcast %get3A_1 : vector<512x1xf32> to vector<512x128xf32>
    %mul3A_1157 = arith.mulf %mul3A_1156, %add3A_1155 : vector<512x128xf32>
    %get3A_1158 = arith.constant 0 : index
    %get3A_1159 = arith.constant 0 : index
    %get3A_1160 = vector.load %arg15[%get3A_1158, %get3A_1159] : memref<1x128xf32, #tpu.memory_space<vmem>>, vector<1x128xf32>
    %add3A_1161 = vector.broadcast %get3A_1160 : vector<1x128xf32> to vector<512x128xf32>
    %add3A_1162 = arith.addf %mul3A_1157, %add3A_1161 : vector<512x128xf32>
    %reduce_sum3A_1163 = arith.constant dense<0.000000e+00> : vector<512xf32>
    %reduce_sum3A_1164 = vector.multi_reduction <add>, %add3A_1162, %reduce_sum3A_1163 [1] : vector<512x128xf32> to vector<512xf32>
    %broadcast_in_dim3A_1165 = vector.shape_cast %reduce_sum3A_1164 : vector<512xf32> to vector<512x1xf32>
    %div3A_1166 = arith.constant 1.280000e+02 : f32
    %div3A_1167 = vector.broadcast %div3A_1166 : f32 to vector<512x1xf32>
    %div3A_1168 = arith.divf %broadcast_in_dim3A_1165, %div3A_1167 : vector<512x1xf32>
    %mul3A_1169 = arith.mulf %add3A_1162, %add3A_1162 : vector<512x128xf32>
    %reduce_sum3A_1170 = arith.constant dense<0.000000e+00> : vector<512xf32>
    %reduce_sum3A_1171 = vector.multi_reduction <add>, %mul3A_1169, %reduce_sum3A_1170 [1] : vector<512x128xf32> to vector<512xf32>
    %broadcast_in_dim3A_1172 = vector.shape_cast %reduce_sum3A_1171 : vector<512xf32> to vector<512x1xf32>
    %div3A_1173 = arith.constant 1.280000e+02 : f32
    %div3A_1174 = vector.broadcast %div3A_1173 : f32 to vector<512x1xf32>
    %div3A_1175 = arith.divf %broadcast_in_dim3A_1172, %div3A_1174 : vector<512x1xf32>
    %mul3A_1176 = arith.mulf %div3A_1168, %div3A_1168 : vector<512x1xf32>
    %sub3A_1177 = arith.subf %div3A_1175, %mul3A_1176 : vector<512x1xf32>
    %sub3A_1178 = vector.broadcast %div3A_1168 : vector<512x1xf32> to vector<512x128xf32>
    %sub3A_1179 = arith.subf %add3A_1162, %sub3A_1178 : vector<512x128xf32>
    %add3A_1180 = arith.constant 9.99999974E-6 : f32
    %add3A_1181 = vector.broadcast %add3A_1180 : f32 to vector<512x1xf32>
    %add3A_1182 = arith.addf %sub3A_1177, %add3A_1181 : vector<512x1xf32>
    %rsqrt3A_1183 = math.rsqrt %add3A_1182 : vector<512x1xf32>
    %mul3A_1184 = vector.broadcast %rsqrt3A_1183 : vector<512x1xf32> to vector<512x128xf32>
    %mul3A_1185 = arith.mulf %sub3A_1179, %mul3A_1184 : vector<512x128xf32>
    %mul3A_1186 = vector.broadcast %get3A_4 : vector<1x128xf32> to vector<512x128xf32>
    %mul3A_1187 = arith.mulf %mul3A_1185, %mul3A_1186 : vector<512x128xf32>
    %add3A_1188 = vector.broadcast %get3A_7 : vector<1x128xf32> to vector<512x128xf32>
    %add3A_1189 = arith.addf %mul3A_1187, %add3A_1188 : vector<512x128xf32>
    %dot_general3A_1190 = arith.constant dense<0.000000e+00> : vector<512x512xf32>
    %dot_general3A_1191 = tpu.matmul %add3A_1189, %get3A_10, %dot_general3A_1190 {dimension_numbers = #tpu.dot_dimension_numbers<[1], [0], [0], [1], [0, 0, 1, 1], [], []>, transpose_lhs_hint = false} : vector<512x128xf32>, vector<128x512xf32>, vector<512x512xf32> -> vector<512x512xf32>
    %dot_general3A_1192 = arith.constant dense<0.000000e+00> : vector<512x512xf32>
    %dot_general3A_1193 = tpu.matmul %mul3A_1111, %get3A_13, %dot_general3A_1192 {dimension_numbers = #tpu.dot_dimension_numbers<[1], [0], [0], [1], [0, 0, 1, 1], [], []>, transpose_lhs_hint = false} : vector<512x128xf32>, vector<128x512xf32>, vector<512x512xf32> -> vector<512x512xf32>
    %add3A_1194 = arith.addf %dot_general3A_1191, %dot_general3A_1193 : vector<512x512xf32>
    %add3A_1195 = vector.broadcast %get3A_16 : vector<1x512xf32> to vector<512x512xf32>
    %add3A_1196 = arith.addf %add3A_1194, %add3A_1195 : vector<512x512xf32>
    %slice3A_1197 = vector.extract_strided_slice %add3A_1196 {offsets = [0, 0], sizes = [512, 128], strides = [1, 1]} : vector<512x512xf32> to vector<512x128xf32>
    %logistic3A_1198 = arith.negf %slice3A_1197 : vector<512x128xf32>
    %logistic3A_1199 = math.exp %logistic3A_1198 : vector<512x128xf32>
    %logistic3A_1200 = arith.constant 1.000000e+00 : f32
    %logistic3A_1201 = vector.broadcast %logistic3A_1200 : f32 to vector<512x128xf32>
    %logistic3A_1202 = arith.addf %logistic3A_1201, %logistic3A_1199 : vector<512x128xf32>
    %logistic3A_1203 = arith.divf %logistic3A_1201, %logistic3A_1202 : vector<512x128xf32>
    %slice3A_1204 = vector.extract_strided_slice %add3A_1196 {offsets = [0, 128], sizes = [512, 128], strides = [1, 1]} : vector<512x512xf32> to vector<512x128xf32>
    %logistic3A_1205 = arith.negf %slice3A_1204 : vector<512x128xf32>
    %logistic3A_1206 = math.exp %logistic3A_1205 : vector<512x128xf32>
    %logistic3A_1207 = arith.constant 1.000000e+00 : f32
    %logistic3A_1208 = vector.broadcast %logistic3A_1207 : f32 to vector<512x128xf32>
    %logistic3A_1209 = arith.addf %logistic3A_1208, %logistic3A_1206 : vector<512x128xf32>
    %logistic3A_1210 = arith.divf %logistic3A_1208, %logistic3A_1209 : vector<512x128xf32>
    %slice3A_1211 = vector.extract_strided_slice %add3A_1196 {offsets = [0, 256], sizes = [512, 128], strides = [1, 1]} : vector<512x512xf32> to vector<512x128xf32>
    %tanh3A_1212 = math.tanh %slice3A_1211 : vector<512x128xf32>
    %slice3A_1213 = vector.extract_strided_slice %add3A_1196 {offsets = [0, 384], sizes = [512, 128], strides = [1, 1]} : vector<512x512xf32> to vector<512x128xf32>
    %logistic3A_1214 = arith.negf %slice3A_1213 : vector<512x128xf32>
    %logistic3A_1215 = math.exp %logistic3A_1214 : vector<512x128xf32>
    %logistic3A_1216 = arith.constant 1.000000e+00 : f32
    %logistic3A_1217 = vector.broadcast %logistic3A_1216 : f32 to vector<512x128xf32>
    %logistic3A_1218 = arith.addf %logistic3A_1217, %logistic3A_1215 : vector<512x128xf32>
    %logistic3A_1219 = arith.divf %logistic3A_1217, %logistic3A_1218 : vector<512x128xf32>
    %mul3A_1220 = arith.mulf %logistic3A_1210, %add3A_1109 : vector<512x128xf32>
    %mul3A_1221 = arith.mulf %logistic3A_1203, %tanh3A_1212 : vector<512x128xf32>
    %add3A_1222 = arith.addf %mul3A_1220, %mul3A_1221 : vector<512x128xf32>
    %tanh3A_1223 = math.tanh %add3A_1222 : vector<512x128xf32>
    %mul3A_1224 = arith.mulf %logistic3A_1219, %tanh3A_1223 : vector<512x128xf32>
    %reduce_sum3A_1225 = arith.constant dense<0.000000e+00> : vector<512xf32>
    %reduce_sum3A_1226 = vector.multi_reduction <add>, %mul3A_1224, %reduce_sum3A_1225 [1] : vector<512x128xf32> to vector<512xf32>
    %broadcast_in_dim3A_1227 = vector.shape_cast %reduce_sum3A_1226 : vector<512xf32> to vector<512x1xf32>
    %div3A_1228 = arith.constant 1.280000e+02 : f32
    %div3A_1229 = vector.broadcast %div3A_1228 : f32 to vector<512x1xf32>
    %div3A_1230 = arith.divf %broadcast_in_dim3A_1227, %div3A_1229 : vector<512x1xf32>
    %mul3A_1231 = arith.mulf %mul3A_1224, %mul3A_1224 : vector<512x128xf32>
    %reduce_sum3A_1232 = arith.constant dense<0.000000e+00> : vector<512xf32>
    %reduce_sum3A_1233 = vector.multi_reduction <add>, %mul3A_1231, %reduce_sum3A_1232 [1] : vector<512x128xf32> to vector<512xf32>
    %broadcast_in_dim3A_1234 = vector.shape_cast %reduce_sum3A_1233 : vector<512xf32> to vector<512x1xf32>
    %div3A_1235 = arith.constant 1.280000e+02 : f32
    %div3A_1236 = vector.broadcast %div3A_1235 : f32 to vector<512x1xf32>
    %div3A_1237 = arith.divf %broadcast_in_dim3A_1234, %div3A_1236 : vector<512x1xf32>
    %mul3A_1238 = arith.mulf %div3A_1230, %div3A_1230 : vector<512x1xf32>
    %sub3A_1239 = arith.subf %div3A_1237, %mul3A_1238 : vector<512x1xf32>
    %sub3A_1240 = vector.broadcast %div3A_1230 : vector<512x1xf32> to vector<512x128xf32>
    %sub3A_1241 = arith.subf %mul3A_1224, %sub3A_1240 : vector<512x128xf32>
    %add3A_1242 = arith.constant 9.99999974E-6 : f32
    %add3A_1243 = vector.broadcast %add3A_1242 : f32 to vector<512x1xf32>
    %add3A_1244 = arith.addf %sub3A_1239, %add3A_1243 : vector<512x1xf32>
    %rsqrt3A_1245 = math.rsqrt %add3A_1244 : vector<512x1xf32>
    %mul3A_1246 = vector.broadcast %rsqrt3A_1245 : vector<512x1xf32> to vector<512x128xf32>
    %mul3A_1247 = arith.mulf %sub3A_1241, %mul3A_1246 : vector<512x128xf32>
    %mul3A_1248 = vector.broadcast %get3A_19 : vector<1x128xf32> to vector<512x128xf32>
    %mul3A_1249 = arith.mulf %mul3A_1247, %mul3A_1248 : vector<512x128xf32>
    %add3A_1250 = vector.broadcast %get3A_22 : vector<1x128xf32> to vector<512x128xf32>
    %add3A_1251 = arith.addf %mul3A_1249, %add3A_1250 : vector<512x128xf32>
    %swap3A_1252 = arith.constant 0 : index
    %swap3A_1253 = arith.constant 10 : index
    %swap3A_1254 = arith.constant 0 : index
    %swap3A_1255 = vector.load %arg27[%swap3A_1252, %swap3A_1253, %swap3A_1254] : memref<512x12x128xf32, #tpu.memory_space<vmem>>, vector<512x1x128xf32>
    %swap3A_1256 = vector.shape_cast %swap3A_1255 : vector<512x1x128xf32> to vector<512x128xf32>
    %swap3A_1257 = vector.shape_cast %add3A_1251 : vector<512x128xf32> to vector<512x1x128xf32>
    tpu.vector_store %arg27[%swap3A_1252, %swap3A_1253, %swap3A_1254], %swap3A_1257 {strides = array<i32>} : memref<512x12x128xf32, #tpu.memory_space<vmem>>, vector<512x1x128xf32>,
    %get3A_1258 = arith.constant 0 : index
    %get3A_1259 = arith.constant 0 : index
    %get3A_1260 = arith.constant 0 : index
    %get3A_1261 = vector.load %arg12[%get3A_1258, %get3A_1259, %get3A_1260] : memref<1x512x128xf32, #tpu.memory_space<vmem>>, vector<1x512x128xf32>
    %get3A_1262 = vector.shape_cast %get3A_1261 : vector<1x512x128xf32> to vector<512x128xf32>
    %get3A_1263 = arith.constant 11 : index
    %get3A_1264 = arith.constant 0 : index
    %get3A_1265 = arith.constant 0 : index
    %get3A_1266 = vector.load %arg13[%get3A_1263, %get3A_1264, %get3A_1265] : memref<12x512x128xf32, #tpu.memory_space<vmem>>, vector<1x512x128xf32>
    %get3A_1267 = vector.shape_cast %get3A_1266 : vector<1x512x128xf32> to vector<512x128xf32>
    %add3A_1268 = arith.addf %get3A_1262, %get3A_1267 : vector<512x128xf32>
    %mul3A_1269 = vector.broadcast %get3A_1 : vector<512x1xf32> to vector<512x128xf32>
    %mul3A_1270 = arith.mulf %mul3A_1269, %add3A_1268 : vector<512x128xf32>
    %get3A_1271 = arith.constant 0 : index
    %get3A_1272 = arith.constant 0 : index
    %get3A_1273 = vector.load %arg15[%get3A_1271, %get3A_1272] : memref<1x128xf32, #tpu.memory_space<vmem>>, vector<1x128xf32>
    %add3A_1274 = vector.broadcast %get3A_1273 : vector<1x128xf32> to vector<512x128xf32>
    %add3A_1275 = arith.addf %mul3A_1270, %add3A_1274 : vector<512x128xf32>
    %reduce_sum3A_1276 = arith.constant dense<0.000000e+00> : vector<512xf32>
    %reduce_sum3A_1277 = vector.multi_reduction <add>, %add3A_1275, %reduce_sum3A_1276 [1] : vector<512x128xf32> to vector<512xf32>
    %broadcast_in_dim3A_1278 = vector.shape_cast %reduce_sum3A_1277 : vector<512xf32> to vector<512x1xf32>
    %div3A_1279 = arith.constant 1.280000e+02 : f32
    %div3A_1280 = vector.broadcast %div3A_1279 : f32 to vector<512x1xf32>
    %div3A_1281 = arith.divf %broadcast_in_dim3A_1278, %div3A_1280 : vector<512x1xf32>
    %mul3A_1282 = arith.mulf %add3A_1275, %add3A_1275 : vector<512x128xf32>
    %reduce_sum3A_1283 = arith.constant dense<0.000000e+00> : vector<512xf32>
    %reduce_sum3A_1284 = vector.multi_reduction <add>, %mul3A_1282, %reduce_sum3A_1283 [1] : vector<512x128xf32> to vector<512xf32>
    %broadcast_in_dim3A_1285 = vector.shape_cast %reduce_sum3A_1284 : vector<512xf32> to vector<512x1xf32>
    %div3A_1286 = arith.constant 1.280000e+02 : f32
    %div3A_1287 = vector.broadcast %div3A_1286 : f32 to vector<512x1xf32>
    %div3A_1288 = arith.divf %broadcast_in_dim3A_1285, %div3A_1287 : vector<512x1xf32>
    %mul3A_1289 = arith.mulf %div3A_1281, %div3A_1281 : vector<512x1xf32>
    %sub3A_1290 = arith.subf %div3A_1288, %mul3A_1289 : vector<512x1xf32>
    %sub3A_1291 = vector.broadcast %div3A_1281 : vector<512x1xf32> to vector<512x128xf32>
    %sub3A_1292 = arith.subf %add3A_1275, %sub3A_1291 : vector<512x128xf32>
    %add3A_1293 = arith.constant 9.99999974E-6 : f32
    %add3A_1294 = vector.broadcast %add3A_1293 : f32 to vector<512x1xf32>
    %add3A_1295 = arith.addf %sub3A_1290, %add3A_1294 : vector<512x1xf32>
    %rsqrt3A_1296 = math.rsqrt %add3A_1295 : vector<512x1xf32>
    %mul3A_1297 = vector.broadcast %rsqrt3A_1296 : vector<512x1xf32> to vector<512x128xf32>
    %mul3A_1298 = arith.mulf %sub3A_1292, %mul3A_1297 : vector<512x128xf32>
    %mul3A_1299 = vector.broadcast %get3A_4 : vector<1x128xf32> to vector<512x128xf32>
    %mul3A_1300 = arith.mulf %mul3A_1298, %mul3A_1299 : vector<512x128xf32>
    %add3A_1301 = vector.broadcast %get3A_7 : vector<1x128xf32> to vector<512x128xf32>
    %add3A_1302 = arith.addf %mul3A_1300, %add3A_1301 : vector<512x128xf32>
    %dot_general3A_1303 = arith.constant dense<0.000000e+00> : vector<512x512xf32>
    %dot_general3A_1304 = tpu.matmul %add3A_1302, %get3A_10, %dot_general3A_1303 {dimension_numbers = #tpu.dot_dimension_numbers<[1], [0], [0], [1], [0, 0, 1, 1], [], []>, transpose_lhs_hint = false} : vector<512x128xf32>, vector<128x512xf32>, vector<512x512xf32> -> vector<512x512xf32>
    %dot_general3A_1305 = arith.constant dense<0.000000e+00> : vector<512x512xf32>
    %dot_general3A_1306 = tpu.matmul %mul3A_1224, %get3A_13, %dot_general3A_1305 {dimension_numbers = #tpu.dot_dimension_numbers<[1], [0], [0], [1], [0, 0, 1, 1], [], []>, transpose_lhs_hint = false} : vector<512x128xf32>, vector<128x512xf32>, vector<512x512xf32> -> vector<512x512xf32>
    %add3A_1307 = arith.addf %dot_general3A_1304, %dot_general3A_1306 : vector<512x512xf32>
    %add3A_1308 = vector.broadcast %get3A_16 : vector<1x512xf32> to vector<512x512xf32>
    %add3A_1309 = arith.addf %add3A_1307, %add3A_1308 : vector<512x512xf32>
    %slice3A_1310 = vector.extract_strided_slice %add3A_1309 {offsets = [0, 0], sizes = [512, 128], strides = [1, 1]} : vector<512x512xf32> to vector<512x128xf32>
    %logistic3A_1311 = arith.negf %slice3A_1310 : vector<512x128xf32>
    %logistic3A_1312 = math.exp %logistic3A_1311 : vector<512x128xf32>
    %logistic3A_1313 = arith.constant 1.000000e+00 : f32
    %logistic3A_1314 = vector.broadcast %logistic3A_1313 : f32 to vector<512x128xf32>
    %logistic3A_1315 = arith.addf %logistic3A_1314, %logistic3A_1312 : vector<512x128xf32>
    %logistic3A_1316 = arith.divf %logistic3A_1314, %logistic3A_1315 : vector<512x128xf32>
    %slice3A_1317 = vector.extract_strided_slice %add3A_1309 {offsets = [0, 128], sizes = [512, 128], strides = [1, 1]} : vector<512x512xf32> to vector<512x128xf32>
    %logistic3A_1318 = arith.negf %slice3A_1317 : vector<512x128xf32>
    %logistic3A_1319 = math.exp %logistic3A_1318 : vector<512x128xf32>
    %logistic3A_1320 = arith.constant 1.000000e+00 : f32
    %logistic3A_1321 = vector.broadcast %logistic3A_1320 : f32 to vector<512x128xf32>
    %logistic3A_1322 = arith.addf %logistic3A_1321, %logistic3A_1319 : vector<512x128xf32>
    %logistic3A_1323 = arith.divf %logistic3A_1321, %logistic3A_1322 : vector<512x128xf32>
    %slice3A_1324 = vector.extract_strided_slice %add3A_1309 {offsets = [0, 256], sizes = [512, 128], strides = [1, 1]} : vector<512x512xf32> to vector<512x128xf32>
    %tanh3A_1325 = math.tanh %slice3A_1324 : vector<512x128xf32>
    %slice3A_1326 = vector.extract_strided_slice %add3A_1309 {offsets = [0, 384], sizes = [512, 128], strides = [1, 1]} : vector<512x512xf32> to vector<512x128xf32>
    %logistic3A_1327 = arith.negf %slice3A_1326 : vector<512x128xf32>
    %logistic3A_1328 = math.exp %logistic3A_1327 : vector<512x128xf32>
    %logistic3A_1329 = arith.constant 1.000000e+00 : f32
    %logistic3A_1330 = vector.broadcast %logistic3A_1329 : f32 to vector<512x128xf32>
    %logistic3A_1331 = arith.addf %logistic3A_1330, %logistic3A_1328 : vector<512x128xf32>
    %logistic3A_1332 = arith.divf %logistic3A_1330, %logistic3A_1331 : vector<512x128xf32>
    %mul3A_1333 = arith.mulf %logistic3A_1323, %add3A_1222 : vector<512x128xf32>
    %mul3A_1334 = arith.mulf %logistic3A_1316, %tanh3A_1325 : vector<512x128xf32>
    %add3A_1335 = arith.addf %mul3A_1333, %mul3A_1334 : vector<512x128xf32>
    %tanh3A_1336 = math.tanh %add3A_1335 : vector<512x128xf32>
    %mul3A_1337 = arith.mulf %logistic3A_1332, %tanh3A_1336 : vector<512x128xf32>
    %reduce_sum3A_1338 = arith.constant dense<0.000000e+00> : vector<512xf32>
    %reduce_sum3A_1339 = vector.multi_reduction <add>, %mul3A_1337, %reduce_sum3A_1338 [1] : vector<512x128xf32> to vector<512xf32>
    %broadcast_in_dim3A_1340 = vector.shape_cast %reduce_sum3A_1339 : vector<512xf32> to vector<512x1xf32>
    %div3A_1341 = arith.constant 1.280000e+02 : f32
    %div3A_1342 = vector.broadcast %div3A_1341 : f32 to vector<512x1xf32>
    %div3A_1343 = arith.divf %broadcast_in_dim3A_1340, %div3A_1342 : vector<512x1xf32>
    %mul3A_1344 = arith.mulf %mul3A_1337, %mul3A_1337 : vector<512x128xf32>
    %reduce_sum3A_1345 = arith.constant dense<0.000000e+00> : vector<512xf32>
    %reduce_sum3A_1346 = vector.multi_reduction <add>, %mul3A_1344, %reduce_sum3A_1345 [1] : vector<512x128xf32> to vector<512xf32>
    %broadcast_in_dim3A_1347 = vector.shape_cast %reduce_sum3A_1346 : vector<512xf32> to vector<512x1xf32>
    %div3A_1348 = arith.constant 1.280000e+02 : f32
    %div3A_1349 = vector.broadcast %div3A_1348 : f32 to vector<512x1xf32>
    %div3A_1350 = arith.divf %broadcast_in_dim3A_1347, %div3A_1349 : vector<512x1xf32>
    %mul3A_1351 = arith.mulf %div3A_1343, %div3A_1343 : vector<512x1xf32>
    %sub3A_1352 = arith.subf %div3A_1350, %mul3A_1351 : vector<512x1xf32>
    %sub3A_1353 = vector.broadcast %div3A_1343 : vector<512x1xf32> to vector<512x128xf32>
    %sub3A_1354 = arith.subf %mul3A_1337, %sub3A_1353 : vector<512x128xf32>
    %add3A_1355 = arith.constant 9.99999974E-6 : f32
    %add3A_1356 = vector.broadcast %add3A_1355 : f32 to vector<512x1xf32>
    %add3A_1357 = arith.addf %sub3A_1352, %add3A_1356 : vector<512x1xf32>
    %rsqrt3A_1358 = math.rsqrt %add3A_1357 : vector<512x1xf32>
    %mul3A_1359 = vector.broadcast %rsqrt3A_1358 : vector<512x1xf32> to vector<512x128xf32>
    %mul3A_1360 = arith.mulf %sub3A_1354, %mul3A_1359 : vector<512x128xf32>
    %mul3A_1361 = vector.broadcast %get3A_19 : vector<1x128xf32> to vector<512x128xf32>
    %mul3A_1362 = arith.mulf %mul3A_1360, %mul3A_1361 : vector<512x128xf32>
    %add3A_1363 = vector.broadcast %get3A_22 : vector<1x128xf32> to vector<512x128xf32>
    %add3A_1364 = arith.addf %mul3A_1362, %add3A_1363 : vector<512x128xf32>
    %swap3A_1365 = arith.constant 0 : index
    %swap3A_1366 = arith.constant 11 : index
    %swap3A_1367 = arith.constant 0 : index
    %swap3A_1368 = vector.load %arg27[%swap3A_1365, %swap3A_1366, %swap3A_1367] : memref<512x12x128xf32, #tpu.memory_space<vmem>>, vector<512x1x128xf32>
    %swap3A_1369 = vector.shape_cast %swap3A_1368 : vector<512x1x128xf32> to vector<512x128xf32>
    %swap3A_1370 = vector.shape_cast %add3A_1364 : vector<512x128xf32> to vector<512x1x128xf32>
    tpu.vector_store %arg27[%swap3A_1365, %swap3A_1366, %swap3A_1367], %swap3A_1370 {strides = array<i32>} : memref<512x12x128xf32, #tpu.memory_space<vmem>>, vector<512x1x128xf32>,
    %get3A_1371 = arith.constant 0 : index
    %get3A_1372 = arith.constant 0 : index
    %get3A_1373 = vector.load %arg23[%get3A_1371, %get3A_1372] : memref<128x128xf32, #tpu.memory_space<vmem>>, vector<128x128xf32>
    %dot_general3A_1374 = arith.constant dense<0.000000e+00> : vector<512x128xf32>
    %dot_general3A_1375 = tpu.matmul %mul3A_1337, %get3A_1373, %dot_general3A_1374 {dimension_numbers = #tpu.dot_dimension_numbers<[1], [0], [0], [1], [0, 0, 1, 1], [], []>, transpose_lhs_hint = false} : vector<512x128xf32>, vector<128x128xf32>, vector<512x128xf32> -> vector<512x128xf32>
    %get3A_1376 = arith.constant 0 : index
    %get3A_1377 = arith.constant 0 : index
    %get3A_1378 = vector.load %arg24[%get3A_1376, %get3A_1377] : memref<1x128xf32, #tpu.memory_space<vmem>>, vector<1x128xf32>
    %add3A_1379 = vector.broadcast %get3A_1378 : vector<1x128xf32> to vector<512x128xf32>
    %add3A_1380 = arith.addf %dot_general3A_1375, %add3A_1379 : vector<512x128xf32>
    %tanh3A_1381 = math.tanh %add3A_1380 : vector<512x128xf32>
    %swap3A_1382 = arith.constant 0 : index
    %swap3A_1383 = arith.constant 0 : index
    %swap3A_1384 = arith.constant 0 : index
    %swap3A_1385 = vector.load %arg28[%swap3A_1382, %swap3A_1383, %swap3A_1384] : memref<1x512x128xf32, #tpu.memory_space<vmem>>, vector<1x512x128xf32>
    %swap3A_1386 = vector.shape_cast %swap3A_1385 : vector<1x512x128xf32> to vector<512x128xf32>
    %swap3A_1387 = vector.shape_cast %tanh3A_1381 : vector<512x128xf32> to vector<1x512x128xf32>
    tpu.vector_store %arg28[%swap3A_1382, %swap3A_1383, %swap3A_1384], %swap3A_1387 {strides = array<i32>} : memref<1x512x128xf32, #tpu.memory_space<vmem>>, vector<1x512x128xf32>,
    %get3A_1388 = arith.constant 0 : index
    %get3A_1389 = arith.constant 0 : index
    %get3A_1390 = vector.load %arg25[%get3A_1388, %get3A_1389] : memref<128x128xf32, #tpu.memory_space<vmem>>, vector<128x128xf32>
    %dot_general3A_1391 = arith.constant dense<0.000000e+00> : vector<512x128xf32>
    %dot_general3A_1392 = tpu.matmul %add3A_1335, %get3A_1390, %dot_general3A_1391 {dimension_numbers = #tpu.dot_dimension_numbers<[1], [0], [0], [1], [0, 0, 1, 1], [], []>, transpose_lhs_hint = false} : vector<512x128xf32>, vector<128x128xf32>, vector<512x128xf32> -> vector<512x128xf32>
    %get3A_1393 = arith.constant 0 : index
    %get3A_1394 = arith.constant 0 : index
    %get3A_1395 = vector.load %arg26[%get3A_1393, %get3A_1394] : memref<1x128xf32, #tpu.memory_space<vmem>>, vector<1x128xf32>
    %add3A_1396 = vector.broadcast %get3A_1395 : vector<1x128xf32> to vector<512x128xf32>
    %add3A_1397 = arith.addf %dot_general3A_1392, %add3A_1396 : vector<512x128xf32>
    %swap3A_1398 = arith.constant 0 : index
    %swap3A_1399 = arith.constant 0 : index
    %swap3A_1400 = arith.constant 0 : index
    %swap3A_1401 = vector.load %arg29[%swap3A_1398, %swap3A_1399, %swap3A_1400] : memref<1x512x128xf32, #tpu.memory_space<vmem>>, vector<1x512x128xf32>
    %swap3A_1402 = vector.shape_cast %swap3A_1401 : vector<1x512x128xf32> to vector<512x128xf32>
    %swap3A_1403 = vector.shape_cast %add3A_1397 : vector<512x128xf32> to vector<1x512x128xf32>
    tpu.vector_store %arg29[%swap3A_1398, %swap3A_1399, %swap3A_1400], %swap3A_1403 {strides = array<i32>} : memref<1x512x128xf32, #tpu.memory_space<vmem>>, vector<1x512x128xf32>,
    return
  }
  func.func @transform_0(%arg0: i32) -> (i32, i32, i32) {
    %jit3A = arith.constant 7 : i32
    %div3A = arith.divsi %arg0, %jit3A : i32
    %sign3A = arith.constant 0 : i32
    %sign3A_0 = arith.cmpi sgt, %arg0, %sign3A : i32
    %sign3A_1 = arith.extui %sign3A_0 : i1 to i32
    %sign3A_2 = arith.constant 0 : i32
    %sign3A_3 = arith.cmpi slt, %arg0, %sign3A_2 : i32
    %sign3A_4 = arith.extui %sign3A_3 : i1 to i32
    %sign3A_5 = arith.subi %sign3A_1, %sign3A_4 : i32
    %sign3A_6 = arith.constant 0 : i32
    %sign3A_7 = arith.cmpi sgt, %jit3A, %sign3A_6 : i32
    %sign3A_8 = arith.extui %sign3A_7 : i1 to i32
    %sign3A_9 = arith.constant 0 : i32
    %sign3A_10 = arith.cmpi slt, %jit3A, %sign3A_9 : i32
    %sign3A_11 = arith.extui %sign3A_10 : i1 to i32
    %sign3A_12 = arith.subi %sign3A_8, %sign3A_11 : i32
    %ne3A = arith.cmpi ne, %sign3A_5, %sign3A_12 : i32
    %rem3A = arith.remsi %arg0, %jit3A : i32
    %ne3A_13 = arith.constant 0 : i32
    %ne3A_14 = arith.cmpi ne, %rem3A, %ne3A_13 : i32
    %and3A = arith.andi %ne3A, %ne3A_14 : i1
    %sub3A = arith.constant 1 : i32
    %sub3A_15 = arith.subi %div3A, %sub3A : i32
    %select_n3A = arith.select %and3A, %sub3A_15, %div3A : i32
    %add3A = arith.constant 0 : i32
    %add3A_16 = arith.addi %add3A, %select_n3A : i32
    %jit3A_17 = arith.constant 7 : i32
    %eq3A = arith.constant 0 : i32
    %eq3A_18 = arith.cmpi eq, %jit3A_17, %eq3A : i32
    %jit3A_19 = arith.constant 1 : i32
    %select_n3A_20 = arith.select %eq3A_18, %jit3A_19, %jit3A_17 : i32
    %rem3A_21 = arith.remsi %arg0, %select_n3A_20 : i32
    %ne3A_22 = arith.constant 0 : i32
    %ne3A_23 = arith.cmpi ne, %rem3A_21, %ne3A_22 : i32
    %lt3A = arith.constant 0 : i32
    %lt3A_24 = arith.cmpi slt, %rem3A_21, %lt3A : i32
    %lt3A_25 = arith.constant 0 : i32
    %lt3A_26 = arith.cmpi slt, %select_n3A_20, %lt3A_25 : i32
    %ne3A_27 = arith.xori %lt3A_24, %lt3A_26 : i1
    %and3A_28 = arith.andi %ne3A_27, %ne3A_23 : i1
    %add3A_29 = arith.addi %rem3A_21, %select_n3A_20 : i32
    %select_n3A_30 = arith.select %and3A_28, %add3A_29, %rem3A_21 : i32
    %c0_i32 = arith.constant 0 : i32
    %c0_i32_31 = arith.constant 0 : i32
    return %add3A_16, %select_n3A_30, %c0_i32 : i32, i32, i32
  }
  func.func @transform_1(%arg0: i32) -> (i32, i32, i32) {
    %jit3A = arith.constant 7 : i32
    %div3A = arith.divsi %arg0, %jit3A : i32
    %sign3A = arith.constant 0 : i32
    %sign3A_0 = arith.cmpi sgt, %arg0, %sign3A : i32
    %sign3A_1 = arith.extui %sign3A_0 : i1 to i32
    %sign3A_2 = arith.constant 0 : i32
    %sign3A_3 = arith.cmpi slt, %arg0, %sign3A_2 : i32
    %sign3A_4 = arith.extui %sign3A_3 : i1 to i32
    %sign3A_5 = arith.subi %sign3A_1, %sign3A_4 : i32
    %sign3A_6 = arith.constant 0 : i32
    %sign3A_7 = arith.cmpi sgt, %jit3A, %sign3A_6 : i32
    %sign3A_8 = arith.extui %sign3A_7 : i1 to i32
    %sign3A_9 = arith.constant 0 : i32
    %sign3A_10 = arith.cmpi slt, %jit3A, %sign3A_9 : i32
    %sign3A_11 = arith.extui %sign3A_10 : i1 to i32
    %sign3A_12 = arith.subi %sign3A_8, %sign3A_11 : i32
    %ne3A = arith.cmpi ne, %sign3A_5, %sign3A_12 : i32
    %rem3A = arith.remsi %arg0, %jit3A : i32
    %ne3A_13 = arith.constant 0 : i32
    %ne3A_14 = arith.cmpi ne, %rem3A, %ne3A_13 : i32
    %and3A = arith.andi %ne3A, %ne3A_14 : i1
    %sub3A = arith.constant 1 : i32
    %sub3A_15 = arith.subi %div3A, %sub3A : i32
    %select_n3A = arith.select %and3A, %sub3A_15, %div3A : i32
    %add3A = arith.constant 3 : i32
    %add3A_16 = arith.addi %add3A, %select_n3A : i32
    %jit3A_17 = arith.constant 7 : i32
    %eq3A = arith.constant 0 : i32
    %eq3A_18 = arith.cmpi eq, %jit3A_17, %eq3A : i32
    %jit3A_19 = arith.constant 1 : i32
    %select_n3A_20 = arith.select %eq3A_18, %jit3A_19, %jit3A_17 : i32
    %rem3A_21 = arith.remsi %arg0, %select_n3A_20 : i32
    %ne3A_22 = arith.constant 0 : i32
    %ne3A_23 = arith.cmpi ne, %rem3A_21, %ne3A_22 : i32
    %lt3A = arith.constant 0 : i32
    %lt3A_24 = arith.cmpi slt, %rem3A_21, %lt3A : i32
    %lt3A_25 = arith.constant 0 : i32
    %lt3A_26 = arith.cmpi slt, %select_n3A_20, %lt3A_25 : i32
    %ne3A_27 = arith.xori %lt3A_24, %lt3A_26 : i1
    %and3A_28 = arith.andi %ne3A_27, %ne3A_23 : i1
    %add3A_29 = arith.addi %rem3A_21, %select_n3A_20 : i32
    %select_n3A_30 = arith.select %and3A_28, %add3A_29, %rem3A_21 : i32
    %c0_i32 = arith.constant 0 : i32
    %c0_i32_31 = arith.constant 0 : i32
    return %add3A_16, %select_n3A_30, %c0_i32 : i32, i32, i32
  }
  func.func @transform_2(%arg0: i32) -> (i32, i32, i32) {
    %jit3A = arith.constant 7 : i32
    %div3A = arith.divsi %arg0, %jit3A : i32
    %sign3A = arith.constant 0 : i32
    %sign3A_0 = arith.cmpi sgt, %arg0, %sign3A : i32
    %sign3A_1 = arith.extui %sign3A_0 : i1 to i32
    %sign3A_2 = arith.constant 0 : i32
    %sign3A_3 = arith.cmpi slt, %arg0, %sign3A_2 : i32
    %sign3A_4 = arith.extui %sign3A_3 : i1 to i32
    %sign3A_5 = arith.subi %sign3A_1, %sign3A_4 : i32
    %sign3A_6 = arith.constant 0 : i32
    %sign3A_7 = arith.cmpi sgt, %jit3A, %sign3A_6 : i32
    %sign3A_8 = arith.extui %sign3A_7 : i1 to i32
    %sign3A_9 = arith.constant 0 : i32
    %sign3A_10 = arith.cmpi slt, %jit3A, %sign3A_9 : i32
    %sign3A_11 = arith.extui %sign3A_10 : i1 to i32
    %sign3A_12 = arith.subi %sign3A_8, %sign3A_11 : i32
    %ne3A = arith.cmpi ne, %sign3A_5, %sign3A_12 : i32
    %rem3A = arith.remsi %arg0, %jit3A : i32
    %ne3A_13 = arith.constant 0 : i32
    %ne3A_14 = arith.cmpi ne, %rem3A, %ne3A_13 : i32
    %and3A = arith.andi %ne3A, %ne3A_14 : i1
    %sub3A = arith.constant 1 : i32
    %sub3A_15 = arith.subi %div3A, %sub3A : i32
    %select_n3A = arith.select %and3A, %sub3A_15, %div3A : i32
    %add3A = arith.constant 6 : i32
    %add3A_16 = arith.addi %add3A, %select_n3A : i32
    %jit3A_17 = arith.constant 7 : i32
    %eq3A = arith.constant 0 : i32
    %eq3A_18 = arith.cmpi eq, %jit3A_17, %eq3A : i32
    %jit3A_19 = arith.constant 1 : i32
    %select_n3A_20 = arith.select %eq3A_18, %jit3A_19, %jit3A_17 : i32
    %rem3A_21 = arith.remsi %arg0, %select_n3A_20 : i32
    %ne3A_22 = arith.constant 0 : i32
    %ne3A_23 = arith.cmpi ne, %rem3A_21, %ne3A_22 : i32
    %lt3A = arith.constant 0 : i32
    %lt3A_24 = arith.cmpi slt, %rem3A_21, %lt3A : i32
    %lt3A_25 = arith.constant 0 : i32
    %lt3A_26 = arith.cmpi slt, %select_n3A_20, %lt3A_25 : i32
    %ne3A_27 = arith.xori %lt3A_24, %lt3A_26 : i1
    %and3A_28 = arith.andi %ne3A_27, %ne3A_23 : i1
    %add3A_29 = arith.addi %rem3A_21, %select_n3A_20 : i32
    %select_n3A_30 = arith.select %and3A_28, %add3A_29, %rem3A_21 : i32
    %c0_i32 = arith.constant 0 : i32
    %c0_i32_31 = arith.constant 0 : i32
    return %add3A_16, %select_n3A_30, %c0_i32 : i32, i32, i32
  }
  func.func @transform_3(%arg0: i32) -> (i32, i32, i32) {
    %jit3A = arith.constant 7 : i32
    %div3A = arith.divsi %arg0, %jit3A : i32
    %sign3A = arith.constant 0 : i32
    %sign3A_0 = arith.cmpi sgt, %arg0, %sign3A : i32
    %sign3A_1 = arith.extui %sign3A_0 : i1 to i32
    %sign3A_2 = arith.constant 0 : i32
    %sign3A_3 = arith.cmpi slt, %arg0, %sign3A_2 : i32
    %sign3A_4 = arith.extui %sign3A_3 : i1 to i32
    %sign3A_5 = arith.subi %sign3A_1, %sign3A_4 : i32
    %sign3A_6 = arith.constant 0 : i32
    %sign3A_7 = arith.cmpi sgt, %jit3A, %sign3A_6 : i32
    %sign3A_8 = arith.extui %sign3A_7 : i1 to i32
    %sign3A_9 = arith.constant 0 : i32
    %sign3A_10 = arith.cmpi slt, %jit3A, %sign3A_9 : i32
    %sign3A_11 = arith.extui %sign3A_10 : i1 to i32
    %sign3A_12 = arith.subi %sign3A_8, %sign3A_11 : i32
    %ne3A = arith.cmpi ne, %sign3A_5, %sign3A_12 : i32
    %rem3A = arith.remsi %arg0, %jit3A : i32
    %ne3A_13 = arith.constant 0 : i32
    %ne3A_14 = arith.cmpi ne, %rem3A, %ne3A_13 : i32
    %and3A = arith.andi %ne3A, %ne3A_14 : i1
    %sub3A = arith.constant 1 : i32
    %sub3A_15 = arith.subi %div3A, %sub3A : i32
    %select_n3A = arith.select %and3A, %sub3A_15, %div3A : i32
    %add3A = arith.constant 9 : i32
    %add3A_16 = arith.addi %add3A, %select_n3A : i32
    %jit3A_17 = arith.constant 7 : i32
    %eq3A = arith.constant 0 : i32
    %eq3A_18 = arith.cmpi eq, %jit3A_17, %eq3A : i32
    %jit3A_19 = arith.constant 1 : i32
    %select_n3A_20 = arith.select %eq3A_18, %jit3A_19, %jit3A_17 : i32
    %rem3A_21 = arith.remsi %arg0, %select_n3A_20 : i32
    %ne3A_22 = arith.constant 0 : i32
    %ne3A_23 = arith.cmpi ne, %rem3A_21, %ne3A_22 : i32
    %lt3A = arith.constant 0 : i32
    %lt3A_24 = arith.cmpi slt, %rem3A_21, %lt3A : i32
    %lt3A_25 = arith.constant 0 : i32
    %lt3A_26 = arith.cmpi slt, %select_n3A_20, %lt3A_25 : i32
    %ne3A_27 = arith.xori %lt3A_24, %lt3A_26 : i1
    %and3A_28 = arith.andi %ne3A_27, %ne3A_23 : i1
    %add3A_29 = arith.addi %rem3A_21, %select_n3A_20 : i32
    %select_n3A_30 = arith.select %and3A_28, %add3A_29, %rem3A_21 : i32
    %c0_i32 = arith.constant 0 : i32
    %c0_i32_31 = arith.constant 0 : i32
    return %add3A_16, %select_n3A_30, %c0_i32 : i32, i32, i32
  }
  func.func @transform_4(%arg0: i32) -> (i32, i32, i32) {
    %jit3A = arith.constant 7 : i32
    %div3A = arith.divsi %arg0, %jit3A : i32
    %sign3A = arith.constant 0 : i32
    %sign3A_0 = arith.cmpi sgt, %arg0, %sign3A : i32
    %sign3A_1 = arith.extui %sign3A_0 : i1 to i32
    %sign3A_2 = arith.constant 0 : i32
    %sign3A_3 = arith.cmpi slt, %arg0, %sign3A_2 : i32
    %sign3A_4 = arith.extui %sign3A_3 : i1 to i32
    %sign3A_5 = arith.subi %sign3A_1, %sign3A_4 : i32
    %sign3A_6 = arith.constant 0 : i32
    %sign3A_7 = arith.cmpi sgt, %jit3A, %sign3A_6 : i32
    %sign3A_8 = arith.extui %sign3A_7 : i1 to i32
    %sign3A_9 = arith.constant 0 : i32
    %sign3A_10 = arith.cmpi slt, %jit3A, %sign3A_9 : i32
    %sign3A_11 = arith.extui %sign3A_10 : i1 to i32
    %sign3A_12 = arith.subi %sign3A_8, %sign3A_11 : i32
    %ne3A = arith.cmpi ne, %sign3A_5, %sign3A_12 : i32
    %rem3A = arith.remsi %arg0, %jit3A : i32
    %ne3A_13 = arith.constant 0 : i32
    %ne3A_14 = arith.cmpi ne, %rem3A, %ne3A_13 : i32
    %and3A = arith.andi %ne3A, %ne3A_14 : i1
    %sub3A = arith.constant 1 : i32
    %sub3A_15 = arith.subi %div3A, %sub3A : i32
    %select_n3A = arith.select %and3A, %sub3A_15, %div3A : i32
    %add3A = arith.constant 12 : i32
    %add3A_16 = arith.addi %add3A, %select_n3A : i32
    %jit3A_17 = arith.constant 7 : i32
    %eq3A = arith.constant 0 : i32
    %eq3A_18 = arith.cmpi eq, %jit3A_17, %eq3A : i32
    %jit3A_19 = arith.constant 1 : i32
    %select_n3A_20 = arith.select %eq3A_18, %jit3A_19, %jit3A_17 : i32
    %rem3A_21 = arith.remsi %arg0, %select_n3A_20 : i32
    %ne3A_22 = arith.constant 0 : i32
    %ne3A_23 = arith.cmpi ne, %rem3A_21, %ne3A_22 : i32
    %lt3A = arith.constant 0 : i32
    %lt3A_24 = arith.cmpi slt, %rem3A_21, %lt3A : i32
    %lt3A_25 = arith.constant 0 : i32
    %lt3A_26 = arith.cmpi slt, %select_n3A_20, %lt3A_25 : i32
    %ne3A_27 = arith.xori %lt3A_24, %lt3A_26 : i1
    %and3A_28 = arith.andi %ne3A_27, %ne3A_23 : i1
    %add3A_29 = arith.addi %rem3A_21, %select_n3A_20 : i32
    %select_n3A_30 = arith.select %and3A_28, %add3A_29, %rem3A_21 : i32
    %c0_i32 = arith.constant 0 : i32
    %c0_i32_31 = arith.constant 0 : i32
    return %add3A_16, %select_n3A_30, %c0_i32 : i32, i32, i32
  }
  func.func @transform_5(%arg0: i32) -> (i32, i32, i32) {
    %jit3A = arith.constant 7 : i32
    %div3A = arith.divsi %arg0, %jit3A : i32
    %sign3A = arith.constant 0 : i32
    %sign3A_0 = arith.cmpi sgt, %arg0, %sign3A : i32
    %sign3A_1 = arith.extui %sign3A_0 : i1 to i32
    %sign3A_2 = arith.constant 0 : i32
    %sign3A_3 = arith.cmpi slt, %arg0, %sign3A_2 : i32
    %sign3A_4 = arith.extui %sign3A_3 : i1 to i32
    %sign3A_5 = arith.subi %sign3A_1, %sign3A_4 : i32
    %sign3A_6 = arith.constant 0 : i32
    %sign3A_7 = arith.cmpi sgt, %jit3A, %sign3A_6 : i32
    %sign3A_8 = arith.extui %sign3A_7 : i1 to i32
    %sign3A_9 = arith.constant 0 : i32
    %sign3A_10 = arith.cmpi slt, %jit3A, %sign3A_9 : i32
    %sign3A_11 = arith.extui %sign3A_10 : i1 to i32
    %sign3A_12 = arith.subi %sign3A_8, %sign3A_11 : i32
    %ne3A = arith.cmpi ne, %sign3A_5, %sign3A_12 : i32
    %rem3A = arith.remsi %arg0, %jit3A : i32
    %ne3A_13 = arith.constant 0 : i32
    %ne3A_14 = arith.cmpi ne, %rem3A, %ne3A_13 : i32
    %and3A = arith.andi %ne3A, %ne3A_14 : i1
    %sub3A = arith.constant 1 : i32
    %sub3A_15 = arith.subi %div3A, %sub3A : i32
    %select_n3A = arith.select %and3A, %sub3A_15, %div3A : i32
    %add3A = arith.constant 15 : i32
    %add3A_16 = arith.addi %add3A, %select_n3A : i32
    %jit3A_17 = arith.constant 7 : i32
    %eq3A = arith.constant 0 : i32
    %eq3A_18 = arith.cmpi eq, %jit3A_17, %eq3A : i32
    %jit3A_19 = arith.constant 1 : i32
    %select_n3A_20 = arith.select %eq3A_18, %jit3A_19, %jit3A_17 : i32
    %rem3A_21 = arith.remsi %arg0, %select_n3A_20 : i32
    %ne3A_22 = arith.constant 0 : i32
    %ne3A_23 = arith.cmpi ne, %rem3A_21, %ne3A_22 : i32
    %lt3A = arith.constant 0 : i32
    %lt3A_24 = arith.cmpi slt, %rem3A_21, %lt3A : i32
    %lt3A_25 = arith.constant 0 : i32
    %lt3A_26 = arith.cmpi slt, %select_n3A_20, %lt3A_25 : i32
    %ne3A_27 = arith.xori %lt3A_24, %lt3A_26 : i1
    %and3A_28 = arith.andi %ne3A_27, %ne3A_23 : i1
    %add3A_29 = arith.addi %rem3A_21, %select_n3A_20 : i32
    %select_n3A_30 = arith.select %and3A_28, %add3A_29, %rem3A_21 : i32
    %c0_i32 = arith.constant 0 : i32
    %c0_i32_31 = arith.constant 0 : i32
    return %add3A_16, %select_n3A_30, %c0_i32 : i32, i32, i32
  }
  func.func @transform_6(%arg0: i32) -> (i32, i32, i32) {
    %jit3A = arith.constant 7 : i32
    %div3A = arith.divsi %arg0, %jit3A : i32
    %sign3A = arith.constant 0 : i32
    %sign3A_0 = arith.cmpi sgt, %arg0, %sign3A : i32
    %sign3A_1 = arith.extui %sign3A_0 : i1 to i32
    %sign3A_2 = arith.constant 0 : i32
    %sign3A_3 = arith.cmpi slt, %arg0, %sign3A_2 : i32
    %sign3A_4 = arith.extui %sign3A_3 : i1 to i32
    %sign3A_5 = arith.subi %sign3A_1, %sign3A_4 : i32
    %sign3A_6 = arith.constant 0 : i32
    %sign3A_7 = arith.cmpi sgt, %jit3A, %sign3A_6 : i32
    %sign3A_8 = arith.extui %sign3A_7 : i1 to i32
    %sign3A_9 = arith.constant 0 : i32
    %sign3A_10 = arith.cmpi slt, %jit3A, %sign3A_9 : i32
    %sign3A_11 = arith.extui %sign3A_10 : i1 to i32
    %sign3A_12 = arith.subi %sign3A_8, %sign3A_11 : i32
    %ne3A = arith.cmpi ne, %sign3A_5, %sign3A_12 : i32
    %rem3A = arith.remsi %arg0, %jit3A : i32
    %ne3A_13 = arith.constant 0 : i32
    %ne3A_14 = arith.cmpi ne, %rem3A, %ne3A_13 : i32
    %and3A = arith.andi %ne3A, %ne3A_14 : i1
    %sub3A = arith.constant 1 : i32
    %sub3A_15 = arith.subi %div3A, %sub3A : i32
    %select_n3A = arith.select %and3A, %sub3A_15, %div3A : i32
    %add3A = arith.constant 18 : i32
    %add3A_16 = arith.addi %add3A, %select_n3A : i32
    %jit3A_17 = arith.constant 7 : i32
    %eq3A = arith.constant 0 : i32
    %eq3A_18 = arith.cmpi eq, %jit3A_17, %eq3A : i32
    %jit3A_19 = arith.constant 1 : i32
    %select_n3A_20 = arith.select %eq3A_18, %jit3A_19, %jit3A_17 : i32
    %rem3A_21 = arith.remsi %arg0, %select_n3A_20 : i32
    %ne3A_22 = arith.constant 0 : i32
    %ne3A_23 = arith.cmpi ne, %rem3A_21, %ne3A_22 : i32
    %lt3A = arith.constant 0 : i32
    %lt3A_24 = arith.cmpi slt, %rem3A_21, %lt3A : i32
    %lt3A_25 = arith.constant 0 : i32
    %lt3A_26 = arith.cmpi slt, %select_n3A_20, %lt3A_25 : i32
    %ne3A_27 = arith.xori %lt3A_24, %lt3A_26 : i1
    %and3A_28 = arith.andi %ne3A_27, %ne3A_23 : i1
    %add3A_29 = arith.addi %rem3A_21, %select_n3A_20 : i32
    %select_n3A_30 = arith.select %and3A_28, %add3A_29, %rem3A_21 : i32
    %c0_i32 = arith.constant 0 : i32
    %c0_i32_31 = arith.constant 0 : i32
    return %add3A_16, %select_n3A_30, %c0_i32 : i32, i32, i32
  }
  func.func @transform_7(%arg0: i32) -> (i32, i32, i32) {
    %jit3A = arith.constant 7 : i32
    %div3A = arith.divsi %arg0, %jit3A : i32
    %sign3A = arith.constant 0 : i32
    %sign3A_0 = arith.cmpi sgt, %arg0, %sign3A : i32
    %sign3A_1 = arith.extui %sign3A_0 : i1 to i32
    %sign3A_2 = arith.constant 0 : i32
    %sign3A_3 = arith.cmpi slt, %arg0, %sign3A_2 : i32
    %sign3A_4 = arith.extui %sign3A_3 : i1 to i32
    %sign3A_5 = arith.subi %sign3A_1, %sign3A_4 : i32
    %sign3A_6 = arith.constant 0 : i32
    %sign3A_7 = arith.cmpi sgt, %jit3A, %sign3A_6 : i32
    %sign3A_8 = arith.extui %sign3A_7 : i1 to i32
    %sign3A_9 = arith.constant 0 : i32
    %sign3A_10 = arith.cmpi slt, %jit3A, %sign3A_9 : i32
    %sign3A_11 = arith.extui %sign3A_10 : i1 to i32
    %sign3A_12 = arith.subi %sign3A_8, %sign3A_11 : i32
    %ne3A = arith.cmpi ne, %sign3A_5, %sign3A_12 : i32
    %rem3A = arith.remsi %arg0, %jit3A : i32
    %ne3A_13 = arith.constant 0 : i32
    %ne3A_14 = arith.cmpi ne, %rem3A, %ne3A_13 : i32
    %and3A = arith.andi %ne3A, %ne3A_14 : i1
    %sub3A = arith.constant 1 : i32
    %sub3A_15 = arith.subi %div3A, %sub3A : i32
    %select_n3A = arith.select %and3A, %sub3A_15, %div3A : i32
    %add3A = arith.constant 21 : i32
    %add3A_16 = arith.addi %add3A, %select_n3A : i32
    %jit3A_17 = arith.constant 7 : i32
    %eq3A = arith.constant 0 : i32
    %eq3A_18 = arith.cmpi eq, %jit3A_17, %eq3A : i32
    %jit3A_19 = arith.constant 1 : i32
    %select_n3A_20 = arith.select %eq3A_18, %jit3A_19, %jit3A_17 : i32
    %rem3A_21 = arith.remsi %arg0, %select_n3A_20 : i32
    %ne3A_22 = arith.constant 0 : i32
    %ne3A_23 = arith.cmpi ne, %rem3A_21, %ne3A_22 : i32
    %lt3A = arith.constant 0 : i32
    %lt3A_24 = arith.cmpi slt, %rem3A_21, %lt3A : i32
    %lt3A_25 = arith.constant 0 : i32
    %lt3A_26 = arith.cmpi slt, %select_n3A_20, %lt3A_25 : i32
    %ne3A_27 = arith.xori %lt3A_24, %lt3A_26 : i1
    %and3A_28 = arith.andi %ne3A_27, %ne3A_23 : i1
    %add3A_29 = arith.addi %rem3A_21, %select_n3A_20 : i32
    %select_n3A_30 = arith.select %and3A_28, %add3A_29, %rem3A_21 : i32
    %c0_i32 = arith.constant 0 : i32
    %c0_i32_31 = arith.constant 0 : i32
    return %add3A_16, %select_n3A_30, %c0_i32 : i32, i32, i32
  }
  func.func @transform_8(%arg0: i32) -> (i32, i32, i32) {
    %jit3A = arith.constant 7 : i32
    %div3A = arith.divsi %arg0, %jit3A : i32
    %sign3A = arith.constant 0 : i32
    %sign3A_0 = arith.cmpi sgt, %arg0, %sign3A : i32
    %sign3A_1 = arith.extui %sign3A_0 : i1 to i32
    %sign3A_2 = arith.constant 0 : i32
    %sign3A_3 = arith.cmpi slt, %arg0, %sign3A_2 : i32
    %sign3A_4 = arith.extui %sign3A_3 : i1 to i32
    %sign3A_5 = arith.subi %sign3A_1, %sign3A_4 : i32
    %sign3A_6 = arith.constant 0 : i32
    %sign3A_7 = arith.cmpi sgt, %jit3A, %sign3A_6 : i32
    %sign3A_8 = arith.extui %sign3A_7 : i1 to i32
    %sign3A_9 = arith.constant 0 : i32
    %sign3A_10 = arith.cmpi slt, %jit3A, %sign3A_9 : i32
    %sign3A_11 = arith.extui %sign3A_10 : i1 to i32
    %sign3A_12 = arith.subi %sign3A_8, %sign3A_11 : i32
    %ne3A = arith.cmpi ne, %sign3A_5, %sign3A_12 : i32
    %rem3A = arith.remsi %arg0, %jit3A : i32
    %ne3A_13 = arith.constant 0 : i32
    %ne3A_14 = arith.cmpi ne, %rem3A, %ne3A_13 : i32
    %and3A = arith.andi %ne3A, %ne3A_14 : i1
    %sub3A = arith.constant 1 : i32
    %sub3A_15 = arith.subi %div3A, %sub3A : i32
    %select_n3A = arith.select %and3A, %sub3A_15, %div3A : i32
    %add3A = arith.constant 24 : i32
    %add3A_16 = arith.addi %add3A, %select_n3A : i32
    %jit3A_17 = arith.constant 7 : i32
    %eq3A = arith.constant 0 : i32
    %eq3A_18 = arith.cmpi eq, %jit3A_17, %eq3A : i32
    %jit3A_19 = arith.constant 1 : i32
    %select_n3A_20 = arith.select %eq3A_18, %jit3A_19, %jit3A_17 : i32
    %rem3A_21 = arith.remsi %arg0, %select_n3A_20 : i32
    %ne3A_22 = arith.constant 0 : i32
    %ne3A_23 = arith.cmpi ne, %rem3A_21, %ne3A_22 : i32
    %lt3A = arith.constant 0 : i32
    %lt3A_24 = arith.cmpi slt, %rem3A_21, %lt3A : i32
    %lt3A_25 = arith.constant 0 : i32
    %lt3A_26 = arith.cmpi slt, %select_n3A_20, %lt3A_25 : i32
    %ne3A_27 = arith.xori %lt3A_24, %lt3A_26 : i1
    %and3A_28 = arith.andi %ne3A_27, %ne3A_23 : i1
    %add3A_29 = arith.addi %rem3A_21, %select_n3A_20 : i32
    %select_n3A_30 = arith.select %and3A_28, %add3A_29, %rem3A_21 : i32
    %c0_i32 = arith.constant 0 : i32
    %c0_i32_31 = arith.constant 0 : i32
    return %add3A_16, %select_n3A_30, %c0_i32 : i32, i32, i32
  }
  func.func @transform_9(%arg0: i32) -> (i32, i32, i32) {
    %jit3A = arith.constant 7 : i32
    %div3A = arith.divsi %arg0, %jit3A : i32
    %sign3A = arith.constant 0 : i32
    %sign3A_0 = arith.cmpi sgt, %arg0, %sign3A : i32
    %sign3A_1 = arith.extui %sign3A_0 : i1 to i32
    %sign3A_2 = arith.constant 0 : i32
    %sign3A_3 = arith.cmpi slt, %arg0, %sign3A_2 : i32
    %sign3A_4 = arith.extui %sign3A_3 : i1 to i32
    %sign3A_5 = arith.subi %sign3A_1, %sign3A_4 : i32
    %sign3A_6 = arith.constant 0 : i32
    %sign3A_7 = arith.cmpi sgt, %jit3A, %sign3A_6 : i32
    %sign3A_8 = arith.extui %sign3A_7 : i1 to i32
    %sign3A_9 = arith.constant 0 : i32
    %sign3A_10 = arith.cmpi slt, %jit3A, %sign3A_9 : i32
    %sign3A_11 = arith.extui %sign3A_10 : i1 to i32
    %sign3A_12 = arith.subi %sign3A_8, %sign3A_11 : i32
    %ne3A = arith.cmpi ne, %sign3A_5, %sign3A_12 : i32
    %rem3A = arith.remsi %arg0, %jit3A : i32
    %ne3A_13 = arith.constant 0 : i32
    %ne3A_14 = arith.cmpi ne, %rem3A, %ne3A_13 : i32
    %and3A = arith.andi %ne3A, %ne3A_14 : i1
    %sub3A = arith.constant 1 : i32
    %sub3A_15 = arith.subi %div3A, %sub3A : i32
    %select_n3A = arith.select %and3A, %sub3A_15, %div3A : i32
    %add3A = arith.constant 27 : i32
    %add3A_16 = arith.addi %add3A, %select_n3A : i32
    %jit3A_17 = arith.constant 7 : i32
    %eq3A = arith.constant 0 : i32
    %eq3A_18 = arith.cmpi eq, %jit3A_17, %eq3A : i32
    %jit3A_19 = arith.constant 1 : i32
    %select_n3A_20 = arith.select %eq3A_18, %jit3A_19, %jit3A_17 : i32
    %rem3A_21 = arith.remsi %arg0, %select_n3A_20 : i32
    %ne3A_22 = arith.constant 0 : i32
    %ne3A_23 = arith.cmpi ne, %rem3A_21, %ne3A_22 : i32
    %lt3A = arith.constant 0 : i32
    %lt3A_24 = arith.cmpi slt, %rem3A_21, %lt3A : i32
    %lt3A_25 = arith.constant 0 : i32
    %lt3A_26 = arith.cmpi slt, %select_n3A_20, %lt3A_25 : i32
    %ne3A_27 = arith.xori %lt3A_24, %lt3A_26 : i1
    %and3A_28 = arith.andi %ne3A_27, %ne3A_23 : i1
    %add3A_29 = arith.addi %rem3A_21, %select_n3A_20 : i32
    %select_n3A_30 = arith.select %and3A_28, %add3A_29, %rem3A_21 : i32
    %c0_i32 = arith.constant 0 : i32
    %c0_i32_31 = arith.constant 0 : i32
    return %add3A_16, %select_n3A_30, %c0_i32 : i32, i32, i32
  }
  func.func @transform_10(%arg0: i32) -> (i32, i32, i32) {
    %jit3A = arith.constant 7 : i32
    %div3A = arith.divsi %arg0, %jit3A : i32
    %sign3A = arith.constant 0 : i32
    %sign3A_0 = arith.cmpi sgt, %arg0, %sign3A : i32
    %sign3A_1 = arith.extui %sign3A_0 : i1 to i32
    %sign3A_2 = arith.constant 0 : i32
    %sign3A_3 = arith.cmpi slt, %arg0, %sign3A_2 : i32
    %sign3A_4 = arith.extui %sign3A_3 : i1 to i32
    %sign3A_5 = arith.subi %sign3A_1, %sign3A_4 : i32
    %sign3A_6 = arith.constant 0 : i32
    %sign3A_7 = arith.cmpi sgt, %jit3A, %sign3A_6 : i32
    %sign3A_8 = arith.extui %sign3A_7 : i1 to i32
    %sign3A_9 = arith.constant 0 : i32
    %sign3A_10 = arith.cmpi slt, %jit3A, %sign3A_9 : i32
    %sign3A_11 = arith.extui %sign3A_10 : i1 to i32
    %sign3A_12 = arith.subi %sign3A_8, %sign3A_11 : i32
    %ne3A = arith.cmpi ne, %sign3A_5, %sign3A_12 : i32
    %rem3A = arith.remsi %arg0, %jit3A : i32
    %ne3A_13 = arith.constant 0 : i32
    %ne3A_14 = arith.cmpi ne, %rem3A, %ne3A_13 : i32
    %and3A = arith.andi %ne3A, %ne3A_14 : i1
    %sub3A = arith.constant 1 : i32
    %sub3A_15 = arith.subi %div3A, %sub3A : i32
    %select_n3A = arith.select %and3A, %sub3A_15, %div3A : i32
    %add3A = arith.constant 30 : i32
    %add3A_16 = arith.addi %add3A, %select_n3A : i32
    %jit3A_17 = arith.constant 7 : i32
    %eq3A = arith.constant 0 : i32
    %eq3A_18 = arith.cmpi eq, %jit3A_17, %eq3A : i32
    %jit3A_19 = arith.constant 1 : i32
    %select_n3A_20 = arith.select %eq3A_18, %jit3A_19, %jit3A_17 : i32
    %rem3A_21 = arith.remsi %arg0, %select_n3A_20 : i32
    %ne3A_22 = arith.constant 0 : i32
    %ne3A_23 = arith.cmpi ne, %rem3A_21, %ne3A_22 : i32
    %lt3A = arith.constant 0 : i32
    %lt3A_24 = arith.cmpi slt, %rem3A_21, %lt3A : i32
    %lt3A_25 = arith.constant 0 : i32
    %lt3A_26 = arith.cmpi slt, %select_n3A_20, %lt3A_25 : i32
    %ne3A_27 = arith.xori %lt3A_24, %lt3A_26 : i1
    %and3A_28 = arith.andi %ne3A_27, %ne3A_23 : i1
    %add3A_29 = arith.addi %rem3A_21, %select_n3A_20 : i32
    %select_n3A_30 = arith.select %and3A_28, %add3A_29, %rem3A_21 : i32
    %c0_i32 = arith.constant 0 : i32
    %c0_i32_31 = arith.constant 0 : i32
    return %add3A_16, %select_n3A_30, %c0_i32 : i32, i32, i32
  }
  func.func @transform_11(%arg0: i32) -> (i32, i32, i32) {
    %jit3A = arith.constant 7 : i32
    %div3A = arith.divsi %arg0, %jit3A : i32
    %sign3A = arith.constant 0 : i32
    %sign3A_0 = arith.cmpi sgt, %arg0, %sign3A : i32
    %sign3A_1 = arith.extui %sign3A_0 : i1 to i32
    %sign3A_2 = arith.constant 0 : i32
    %sign3A_3 = arith.cmpi slt, %arg0, %sign3A_2 : i32
    %sign3A_4 = arith.extui %sign3A_3 : i1 to i32
    %sign3A_5 = arith.subi %sign3A_1, %sign3A_4 : i32
    %sign3A_6 = arith.constant 0 : i32
    %sign3A_7 = arith.cmpi sgt, %jit3A, %sign3A_6 : i32
    %sign3A_8 = arith.extui %sign3A_7 : i1 to i32
    %sign3A_9 = arith.constant 0 : i32
    %sign3A_10 = arith.cmpi slt, %jit3A, %sign3A_9 : i32
    %sign3A_11 = arith.extui %sign3A_10 : i1 to i32
    %sign3A_12 = arith.subi %sign3A_8, %sign3A_11 : i32
    %ne3A = arith.cmpi ne, %sign3A_5, %sign3A_12 : i32
    %rem3A = arith.remsi %arg0, %jit3A : i32
    %ne3A_13 = arith.constant 0 : i32
    %ne3A_14 = arith.cmpi ne, %rem3A, %ne3A_13 : i32
    %and3A = arith.andi %ne3A, %ne3A_14 : i1
    %sub3A = arith.constant 1 : i32
    %sub3A_15 = arith.subi %div3A, %sub3A : i32
    %select_n3A = arith.select %and3A, %sub3A_15, %div3A : i32
    %add3A = arith.constant 33 : i32
    %add3A_16 = arith.addi %add3A, %select_n3A : i32
    %jit3A_17 = arith.constant 7 : i32
    %eq3A = arith.constant 0 : i32
    %eq3A_18 = arith.cmpi eq, %jit3A_17, %eq3A : i32
    %jit3A_19 = arith.constant 1 : i32
    %select_n3A_20 = arith.select %eq3A_18, %jit3A_19, %jit3A_17 : i32
    %rem3A_21 = arith.remsi %arg0, %select_n3A_20 : i32
    %ne3A_22 = arith.constant 0 : i32
    %ne3A_23 = arith.cmpi ne, %rem3A_21, %ne3A_22 : i32
    %lt3A = arith.constant 0 : i32
    %lt3A_24 = arith.cmpi slt, %rem3A_21, %lt3A : i32
    %lt3A_25 = arith.constant 0 : i32
    %lt3A_26 = arith.cmpi slt, %select_n3A_20, %lt3A_25 : i32
    %ne3A_27 = arith.xori %lt3A_24, %lt3A_26 : i1
    %and3A_28 = arith.andi %ne3A_27, %ne3A_23 : i1
    %add3A_29 = arith.addi %rem3A_21, %select_n3A_20 : i32
    %select_n3A_30 = arith.select %and3A_28, %add3A_29, %rem3A_21 : i32
    %c0_i32 = arith.constant 0 : i32
    %c0_i32_31 = arith.constant 0 : i32
    return %add3A_16, %select_n3A_30, %c0_i32 : i32, i32, i32
  }
  func.func @transform_12(%arg0: i32) -> (i32, i32, i32) {
    %c0_i32 = arith.constant 0 : i32
    %c0_i32_0 = arith.constant 0 : i32
    %c0_i32_1 = arith.constant 0 : i32
    return %c0_i32, %arg0, %c0_i32_0 : i32, i32, i32
  }
  func.func @transform_13(%arg0: i32) -> (i32, i32) {
    %c0_i32 = arith.constant 0 : i32
    %c0_i32_0 = arith.constant 0 : i32
    return %arg0, %c0_i32 : i32, i32
  }
  func.func @transform_14(%arg0: i32) -> (i32, i32) {
    %c0_i32 = arith.constant 0 : i32
    %c0_i32_0 = arith.constant 0 : i32
    %c0_i32_1 = arith.constant 0 : i32
    return %c0_i32, %c0_i32_0 : i32, i32
  }
  func.func @transform_15(%arg0: i32) -> (i32, i32) {
    %c0_i32 = arith.constant 0 : i32
    %c0_i32_0 = arith.constant 0 : i32
    %c0_i32_1 = arith.constant 0 : i32
    return %c0_i32, %c0_i32_0 : i32, i32
  }
  func.func @transform_16(%arg0: i32) -> (i32, i32) {
    %c0_i32 = arith.constant 0 : i32
    %c0_i32_0 = arith.constant 0 : i32
    %c0_i32_1 = arith.constant 0 : i32
    return %c0_i32, %c0_i32_0 : i32, i32
  }
  func.func @transform_17(%arg0: i32) -> (i32, i32) {
    %c0_i32 = arith.constant 0 : i32
    %c0_i32_0 = arith.constant 0 : i32
    %c0_i32_1 = arith.constant 0 : i32
    return %c0_i32, %c0_i32_0 : i32, i32
  }
  func.func @transform_18(%arg0: i32) -> (i32, i32) {
    %c0_i32 = arith.constant 0 : i32
    %c0_i32_0 = arith.constant 0 : i32
    %c0_i32_1 = arith.constant 0 : i32
    return %c0_i32, %c0_i32_0 : i32, i32
  }
  func.func @transform_19(%arg0: i32) -> (i32, i32) {
    %c0_i32 = arith.constant 0 : i32
    %c0_i32_0 = arith.constant 0 : i32
    %c0_i32_1 = arith.constant 0 : i32
    return %c0_i32, %c0_i32_0 : i32, i32
  }
  func.func @transform_20(%arg0: i32) -> (i32, i32) {
    %c0_i32 = arith.constant 0 : i32
    %c0_i32_0 = arith.constant 0 : i32
    %c0_i32_1 = arith.constant 0 : i32
    return %c0_i32, %c0_i32_0 : i32, i32
  }
  func.func @transform_21(%arg0: i32) -> (i32, i32) {
    %c0_i32 = arith.constant 0 : i32
    %c0_i32_0 = arith.constant 0 : i32
    %c0_i32_1 = arith.constant 0 : i32
    return %c0_i32, %c0_i32_0 : i32, i32
  }
  func.func @transform_22(%arg0: i32) -> (i32, i32) {
    %c0_i32 = arith.constant 0 : i32
    %c0_i32_0 = arith.constant 0 : i32
    %c0_i32_1 = arith.constant 0 : i32
    return %c0_i32, %c0_i32_0 : i32, i32
  }
  func.func @transform_23(%arg0: i32) -> (i32, i32) {
    %c0_i32 = arith.constant 0 : i32
    %c0_i32_0 = arith.constant 0 : i32
    %c0_i32_1 = arith.constant 0 : i32
    return %c0_i32, %c0_i32_0 : i32, i32
  }
  func.func @transform_24(%arg0: i32) -> (i32, i32) {
    %c0_i32 = arith.constant 0 : i32
    %c0_i32_0 = arith.constant 0 : i32
    %c0_i32_1 = arith.constant 0 : i32
    return %c0_i32, %c0_i32_0 : i32, i32
  }
  func.func @transform_25(%arg0: i32) -> (i32, i32) {
    %c0_i32 = arith.constant 0 : i32
    %c0_i32_0 = arith.constant 0 : i32
    %c0_i32_1 = arith.constant 0 : i32
    return %c0_i32, %c0_i32_0 : i32, i32
  }
  func.func @transform_26(%arg0: i32) -> (i32, i32, i32) {
    %c0_i32 = arith.constant 0 : i32
    %c0_i32_0 = arith.constant 0 : i32
    %c0_i32_1 = arith.constant 0 : i32
    return %arg0, %c0_i32, %c0_i32_0 : i32, i32, i32
  }
  func.func @transform_27(%arg0: i32) -> (i32, i32, i32) {
    %c0_i32 = arith.constant 0 : i32
    %c0_i32_0 = arith.constant 0 : i32
    %c0_i32_1 = arith.constant 0 : i32
    return %c0_i32, %arg0, %c0_i32_0 : i32, i32, i32
  }
  func.func @transform_28(%arg0: i32) -> (i32, i32, i32) {
    %c0_i32 = arith.constant 0 : i32
    %c0_i32_0 = arith.constant 0 : i32
    %c0_i32_1 = arith.constant 0 : i32
    return %c0_i32, %arg0, %c0_i32_0 : i32, i32, i32
  }
}

</mosaic_0001>

<sc_bundles>
// kernel: kernel.12.cloned.1.call-start
scs
__scs_entry_jumppad:
0x0: {  	(pc) =	sbr.rel $0x88, $3  }
0x1: {  	(tag) =	ssettag $0x0;
	lr =	simm.s32 $0x1  }
0x2: {  	[smem:$0x3F8F] =	sst lr;
	_ =	strace $0xD0000000  }
0x3: {  	_ = 	snop  }
0x4: {  	_ = 	snop  }
0x5: {  	_ = 	snop  }
0x6: {  	_ = 	snop  }
0x7: {  	_ = 	snop  }
__scs_overlays_trampoline_lowered:
0x8: {  	[smem:$0x3F9E] =	sst s0  }
0x9: {  	[smem:$0x3F9F] =	sst s1  }
0xa: {  	[smem:$0x3FA0] =	sst s2  }
0xb: {  	[smem:$0x3FA1] =	sst s3  }
0xc: {  	[smem:$0x3FA2] =	sst s4  }
0xd: {  	[smem:$0x3FA3] =	sst s5  }
0xe: {  	[smem:$0x3FA4] =	sst s6  }
0xf: {  	[smem:$0x3FA5] =	sst s7  }
0x10: {  	[smem:$0x3FA6] =	sst s8  }
0x11: {  	[smem:$0x3FA7] =	sst s9;
	s0 =	simm.s32 @!p0 $0x0  }
0x12: {  	s1 =	sld [smem:$0x3F8D];
	s0 =	simm.s32 @p0 $0x1  }
0x13: {  	[smem:$0x3FA8] =	sst s0;
	s0 =	simm.s32 @!p1 $0x0  }
0x14: {  	s2 =	sld [smem:$0x3F8C];
	s0 =	simm.s32 @p1 $0x1  }
0x15: {  	[smem:$0x3FA9] =	sst s0;
	s0 =	simm.s32 @!p2 $0x0  }
0x16: {  	s3 =	sld [smem:$0x3FDB];
	s0 =	simm.s32 @p2 $0x1  }
0x17: {  	s4 =	simm.s32 $0x1BF5;
	[smem:$0x3FAB] =	sst s0  }
0x18: {  	s0 =	sld [smem:$0x3F8E];
	_ =	swait.ge [sflag:s4], $0x0  }
0x19: {  	s7 =	sld [smem:$0x3F8F]  }
0x1a: {  	s8 =	sadd.s32 $0xFFFFE003, lr  }
0x1b: {  	s9 =	sadd.s32 $0xFFFFFEF7, lr;
	s5 =	simm.s32 $0xFFFFFFFF;
	p2 =	slt.u32 s8, $0xFFFFF086  }
0x1c: {  	p1 =	slt.u32 s9, $0xF7A;
	s5 =	simm.s32 @!p2 $0x0  }
0x1d: {  	s5 =	simm.s32 @p1 $0x1;
	p0 =	seq.s32 s7, s2  }
0x1e: {  	s7 =	smul.u32 @!p0 $0xF7A, s2;
	p2 =	seq.s32 @!p0 s5, $0x0  }
0x1f: {  	s9 =	smul.u32 $0xF7A, s1;
	s8 =	simm.s32 @!p0 $0x1BF5;
	p2 =	por !p2, p0  }
0x20: {  	[sflag:s8] =	ssyncset.s32 @!p0 $0xFFFFF086;
	s6 =	sadd.s32 @!p0 s3, s7;
	s7 =	simm.s32 @!p0 $0x108  }
0x21: {  	s3 =	sadd.s32 s3, s9;
	s6 =	sadd.s32 @!p0 $0x88, s6;
	s7 =	simm.s32 @p2 $0x1082  }
0x22: {  	[simem:s7], [sflag:s8] =	dma.local @!p0 [hbm:s6], $0xF7A  }
0x23: {  	s9 =	sor.u32 $0xD0000000, s2;
	s6 =	simm.s32 $0x108;
	_ =	swait.ge @!p0 [sflag:s8], $0x0  }
0x24: {  	s3 =	sadd.s32 $0x88, s3;
	s6 =	simm.s32 @!p1 $0x1082;
	[sflag:s4] =	ssyncset.s32 $0xFFFFF086  }
0x25: {  	[simem:s6], [sflag:s4] =	dma.local [hbm:s3], $0xF7A  }
0x26: {  	[smem:$0x3F8F] =	sst s1;
	(tag) =	ssettag s2;
	_ =	strace s9  }
0x27: {  	s1 =	sld [smem:$0x3F9F]  }
0x28: {  	s2 =	sld [smem:$0x3FA0]  }
0x29: {  	s4 =	sld [smem:$0x3FA2]  }
0x2a: {  	p0 =	seq.s32 s5, $0x0;
	s5 =	sld [smem:$0x3FA3]  }
0x2b: {  	s6 =	sld [smem:$0x3FA4]  }
0x2c: {  	s7 =	sld [smem:$0x3FA5]  }
0x2d: {  	s3 =	simm.s32 $0x108;
	s8 =	sld [smem:$0x3FA6]  }
0x2e: {  	s3 =	simm.s32 @!p0 $0x1082;
	s9 =	sld [smem:$0x3FA7]  }
0x2f: {  	lr =	sadd.s32 s0, s3;
	s0 =	sld [smem:$0x3F9E]  }
0x30: {  	s3 =	sld [smem:$0x3FA1]  }
0x31: {  	[smem:$0x3FAA] =	sst s10  }
0x32: {  	s10 =	sld [smem:$0x3FA8];
	_ =	sdelay $0x3  }
0x33: {  	p0 =	seq.s32 s10, $0x1;
	s10 =	sld [smem:$0x3FAA];
	_ =	sdelay $0x3  }
0x34: {  	[smem:$0x3FAA] =	sst s10  }
0x35: {  	s10 =	sld [smem:$0x3FA9];
	_ =	sdelay $0x3  }
0x36: {  	p1 =	seq.s32 s10, $0x1;
	s10 =	sld [smem:$0x3FAA];
	_ =	sdelay $0x3  }
0x37: {  	[smem:$0x3FAA] =	sst s10  }
0x38: {  	s10 =	sld [smem:$0x3FAB]  }
0x39: {  	_ = 	snop;
	(pc) =	sbr.ind lr, $3  }
0x3a: {  	_ = 	snop  }
0x3b: {  	_ = 	snop  }
0x3c: {  	p2 =	seq.s32 s10, $0x1;
	s10 =	sld [smem:$0x3FAA]  }
0x3d: {  	_ =	shalt  }
0x3e: {  	_ =	shalt  }
0x3f: {  	_ =	shalt  }
0x40: {  	_ =	shalt  }
0x41: {  	_ =	shalt  }
0x42: {  	_ =	shalt  }
0x43: {  	_ =	shalt  }
0x44: {  	_ =	shalt  }
0x45: {  	_ =	shalt  }
0x46: {  	_ =	shalt  }
0x47: {  	_ =	shalt  }
0x48: {  	_ =	shalt  }
0x49: {  	_ =	shalt  }
0x4a: {  	_ =	shalt  }
0x4b: {  	_ =	shalt  }
0x4c: {  	_ =	shalt  }
0x4d: {  	_ =	shalt  }
0x4e: {  	_ =	shalt  }
0x4f: {  	_ =	shalt  }
0x50: {  	_ =	shalt  }
0x51: {  	_ =	shalt  }
0x52: {  	_ =	shalt  }
0x53: {  	_ =	shalt  }
0x54: {  	_ =	shalt  }
0x55: {  	_ =	shalt  }
0x56: {  	_ =	shalt  }
0x57: {  	_ =	shalt  }
0x58: {  	_ =	shalt  }
0x59: {  	_ =	shalt  }
0x5a: {  	_ =	shalt  }
0x5b: {  	_ =	shalt  }
0x5c: {  	_ =	shalt  }
0x5d: {  	_ =	shalt  }
0x5e: {  	_ =	shalt  }
0x5f: {  	_ =	shalt  }
0x60: {  	_ =	shalt  }
0x61: {  	_ =	shalt  }
0x62: {  	_ =	shalt  }
0x63: {  	_ =	shalt  }
0x64: {  	_ =	shalt  }
0x65: {  	_ =	shalt  }
0x66: {  	_ =	shalt  }
0x67: {  	_ =	shalt  }
0x68: {  	_ =	shalt  }
0x69: {  	_ =	shalt  }
0x6a: {  	_ =	shalt  }
0x6b: {  	_ =	shalt  }
0x6c: {  	_ =	shalt  }
0x6d: {  	_ =	shalt  }
0x6e: {  	_ =	shalt  }
0x6f: {  	_ =	shalt  }
0x70: {  	_ =	shalt  }
0x71: {  	_ =	shalt  }
0x72: {  	_ =	shalt  }
0x73: {  	_ =	shalt  }
0x74: {  	_ =	shalt  }
0x75: {  	_ =	shalt  }
0x76: {  	_ =	shalt  }
0x77: {  	_ =	shalt  }
0x78: {  	_ =	shalt  }
0x79: {  	_ =	shalt  }
0x7a: {  	_ =	shalt  }
0x7b: {  	_ =	shalt  }
0x7c: {  	_ =	shalt  }
0x7d: {  	_ =	shalt  }
0x7e: {  	_ =	shalt  }
0x7f: {  	_ =	shalt  }
0x80: {  	_ =	shalt  }
0x81: {  	_ =	shalt  }
0x82: {  	_ =	shalt  }
0x83: {  	_ =	shalt  }
0x84: {  	_ =	shalt  }
0x85: {  	_ =	shalt  }
0x86: {  	_ =	shalt  }
0x87: {  	_ =	shalt  }
.Lfunc_end0:
.L_simem_size_0:
called_computation.1_lowered:
.L_overlay_start_0:
0x88: {  	s2 =	sld [smem:$0x3FD9]  }
0x89: {  	s3 =	sld [smem:$0x3FFE];
	_ =	sdelay $0x1  }
0x8a: {  	s1 =	srdreg.scid  }
0x8b: {  	s0 =	sand.u32 $0x1, s1  }
0x8c: {  	s14 =	sshll.u32 s0, $0xA;
	s2 =	sadd.s32 s3, s2  }
0x8d: {  	s2 =	sadd.s32 s2, s14  }
0x8e: {  	[smem:$0x3FB6] =	sst s2  }
0x8f: {  	_ = 	snop  }
0x90: {  	s2 =	sld [smem:$0x3FD0];
	_ =	sdelay $0x2  }
0x91: {  	s15 =	simm.s32 $0xA;
	s4 =	simm.s32 $0x10  }
0x92: {  	[smem:s4], [sflag:s15] =	dma.local [hbm:s2], $0x1  }
0x93: {  	_ =	swait.eq [sflag:s15], $0x1  }
0x94: {  	s16 =	sld [smem:$0x10];
	[sflag:s15] =	ssyncset.done $0x0  }
0x95: {  	s17 =	sld [smem:$0x11];
	[sflag:s15] =	ssyncadd.s32 $0xFFFFFFFF  }
0x96: {  	s18 =	sld [smem:$0x12];
	(tm) =	ssettm $0x1  }
0x97: {  	s5 =	sld [smem:$0x3FFB];
	_ =	sdelay $0x3  }
0x98: {  	_ =	strace s5  }
0x99: {  	s5 =	sld [smem:$0x3FFC];
	_ =	sdelay $0x3  }
0x9a: {  	_ =	strace s5  }
0x9b: {  	s5 =	sld [smem:$0x3FFD];
	_ =	sdelay $0x3  }
0x9c: {  	_ =	strace s5  }
0x9d: {  	_ =	strace $0x8FFFFFFF  }
0x9e: {  	s19 =	sld [smem:$0x3FDB];
	_ =	sdelay $0x1  }
0x9f: {  	s6 =	simm.s32 $_scs_section_size  }
0xa0: {  	s7 =	simm.s32 $_size__tile_overlayer_lowered;
	s8 =	simm.s32 $_tile_overlayer_lowered  }
0xa1: {  	s22 =	simm.s32 $0x1BFF;
	s21 =	sshll.u32 s8, $0x1;
	s5 =	sadd.s32 s6, s19  }
0xa2: {  	s9 =	simm.s32 $0x0;
	s20 =	sshll.u32 s7, $0x1;
	s7 =	sadd.s32 s21, s5  }
0xa3: {  	[timem:s9], [sflag:s22] =	dma.local [hbm:s7], s20  }
0xa4: {  	_ =	swait.ge [sflag:s22], s20  }
0xa5: {  	s6 =	ssub.s32 $0x0, s20;
	[sflag:s22] =	ssyncset.done $0x0  }
0xa6: {  	[sflag:s22] =	ssyncadd.s32 s6;
	_ =	sdelay $0x1  }
0xa7: {  	s23 =	simm.s32 $0x1B8B  }
0xa8: {  	_ =	swait.ge [sflag:s23], $0x1  }
0xa9: {  	[sflag:s23] =	ssyncset.done $0x0  }
0xaa: {  	s25 =	simm.s32 $0x1B8E;
	s24 =	sld [smem:$0x3FFE];
	[sflag:s23] =	ssyncadd.s32 $0xFFFFFFFF  }
0xab: {  	s26 =	simm.s32 $execute0_lowered;
	[smem:$0x3FD2] =	sst s25  }
0xac: {  	s7 =	sshll.u32 s26, $0x1;
	_ =	strace $0x80000049;
	[dreg:$0x1] =	wrdreg $0xFFFFFFFF  }
0xad: {  	s28 =	simm.s32 $_size_execute0_lowered;
	s5 =	sadd.s32 s5, s7;
	[dreg:$0x0] =	wrdreg $0x0  }
0xae: {  	s7 =	sshll.u32 s28, $0x1;
	[dreg:$0x2] =	wrdreg s5  }
0xaf: {  	[dreg:$0x3] =	wrdreg s7  }
0xb0: {  	[dreg:$0x4] =	wrdreg $0xC0  }
0xb1: {  	_ =	task [dreg:s9], $0x5FFFF  }
0xb2: {  	[dreg:$0x1] =	wrdreg $0xFFFFFFFF  }
0xb3: {  	[dreg:$0x0] =	wrdreg $0x60  }
0xb4: {  	[dreg:$0x2] =	wrdreg s17  }
0xb5: {  	[dreg:$0x3] =	wrdreg s16  }
0xb6: {  	[dreg:$0x4] =	wrdreg s24  }
0xb7: {  	[dreg:$0x5] =	wrdreg s18  }
0xb8: {  	[dreg:$0x6] =	wrdreg $0x160800  }
0xb9: {  	[dreg:$0x7] =	wrdreg $0x9  }
0xba: {  	_ =	task.clear_ibuf [dreg:s9], $0x8FFFF;
	_ =	strace $0x90000049  }
0xbb: {  	s29 =	simm.s32 $0x9;
	_ =	strace $0x8000004B  }
0xbc: {  	_ =	swait.ge [sflag:s29], $0x1  }
0xbd: {  	[sflag:s29] =	ssyncadd.s32 $0xFFFFFFFF  }
0xbe: {  	_ =	strace $0x9000004B  }
0xbf: {  	_ =	sfence  }
0xc0: {  	s30 =	sld [smem:$0x0];
	_ =	sdelay $0x2  }
0xc1: {  	s31 =	sshll.u32 s1, $0xD;
	s1 =	sshrl.u32 s1, $0x2  }
0xc2: {  	s3 =	sand.u32 $0x4000, s31;
	s1 =	sadd.s32 s1, s30  }
0xc3: {  	s0 =	sor.u32 s3, s0;
	s1 =	sshll.u32 s1, $0x11  }
0xc4: {  	s0 =	sor.u32 s1, s0  }
0xc5: {  	s0 =	sadd.s32 $0x8F2B, s0  }
0xc6: {  	[sflag:s0] =	ssyncadd.remote.s32 $0x1  }
0xc7: {  	_ =	sfence.sel $0xFFFF  }
0xc8: {  	[dreg:$0x0] =	wrdreg $0xFFFFFFFF;
	(pc) =	sbr.abs _section_cstart, $3  }
0xc9: {  	[dreg:$0x1] =	wrdreg $0xFFFFFFFF  }
0xca: {  	_ =	task.clear_ibuf [dreg:s9], $0x2FFFF;
	_ =	strace $0x9FFFFFFF  }
0xcb: {  	(tm) =	ssettm $0x7FFFFFFF  }
tec
execute0_lowered:
.L_overlay_start_1:
0x0: {  	(tag) =	ssettag $0x1  }
0x1: {  	s2 =	rddreg [dreg:$0x1]  }
0x2: {  	s0 =	rddreg [dreg:$0x2]  }
0x3: {  	s3 =	rddreg [dreg:$0x3]  }
0x4: {  	s5 =	rddreg [dreg:$0x4];
	s6 =	simm.s32 $0x0;
	s4 =	stileid.u32  }
0x5: {  	s8 =	srdreg.scid;
	s15 =	simm.s32 $0x1;
	s16 =	simm.s32 $0x80  }
0x6: {  	s17 =	simm.s32 $0x4;
	s18 =	simm.s32 $0xA080;
	s19 =	simm.s32 $0x100  }
0x7: {  	s20 =	simm.s32 $0xE080;
	s21 =	simm.s32 $0x5080;
	s22 =	simm.s32 $0x2  }
0x8: {  	s23 =	simm.s32 $0x0;
	[smem:$0x7FF] =	sst s6;
	s9 =	smul.u32 $0xE00, s4  }
0x9: {  	s7 =	sadd.s32 $0x274000, s0;
	s8 =	sand.u32 $0x1, s8;
	s10 =	smul.u32 $0x1C000, s4  }
.Ltmp0:
0xa: {  	s30 =	sshll.u32 s4, $0xF;
	s11 =	ssub.s32 $0x2, s8;
	(pc) =	sbr.rel .LBB2_1-.Ltmp0, $4  }
0xb: {  	_ =	strace $0x8000004A;
	s0 =	sadd.s32 s9, s0;
	s12 =	sshrl.u32 s11, $0x1  }
0xc: {  	s9 =	sadd.s32 s30, s5;
	s13 =	sshrl.u32 s10, $0x2;
	s14 =	ssub.s32 s11, s12  }
0xd: {  	s10 =	sadd.s32 $0x4000, s9;
	s11 =	sadd.s32 s13, s5;
	s31 =	smax.u32 s14, $0x1  }
0xe: {  	v0 =	vimm.f32 $0.0e+00;
	v1 =	vimm.f32 $1.000000000e+00;
	s12 =	sadd.s32 $0x3000, s0;
	s14 =	simm.s32 $0x3;
	[dreg:$0x6] =	wrdreg s31  }
.LBB2_17:
0xf: {  	s23 =	sadd.s32 $0x1, s23;
	s0 =	rddreg [dreg:$0x6]  }
0x10: {  	p0 =	sne.s32 s23, s0  }
.Ltmp1:
0x11: {  	_ = 	snop;
	(pc) =	sbr.rel @!p0 .LBB2_18-.Ltmp1, $1  }
0x12: {  	_ =	sdelay $0x3  }
.LBB2_1:
0x13: {  	s0 =	rddreg [dreg:$0x0]  }
0x14: {  	[tilespmem:s6], [sflag:$0x3] =	stream.linear.gather [hbm4b:s0+s6], $0x80, $0x38;
	[tilespmem:$0x1E080] =	vst v63  }
0x15: {  	_ =	swait.ge [sflag:s14], $0x80  }
0x16: {  	[sflag:s14] =	ssyncset.done $0x0  }
0x17: {  	[sflag:s14] =	ssyncadd.s32 $0xFFFFFF80  }
0x18: {  	s24 =	simm.s32 $0x0;
	s25 =	simm.s32 $0x200;
	v2 =	vld [tilespmem:$0x0]  }
.LBB2_2:
0x19: {  	p0 =	sne.s32 s25, $0xFE00;
	[tilespmem:s24+$0x120F0] =	vst v0  }
0x1a: {  	[tilespmem:s24+$0x12080] =	vst v0  }
0x1b: {  	[tilespmem:s24+$0x12090] =	vst v0  }
.Ltmp2:
0x1c: {  	[tilespmem:s24+$0x120A0] =	vst v0;
	(pc) =	sbr.rel @p0 .LBB2_2-.Ltmp2, $4  }
0x1d: {  	[tilespmem:s24+$0x120B0] =	vst v0  }
0x1e: {  	[tilespmem:s24+$0x120C0] =	vst v0  }
0x1f: {  	[tilespmem:s24+$0x120D0] =	vst v0  }
0x20: {  	[tilespmem:s24+$0x120E0] =	vst v0;
	s24 =	sshra.s32 s25, $0x2;
	s25 =	sadd.s32 $0x200, s25  }
0x21: {  	(v2sf) =	vpush v2, $0x0;
	_ =	sdelay $0xd  }
0x22: {  	[tilespmem:s24+$0x120F0] =	vst v0  }
0x23: {  	[tilespmem:s24+$0x12080] =	vst v0;
	s26 =	spop (v2sf)  }
0x24: {  	[tilespmem:s24+$0x12090] =	vst v0;
	p0 =	seq.s32 s26, $0x1  }
.Ltmp3:
0x25: {  	[tilespmem:s24+$0x120A0] =	vst v0;
	(pc) =	sbr.rel @p0 .LBB2_7-.Ltmp3, $4  }
0x26: {  	[tilespmem:s24+$0x120B0] =	vst v0  }
0x27: {  	[tilespmem:s24+$0x120C0] =	vst v0  }
0x28: {  	[tilespmem:s24+$0x120D0] =	vst v0  }
0x29: {  	[tilespmem:s24+$0x120E0] =	vst v0;
	s0 =	simm.s32 $0x0  }
0x2a: {  	s24 =	sshra.s32 s0, $0x2;
	s25 =	sadd.s32 $0x200, s0  }
.LBB2_5:
0x2b: {  	p1 =	sne.s32 s25, $0xFE00;
	[tilespmem:s24+$0xA0F0] =	vst v1  }
0x2c: {  	[tilespmem:s24+$0xA080] =	vst v1  }
0x2d: {  	[tilespmem:s24+$0xA090] =	vst v1  }
.Ltmp4:
0x2e: {  	[tilespmem:s24+$0xA0A0] =	vst v1;
	(pc) =	sbr.rel @p1 .LBB2_5-.Ltmp4, $4  }
0x2f: {  	[tilespmem:s24+$0xA0B0] =	vst v1  }
0x30: {  	[tilespmem:s24+$0xA0C0] =	vst v1  }
0x31: {  	[tilespmem:s24+$0xA0D0] =	vst v1  }
0x32: {  	[tilespmem:s24+$0xA0E0] =	vst v1;
	s24 =	sshra.s32 s25, $0x2;
	s25 =	sadd.s32 $0x200, s25  }
0x33: {  	[tilespmem:s24+$0xA0F0] =	vst v1  }
0x34: {  	[tilespmem:s24+$0xA080] =	vst v1  }
0x35: {  	[tilespmem:s24+$0xA090] =	vst v1  }
0x36: {  	[tilespmem:s24+$0xA0A0] =	vst v1  }
0x37: {  	[tilespmem:s24+$0xA0B0] =	vst v1  }
0x38: {  	[tilespmem:s24+$0xA0C0] =	vst v1  }
0x39: {  	[tilespmem:s24+$0xA0D0] =	vst v1  }
0x3a: {  	[tilespmem:s24+$0xA0E0] =	vst v1  }
.LBB2_7:
.Ltmp5:
0x3b: {  	(pc) =	sbr.rel .LBB2_8-.Ltmp5, $3  }
0x3c: {  	_ =	sdelay $0x1  }
0x3d: {  	s24 =	simm.s32 $0x1  }
0x3e: {  	s25 =	simm.s32 $0x0;
	p1 =	sne.s32 s26, $0x1;
	s24 =	simm.s32 @!p0 $0x0  }
.LBB2_16:
0x3f: {  	s0 =	smul.u32 @p3 $0xE000, s26;
	[bflag:$0x0] =	sbarrier.arrive $0xFFFF  }
0x40: {  	s1 =	sshll.u32 @p3 s4, $0x6;
	s13 =	sshrl.u32 @p3 s11, $0x3;
	s25 =	sadd.s32 $0x1, s25  }
0x41: {  	s1 =	sor.u32 @p3 $0x1C03, s1;
	p2 =	sne.s32 s25, $0x14;
	s0 =	sadd.s32 @p3 s12, s0  }
0x42: {  	[hbm:s0], [sflag:s1] =	dma.local @p3 [spmem:s13], $0xE00  }
.Ltmp6:
0x43: {  	_ = 	snop;
	(pc) =	sbr.rel @!p2 .LBB2_17-.Ltmp6, $4  }
0x44: {  	s0 =	simm.s32 @p3 $0x3  }
0x45: {  	_ =	swait.ge @p3 [sflag:s0], $0xE00  }
0x46: {  	[sflag:s0] =	ssyncset.done @p3 $0x0  }
0x47: {  	[sflag:s0] =	ssyncadd.s32 @p3 $0xFFFFF200  }
.LBB2_8:
0x48: {  	p2 =	sgt.u32 s25, $0x11;
	s0 =	simm.s32 $0x1  }
0x49: {  	s31 =	sshll.u32 s25, $0x1;
	s0 =	simm.s32 @!p2 $0x0  }
0x4a: {  	[bflag:$0x0] =	sbarrier.arrive $0xFFFF;
	s26 =	sor.u32 s8, s31;
	p3 =	seq.s32 s24, s0  }
0x4b: {  	[bflag:$0x0] =	sbarrier.arrive @p3 $0xFFFF;
	s28 =	simm.s32 @!p3 $0x12080;
	s0 =	simm.s32 @!p3 $0x4  }
0x4c: {  	[spmem:s9] =	stream.linear.scatter @!p3 [tilespmem:s28], [sflag:$0x4], $0x4000, $0x38;
	[tilespmem:$0x1E080] =	vst v63  }
0x4d: {  	s29 =	smulhi.u32 @!p3 $0x55555556, s26;
	_ =	swait.ge @!p3 [sflag:s0], $0x4000  }
0x4e: {  	[sflag:s0] =	ssyncset.done @!p3 $0x0  }
0x4f: {  	s29 =	smul.u32 @!p3 $0x3, s29;
	[sflag:s0] =	ssyncadd.s32 @!p3 $0xFFFFC000  }
0x50: {  	[spmem:s10] =	stream.linear.scatter @!p3 [tilespmem:s28], [sflag:$0x4], $0x4000, $0x38;
	[tilespmem:$0x1E080] =	vst v63  }
0x51: {  	p4 =	sgt.u32 @!p3 s25, $0x11;
	s28 =	smin.u32 @!p3 s26, $0x26  }
0x52: {  	p4 =	por !p4, p3;
	s29 =	ssub.s32 @!p3 s26, s29;
	s28 =	sadd.s32 @!p3 $0xFFFFFDC, s28  }
0x53: {  	s28 =	smov.u32 @p4 s29  }
0x54: {  	s28 =	sshll.u32 @!p3 s28, $0x4  }
0x55: {  	s28 =	sor.u32 @!p3 s4, s28  }
0x56: {  	s30 =	simm.s32 @!p3 $0x5080;
	_ =	swait.ge @!p3 [sflag:s0], $0x4000;
	s28 =	smul.u32 @!p3 $0x5000, s28  }
0x57: {  	[sflag:s0] =	ssyncset.done @!p3 $0x0;
	s29 =	simm.s32 @!p3 $0x0;
	p4 =	sgt.u32 @!p1 s25, $0x11  }
0x58: {  	[sflag:s0] =	ssyncadd.s32 @!p3 $0xFFFFC000;
	p4 =	por p1, p4;
	s28 =	sshrl.u32 @!p3 s28, $0x3  }
.Ltmp7:
0x59: {  	[bflag:$0x0] =	sbarrier.arrive @!p3 $0xFFFF;
	s28 =	sadd.s32 @!p3 s3, s28;
	(pc) =	sbr.rel @p4 .LBB2_12-.Ltmp7, $4  }
0x5a: {  	[tilespmem:s30], [sflag:$0x4] =	stream.linear.gather @!p3 [hbm4b:s28+s29], $0x4F00, $0x38;
	[tilespmem:$0x1E080] =	vst v63  }
0x5b: {  	_ =	swait.ge @!p3 [sflag:s0], $0x4F00  }
0x5c: {  	[sflag:s0] =	ssyncset.done @!p3 $0x0  }
0x5d: {  	[sflag:s0] =	ssyncadd.s32 @!p3 $0xFFFFB100  }
0x5e: {  	s0 =	smulhi.u32 $0x55555556, s26;
	_ =	sdelay $0x1  }
0x5f: {  	s0 =	sshll.u32 s0, $0x4  }
0x60: {  	s0 =	sor.u32 s4, s0  }
0x61: {  	s0 =	smul.u32 $0xA00, s0;
	_ =	sdelay $0x1  }
0x62: {  	s0 =	sadd.s32 s7, s0  }
0x63: {  	[tilespmem:s16], [sflag:$0x4] =	stream.linear.gather [hbm4b:s0+s6], $0x4F00, $0x38;
	[tilespmem:$0x1E080] =	vst v63  }
0x64: {  	_ =	swait.ge [sflag:s17], $0x4F00  }
0x65: {  	[sflag:s17] =	ssyncset.done $0x0  }
0x66: {  	[sflag:s17] =	ssyncadd.s32 $0xFFFFB100  }
0x67: {  	[tilespmem:s18], [sflag:$0x1] =	stream.indirect.gather [hbm4b:s2+s16], $0x80, s16, s16, $0xb8;
	[tilespmem:$0x1E080] =	vst v63  }
0x68: {  	_ = 	snop  }
0x69: {  	[tilespmem:s20], [sflag:$0x1] =	stream.indirect.gather [hbm4b:s2+s16], $0x80, s19, s16, $0xb8;
	[tilespmem:$0x1E080] =	vst v63  }
0x6a: {  	_ =	swait.ge [sflag:s15], $0x4000  }
0x6b: {  	[sflag:s15] =	ssyncset.done $0x0  }
0x6c: {  	s28 =	simm.s32 $0x5100;
	s1 =	simm.s32 $0x2;
	[sflag:s15] =	ssyncadd.s32 $0xFFFFC000  }
0x6d: {  	[spmem:s5] =	stream.indirect.scatter.add.f32 [tilespmem:s18], [sflag:$0x2], $0x80, s21, s16, $0xb8;
	[tilespmem:$0x1E080] =	vst v63  }
0x6e: {  	s29 =	simm.s32 $0x8000;
	s0 =	smin.u32 s1, $0x9D;
	_ =	swait.ge [sflag:s22], $0x4000  }
0x6f: {  	s29 =	sand.u32 $0x4000, s29;
	s0 =	sshll.u32 s0, $0x7;
	[sflag:s22] =	ssyncset.done $0x0  }
0x70: {  	s29 =	sor.u32 $0xA080, s29;
	s0 =	sadd.s32 $0x80, s0;
	[sflag:s22] =	ssyncadd.s32 $0xFFFFC000  }
0x71: {  	[tilespmem:s29], [sflag:$0x1] =	stream.indirect.gather [hbm4b:s2+s16], $0x80, s0, s16, $0xb8;
	[tilespmem:$0x1E080] =	vst v63  }
0x72: {  	s13 =	simm.s32 $0x4000;
	s30 =	simm.s32 $0x3;
	_ =	swait.ge [sflag:s15], $0x4000  }
0x73: {  	s31 =	simm.s32 $0x5180;
	s0 =	sand.u32 $0x4000, s13;
	[sflag:s15] =	ssyncset.done $0x0  }
0x74: {  	s29 =	simm.s32 $0xC000;
	s0 =	sor.u32 $0xA080, s0;
	[sflag:s15] =	ssyncadd.s32 $0xFFFFC000  }
.LBB2_10:
0x75: {  	[spmem:s5] =	stream.indirect.scatter.add.f32 [tilespmem:s0], [sflag:$0x2], $0x80, s28, s16, $0xb8;
	[tilespmem:$0x1E080] =	vst v63  }
0x76: {  	p3 =	sne.s32 s29, $0x278000;
	s0 =	smov.u32 s29;
	s29 =	sadd.s32 $0x4000, s29  }
0x77: {  	s28 =	smov.u32 s31  }
0x78: {  	s1 =	smin.u32 s30, $0x9D;
	s13 =	sand.u32 $0x4000, s0;
	_ =	swait.ge [sflag:s22], $0x4000  }
0x79: {  	s1 =	sshll.u32 s1, $0x7;
	s13 =	sor.u32 $0xA080, s13;
	[sflag:s22] =	ssyncset.done $0x0  }
.Ltmp8:
0x7a: {  	s1 =	sadd.s32 $0x80, s1;
	[sflag:s22] =	ssyncadd.s32 $0xFFFFC000;
	(pc) =	sbr.rel @p3 .LBB2_10-.Ltmp8, $4  }
0x7b: {  	[tilespmem:s13], [sflag:$0x1] =	stream.indirect.gather [hbm4b:s2+s16], $0x80, s1, s16, $0xb8;
	[tilespmem:$0x1E080] =	vst v63  }
0x7c: {  	s0 =	sadd.s32 $0xFFFFC000, s0;
	_ =	swait.ge [sflag:s15], $0x4000  }
0x7d: {  	s30 =	sadd.s32 $0x1, s30;
	s0 =	sand.u32 $0x4000, s0;
	[sflag:s15] =	ssyncset.done $0x0  }
0x7e: {  	s31 =	sadd.s32 $0x80, s31;
	s0 =	sor.u32 $0xA080, s0;
	[sflag:s15] =	ssyncadd.s32 $0xFFFFC000  }
0x7f: {  	[spmem:s5] =	stream.indirect.scatter.add.f32 [tilespmem:s0], [sflag:$0x2], $0x80, s28, s16, $0xb8;
	[tilespmem:$0x1E080] =	vst v63  }
0x80: {  	_ =	swait.ge [sflag:s15], $0x4000  }
0x81: {  	[sflag:s15] =	ssyncset.done $0x0  }
0x82: {  	[sflag:s15] =	ssyncadd.s32 $0xFFFFC000  }
0x83: {  	_ =	swait.ge [sflag:s22], $0x4000  }
0x84: {  	[sflag:s22] =	ssyncset.done $0x0  }
0x85: {  	[sflag:s22] =	ssyncadd.s32 $0xFFFFC000  }
.LBB2_12:
0x86: {  	p3 =	por !p2, !p2  }
0x87: {  	p3 =	por @!p0 p2, p2  }
0x88: {  	p6 =	slt.u32 s25, $0x12;
	p4 =	por !p3, !p3  }
0x89: {  	p2 =	por p6, p4  }
.Ltmp9:
0x8a: {  	_ = 	snop;
	(pc) =	sbr.rel @p2 .LBB2_16-.Ltmp9, $1  }
0x8b: {  	_ =	sdelay $0x3  }
0x8c: {  	s0 =	simm.s32 $0x5080  }
0x8d: {  	[spmem:s5] =	stream.indirect.scatter.add.f32 [tilespmem:s18], [sflag:$0x4], $0x80, s0, s16, $0xb8;
	[tilespmem:$0x1E080] =	vst v63  }
0x8e: {  	s28 =	simm.s32 $0x200;
	_ =	swait.ge [sflag:s17], $0x4000  }
.LBB2_14:
0x8f: {  	s0 =	sshra.s32 s28, $0x2;
	[sflag:s17] =	ssyncset.done $0x0;
	p2 =	sne.s32 s28, $0x13A00  }
.Ltmp10:
0x90: {  	s0 =	sadd.s32 $0x5080, s0;
	[sflag:s17] =	ssyncadd.s32 $0xFFFFC000;
	(pc) =	sbr.rel @p2 .LBB2_14-.Ltmp10, $3  }
0x91: {  	[spmem:s5] =	stream.indirect.scatter.add.f32 [tilespmem:s18], [sflag:$0x4], $0x80, s0, s16, $0xb8;
	[tilespmem:$0x1E080] =	vst v63  }
0x92: {  	s28 =	sadd.s32 $0x200, s28;
	_ =	sdelay $0x1  }
0x93: {  	_ =	swait.ge [sflag:s17], $0x4000  }
.Ltmp11:
0x94: {  	(pc) =	sbr.rel .LBB2_16-.Ltmp11, $3  }
0x95: {  	_ =	sdelay $0x1  }
0x96: {  	[sflag:s17] =	ssyncset.done $0x0  }
0x97: {  	[sflag:s17] =	ssyncadd.s32 $0xFFFFC000  }
.LBB2_18:
0x98: {  	_ =	sfence.sel $0x180000  }
0x99: {  	[bflag:$0x0] =	sbarrier.arrive $0xFFFF  }
0x9a: {  	_ =	strace $0x9000004A  }
0x9b: {  	[bflag:$0x2] =	sbarrier.arrive $0xFFFF  }
0x9c: {  	p0 =	sne.s32 s4, $0x0;
	s0 =	rddreg [dreg:$0x5]  }
0x9d: {  	s0 =	sadd.s32 @!p0 $0x100000, s0  }
0x9e: {  	[sflag:s0] =	ssyncadd.tile.s32 @!p0 $0x1;
	_ =	shalt  }
.Lfunc_end2:
_tile_overlayer_lowered:
.L_overlay_start_2:
0x9f: {  	(tag) =	ssettag $0x2  }
0xa0: {  	s0 =	rddreg [dreg:$0x0];
	s2 =	stileid.u32  }
0xa1: {  	s1 =	rddreg [dreg:$0x1];
	p0 =	sne.s32 s2, $0x0  }
0xa2: {  	s3 =	rddreg [dreg:$0x2];
	[bflag:$0x3] =	sbarrier.arrive $0xFFFF;
	s2 =	simm.s32 @!p0 $0x1C03  }
0xa3: {  	[timem:s3], [sflag:s2] =	dma.local @!p0 [hbm:s0], s1  }
0xa4: {  	s0 =	simm.s32 @!p0 $0x3  }
0xa5: {  	_ =	swait.ge @!p0 [sflag:s0], s1  }
0xa6: {  	s1 =	ssub.s32 @!p0 $0x0, s1;
	[sflag:s0] =	ssyncset.done @!p0 $0x0  }
0xa7: {  	[sflag:s0] =	ssyncadd.s32 @!p0 s1  }
0xa8: {  	[bflag:$0x3] =	sbarrier.arrive $0xFFFF  }
0xa9: {  	_ =	shalt  }

// kernel: kernel.15.cloned.1.call-start
scs
__scs_entry_jumppad:
0x0: {  	(pc) =	sbr.rel $0x88, $3  }
0x1: {  	(tag) =	ssettag $0x0;
	lr =	simm.s32 $0x1  }
0x2: {  	[smem:$0x3F8F] =	sst lr;
	_ =	strace $0xD0000000  }
0x3: {  	_ = 	snop  }
0x4: {  	_ = 	snop  }
0x5: {  	_ = 	snop  }
0x6: {  	_ = 	snop  }
0x7: {  	_ = 	snop  }
__scs_overlays_trampoline_lowered:
0x8: {  	[smem:$0x3F9E] =	sst s0  }
0x9: {  	[smem:$0x3F9F] =	sst s1  }
0xa: {  	[smem:$0x3FA0] =	sst s2  }
0xb: {  	[smem:$0x3FA1] =	sst s3  }
0xc: {  	[smem:$0x3FA2] =	sst s4  }
0xd: {  	[smem:$0x3FA3] =	sst s5  }
0xe: {  	[smem:$0x3FA4] =	sst s6  }
0xf: {  	[smem:$0x3FA5] =	sst s7  }
0x10: {  	[smem:$0x3FA6] =	sst s8  }
0x11: {  	[smem:$0x3FA7] =	sst s9;
	s0 =	simm.s32 @!p0 $0x0  }
0x12: {  	s1 =	sld [smem:$0x3F8D];
	s0 =	simm.s32 @p0 $0x1  }
0x13: {  	[smem:$0x3FA8] =	sst s0;
	s0 =	simm.s32 @!p1 $0x0  }
0x14: {  	s2 =	sld [smem:$0x3F8C];
	s0 =	simm.s32 @p1 $0x1  }
0x15: {  	[smem:$0x3FA9] =	sst s0;
	s0 =	simm.s32 @!p2 $0x0  }
0x16: {  	s3 =	sld [smem:$0x3FDB];
	s0 =	simm.s32 @p2 $0x1  }
0x17: {  	s4 =	simm.s32 $0x1BF5;
	[smem:$0x3FAB] =	sst s0  }
0x18: {  	s0 =	sld [smem:$0x3F8E];
	_ =	swait.ge [sflag:s4], $0x0  }
0x19: {  	s7 =	sld [smem:$0x3F8F]  }
0x1a: {  	s8 =	sadd.s32 $0xFFFFE003, lr  }
0x1b: {  	s9 =	sadd.s32 $0xFFFFFEF7, lr;
	s5 =	simm.s32 $0xFFFFFFFF;
	p2 =	slt.u32 s8, $0xFFFFF086  }
0x1c: {  	p1 =	slt.u32 s9, $0xF7A;
	s5 =	simm.s32 @!p2 $0x0  }
0x1d: {  	s5 =	simm.s32 @p1 $0x1;
	p0 =	seq.s32 s7, s2  }
0x1e: {  	s7 =	smul.u32 @!p0 $0xF7A, s2;
	p2 =	seq.s32 @!p0 s5, $0x0  }
0x1f: {  	s9 =	smul.u32 $0xF7A, s1;
	s8 =	simm.s32 @!p0 $0x1BF5;
	p2 =	por !p2, p0  }
0x20: {  	[sflag:s8] =	ssyncset.s32 @!p0 $0xFFFFF086;
	s6 =	sadd.s32 @!p0 s3, s7;
	s7 =	simm.s32 @!p0 $0x108  }
0x21: {  	s3 =	sadd.s32 s3, s9;
	s6 =	sadd.s32 @!p0 $0x88, s6;
	s7 =	simm.s32 @p2 $0x1082  }
0x22: {  	[simem:s7], [sflag:s8] =	dma.local @!p0 [hbm:s6], $0xF7A  }
0x23: {  	s9 =	sor.u32 $0xD0000000, s2;
	s6 =	simm.s32 $0x108;
	_ =	swait.ge @!p0 [sflag:s8], $0x0  }
0x24: {  	s3 =	sadd.s32 $0x88, s3;
	s6 =	simm.s32 @!p1 $0x1082;
	[sflag:s4] =	ssyncset.s32 $0xFFFFF086  }
0x25: {  	[simem:s6], [sflag:s4] =	dma.local [hbm:s3], $0xF7A  }
0x26: {  	[smem:$0x3F8F] =	sst s1;
	(tag) =	ssettag s2;
	_ =	strace s9  }
0x27: {  	s1 =	sld [smem:$0x3F9F]  }
0x28: {  	s2 =	sld [smem:$0x3FA0]  }
0x29: {  	s4 =	sld [smem:$0x3FA2]  }
0x2a: {  	p0 =	seq.s32 s5, $0x0;
	s5 =	sld [smem:$0x3FA3]  }
0x2b: {  	s6 =	sld [smem:$0x3FA4]  }
0x2c: {  	s7 =	sld [smem:$0x3FA5]  }
0x2d: {  	s3 =	simm.s32 $0x108;
	s8 =	sld [smem:$0x3FA6]  }
0x2e: {  	s3 =	simm.s32 @!p0 $0x1082;
	s9 =	sld [smem:$0x3FA7]  }
0x2f: {  	lr =	sadd.s32 s0, s3;
	s0 =	sld [smem:$0x3F9E]  }
0x30: {  	s3 =	sld [smem:$0x3FA1]  }
0x31: {  	[smem:$0x3FAA] =	sst s10  }
0x32: {  	s10 =	sld [smem:$0x3FA8];
	_ =	sdelay $0x3  }
0x33: {  	p0 =	seq.s32 s10, $0x1;
	s10 =	sld [smem:$0x3FAA];
	_ =	sdelay $0x3  }
0x34: {  	[smem:$0x3FAA] =	sst s10  }
0x35: {  	s10 =	sld [smem:$0x3FA9];
	_ =	sdelay $0x3  }
0x36: {  	p1 =	seq.s32 s10, $0x1;
	s10 =	sld [smem:$0x3FAA];
	_ =	sdelay $0x3  }
0x37: {  	[smem:$0x3FAA] =	sst s10  }
0x38: {  	s10 =	sld [smem:$0x3FAB]  }
0x39: {  	_ = 	snop;
	(pc) =	sbr.ind lr, $3  }
0x3a: {  	_ = 	snop  }
0x3b: {  	_ = 	snop  }
0x3c: {  	p2 =	seq.s32 s10, $0x1;
	s10 =	sld [smem:$0x3FAA]  }
0x3d: {  	_ =	shalt  }
0x3e: {  	_ =	shalt  }
0x3f: {  	_ =	shalt  }
0x40: {  	_ =	shalt  }
0x41: {  	_ =	shalt  }
0x42: {  	_ =	shalt  }
0x43: {  	_ =	shalt  }
0x44: {  	_ =	shalt  }
0x45: {  	_ =	shalt  }
0x46: {  	_ =	shalt  }
0x47: {  	_ =	shalt  }
0x48: {  	_ =	shalt  }
0x49: {  	_ =	shalt  }
0x4a: {  	_ =	shalt  }
0x4b: {  	_ =	shalt  }
0x4c: {  	_ =	shalt  }
0x4d: {  	_ =	shalt  }
0x4e: {  	_ =	shalt  }
0x4f: {  	_ =	shalt  }
0x50: {  	_ =	shalt  }
0x51: {  	_ =	shalt  }
0x52: {  	_ =	shalt  }
0x53: {  	_ =	shalt  }
0x54: {  	_ =	shalt  }
0x55: {  	_ =	shalt  }
0x56: {  	_ =	shalt  }
0x57: {  	_ =	shalt  }
0x58: {  	_ =	shalt  }
0x59: {  	_ =	shalt  }
0x5a: {  	_ =	shalt  }
0x5b: {  	_ =	shalt  }
0x5c: {  	_ =	shalt  }
0x5d: {  	_ =	shalt  }
0x5e: {  	_ =	shalt  }
0x5f: {  	_ =	shalt  }
0x60: {  	_ =	shalt  }
0x61: {  	_ =	shalt  }
0x62: {  	_ =	shalt  }
0x63: {  	_ =	shalt  }
0x64: {  	_ =	shalt  }
0x65: {  	_ =	shalt  }
0x66: {  	_ =	shalt  }
0x67: {  	_ =	shalt  }
0x68: {  	_ =	shalt  }
0x69: {  	_ =	shalt  }
0x6a: {  	_ =	shalt  }
0x6b: {  	_ =	shalt  }
0x6c: {  	_ =	shalt  }
0x6d: {  	_ =	shalt  }
0x6e: {  	_ =	shalt  }
0x6f: {  	_ =	shalt  }
0x70: {  	_ =	shalt  }
0x71: {  	_ =	shalt  }
0x72: {  	_ =	shalt  }
0x73: {  	_ =	shalt  }
0x74: {  	_ =	shalt  }
0x75: {  	_ =	shalt  }
0x76: {  	_ =	shalt  }
0x77: {  	_ =	shalt  }
0x78: {  	_ =	shalt  }
0x79: {  	_ =	shalt  }
0x7a: {  	_ =	shalt  }
0x7b: {  	_ =	shalt  }
0x7c: {  	_ =	shalt  }
0x7d: {  	_ =	shalt  }
0x7e: {  	_ =	shalt  }
0x7f: {  	_ =	shalt  }
0x80: {  	_ =	shalt  }
0x81: {  	_ =	shalt  }
0x82: {  	_ =	shalt  }
0x83: {  	_ =	shalt  }
0x84: {  	_ =	shalt  }
0x85: {  	_ =	shalt  }
0x86: {  	_ =	shalt  }
0x87: {  	_ =	shalt  }
.Lfunc_end0:
.L_simem_size_0:
called_computation.2_lowered:
.L_overlay_start_0:
0x88: {  	s2 =	sld [smem:$0x3FD9]  }
0x89: {  	s3 =	sld [smem:$0x3FFE];
	_ =	sdelay $0x1  }
0x8a: {  	s1 =	srdreg.scid  }
0x8b: {  	s0 =	sand.u32 $0x1, s1  }
0x8c: {  	s14 =	sshll.u32 s0, $0xA;
	s2 =	sadd.s32 s3, s2  }
0x8d: {  	s2 =	sadd.s32 s2, s14  }
0x8e: {  	[smem:$0x3FB6] =	sst s2  }
0x8f: {  	_ = 	snop  }
0x90: {  	s2 =	sld [smem:$0x3FD0];
	_ =	sdelay $0x2  }
0x91: {  	s15 =	simm.s32 $0xA;
	s4 =	simm.s32 $0x10  }
0x92: {  	[smem:s4], [sflag:s15] =	dma.local [hbm:s2], $0x1  }
0x93: {  	_ =	swait.eq [sflag:s15], $0x1  }
0x94: {  	[sflag:s15] =	ssyncset.done $0x0  }
0x95: {  	s16 =	sld [smem:$0x11];
	[sflag:s15] =	ssyncadd.s32 $0xFFFFFFFF  }
0x96: {  	s17 =	sld [smem:$0x12];
	(tm) =	ssettm $0x1  }
0x97: {  	s18 =	sld [smem:$0x3FFB];
	_ =	sdelay $0x3  }
0x98: {  	_ =	strace s18  }
0x99: {  	s4 =	sld [smem:$0x3FFC];
	_ =	sdelay $0x3  }
0x9a: {  	_ =	strace s4  }
0x9b: {  	s4 =	sld [smem:$0x3FFD];
	_ =	sdelay $0x3  }
0x9c: {  	_ =	strace s4  }
0x9d: {  	_ =	strace $0x8FFFFFFF  }
0x9e: {  	s19 =	sld [smem:$0x3FDB];
	_ =	sdelay $0x1  }
0x9f: {  	s5 =	simm.s32 $_scs_section_size  }
0xa0: {  	s6 =	simm.s32 $_size__tile_overlayer_lowered;
	s7 =	simm.s32 $_tile_overlayer_lowered  }
0xa1: {  	s22 =	simm.s32 $0x1BFF;
	s21 =	sshll.u32 s7, $0x1;
	s4 =	sadd.s32 s5, s19  }
0xa2: {  	s8 =	simm.s32 $0x0;
	s20 =	sshll.u32 s6, $0x1;
	s6 =	sadd.s32 s21, s4  }
0xa3: {  	[timem:s8], [sflag:s22] =	dma.local [hbm:s6], s20  }
0xa4: {  	_ =	swait.ge [sflag:s22], s20  }
0xa5: {  	s5 =	ssub.s32 $0x0, s20;
	[sflag:s22] =	ssyncset.done $0x0  }
0xa6: {  	[sflag:s22] =	ssyncadd.s32 s5;
	_ =	sdelay $0x1  }
0xa7: {  	s23 =	simm.s32 $0x1B8B  }
0xa8: {  	_ =	swait.ge [sflag:s23], $0x1  }
0xa9: {  	[sflag:s23] =	ssyncset.done $0x0  }
0xaa: {  	s25 =	simm.s32 $0x1B8E;
	s24 =	sld [smem:$0x3FFE];
	[sflag:s23] =	ssyncadd.s32 $0xFFFFFFFF  }
0xab: {  	s26 =	simm.s32 $execute0_lowered;
	[smem:$0x3FD2] =	sst s25  }
0xac: {  	s6 =	sshll.u32 s26, $0x1;
	_ =	strace $0x8000004C;
	[dreg:$0x1] =	wrdreg $0xFFFFFFFF  }
0xad: {  	s28 =	simm.s32 $_size_execute0_lowered;
	s4 =	sadd.s32 s4, s6;
	[dreg:$0x0] =	wrdreg $0x0  }
0xae: {  	s6 =	sshll.u32 s28, $0x1;
	[dreg:$0x2] =	wrdreg s4  }
0xaf: {  	[dreg:$0x3] =	wrdreg s6  }
0xb0: {  	[dreg:$0x4] =	wrdreg $0xC0  }
0xb1: {  	_ =	task [dreg:s8], $0x5FFFF  }
0xb2: {  	[dreg:$0x1] =	wrdreg $0xFFFFFFFF  }
0xb3: {  	[dreg:$0x0] =	wrdreg $0x60  }
0xb4: {  	[dreg:$0x2] =	wrdreg s16  }
0xb5: {  	[dreg:$0x3] =	wrdreg s24  }
0xb6: {  	[dreg:$0x4] =	wrdreg s17  }
0xb7: {  	[dreg:$0x5] =	wrdreg $0x160800  }
0xb8: {  	[dreg:$0x6] =	wrdreg $0x9  }
0xb9: {  	_ =	task.clear_ibuf [dreg:s8], $0x7FFFF;
	_ =	strace $0x9000004C  }
0xba: {  	s29 =	simm.s32 $0x9;
	_ =	strace $0x8000004E  }
0xbb: {  	_ =	swait.ge [sflag:s29], $0x1  }
0xbc: {  	[sflag:s29] =	ssyncadd.s32 $0xFFFFFFFF  }
0xbd: {  	_ =	strace $0x9000004E  }
0xbe: {  	_ =	sfence  }
0xbf: {  	s30 =	sld [smem:$0x0];
	_ =	sdelay $0x2  }
0xc0: {  	s31 =	sshll.u32 s1, $0xD;
	s1 =	sshrl.u32 s1, $0x2  }
0xc1: {  	s3 =	sand.u32 $0x4000, s31;
	s1 =	sadd.s32 s1, s30  }
0xc2: {  	s0 =	sor.u32 s3, s0;
	s1 =	sshll.u32 s1, $0x11  }
0xc3: {  	s0 =	sor.u32 s1, s0  }
0xc4: {  	s0 =	sadd.s32 $0x8F2B, s0  }
0xc5: {  	[sflag:s0] =	ssyncadd.remote.s32 $0x1  }
0xc6: {  	_ =	sfence.sel $0xFFFF  }
0xc7: {  	[dreg:$0x0] =	wrdreg $0xFFFFFFFF;
	(pc) =	sbr.abs _section_cstart, $3  }
0xc8: {  	[dreg:$0x1] =	wrdreg $0xFFFFFFFF  }
0xc9: {  	_ =	task.clear_ibuf [dreg:s8], $0x2FFFF;
	_ =	strace $0x9FFFFFFF  }
0xca: {  	(tm) =	ssettm $0x7FFFFFFF  }
0xcb: {  	_ =	shalt  }
tec
execute0_lowered:
.L_overlay_start_1:
0x0: {  	(tag) =	ssettag $0x1  }
0x1: {  	s0 =	rddreg [dreg:$0x1]  }
0x2: {  	s2 =	rddreg [dreg:$0x2]  }
0x3: {  	s3 =	rddreg [dreg:$0x3]  }
0x4: {  	s5 =	simm.s32 $0x0;
	s4 =	stileid.u32;
	s8 =	srdreg.scid  }
0x5: {  	s15 =	simm.s32 $0x1;
	s16 =	simm.s32 $0x80;
	s17 =	simm.s32 $0x4  }
0x6: {  	s18 =	simm.s32 $0xA080;
	s19 =	simm.s32 $0x100;
	s20 =	simm.s32 $0xE080  }
0x7: {  	s21 =	simm.s32 $0x5080;
	s22 =	simm.s32 $0x2;
	s23 =	simm.s32 $0x0  }
0x8: {  	[smem:$0x7FF] =	sst s5;
	s6 =	sadd.s32 $0x314000, s0;
	s9 =	smul.u32 $0xE00, s4  }
0x9: {  	s7 =	sadd.s32 $0x274000, s0;
	s8 =	sand.u32 $0x1, s8;
	s10 =	smul.u32 $0x1C000, s4  }
.Ltmp0:
0xa: {  	s30 =	sshll.u32 s4, $0xF;
	s11 =	ssub.s32 $0x2, s8;
	(pc) =	sbr.rel .LBB2_1-.Ltmp0, $4  }
0xb: {  	_ =	strace $0x8000004D;
	s0 =	sadd.s32 s9, s0;
	s12 =	sshrl.u32 s11, $0x1  }
0xc: {  	s9 =	sadd.s32 s30, s3;
	s13 =	sshrl.u32 s10, $0x2;
	s14 =	ssub.s32 s11, s12  }
0xd: {  	s10 =	sadd.s32 $0x4000, s9;
	s11 =	sadd.s32 s13, s3;
	s31 =	smax.u32 s14, $0x1  }
0xe: {  	v0 =	vimm.f32 $0.0e+00;
	v1 =	vimm.f32 $1.000000000e+00;
	s12 =	sadd.s32 $0x3000, s0;
	s14 =	simm.s32 $0x3;
	[dreg:$0x5] =	wrdreg s31  }
.LBB2_17:
0xf: {  	s23 =	sadd.s32 $0x1, s23;
	s0 =	rddreg [dreg:$0x5]  }
0x10: {  	p0 =	sne.s32 s23, s0  }
.Ltmp1:
0x11: {  	_ = 	snop;
	(pc) =	sbr.rel @!p0 .LBB2_18-.Ltmp1, $1  }
0x12: {  	_ =	sdelay $0x3  }
.LBB2_1:
0x13: {  	s0 =	rddreg [dreg:$0x0]  }
0x14: {  	[tilespmem:s5], [sflag:$0x3] =	stream.linear.gather [hbm4b:s0+s5], $0x80, $0x38;
	[tilespmem:$0x1E080] =	vst v63  }
0x15: {  	_ =	swait.ge [sflag:s14], $0x80  }
0x16: {  	[sflag:s14] =	ssyncset.done $0x0  }
0x17: {  	[sflag:s14] =	ssyncadd.s32 $0xFFFFFF80  }
0x18: {  	s24 =	simm.s32 $0x0;
	s25 =	simm.s32 $0x200;
	v2 =	vld [tilespmem:$0x0]  }
.LBB2_2:
0x19: {  	p0 =	sne.s32 s25, $0xFE00;
	[tilespmem:s24+$0x120F0] =	vst v0  }
0x1a: {  	[tilespmem:s24+$0x12080] =	vst v0  }
0x1b: {  	[tilespmem:s24+$0x12090] =	vst v0  }
.Ltmp2:
0x1c: {  	[tilespmem:s24+$0x120A0] =	vst v0;
	(pc) =	sbr.rel @p0 .LBB2_2-.Ltmp2, $4  }
0x1d: {  	[tilespmem:s24+$0x120B0] =	vst v0  }
0x1e: {  	[tilespmem:s24+$0x120C0] =	vst v0  }
0x1f: {  	[tilespmem:s24+$0x120D0] =	vst v0  }
0x20: {  	[tilespmem:s24+$0x120E0] =	vst v0;
	s24 =	sshra.s32 s25, $0x2;
	s25 =	sadd.s32 $0x200, s25  }
0x21: {  	(v2sf) =	vpush v2, $0x0;
	_ =	sdelay $0xd  }
0x22: {  	[tilespmem:s24+$0x120F0] =	vst v0  }
0x23: {  	[tilespmem:s24+$0x12080] =	vst v0;
	s26 =	spop (v2sf)  }
0x24: {  	[tilespmem:s24+$0x12090] =	vst v0;
	p0 =	seq.s32 s26, $0x1  }
.Ltmp3:
0x25: {  	[tilespmem:s24+$0x120A0] =	vst v0;
	(pc) =	sbr.rel @p0 .LBB2_7-.Ltmp3, $4  }
0x26: {  	[tilespmem:s24+$0x120B0] =	vst v0  }
0x27: {  	[tilespmem:s24+$0x120C0] =	vst v0  }
0x28: {  	[tilespmem:s24+$0x120D0] =	vst v0  }
0x29: {  	[tilespmem:s24+$0x120E0] =	vst v0;
	s0 =	simm.s32 $0x0  }
0x2a: {  	s24 =	sshra.s32 s0, $0x2;
	s25 =	sadd.s32 $0x200, s0  }
.LBB2_5:
0x2b: {  	p1 =	sne.s32 s25, $0xFE00;
	[tilespmem:s24+$0xA0F0] =	vst v1  }
0x2c: {  	[tilespmem:s24+$0xA080] =	vst v1  }
0x2d: {  	[tilespmem:s24+$0xA090] =	vst v1  }
.Ltmp4:
0x2e: {  	[tilespmem:s24+$0xA0A0] =	vst v1;
	(pc) =	sbr.rel @p1 .LBB2_5-.Ltmp4, $4  }
0x2f: {  	[tilespmem:s24+$0xA0B0] =	vst v1  }
0x30: {  	[tilespmem:s24+$0xA0C0] =	vst v1  }
0x31: {  	[tilespmem:s24+$0xA0D0] =	vst v1  }
0x32: {  	[tilespmem:s24+$0xA0E0] =	vst v1;
	s24 =	sshra.s32 s25, $0x2;
	s25 =	sadd.s32 $0x200, s25  }
0x33: {  	[tilespmem:s24+$0xA0F0] =	vst v1  }
0x34: {  	[tilespmem:s24+$0xA080] =	vst v1  }
0x35: {  	[tilespmem:s24+$0xA090] =	vst v1  }
0x36: {  	[tilespmem:s24+$0xA0A0] =	vst v1  }
0x37: {  	[tilespmem:s24+$0xA0B0] =	vst v1  }
0x38: {  	[tilespmem:s24+$0xA0C0] =	vst v1  }
0x39: {  	[tilespmem:s24+$0xA0D0] =	vst v1  }
0x3a: {  	[tilespmem:s24+$0xA0E0] =	vst v1  }
.LBB2_7:
.Ltmp5:
0x3b: {  	(pc) =	sbr.rel .LBB2_8-.Ltmp5, $3  }
0x3c: {  	_ =	sdelay $0x1  }
0x3d: {  	s24 =	simm.s32 $0x1  }
0x3e: {  	s25 =	simm.s32 $0x0;
	p1 =	sne.s32 s26, $0x1;
	s24 =	simm.s32 @!p0 $0x0  }
.LBB2_16:
0x3f: {  	s0 =	smul.u32 @p3 $0xE000, s26;
	[bflag:$0x0] =	sbarrier.arrive $0xFFFF  }
0x40: {  	s1 =	sshll.u32 @p3 s4, $0x6;
	s13 =	sshrl.u32 @p3 s11, $0x3;
	s25 =	sadd.s32 $0x1, s25  }
0x41: {  	s1 =	sor.u32 @p3 $0x1C03, s1;
	p2 =	sne.s32 s25, $0x14;
	s0 =	sadd.s32 @p3 s12, s0  }
0x42: {  	[hbm:s0], [sflag:s1] =	dma.local @p3 [spmem:s13], $0xE00  }
.Ltmp6:
0x43: {  	_ = 	snop;
	(pc) =	sbr.rel @!p2 .LBB2_17-.Ltmp6, $4  }
0x44: {  	s0 =	simm.s32 @p3 $0x3  }
0x45: {  	_ =	swait.ge @p3 [sflag:s0], $0xE00  }
0x46: {  	[sflag:s0] =	ssyncset.done @p3 $0x0  }
0x47: {  	[sflag:s0] =	ssyncadd.s32 @p3 $0xFFFFF200  }
.LBB2_8:
0x48: {  	p2 =	sgt.u32 s25, $0x11;
	s0 =	simm.s32 $0x1  }
0x49: {  	s31 =	sshll.u32 s25, $0x1;
	s0 =	simm.s32 @!p2 $0x0  }
0x4a: {  	[bflag:$0x0] =	sbarrier.arrive $0xFFFF;
	s26 =	sor.u32 s8, s31;
	p3 =	seq.s32 s24, s0  }
0x4b: {  	[bflag:$0x0] =	sbarrier.arrive @p3 $0xFFFF;
	s28 =	simm.s32 @!p3 $0x12080;
	s0 =	simm.s32 @!p3 $0x4  }
0x4c: {  	[spmem:s9] =	stream.linear.scatter @!p3 [tilespmem:s28], [sflag:$0x4], $0x4000, $0x38;
	[tilespmem:$0x1E080] =	vst v63  }
0x4d: {  	s29 =	smulhi.u32 @!p3 $0x55555556, s26;
	_ =	swait.ge @!p3 [sflag:s0], $0x4000  }
0x4e: {  	[sflag:s0] =	ssyncset.done @!p3 $0x0  }
0x4f: {  	s29 =	smul.u32 @!p3 $0x3, s29;
	[sflag:s0] =	ssyncadd.s32 @!p3 $0xFFFFC000  }
0x50: {  	[spmem:s10] =	stream.linear.scatter @!p3 [tilespmem:s28], [sflag:$0x4], $0x4000, $0x38;
	[tilespmem:$0x1E080] =	vst v63  }
0x51: {  	p4 =	sgt.u32 @!p3 s25, $0x11;
	s28 =	smin.u32 @!p3 s26, $0x26  }
0x52: {  	p4 =	por !p4, p3;
	s29 =	ssub.s32 @!p3 s26, s29;
	s28 =	sadd.s32 @!p3 $0xFFFFFDC, s28  }
0x53: {  	s28 =	smov.u32 @p4 s29  }
0x54: {  	s28 =	sshll.u32 @!p3 s28, $0x4  }
0x55: {  	s28 =	sor.u32 @!p3 s4, s28  }
0x56: {  	s30 =	simm.s32 @!p3 $0x5080;
	_ =	swait.ge @!p3 [sflag:s0], $0x4000;
	s28 =	smul.u32 @!p3 $0x5000, s28  }
0x57: {  	[sflag:s0] =	ssyncset.done @!p3 $0x0;
	s29 =	simm.s32 @!p3 $0x0;
	p4 =	sgt.u32 @!p1 s25, $0x11  }
0x58: {  	[sflag:s0] =	ssyncadd.s32 @!p3 $0xFFFFC000;
	p4 =	por p1, p4;
	s28 =	sshrl.u32 @!p3 s28, $0x3  }
.Ltmp7:
0x59: {  	[bflag:$0x0] =	sbarrier.arrive @!p3 $0xFFFF;
	s28 =	sadd.s32 @!p3 s2, s28;
	(pc) =	sbr.rel @p4 .LBB2_12-.Ltmp7, $4  }
0x5a: {  	[tilespmem:s30], [sflag:$0x4] =	stream.linear.gather @!p3 [hbm4b:s28+s29], $0x4F00, $0x38;
	[tilespmem:$0x1E080] =	vst v63  }
0x5b: {  	_ =	swait.ge @!p3 [sflag:s0], $0x4F00  }
0x5c: {  	[sflag:s0] =	ssyncset.done @!p3 $0x0  }
0x5d: {  	[sflag:s0] =	ssyncadd.s32 @!p3 $0xFFFFB100  }
0x5e: {  	s0 =	smulhi.u32 $0x55555556, s26;
	_ =	sdelay $0x1  }
0x5f: {  	s0 =	sshll.u32 s0, $0x4  }
0x60: {  	s0 =	sor.u32 s4, s0  }
0x61: {  	s0 =	smul.u32 $0xA00, s0;
	_ =	sdelay $0x1  }
0x62: {  	s0 =	sadd.s32 s7, s0  }
0x63: {  	[tilespmem:s16], [sflag:$0x4] =	stream.linear.gather [hbm4b:s0+s5], $0x4F00, $0x38;
	[tilespmem:$0x1E080] =	vst v63  }
0x64: {  	_ =	swait.ge [sflag:s17], $0x4F00  }
0x65: {  	[sflag:s17] =	ssyncset.done $0x0  }
0x66: {  	[sflag:s17] =	ssyncadd.s32 $0xFFFFB100  }
0x67: {  	[tilespmem:s18], [sflag:$0x1] =	stream.indirect.gather [hbm4b:s6+s16], $0x80, s16, s16, $0xb8;
	[tilespmem:$0x1E080] =	vst v63  }
0x68: {  	_ = 	snop  }
0x69: {  	[tilespmem:s20], [sflag:$0x1] =	stream.indirect.gather [hbm4b:s6+s16], $0x80, s19, s16, $0xb8;
	[tilespmem:$0x1E080] =	vst v63  }
0x6a: {  	_ =	swait.ge [sflag:s15], $0x4000  }
0x6b: {  	[sflag:s15] =	ssyncset.done $0x0  }
0x6c: {  	s28 =	simm.s32 $0x5100;
	s1 =	simm.s32 $0x2;
	[sflag:s15] =	ssyncadd.s32 $0xFFFFC000  }
0x6d: {  	[spmem:s3] =	stream.indirect.scatter.add.f32 [tilespmem:s18], [sflag:$0x2], $0x80, s21, s16, $0xb8;
	[tilespmem:$0x1E080] =	vst v63  }
0x6e: {  	s29 =	simm.s32 $0x8000;
	s0 =	smin.u32 s1, $0x9D;
	_ =	swait.ge [sflag:s22], $0x4000  }
0x6f: {  	s29 =	sand.u32 $0x4000, s29;
	s0 =	sshll.u32 s0, $0x7;
	[sflag:s22] =	ssyncset.done $0x0  }
0x70: {  	s29 =	sor.u32 $0xA080, s29;
	s0 =	sadd.s32 $0x80, s0;
	[sflag:s22] =	ssyncadd.s32 $0xFFFFC000  }
0x71: {  	[tilespmem:s29], [sflag:$0x1] =	stream.indirect.gather [hbm4b:s6+s16], $0x80, s0, s16, $0xb8;
	[tilespmem:$0x1E080] =	vst v63  }
0x72: {  	s13 =	simm.s32 $0x4000;
	s30 =	simm.s32 $0x3;
	_ =	swait.ge [sflag:s15], $0x4000  }
0x73: {  	s31 =	simm.s32 $0x5180;
	s0 =	sand.u32 $0x4000, s13;
	[sflag:s15] =	ssyncset.done $0x0  }
0x74: {  	s29 =	simm.s32 $0xC000;
	s0 =	sor.u32 $0xA080, s0;
	[sflag:s15] =	ssyncadd.s32 $0xFFFFC000  }
.LBB2_10:
0x75: {  	[spmem:s3] =	stream.indirect.scatter.add.f32 [tilespmem:s0], [sflag:$0x2], $0x80, s28, s16, $0xb8;
	[tilespmem:$0x1E080] =	vst v63  }
0x76: {  	p3 =	sne.s32 s29, $0x278000;
	s0 =	smov.u32 s29;
	s29 =	sadd.s32 $0x4000, s29  }
0x77: {  	s28 =	smov.u32 s31  }
0x78: {  	s1 =	smin.u32 s30, $0x9D;
	s13 =	sand.u32 $0x4000, s0;
	_ =	swait.ge [sflag:s22], $0x4000  }
0x79: {  	s1 =	sshll.u32 s1, $0x7;
	s13 =	sor.u32 $0xA080, s13;
	[sflag:s22] =	ssyncset.done $0x0  }
.Ltmp8:
0x7a: {  	s1 =	sadd.s32 $0x80, s1;
	[sflag:s22] =	ssyncadd.s32 $0xFFFFC000;
	(pc) =	sbr.rel @p3 .LBB2_10-.Ltmp8, $4  }
0x7b: {  	[tilespmem:s13], [sflag:$0x1] =	stream.indirect.gather [hbm4b:s6+s16], $0x80, s1, s16, $0xb8;
	[tilespmem:$0x1E080] =	vst v63  }
0x7c: {  	s0 =	sadd.s32 $0xFFFFC000, s0;
	_ =	swait.ge [sflag:s15], $0x4000  }
0x7d: {  	s30 =	sadd.s32 $0x1, s30;
	s0 =	sand.u32 $0x4000, s0;
	[sflag:s15] =	ssyncset.done $0x0  }
0x7e: {  	s31 =	sadd.s32 $0x80, s31;
	s0 =	sor.u32 $0xA080, s0;
	[sflag:s15] =	ssyncadd.s32 $0xFFFFC000  }
0x7f: {  	[spmem:s3] =	stream.indirect.scatter.add.f32 [tilespmem:s0], [sflag:$0x2], $0x80, s28, s16, $0xb8;
	[tilespmem:$0x1E080] =	vst v63  }
0x80: {  	_ =	swait.ge [sflag:s15], $0x4000  }
0x81: {  	[sflag:s15] =	ssyncset.done $0x0  }
0x82: {  	[sflag:s15] =	ssyncadd.s32 $0xFFFFC000  }
0x83: {  	_ =	swait.ge [sflag:s22], $0x4000  }
0x84: {  	[sflag:s22] =	ssyncset.done $0x0  }
0x85: {  	[sflag:s22] =	ssyncadd.s32 $0xFFFFC000  }
.LBB2_12:
0x86: {  	p3 =	por !p2, !p2  }
0x87: {  	p3 =	por @!p0 p2, p2  }
0x88: {  	p6 =	slt.u32 s25, $0x12;
	p4 =	por !p3, !p3  }
0x89: {  	p2 =	por p6, p4  }
.Ltmp9:
0x8a: {  	_ = 	snop;
	(pc) =	sbr.rel @p2 .LBB2_16-.Ltmp9, $1  }
0x8b: {  	_ =	sdelay $0x3  }
0x8c: {  	s0 =	simm.s32 $0x5080  }
0x8d: {  	[spmem:s3] =	stream.indirect.scatter.add.f32 [tilespmem:s18], [sflag:$0x4], $0x80, s0, s16, $0xb8;
	[tilespmem:$0x1E080] =	vst v63  }
0x8e: {  	s28 =	simm.s32 $0x200;
	_ =	swait.ge [sflag:s17], $0x4000  }
.LBB2_14:
0x8f: {  	s0 =	sshra.s32 s28, $0x2;
	[sflag:s17] =	ssyncset.done $0x0;
	p2 =	sne.s32 s28, $0x13A00  }
.Ltmp10:
0x90: {  	s0 =	sadd.s32 $0x5080, s0;
	[sflag:s17] =	ssyncadd.s32 $0xFFFFC000;
	(pc) =	sbr.rel @p2 .LBB2_14-.Ltmp10, $3  }
0x91: {  	[spmem:s3] =	stream.indirect.scatter.add.f32 [tilespmem:s18], [sflag:$0x4], $0x80, s0, s16, $0xb8;
	[tilespmem:$0x1E080] =	vst v63  }
0x92: {  	s28 =	sadd.s32 $0x200, s28;
	_ =	sdelay $0x1  }
0x93: {  	_ =	swait.ge [sflag:s17], $0x4000  }
.Ltmp11:
0x94: {  	(pc) =	sbr.rel .LBB2_16-.Ltmp11, $3  }
0x95: {  	_ =	sdelay $0x1  }
0x96: {  	[sflag:s17] =	ssyncset.done $0x0  }
0x97: {  	[sflag:s17] =	ssyncadd.s32 $0xFFFFC000  }
.LBB2_18:
0x98: {  	_ =	sfence.sel $0x180000  }
0x99: {  	[bflag:$0x0] =	sbarrier.arrive $0xFFFF  }
0x9a: {  	_ =	strace $0x9000004D  }
0x9b: {  	[bflag:$0x2] =	sbarrier.arrive $0xFFFF  }
0x9c: {  	p0 =	sne.s32 s4, $0x0;
	s0 =	rddreg [dreg:$0x4]  }
0x9d: {  	s0 =	sadd.s32 @!p0 $0x100000, s0  }
0x9e: {  	[sflag:s0] =	ssyncadd.tile.s32 @!p0 $0x1;
	_ =	shalt  }
.Lfunc_end2:
_tile_overlayer_lowered:
.L_overlay_start_2:
0x9f: {  	(tag) =	ssettag $0x2  }
0xa0: {  	s0 =	rddreg [dreg:$0x0];
	s2 =	stileid.u32  }
0xa1: {  	s1 =	rddreg [dreg:$0x1];
	p0 =	sne.s32 s2, $0x0  }
0xa2: {  	s3 =	rddreg [dreg:$0x2];
	[bflag:$0x3] =	sbarrier.arrive $0xFFFF;
	s2 =	simm.s32 @!p0 $0x1C03  }
0xa3: {  	[timem:s3], [sflag:s2] =	dma.local @!p0 [hbm:s0], s1  }
0xa4: {  	s0 =	simm.s32 @!p0 $0x3  }
0xa5: {  	_ =	swait.ge @!p0 [sflag:s0], s1  }
0xa6: {  	s1 =	ssub.s32 @!p0 $0x0, s1;
	[sflag:s0] =	ssyncset.done @!p0 $0x0  }
0xa7: {  	[sflag:s0] =	ssyncadd.s32 @!p0 s1  }
0xa8: {  	[bflag:$0x3] =	sbarrier.arrive $0xFFFF  }
0xa9: {  	_ =	shalt  }

// kernel: kernel.9.cloned.1.call-start
scs
__scs_entry_jumppad:
0x0: {  	(pc) =	sbr.rel $0x88, $3  }
0x1: {  	(tag) =	ssettag $0x0;
	lr =	simm.s32 $0x1  }
0x2: {  	[smem:$0x3F8F] =	sst lr;
	_ =	strace $0xD0000000  }
0x3: {  	_ = 	snop  }
0x4: {  	_ = 	snop  }
0x5: {  	_ = 	snop  }
0x6: {  	_ = 	snop  }
0x7: {  	_ = 	snop  }
__scs_overlays_trampoline_lowered:
0x8: {  	[smem:$0x3F9E] =	sst s0  }
0x9: {  	[smem:$0x3F9F] =	sst s1  }
0xa: {  	[smem:$0x3FA0] =	sst s2  }
0xb: {  	[smem:$0x3FA1] =	sst s3  }
0xc: {  	[smem:$0x3FA2] =	sst s4  }
0xd: {  	[smem:$0x3FA3] =	sst s5  }
0xe: {  	[smem:$0x3FA4] =	sst s6  }
0xf: {  	[smem:$0x3FA5] =	sst s7  }
0x10: {  	[smem:$0x3FA6] =	sst s8  }
0x11: {  	[smem:$0x3FA7] =	sst s9;
	s0 =	simm.s32 @!p0 $0x0  }
0x12: {  	s1 =	sld [smem:$0x3F8D];
	s0 =	simm.s32 @p0 $0x1  }
0x13: {  	[smem:$0x3FA8] =	sst s0;
	s0 =	simm.s32 @!p1 $0x0  }
0x14: {  	s2 =	sld [smem:$0x3F8C];
	s0 =	simm.s32 @p1 $0x1  }
0x15: {  	[smem:$0x3FA9] =	sst s0;
	s0 =	simm.s32 @!p2 $0x0  }
0x16: {  	s3 =	sld [smem:$0x3FDB];
	s0 =	simm.s32 @p2 $0x1  }
0x17: {  	s4 =	simm.s32 $0x1BF5;
	[smem:$0x3FAB] =	sst s0  }
0x18: {  	s0 =	sld [smem:$0x3F8E];
	_ =	swait.ge [sflag:s4], $0x0  }
0x19: {  	s7 =	sld [smem:$0x3F8F]  }
0x1a: {  	s8 =	sadd.s32 $0xFFFFE003, lr  }
0x1b: {  	s9 =	sadd.s32 $0xFFFFFEF7, lr;
	s5 =	simm.s32 $0xFFFFFFFF;
	p2 =	slt.u32 s8, $0xFFFFF086  }
0x1c: {  	p1 =	slt.u32 s9, $0xF7A;
	s5 =	simm.s32 @!p2 $0x0  }
0x1d: {  	s5 =	simm.s32 @p1 $0x1;
	p0 =	seq.s32 s7, s2  }
0x1e: {  	s7 =	smul.u32 @!p0 $0xF7A, s2;
	p2 =	seq.s32 @!p0 s5, $0x0  }
0x1f: {  	s9 =	smul.u32 $0xF7A, s1;
	s8 =	simm.s32 @!p0 $0x1BF5;
	p2 =	por !p2, p0  }
0x20: {  	[sflag:s8] =	ssyncset.s32 @!p0 $0xFFFFF086;
	s6 =	sadd.s32 @!p0 s3, s7;
	s7 =	simm.s32 @!p0 $0x108  }
0x21: {  	s3 =	sadd.s32 s3, s9;
	s6 =	sadd.s32 @!p0 $0x88, s6;
	s7 =	simm.s32 @p2 $0x1082  }
0x22: {  	[simem:s7], [sflag:s8] =	dma.local @!p0 [hbm:s6], $0xF7A  }
0x23: {  	s9 =	sor.u32 $0xD0000000, s2;
	s6 =	simm.s32 $0x108;
	_ =	swait.ge @!p0 [sflag:s8], $0x0  }
0x24: {  	s3 =	sadd.s32 $0x88, s3;
	s6 =	simm.s32 @!p1 $0x1082;
	[sflag:s4] =	ssyncset.s32 $0xFFFFF086  }
0x25: {  	[simem:s6], [sflag:s4] =	dma.local [hbm:s3], $0xF7A  }
0x26: {  	[smem:$0x3F8F] =	sst s1;
	(tag) =	ssettag s2;
	_ =	strace s9  }
0x27: {  	s1 =	sld [smem:$0x3F9F]  }
0x28: {  	s2 =	sld [smem:$0x3FA0]  }
0x29: {  	s4 =	sld [smem:$0x3FA2]  }
0x2a: {  	p0 =	seq.s32 s5, $0x0;
	s5 =	sld [smem:$0x3FA3]  }
0x2b: {  	s6 =	sld [smem:$0x3FA4]  }
0x2c: {  	s7 =	sld [smem:$0x3FA5]  }
0x2d: {  	s3 =	simm.s32 $0x108;
	s8 =	sld [smem:$0x3FA6]  }
0x2e: {  	s3 =	simm.s32 @!p0 $0x1082;
	s9 =	sld [smem:$0x3FA7]  }
0x2f: {  	lr =	sadd.s32 s0, s3;
	s0 =	sld [smem:$0x3F9E]  }
0x30: {  	s3 =	sld [smem:$0x3FA1]  }
0x31: {  	[smem:$0x3FAA] =	sst s10  }
0x32: {  	s10 =	sld [smem:$0x3FA8];
	_ =	sdelay $0x3  }
0x33: {  	p0 =	seq.s32 s10, $0x1;
	s10 =	sld [smem:$0x3FAA];
	_ =	sdelay $0x3  }
0x34: {  	[smem:$0x3FAA] =	sst s10  }
0x35: {  	s10 =	sld [smem:$0x3FA9];
	_ =	sdelay $0x3  }
0x36: {  	p1 =	seq.s32 s10, $0x1;
	s10 =	sld [smem:$0x3FAA];
	_ =	sdelay $0x3  }
0x37: {  	[smem:$0x3FAA] =	sst s10  }
0x38: {  	s10 =	sld [smem:$0x3FAB]  }
0x39: {  	_ = 	snop;
	(pc) =	sbr.ind lr, $3  }
0x3a: {  	_ = 	snop  }
0x3b: {  	_ = 	snop  }
0x3c: {  	p2 =	seq.s32 s10, $0x1;
	s10 =	sld [smem:$0x3FAA]  }
0x3d: {  	_ =	shalt  }
0x3e: {  	_ =	shalt  }
0x3f: {  	_ =	shalt  }
0x40: {  	_ =	shalt  }
0x41: {  	_ =	shalt  }
0x42: {  	_ =	shalt  }
0x43: {  	_ =	shalt  }
0x44: {  	_ =	shalt  }
0x45: {  	_ =	shalt  }
0x46: {  	_ =	shalt  }
0x47: {  	_ =	shalt  }
0x48: {  	_ =	shalt  }
0x49: {  	_ =	shalt  }
0x4a: {  	_ =	shalt  }
0x4b: {  	_ =	shalt  }
0x4c: {  	_ =	shalt  }
0x4d: {  	_ =	shalt  }
0x4e: {  	_ =	shalt  }
0x4f: {  	_ =	shalt  }
0x50: {  	_ =	shalt  }
0x51: {  	_ =	shalt  }
0x52: {  	_ =	shalt  }
0x53: {  	_ =	shalt  }
0x54: {  	_ =	shalt  }
0x55: {  	_ =	shalt  }
0x56: {  	_ =	shalt  }
0x57: {  	_ =	shalt  }
0x58: {  	_ =	shalt  }
0x59: {  	_ =	shalt  }
0x5a: {  	_ =	shalt  }
0x5b: {  	_ =	shalt  }
0x5c: {  	_ =	shalt  }
0x5d: {  	_ =	shalt  }
0x5e: {  	_ =	shalt  }
0x5f: {  	_ =	shalt  }
0x60: {  	_ =	shalt  }
0x61: {  	_ =	shalt  }
0x62: {  	_ =	shalt  }
0x63: {  	_ =	shalt  }
0x64: {  	_ =	shalt  }
0x65: {  	_ =	shalt  }
0x66: {  	_ =	shalt  }
0x67: {  	_ =	shalt  }
0x68: {  	_ =	shalt  }
0x69: {  	_ =	shalt  }
0x6a: {  	_ =	shalt  }
0x6b: {  	_ =	shalt  }
0x6c: {  	_ =	shalt  }
0x6d: {  	_ =	shalt  }
0x6e: {  	_ =	shalt  }
0x6f: {  	_ =	shalt  }
0x70: {  	_ =	shalt  }
0x71: {  	_ =	shalt  }
0x72: {  	_ =	shalt  }
0x73: {  	_ =	shalt  }
0x74: {  	_ =	shalt  }
0x75: {  	_ =	shalt  }
0x76: {  	_ =	shalt  }
0x77: {  	_ =	shalt  }
0x78: {  	_ =	shalt  }
0x79: {  	_ =	shalt  }
0x7a: {  	_ =	shalt  }
0x7b: {  	_ =	shalt  }
0x7c: {  	_ =	shalt  }
0x7d: {  	_ =	shalt  }
0x7e: {  	_ =	shalt  }
0x7f: {  	_ =	shalt  }
0x80: {  	_ =	shalt  }
0x81: {  	_ =	shalt  }
0x82: {  	_ =	shalt  }
0x83: {  	_ =	shalt  }
0x84: {  	_ =	shalt  }
0x85: {  	_ =	shalt  }
0x86: {  	_ =	shalt  }
0x87: {  	_ =	shalt  }
.Lfunc_end0:
.L_simem_size_0:
called_computation_lowered:
.L_overlay_start_0:
0x88: {  	s2 =	sld [smem:$0x3FD9]  }
0x89: {  	s3 =	sld [smem:$0x3FFE];
	_ =	sdelay $0x1  }
0x8a: {  	s1 =	srdreg.scid  }
0x8b: {  	s0 =	sand.u32 $0x1, s1  }
0x8c: {  	s14 =	sshll.u32 s0, $0xA;
	s2 =	sadd.s32 s3, s2  }
0x8d: {  	s2 =	sadd.s32 s2, s14  }
0x8e: {  	[smem:$0x3FB6] =	sst s2  }
0x8f: {  	_ = 	snop  }
0x90: {  	s2 =	sld [smem:$0x3FD0];
	_ =	sdelay $0x2  }
0x91: {  	s15 =	simm.s32 $0xA;
	s4 =	simm.s32 $0x10  }
0x92: {  	[smem:s4], [sflag:s15] =	dma.local [hbm:s2], $0x1  }
0x93: {  	_ =	swait.eq [sflag:s15], $0x1  }
0x94: {  	s16 =	sld [smem:$0x10];
	[sflag:s15] =	ssyncset.done $0x0  }
0x95: {  	s17 =	sld [smem:$0x11];
	[sflag:s15] =	ssyncadd.s32 $0xFFFFFFFF  }
0x96: {  	s18 =	sld [smem:$0x12];
	(tm) =	ssettm $0x1  }
0x97: {  	s5 =	sld [smem:$0x3FFB];
	_ =	sdelay $0x3  }
0x98: {  	_ =	strace s5  }
0x99: {  	s5 =	sld [smem:$0x3FFC];
	_ =	sdelay $0x3  }
0x9a: {  	_ =	strace s5  }
0x9b: {  	s5 =	sld [smem:$0x3FFD];
	_ =	sdelay $0x3  }
0x9c: {  	_ =	strace s5  }
0x9d: {  	_ =	strace $0x8FFFFFFF  }
0x9e: {  	s19 =	sld [smem:$0x3FDB];
	_ =	sdelay $0x1  }
0x9f: {  	s6 =	simm.s32 $_scs_section_size  }
0xa0: {  	s7 =	simm.s32 $_size__tile_overlayer_lowered;
	s8 =	simm.s32 $_tile_overlayer_lowered  }
0xa1: {  	s22 =	simm.s32 $0x1BFF;
	s21 =	sshll.u32 s8, $0x1;
	s5 =	sadd.s32 s6, s19  }
0xa2: {  	s9 =	simm.s32 $0x0;
	s20 =	sshll.u32 s7, $0x1;
	s7 =	sadd.s32 s21, s5  }
0xa3: {  	[timem:s9], [sflag:s22] =	dma.local [hbm:s7], s20  }
0xa4: {  	_ =	swait.ge [sflag:s22], s20  }
0xa5: {  	s6 =	ssub.s32 $0x0, s20;
	[sflag:s22] =	ssyncset.done $0x0  }
0xa6: {  	[sflag:s22] =	ssyncadd.s32 s6;
	_ =	sdelay $0x1  }
0xa7: {  	s23 =	simm.s32 $0x1B8B  }
0xa8: {  	_ =	swait.ge [sflag:s23], $0x1  }
0xa9: {  	[sflag:s23] =	ssyncset.done $0x0  }
0xaa: {  	s25 =	simm.s32 $0x1B8E;
	s24 =	sld [smem:$0x3FFE];
	[sflag:s23] =	ssyncadd.s32 $0xFFFFFFFF  }
0xab: {  	s26 =	simm.s32 $execute0_lowered;
	[smem:$0x3FD2] =	sst s25  }
0xac: {  	s7 =	sshll.u32 s26, $0x1;
	_ =	strace $0x80000046;
	[dreg:$0x1] =	wrdreg $0xFFFFFFFF  }
0xad: {  	s28 =	simm.s32 $_size_execute0_lowered;
	s5 =	sadd.s32 s5, s7;
	[dreg:$0x0] =	wrdreg $0x0  }
0xae: {  	s7 =	sshll.u32 s28, $0x1;
	[dreg:$0x2] =	wrdreg s5  }
0xaf: {  	[dreg:$0x3] =	wrdreg s7  }
0xb0: {  	[dreg:$0x4] =	wrdreg $0xC0  }
0xb1: {  	_ =	task [dreg:s9], $0x5FFFF  }
0xb2: {  	[dreg:$0x1] =	wrdreg $0xFFFFFFFF  }
0xb3: {  	[dreg:$0x0] =	wrdreg $0x60  }
0xb4: {  	[dreg:$0x2] =	wrdreg s17  }
0xb5: {  	[dreg:$0x3] =	wrdreg s16  }
0xb6: {  	[dreg:$0x4] =	wrdreg s24  }
0xb7: {  	[dreg:$0x5] =	wrdreg s18  }
0xb8: {  	[dreg:$0x6] =	wrdreg $0x160800  }
0xb9: {  	[dreg:$0x7] =	wrdreg $0x9  }
0xba: {  	_ =	task.clear_ibuf [dreg:s9], $0x8FFFF;
	_ =	strace $0x90000046  }
0xbb: {  	s29 =	simm.s32 $0x9;
	_ =	strace $0x80000048  }
0xbc: {  	_ =	swait.ge [sflag:s29], $0x1  }
0xbd: {  	[sflag:s29] =	ssyncadd.s32 $0xFFFFFFFF  }
0xbe: {  	_ =	strace $0x90000048  }
0xbf: {  	_ =	sfence  }
0xc0: {  	s30 =	sld [smem:$0x0];
	_ =	sdelay $0x2  }
0xc1: {  	s31 =	sshll.u32 s1, $0xD;
	s1 =	sshrl.u32 s1, $0x2  }
0xc2: {  	s3 =	sand.u32 $0x4000, s31;
	s1 =	sadd.s32 s1, s30  }
0xc3: {  	s0 =	sor.u32 s3, s0;
	s1 =	sshll.u32 s1, $0x11  }
0xc4: {  	s0 =	sor.u32 s1, s0  }
0xc5: {  	s0 =	sadd.s32 $0x8F2B, s0  }
0xc6: {  	[sflag:s0] =	ssyncadd.remote.s32 $0x1  }
0xc7: {  	_ =	sfence.sel $0xFFFF  }
0xc8: {  	[dreg:$0x0] =	wrdreg $0xFFFFFFFF;
	(pc) =	sbr.abs _section_cstart, $3  }
0xc9: {  	[dreg:$0x1] =	wrdreg $0xFFFFFFFF  }
0xca: {  	_ =	task.clear_ibuf [dreg:s9], $0x2FFFF;
	_ =	strace $0x9FFFFFFF  }
0xcb: {  	(tm) =	ssettm $0x7FFFFFFF  }
tec
execute0_lowered:
.L_overlay_start_1:
0x0: {  	(tag) =	ssettag $0x1  }
0x1: {  	s2 =	rddreg [dreg:$0x1]  }
0x2: {  	s0 =	rddreg [dreg:$0x2]  }
0x3: {  	s3 =	rddreg [dreg:$0x3]  }
0x4: {  	s5 =	rddreg [dreg:$0x4];
	s6 =	simm.s32 $0x0;
	s4 =	stileid.u32  }
0x5: {  	s8 =	srdreg.scid;
	s15 =	simm.s32 $0x1;
	s16 =	simm.s32 $0x80  }
0x6: {  	s17 =	simm.s32 $0x4;
	s18 =	simm.s32 $0xA080;
	s19 =	simm.s32 $0x100  }
0x7: {  	s20 =	simm.s32 $0xE080;
	s21 =	simm.s32 $0x5080;
	s22 =	simm.s32 $0x2  }
0x8: {  	s23 =	simm.s32 $0x0;
	[smem:$0x7FF] =	sst s6;
	s9 =	smul.u32 $0xE00, s4  }
0x9: {  	s7 =	sadd.s32 $0x274000, s0;
	s8 =	sand.u32 $0x1, s8;
	s10 =	smul.u32 $0x1C000, s4  }
.Ltmp0:
0xa: {  	s30 =	sshll.u32 s4, $0xF;
	s11 =	ssub.s32 $0x2, s8;
	(pc) =	sbr.rel .LBB2_1-.Ltmp0, $4  }
0xb: {  	_ =	strace $0x80000047;
	s0 =	sadd.s32 s9, s0;
	s12 =	sshrl.u32 s11, $0x1  }
0xc: {  	s9 =	sadd.s32 s30, s5;
	s13 =	sshrl.u32 s10, $0x2;
	s14 =	ssub.s32 s11, s12  }
0xd: {  	s10 =	sadd.s32 $0x4000, s9;
	s11 =	sadd.s32 s13, s5;
	s31 =	smax.u32 s14, $0x1  }
0xe: {  	v0 =	vimm.f32 $0.0e+00;
	v1 =	vimm.f32 $1.000000000e+00;
	s12 =	sadd.s32 $0x2EC000, s0;
	s14 =	simm.s32 $0x3;
	[dreg:$0x6] =	wrdreg s31  }
.LBB2_17:
0xf: {  	s23 =	sadd.s32 $0x1, s23;
	s0 =	rddreg [dreg:$0x6]  }
0x10: {  	p0 =	sne.s32 s23, s0  }
.Ltmp1:
0x11: {  	_ = 	snop;
	(pc) =	sbr.rel @!p0 .LBB2_18-.Ltmp1, $1  }
0x12: {  	_ =	sdelay $0x3  }
.LBB2_1:
0x13: {  	s0 =	rddreg [dreg:$0x0]  }
0x14: {  	[tilespmem:s6], [sflag:$0x3] =	stream.linear.gather [hbm4b:s0+s6], $0x80, $0x38;
	[tilespmem:$0x1E080] =	vst v63  }
0x15: {  	_ =	swait.ge [sflag:s14], $0x80  }
0x16: {  	[sflag:s14] =	ssyncset.done $0x0  }
0x17: {  	[sflag:s14] =	ssyncadd.s32 $0xFFFFFF80  }
0x18: {  	s24 =	simm.s32 $0x0;
	s25 =	simm.s32 $0x200;
	v2 =	vld [tilespmem:$0x0]  }
.LBB2_2:
0x19: {  	p0 =	sne.s32 s25, $0xFE00;
	[tilespmem:s24+$0x120F0] =	vst v0  }
0x1a: {  	[tilespmem:s24+$0x12080] =	vst v0  }
0x1b: {  	[tilespmem:s24+$0x12090] =	vst v0  }
.Ltmp2:
0x1c: {  	[tilespmem:s24+$0x120A0] =	vst v0;
	(pc) =	sbr.rel @p0 .LBB2_2-.Ltmp2, $4  }
0x1d: {  	[tilespmem:s24+$0x120B0] =	vst v0  }
0x1e: {  	[tilespmem:s24+$0x120C0] =	vst v0  }
0x1f: {  	[tilespmem:s24+$0x120D0] =	vst v0  }
0x20: {  	[tilespmem:s24+$0x120E0] =	vst v0;
	s24 =	sshra.s32 s25, $0x2;
	s25 =	sadd.s32 $0x200, s25  }
0x21: {  	(v2sf) =	vpush v2, $0x0;
	_ =	sdelay $0xd  }
0x22: {  	[tilespmem:s24+$0x120F0] =	vst v0  }
0x23: {  	[tilespmem:s24+$0x12080] =	vst v0;
	s26 =	spop (v2sf)  }
0x24: {  	[tilespmem:s24+$0x12090] =	vst v0;
	p0 =	seq.s32 s26, $0x1  }
.Ltmp3:
0x25: {  	[tilespmem:s24+$0x120A0] =	vst v0;
	(pc) =	sbr.rel @p0 .LBB2_7-.Ltmp3, $4  }
0x26: {  	[tilespmem:s24+$0x120B0] =	vst v0  }
0x27: {  	[tilespmem:s24+$0x120C0] =	vst v0  }
0x28: {  	[tilespmem:s24+$0x120D0] =	vst v0  }
0x29: {  	[tilespmem:s24+$0x120E0] =	vst v0;
	s0 =	simm.s32 $0x0  }
0x2a: {  	s24 =	sshra.s32 s0, $0x2;
	s25 =	sadd.s32 $0x200, s0  }
.LBB2_5:
0x2b: {  	p1 =	sne.s32 s25, $0xFE00;
	[tilespmem:s24+$0xA0F0] =	vst v1  }
0x2c: {  	[tilespmem:s24+$0xA080] =	vst v1  }
0x2d: {  	[tilespmem:s24+$0xA090] =	vst v1  }
.Ltmp4:
0x2e: {  	[tilespmem:s24+$0xA0A0] =	vst v1;
	(pc) =	sbr.rel @p1 .LBB2_5-.Ltmp4, $4  }
0x2f: {  	[tilespmem:s24+$0xA0B0] =	vst v1  }
0x30: {  	[tilespmem:s24+$0xA0C0] =	vst v1  }
0x31: {  	[tilespmem:s24+$0xA0D0] =	vst v1  }
0x32: {  	[tilespmem:s24+$0xA0E0] =	vst v1;
	s24 =	sshra.s32 s25, $0x2;
	s25 =	sadd.s32 $0x200, s25  }
0x33: {  	[tilespmem:s24+$0xA0F0] =	vst v1  }
0x34: {  	[tilespmem:s24+$0xA080] =	vst v1  }
0x35: {  	[tilespmem:s24+$0xA090] =	vst v1  }
0x36: {  	[tilespmem:s24+$0xA0A0] =	vst v1  }
0x37: {  	[tilespmem:s24+$0xA0B0] =	vst v1  }
0x38: {  	[tilespmem:s24+$0xA0C0] =	vst v1  }
0x39: {  	[tilespmem:s24+$0xA0D0] =	vst v1  }
0x3a: {  	[tilespmem:s24+$0xA0E0] =	vst v1  }
.LBB2_7:
.Ltmp5:
0x3b: {  	(pc) =	sbr.rel .LBB2_8-.Ltmp5, $3  }
0x3c: {  	_ =	sdelay $0x1  }
0x3d: {  	s24 =	simm.s32 $0x1  }
0x3e: {  	s25 =	simm.s32 $0x0;
	p1 =	sne.s32 s26, $0x1;
	s24 =	simm.s32 @!p0 $0x0  }
.LBB2_16:
0x3f: {  	s0 =	smul.u32 @p3 $0xE000, s26;
	[bflag:$0x0] =	sbarrier.arrive $0xFFFF  }
0x40: {  	s1 =	sshll.u32 @p3 s4, $0x6;
	s13 =	sshrl.u32 @p3 s11, $0x3;
	s25 =	sadd.s32 $0x1, s25  }
0x41: {  	s1 =	sor.u32 @p3 $0x1C03, s1;
	p2 =	sne.s32 s25, $0x14;
	s0 =	sadd.s32 @p3 s12, s0  }
0x42: {  	[hbm:s0], [sflag:s1] =	dma.local @p3 [spmem:s13], $0xE00  }
.Ltmp6:
0x43: {  	_ = 	snop;
	(pc) =	sbr.rel @!p2 .LBB2_17-.Ltmp6, $4  }
0x44: {  	s0 =	simm.s32 @p3 $0x3  }
0x45: {  	_ =	swait.ge @p3 [sflag:s0], $0xE00  }
0x46: {  	[sflag:s0] =	ssyncset.done @p3 $0x0  }
0x47: {  	[sflag:s0] =	ssyncadd.s32 @p3 $0xFFFFF200  }
.LBB2_8:
0x48: {  	p2 =	sgt.u32 s25, $0x11;
	s0 =	simm.s32 $0x1  }
0x49: {  	s31 =	sshll.u32 s25, $0x1;
	s0 =	simm.s32 @!p2 $0x0  }
0x4a: {  	[bflag:$0x0] =	sbarrier.arrive $0xFFFF;
	s26 =	sor.u32 s8, s31;
	p3 =	seq.s32 s24, s0  }
0x4b: {  	[bflag:$0x0] =	sbarrier.arrive @p3 $0xFFFF;
	s28 =	simm.s32 @!p3 $0x12080;
	s0 =	simm.s32 @!p3 $0x4  }
0x4c: {  	[spmem:s9] =	stream.linear.scatter @!p3 [tilespmem:s28], [sflag:$0x4], $0x4000, $0x38;
	[tilespmem:$0x1E080] =	vst v63  }
0x4d: {  	s29 =	smulhi.u32 @!p3 $0x55555556, s26;
	_ =	swait.ge @!p3 [sflag:s0], $0x4000  }
0x4e: {  	[sflag:s0] =	ssyncset.done @!p3 $0x0  }
0x4f: {  	s29 =	smul.u32 @!p3 $0x3, s29;
	[sflag:s0] =	ssyncadd.s32 @!p3 $0xFFFFC000  }
0x50: {  	[spmem:s10] =	stream.linear.scatter @!p3 [tilespmem:s28], [sflag:$0x4], $0x4000, $0x38;
	[tilespmem:$0x1E080] =	vst v63  }
0x51: {  	p4 =	sgt.u32 @!p3 s25, $0x11;
	s28 =	smin.u32 @!p3 s26, $0x26  }
0x52: {  	p4 =	por !p4, p3;
	s29 =	ssub.s32 @!p3 s26, s29;
	s28 =	sadd.s32 @!p3 $0xFFFFFDC, s28  }
0x53: {  	s28 =	smov.u32 @p4 s29  }
0x54: {  	s28 =	sshll.u32 @!p3 s28, $0x4  }
0x55: {  	s28 =	sor.u32 @!p3 s4, s28  }
0x56: {  	s30 =	simm.s32 @!p3 $0x5080;
	_ =	swait.ge @!p3 [sflag:s0], $0x4000;
	s28 =	smul.u32 @!p3 $0x5000, s28  }
0x57: {  	[sflag:s0] =	ssyncset.done @!p3 $0x0;
	s29 =	simm.s32 @!p3 $0x0;
	p4 =	sgt.u32 @!p1 s25, $0x11  }
0x58: {  	[sflag:s0] =	ssyncadd.s32 @!p3 $0xFFFFC000;
	p4 =	por p1, p4;
	s28 =	sshrl.u32 @!p3 s28, $0x3  }
.Ltmp7:
0x59: {  	[bflag:$0x0] =	sbarrier.arrive @!p3 $0xFFFF;
	s28 =	sadd.s32 @!p3 s3, s28;
	(pc) =	sbr.rel @p4 .LBB2_12-.Ltmp7, $4  }
0x5a: {  	[tilespmem:s30], [sflag:$0x4] =	stream.linear.gather @!p3 [hbm4b:s28+s29], $0x4F00, $0x38;
	[tilespmem:$0x1E080] =	vst v63  }
0x5b: {  	_ =	swait.ge @!p3 [sflag:s0], $0x4F00  }
0x5c: {  	[sflag:s0] =	ssyncset.done @!p3 $0x0  }
0x5d: {  	[sflag:s0] =	ssyncadd.s32 @!p3 $0xFFFFB100  }
0x5e: {  	s0 =	smulhi.u32 $0x55555556, s26;
	_ =	sdelay $0x1  }
0x5f: {  	s0 =	sshll.u32 s0, $0x4  }
0x60: {  	s0 =	sor.u32 s4, s0  }
0x61: {  	s0 =	smul.u32 $0xA00, s0;
	_ =	sdelay $0x1  }
0x62: {  	s0 =	sadd.s32 s7, s0  }
0x63: {  	[tilespmem:s16], [sflag:$0x4] =	stream.linear.gather [hbm4b:s0+s6], $0x4F00, $0x38;
	[tilespmem:$0x1E080] =	vst v63  }
0x64: {  	_ =	swait.ge [sflag:s17], $0x4F00  }
0x65: {  	[sflag:s17] =	ssyncset.done $0x0  }
0x66: {  	[sflag:s17] =	ssyncadd.s32 $0xFFFFB100  }
0x67: {  	[tilespmem:s18], [sflag:$0x1] =	stream.indirect.gather [hbm4b:s2+s16], $0x80, s16, s16, $0xb8;
	[tilespmem:$0x1E080] =	vst v63  }
0x68: {  	_ = 	snop  }
0x69: {  	[tilespmem:s20], [sflag:$0x1] =	stream.indirect.gather [hbm4b:s2+s16], $0x80, s19, s16, $0xb8;
	[tilespmem:$0x1E080] =	vst v63  }
0x6a: {  	_ =	swait.ge [sflag:s15], $0x4000  }
0x6b: {  	[sflag:s15] =	ssyncset.done $0x0  }
0x6c: {  	s28 =	simm.s32 $0x5100;
	s1 =	simm.s32 $0x2;
	[sflag:s15] =	ssyncadd.s32 $0xFFFFC000  }
0x6d: {  	[spmem:s5] =	stream.indirect.scatter.add.f32 [tilespmem:s18], [sflag:$0x2], $0x80, s21, s16, $0xb8;
	[tilespmem:$0x1E080] =	vst v63  }
0x6e: {  	s29 =	simm.s32 $0x8000;
	s0 =	smin.u32 s1, $0x9D;
	_ =	swait.ge [sflag:s22], $0x4000  }
0x6f: {  	s29 =	sand.u32 $0x4000, s29;
	s0 =	sshll.u32 s0, $0x7;
	[sflag:s22] =	ssyncset.done $0x0  }
0x70: {  	s29 =	sor.u32 $0xA080, s29;
	s0 =	sadd.s32 $0x80, s0;
	[sflag:s22] =	ssyncadd.s32 $0xFFFFC000  }
0x71: {  	[tilespmem:s29], [sflag:$0x1] =	stream.indirect.gather [hbm4b:s2+s16], $0x80, s0, s16, $0xb8;
	[tilespmem:$0x1E080] =	vst v63  }
0x72: {  	s13 =	simm.s32 $0x4000;
	s30 =	simm.s32 $0x3;
	_ =	swait.ge [sflag:s15], $0x4000  }
0x73: {  	s31 =	simm.s32 $0x5180;
	s0 =	sand.u32 $0x4000, s13;
	[sflag:s15] =	ssyncset.done $0x0  }
0x74: {  	s29 =	simm.s32 $0xC000;
	s0 =	sor.u32 $0xA080, s0;
	[sflag:s15] =	ssyncadd.s32 $0xFFFFC000  }
.LBB2_10:
0x75: {  	[spmem:s5] =	stream.indirect.scatter.add.f32 [tilespmem:s0], [sflag:$0x2], $0x80, s28, s16, $0xb8;
	[tilespmem:$0x1E080] =	vst v63  }
0x76: {  	p3 =	sne.s32 s29, $0x278000;
	s0 =	smov.u32 s29;
	s29 =	sadd.s32 $0x4000, s29  }
0x77: {  	s28 =	smov.u32 s31  }
0x78: {  	s1 =	smin.u32 s30, $0x9D;
	s13 =	sand.u32 $0x4000, s0;
	_ =	swait.ge [sflag:s22], $0x4000  }
0x79: {  	s1 =	sshll.u32 s1, $0x7;
	s13 =	sor.u32 $0xA080, s13;
	[sflag:s22] =	ssyncset.done $0x0  }
.Ltmp8:
0x7a: {  	s1 =	sadd.s32 $0x80, s1;
	[sflag:s22] =	ssyncadd.s32 $0xFFFFC000;
	(pc) =	sbr.rel @p3 .LBB2_10-.Ltmp8, $4  }
0x7b: {  	[tilespmem:s13], [sflag:$0x1] =	stream.indirect.gather [hbm4b:s2+s16], $0x80, s1, s16, $0xb8;
	[tilespmem:$0x1E080] =	vst v63  }
0x7c: {  	s0 =	sadd.s32 $0xFFFFC000, s0;
	_ =	swait.ge [sflag:s15], $0x4000  }
0x7d: {  	s30 =	sadd.s32 $0x1, s30;
	s0 =	sand.u32 $0x4000, s0;
	[sflag:s15] =	ssyncset.done $0x0  }
0x7e: {  	s31 =	sadd.s32 $0x80, s31;
	s0 =	sor.u32 $0xA080, s0;
	[sflag:s15] =	ssyncadd.s32 $0xFFFFC000  }
0x7f: {  	[spmem:s5] =	stream.indirect.scatter.add.f32 [tilespmem:s0], [sflag:$0x2], $0x80, s28, s16, $0xb8;
	[tilespmem:$0x1E080] =	vst v63  }
0x80: {  	_ =	swait.ge [sflag:s15], $0x4000  }
0x81: {  	[sflag:s15] =	ssyncset.done $0x0  }
0x82: {  	[sflag:s15] =	ssyncadd.s32 $0xFFFFC000  }
0x83: {  	_ =	swait.ge [sflag:s22], $0x4000  }
0x84: {  	[sflag:s22] =	ssyncset.done $0x0  }
0x85: {  	[sflag:s22] =	ssyncadd.s32 $0xFFFFC000  }
.LBB2_12:
0x86: {  	p3 =	por !p2, !p2  }
0x87: {  	p3 =	por @!p0 p2, p2  }
0x88: {  	p6 =	slt.u32 s25, $0x12;
	p4 =	por !p3, !p3  }
0x89: {  	p2 =	por p6, p4  }
.Ltmp9:
0x8a: {  	_ = 	snop;
	(pc) =	sbr.rel @p2 .LBB2_16-.Ltmp9, $1  }
0x8b: {  	_ =	sdelay $0x3  }
0x8c: {  	s0 =	simm.s32 $0x5080  }
0x8d: {  	[spmem:s5] =	stream.indirect.scatter.add.f32 [tilespmem:s18], [sflag:$0x4], $0x80, s0, s16, $0xb8;
	[tilespmem:$0x1E080] =	vst v63  }
0x8e: {  	s28 =	simm.s32 $0x200;
	_ =	swait.ge [sflag:s17], $0x4000  }
.LBB2_14:
0x8f: {  	s0 =	sshra.s32 s28, $0x2;
	[sflag:s17] =	ssyncset.done $0x0;
	p2 =	sne.s32 s28, $0x13A00  }
.Ltmp10:
0x90: {  	s0 =	sadd.s32 $0x5080, s0;
	[sflag:s17] =	ssyncadd.s32 $0xFFFFC000;
	(pc) =	sbr.rel @p2 .LBB2_14-.Ltmp10, $3  }
0x91: {  	[spmem:s5] =	stream.indirect.scatter.add.f32 [tilespmem:s18], [sflag:$0x4], $0x80, s0, s16, $0xb8;
	[tilespmem:$0x1E080] =	vst v63  }
0x92: {  	s28 =	sadd.s32 $0x200, s28;
	_ =	sdelay $0x1  }
0x93: {  	_ =	swait.ge [sflag:s17], $0x4000  }
.Ltmp11:
0x94: {  	(pc) =	sbr.rel .LBB2_16-.Ltmp11, $3  }
0x95: {  	_ =	sdelay $0x1  }
0x96: {  	[sflag:s17] =	ssyncset.done $0x0  }
0x97: {  	[sflag:s17] =	ssyncadd.s32 $0xFFFFC000  }
.LBB2_18:
0x98: {  	_ =	sfence.sel $0x180000  }
0x99: {  	[bflag:$0x0] =	sbarrier.arrive $0xFFFF  }
0x9a: {  	_ =	strace $0x90000047  }
0x9b: {  	[bflag:$0x2] =	sbarrier.arrive $0xFFFF  }
0x9c: {  	p0 =	sne.s32 s4, $0x0;
	s0 =	rddreg [dreg:$0x5]  }
0x9d: {  	s0 =	sadd.s32 @!p0 $0x100000, s0  }
0x9e: {  	[sflag:s0] =	ssyncadd.tile.s32 @!p0 $0x1;
	_ =	shalt  }
.Lfunc_end2:
_tile_overlayer_lowered:
.L_overlay_start_2:
0x9f: {  	(tag) =	ssettag $0x2  }
0xa0: {  	s0 =	rddreg [dreg:$0x0];
	s2 =	stileid.u32  }
0xa1: {  	s1 =	rddreg [dreg:$0x1];
	p0 =	sne.s32 s2, $0x0  }
0xa2: {  	s3 =	rddreg [dreg:$0x2];
	[bflag:$0x3] =	sbarrier.arrive $0xFFFF;
	s2 =	simm.s32 @!p0 $0x1C03  }
0xa3: {  	[timem:s3], [sflag:s2] =	dma.local @!p0 [hbm:s0], s1  }
0xa4: {  	s0 =	simm.s32 @!p0 $0x3  }
0xa5: {  	_ =	swait.ge @!p0 [sflag:s0], s1  }
0xa6: {  	s1 =	ssub.s32 @!p0 $0x0, s1;
	[sflag:s0] =	ssyncset.done @!p0 $0x0  }
0xa7: {  	[sflag:s0] =	ssyncadd.s32 @!p0 s1  }
0xa8: {  	[bflag:$0x3] =	sbarrier.arrive $0xFFFF  }
0xa9: {  	_ =	shalt  }

</sc_bundles>
